<compile_context>
chip_gen: v7x
topology: tpu7x:2x2x1
jax: 0.10.2.dev20260603
libtpu: 0.0.44.dev20260713+nightly
codegen_flags: <defaults>
</compile_context>

<pallas_src>
import functools

import jax
import jax.numpy as jnp
from jax import lax
from jax.experimental import pallas as pl
from jax.experimental.pallas import tpu as pltpu
from jax.experimental.pallas import tpu_sc as plsc

NC = 2
NS = 16
NW = NC * NS

ROWS_PER_CHUNK = 8
SUB = 80


def _make_lookup(b, h, d):
    assert b % NW == 0, (b, NW)
    rows_w = b // NW
    assert rows_w % ROWS_PER_CHUNK == 0
    n_chunk = rows_w // ROWS_PER_CHUNK
    chunk = ROWS_PER_CHUNK * h
    assert chunk % SUB == 0 and SUB % 8 == 0
    subs = chunk // SUB
    mesh = plsc.VectorSubcoreMesh(core_axis_name="c", subcore_axis_name="s")

    @functools.partial(
        pl.kernel,
        mesh=mesh,
        out_type=jax.ShapeDtypeStruct((b, h, d), jnp.float32),
        compiler_params=pltpu.CompilerParams(use_tc_tiling_on_sc=False),
        scratch_types=[
            pltpu.VMEM((2, chunk), jnp.int32),
            pltpu.VMEM((2, chunk, d), jnp.float32),
            pltpu.SemaphoreType.DMA,
            pltpu.SemaphoreType.DMA,
            pltpu.SemaphoreType.DMA,
        ],
    )
    def lookup(idx_hbm, table_hbm, out_hbm, idx_v, rows_v, isem, gsem, osem):
        wid = lax.axis_index("s") * NC + lax.axis_index("c")
        row_w = wid * rows_w

        def idx_copy(g, buf):
            base = (row_w + g * ROWS_PER_CHUNK) * h
            return pltpu.make_async_copy(
                idx_hbm.at[pl.ds(base, chunk)], idx_v.at[buf], isem)

        def gather_copies(buf):
            return [
                pltpu.make_async_copy(
                    table_hbm.at[idx_v.at[buf].at[pl.ds(j * SUB, SUB)]],
                    rows_v.at[buf].at[pl.ds(j * SUB, SUB)],
                    gsem,
                )
                for j in range(subs)
            ]

        def out_copies(g, buf):
            row = row_w + g * ROWS_PER_CHUNK
            return [
                pltpu.make_async_copy(
                    rows_v.at[buf].at[pl.ds(r * h, h)],
                    out_hbm.at[row + r],
                    osem,
                )
                for r in range(ROWS_PER_CHUNK)
            ]

        first_idx = idx_copy(0, 0)
        first_idx.start()
        first_idx.wait()
        for c in gather_copies(0):
            c.start()
        idx_copy(1, 1).start()

        def body(g, carry):
            buf = g % 2
            nbuf = 1 - buf

            @pl.when(g < n_chunk - 1)
            def _():
                idx_copy(g + 1, nbuf).wait()

            for c in gather_copies(buf):
                c.wait()

            @pl.when(g >= 1)
            def _():
                for c in out_copies(g - 1, nbuf):
                    c.wait()

            @pl.when(g < n_chunk - 1)
            def _():
                for c in gather_copies(nbuf):
                    c.start()

            for c in out_copies(g, buf):
                c.start()

            @pl.when(g < n_chunk - 2)
            def _():
                idx_copy(g + 2, buf).start()

            return carry

        lax.fori_loop(0, n_chunk, body, 0)
        for c in out_copies(n_chunk - 1, (n_chunk - 1) % 2):
            c.wait()

    return lookup


def kernel(input, weight):
    b, h = input.shape
    v, d = weight.shape
    half = b // 2
    lookup = _make_lookup(half, h, d)
    idx0 = input[:half].reshape(half * h).astype(jnp.int32)
    idx1 = input[half:].reshape(half * h).astype(jnp.int32)
    out0 = lookup(idx0, weight)
    out1 = lookup(idx1, weight)
    return jnp.concatenate([out0, out1], axis=0)

# --- scband reference (transcript-rebuilt; emitter-appended) ---
"""Pipeline reference for scband-poincare-embedding-18588618457575 (READ-ONLY COPY).

The authoritative reference and input builder live on the scoring server;
editing this copy changes nothing except your own understanding.
"""

import jax, jax.numpy as jnp
import numpy as np

NUM_EMBEDDINGS = 1000000
EMBEDDING_DIM = 32
BATCH = 16384
HIST_LEN = 200

def setup_inputs(seed: int = 0) -> dict:
    key = jax.random.key(seed)
    k_idx, k_w = jax.random.split(key)
    indices = jax.random.randint(k_idx, (BATCH, HIST_LEN), 0, NUM_EMBEDDINGS, dtype=jnp.int64 if jax.config.jax_enable_x64 else jnp.int32)
    # Poincare-ball style init: random direction scaled by small radial distance
    direction = jax.random.normal(k_w, (NUM_EMBEDDINGS, EMBEDDING_DIM), dtype=jnp.float32)
    direction = direction / jnp.clip(jnp.linalg.norm(direction, axis=-1, keepdims=True), 1e-7)
    k_d = jax.random.fold_in(k_w, 1)
    distance = jax.random.normal(k_d, (NUM_EMBEDDINGS, 1), dtype=jnp.float32) * 0.01
    # expmap0 on Poincare ball with c=1: tanh(sqrt(c)*||v||) * v / (sqrt(c)*||v||)
    v = direction * distance
    vnorm = jnp.clip(jnp.linalg.norm(v, axis=-1, keepdims=True), 1e-15)
    weight = jnp.tanh(vnorm) * v / vnorm
    return {"input": indices, "weight": weight}

def reference(input, weight):
    # F.embedding with padding_idx=None, max_norm=None -> plain row gather
    return jnp.take(weight, input, axis=0)

if __name__ == "__main__":
    import jax
    _d = setup_inputs()
    print(jax.jit(kernel)(*tuple(_d.values())))

</pallas_src>

<mosaic_0001>
#map = affine_map<(d0, d1) -> (0)>
#map1 = affine_map<(d0, d1) -> (0, 0)>
#map2 = affine_map<(d0, d1) -> (0, 0, 0)>
module attributes {stable_mosaic.version = 14 : i64} {
  func.func @lookup(%arg0: i32, %arg1: i32, %arg2: memref<1638400xi32, #tpu.memory_space<hbm>>, %arg3: memref<1000000x32xf32, #tpu.memory_space<hbm>>, %arg4: memref<8192x200x32xf32, #tpu.memory_space<hbm>>, %arg5: memref<2x1600xi32, #tpu.memory_space<vmem>>, %arg6: memref<2x1600x32xf32, #tpu.memory_space<vmem>>, %arg7: memref<!tpu.dma_semaphore, #tpu.memory_space<semaphore_mem>>, %arg8: memref<!tpu.dma_semaphore, #tpu.memory_space<semaphore_mem>>, %arg9: memref<!tpu.dma_semaphore, #tpu.memory_space<semaphore_mem>>) attributes {dimension_semantics = [#tpu.dimension_semantics<core_parallel>, #tpu.dimension_semantics<subcore_parallel>], iteration_bounds = array<i64: 2, 16>, scalar_prefetch = 0 : i64, scratch_operands = 5 : i64, tpu.core_type = #tpu.core_type<sc_vector_subcore>, window_params = [{transform_indices = #map}, {transform_indices = #map1}, {transform_indices = #map2}]} {
    %mul3A = arith.constant 2 : i32
    %mul3A_0 = arith.muli %arg1, %mul3A : i32
    %add3A = arith.addi %mul3A_0, %arg0 : i32
    %mul3A_1 = arith.constant 256 : i32
    %mul3A_2 = arith.muli %add3A, %mul3A_1 : i32
    %add3A_3 = arith.constant 0 : i32
    %add3A_4 = arith.addi %mul3A_2, %add3A_3 : i32
    %mul3A_5 = arith.constant 200 : i32
    %mul3A_6 = arith.muli %add3A_4, %mul3A_5 : i32
    %dma_start3A = arith.constant 0 : i32
    %dma_start3A_7 = arith.constant 0 : i32
    %dma_start3A_8 = tpu.memref_slice %arg5[%dma_start3A, %dma_start3A_7] : memref<2x1600xi32, #tpu.memory_space<vmem>> -> memref<1x1600xi32, #tpu.memory_space<vmem>>
    %dma_start3A_9 = tpu.memref_squeeze %dma_start3A_8 : memref<1x1600xi32, #tpu.memory_space<vmem>> -> memref<1600xi32, #tpu.memory_space<vmem>>
    %dma_start3A_10 = tpu.memref_slice %arg2[%mul3A_6] : memref<1638400xi32, #tpu.memory_space<hbm>> -> memref<1600xi32, #tpu.memory_space<hbm>>
    %dma_start3A_11 = arith.constant 0 : i32
    %dma_start3A_12 = tpu.memref_slice %arg5[%dma_start3A, %dma_start3A_11] : memref<2x1600xi32, #tpu.memory_space<vmem>> -> memref<1x1600xi32, #tpu.memory_space<vmem>>
    %dma_start3A_13 = tpu.memref_squeeze %dma_start3A_12 : memref<1x1600xi32, #tpu.memory_space<vmem>> -> memref<1600xi32, #tpu.memory_space<vmem>>
    %dma_start3A_14 = tpu.memref_slice %arg2[%mul3A_6] : memref<1638400xi32, #tpu.memory_space<hbm>> -> memref<1600xi32, #tpu.memory_space<hbm>>
    tpu.enqueue_dma source(%dma_start3A_14 : memref<1600xi32, #tpu.memory_space<hbm>>) target(%dma_start3A_13 : memref<1600xi32, #tpu.memory_space<vmem>>) target_semaphore(%arg7 : memref<!tpu.dma_semaphore, #tpu.memory_space<semaphore_mem>>)
    %dma_wait3A = arith.constant 0 : i32
    %dma_wait3A_15 = arith.constant 0 : i32
    %dma_wait3A_16 = tpu.memref_slice %arg5[%dma_wait3A, %dma_wait3A_15] : memref<2x1600xi32, #tpu.memory_space<vmem>> -> memref<1x1600xi32, #tpu.memory_space<vmem>>
    %dma_wait3A_17 = tpu.memref_squeeze %dma_wait3A_16 : memref<1x1600xi32, #tpu.memory_space<vmem>> -> memref<1600xi32, #tpu.memory_space<vmem>>
    %dma_wait3A_18 = tpu.memref_slice %arg2[%mul3A_6] : memref<1638400xi32, #tpu.memory_space<hbm>> -> memref<1600xi32, #tpu.memory_space<hbm>>
    %dma_wait3A_19 = arith.constant 0 : i32
    %dma_wait3A_20 = tpu.memref_slice %arg5[%dma_wait3A, %dma_wait3A_19] : memref<2x1600xi32, #tpu.memory_space<vmem>> -> memref<1x1600xi32, #tpu.memory_space<vmem>>
    %dma_wait3A_21 = tpu.memref_squeeze %dma_wait3A_20 : memref<1x1600xi32, #tpu.memory_space<vmem>> -> memref<1600xi32, #tpu.memory_space<vmem>>
    %dma_wait3A_22 = tpu.memref_slice %arg2[%mul3A_6] : memref<1638400xi32, #tpu.memory_space<hbm>> -> memref<1600xi32, #tpu.memory_space<hbm>>
    tpu.wait_dma2 semaphore(%arg7 : memref<!tpu.dma_semaphore, #tpu.memory_space<semaphore_mem>>) src(%dma_wait3A_22 : memref<1600xi32, #tpu.memory_space<hbm>>) dst(%dma_wait3A_21 : memref<1600xi32, #tpu.memory_space<vmem>>)
    %dma_start3A_23 = arith.constant 0 : i32
    %dma_start3A_24 = arith.constant 0 : i32
    %dma_start3A_25 = arith.constant 0 : i32
    %dma_start3A_26 = arith.constant 0 : i32
    %dma_start3A_27 = tpu.memref_slice %arg6[%dma_start3A_24, %dma_start3A_25, %dma_start3A_26] : memref<2x1600x32xf32, #tpu.memory_space<vmem>> -> memref<1x1600x32xf32, #tpu.memory_space<vmem>>
    %dma_start3A_28 = tpu.memref_squeeze %dma_start3A_27 : memref<1x1600x32xf32, #tpu.memory_space<vmem>> -> memref<1600x32xf32, #tpu.memory_space<vmem>>
    %dma_start3A_29 = arith.constant 0 : i32
    %dma_start3A_30 = arith.constant 0 : i32
    %dma_start3A_31 = tpu.memref_slice %dma_start3A_28[%dma_start3A_29, %dma_start3A_30] : memref<1600x32xf32, #tpu.memory_space<vmem>> -> memref<80x32xf32, #tpu.memory_space<vmem>>
    %dma_start3A_32 = arith.constant 0 : i32
    %dma_start3A_33 = tpu.memref_slice %arg5[%dma_start3A_23, %dma_start3A_32] : memref<2x1600xi32, #tpu.memory_space<vmem>> -> memref<1x1600xi32, #tpu.memory_space<vmem>>
    %dma_start3A_34 = tpu.memref_squeeze %dma_start3A_33 : memref<1x1600xi32, #tpu.memory_space<vmem>> -> memref<1600xi32, #tpu.memory_space<vmem>>
    %dma_start3A_35 = arith.constant 0 : i32
    %dma_start3A_36 = tpu.memref_slice %dma_start3A_34[%dma_start3A_35] : memref<1600xi32, #tpu.memory_space<vmem>> -> memref<80xi32, #tpu.memory_space<vmem>>
    %dma_start3A_37 = arith.constant 0 : i32
    %dma_start3A_38 = arith.constant 0 : i32
    %dma_start3A_39 = tpu.memref_slice %arg3[%dma_start3A_37, %dma_start3A_38] : memref<1000000x32xf32, #tpu.memory_space<hbm>> -> memref<1000000x32xf32, #tpu.memory_space<hbm>>
    tpu.enqueue_indirect_dma source(%dma_start3A_39 : memref<1000000x32xf32, #tpu.memory_space<hbm>>) target(%dma_start3A_31 : memref<80x32xf32, #tpu.memory_space<vmem>>) offsets(%dma_start3A_36 : memref<80xi32, #tpu.memory_space<vmem>>) semaphore(%arg8 : memref<!tpu.dma_semaphore, #tpu.memory_space<semaphore_mem>>)
    %dma_start3A_40 = arith.constant 0 : i32
    %dma_start3A_41 = arith.constant 0 : i32
    %dma_start3A_42 = arith.constant 0 : i32
    %dma_start3A_43 = arith.constant 0 : i32
    %dma_start3A_44 = tpu.memref_slice %arg6[%dma_start3A_41, %dma_start3A_42, %dma_start3A_43] : memref<2x1600x32xf32, #tpu.memory_space<vmem>> -> memref<1x1600x32xf32, #tpu.memory_space<vmem>>
    %dma_start3A_45 = tpu.memref_squeeze %dma_start3A_44 : memref<1x1600x32xf32, #tpu.memory_space<vmem>> -> memref<1600x32xf32, #tpu.memory_space<vmem>>
    %dma_start3A_46 = arith.constant 80 : i32
    %dma_start3A_47 = arith.constant 0 : i32
    %dma_start3A_48 = tpu.memref_slice %dma_start3A_45[%dma_start3A_46, %dma_start3A_47] : memref<1600x32xf32, #tpu.memory_space<vmem>> -> memref<80x32xf32, #tpu.memory_space<vmem>>
    %dma_start3A_49 = arith.constant 0 : i32
    %dma_start3A_50 = tpu.memref_slice %arg5[%dma_start3A_40, %dma_start3A_49] : memref<2x1600xi32, #tpu.memory_space<vmem>> -> memref<1x1600xi32, #tpu.memory_space<vmem>>
    %dma_start3A_51 = tpu.memref_squeeze %dma_start3A_50 : memref<1x1600xi32, #tpu.memory_space<vmem>> -> memref<1600xi32, #tpu.memory_space<vmem>>
    %dma_start3A_52 = arith.constant 80 : i32
    %dma_start3A_53 = tpu.memref_slice %dma_start3A_51[%dma_start3A_52] : memref<1600xi32, #tpu.memory_space<vmem>> -> memref<80xi32, #tpu.memory_space<vmem>>
    %dma_start3A_54 = arith.constant 0 : i32
    %dma_start3A_55 = arith.constant 0 : i32
    %dma_start3A_56 = tpu.memref_slice %arg3[%dma_start3A_54, %dma_start3A_55] : memref<1000000x32xf32, #tpu.memory_space<hbm>> -> memref<1000000x32xf32, #tpu.memory_space<hbm>>
    tpu.enqueue_indirect_dma source(%dma_start3A_56 : memref<1000000x32xf32, #tpu.memory_space<hbm>>) target(%dma_start3A_48 : memref<80x32xf32, #tpu.memory_space<vmem>>) offsets(%dma_start3A_53 : memref<80xi32, #tpu.memory_space<vmem>>) semaphore(%arg8 : memref<!tpu.dma_semaphore, #tpu.memory_space<semaphore_mem>>)
    %dma_start3A_57 = arith.constant 0 : i32
    %dma_start3A_58 = arith.constant 0 : i32
    %dma_start3A_59 = arith.constant 0 : i32
    %dma_start3A_60 = arith.constant 0 : i32
    %dma_start3A_61 = tpu.memref_slice %arg6[%dma_start3A_58, %dma_start3A_59, %dma_start3A_60] : memref<2x1600x32xf32, #tpu.memory_space<vmem>> -> memref<1x1600x32xf32, #tpu.memory_space<vmem>>
    %dma_start3A_62 = tpu.memref_squeeze %dma_start3A_61 : memref<1x1600x32xf32, #tpu.memory_space<vmem>> -> memref<1600x32xf32, #tpu.memory_space<vmem>>
    %dma_start3A_63 = arith.constant 160 : i32
    %dma_start3A_64 = arith.constant 0 : i32
    %dma_start3A_65 = tpu.memref_slice %dma_start3A_62[%dma_start3A_63, %dma_start3A_64] : memref<1600x32xf32, #tpu.memory_space<vmem>> -> memref<80x32xf32, #tpu.memory_space<vmem>>
    %dma_start3A_66 = arith.constant 0 : i32
    %dma_start3A_67 = tpu.memref_slice %arg5[%dma_start3A_57, %dma_start3A_66] : memref<2x1600xi32, #tpu.memory_space<vmem>> -> memref<1x1600xi32, #tpu.memory_space<vmem>>
    %dma_start3A_68 = tpu.memref_squeeze %dma_start3A_67 : memref<1x1600xi32, #tpu.memory_space<vmem>> -> memref<1600xi32, #tpu.memory_space<vmem>>
    %dma_start3A_69 = arith.constant 160 : i32
    %dma_start3A_70 = tpu.memref_slice %dma_start3A_68[%dma_start3A_69] : memref<1600xi32, #tpu.memory_space<vmem>> -> memref<80xi32, #tpu.memory_space<vmem>>
    %dma_start3A_71 = arith.constant 0 : i32
    %dma_start3A_72 = arith.constant 0 : i32
    %dma_start3A_73 = tpu.memref_slice %arg3[%dma_start3A_71, %dma_start3A_72] : memref<1000000x32xf32, #tpu.memory_space<hbm>> -> memref<1000000x32xf32, #tpu.memory_space<hbm>>
    tpu.enqueue_indirect_dma source(%dma_start3A_73 : memref<1000000x32xf32, #tpu.memory_space<hbm>>) target(%dma_start3A_65 : memref<80x32xf32, #tpu.memory_space<vmem>>) offsets(%dma_start3A_70 : memref<80xi32, #tpu.memory_space<vmem>>) semaphore(%arg8 : memref<!tpu.dma_semaphore, #tpu.memory_space<semaphore_mem>>)
    %dma_start3A_74 = arith.constant 0 : i32
    %dma_start3A_75 = arith.constant 0 : i32
    %dma_start3A_76 = arith.constant 0 : i32
    %dma_start3A_77 = arith.constant 0 : i32
    %dma_start3A_78 = tpu.memref_slice %arg6[%dma_start3A_75, %dma_start3A_76, %dma_start3A_77] : memref<2x1600x32xf32, #tpu.memory_space<vmem>> -> memref<1x1600x32xf32, #tpu.memory_space<vmem>>
    %dma_start3A_79 = tpu.memref_squeeze %dma_start3A_78 : memref<1x1600x32xf32, #tpu.memory_space<vmem>> -> memref<1600x32xf32, #tpu.memory_space<vmem>>
    %dma_start3A_80 = arith.constant 240 : i32
    %dma_start3A_81 = arith.constant 0 : i32
    %dma_start3A_82 = tpu.memref_slice %dma_start3A_79[%dma_start3A_80, %dma_start3A_81] : memref<1600x32xf32, #tpu.memory_space<vmem>> -> memref<80x32xf32, #tpu.memory_space<vmem>>
    %dma_start3A_83 = arith.constant 0 : i32
    %dma_start3A_84 = tpu.memref_slice %arg5[%dma_start3A_74, %dma_start3A_83] : memref<2x1600xi32, #tpu.memory_space<vmem>> -> memref<1x1600xi32, #tpu.memory_space<vmem>>
    %dma_start3A_85 = tpu.memref_squeeze %dma_start3A_84 : memref<1x1600xi32, #tpu.memory_space<vmem>> -> memref<1600xi32, #tpu.memory_space<vmem>>
    %dma_start3A_86 = arith.constant 240 : i32
    %dma_start3A_87 = tpu.memref_slice %dma_start3A_85[%dma_start3A_86] : memref<1600xi32, #tpu.memory_space<vmem>> -> memref<80xi32, #tpu.memory_space<vmem>>
    %dma_start3A_88 = arith.constant 0 : i32
    %dma_start3A_89 = arith.constant 0 : i32
    %dma_start3A_90 = tpu.memref_slice %arg3[%dma_start3A_88, %dma_start3A_89] : memref<1000000x32xf32, #tpu.memory_space<hbm>> -> memref<1000000x32xf32, #tpu.memory_space<hbm>>
    tpu.enqueue_indirect_dma source(%dma_start3A_90 : memref<1000000x32xf32, #tpu.memory_space<hbm>>) target(%dma_start3A_82 : memref<80x32xf32, #tpu.memory_space<vmem>>) offsets(%dma_start3A_87 : memref<80xi32, #tpu.memory_space<vmem>>) semaphore(%arg8 : memref<!tpu.dma_semaphore, #tpu.memory_space<semaphore_mem>>)
    %dma_start3A_91 = arith.constant 0 : i32
    %dma_start3A_92 = arith.constant 0 : i32
    %dma_start3A_93 = arith.constant 0 : i32
    %dma_start3A_94 = arith.constant 0 : i32
    %dma_start3A_95 = tpu.memref_slice %arg6[%dma_start3A_92, %dma_start3A_93, %dma_start3A_94] : memref<2x1600x32xf32, #tpu.memory_space<vmem>> -> memref<1x1600x32xf32, #tpu.memory_space<vmem>>
    %dma_start3A_96 = tpu.memref_squeeze %dma_start3A_95 : memref<1x1600x32xf32, #tpu.memory_space<vmem>> -> memref<1600x32xf32, #tpu.memory_space<vmem>>
    %dma_start3A_97 = arith.constant 320 : i32
    %dma_start3A_98 = arith.constant 0 : i32
    %dma_start3A_99 = tpu.memref_slice %dma_start3A_96[%dma_start3A_97, %dma_start3A_98] : memref<1600x32xf32, #tpu.memory_space<vmem>> -> memref<80x32xf32, #tpu.memory_space<vmem>>
    %dma_start3A_100 = arith.constant 0 : i32
    %dma_start3A_101 = tpu.memref_slice %arg5[%dma_start3A_91, %dma_start3A_100] : memref<2x1600xi32, #tpu.memory_space<vmem>> -> memref<1x1600xi32, #tpu.memory_space<vmem>>
    %dma_start3A_102 = tpu.memref_squeeze %dma_start3A_101 : memref<1x1600xi32, #tpu.memory_space<vmem>> -> memref<1600xi32, #tpu.memory_space<vmem>>
    %dma_start3A_103 = arith.constant 320 : i32
    %dma_start3A_104 = tpu.memref_slice %dma_start3A_102[%dma_start3A_103] : memref<1600xi32, #tpu.memory_space<vmem>> -> memref<80xi32, #tpu.memory_space<vmem>>
    %dma_start3A_105 = arith.constant 0 : i32
    %dma_start3A_106 = arith.constant 0 : i32
    %dma_start3A_107 = tpu.memref_slice %arg3[%dma_start3A_105, %dma_start3A_106] : memref<1000000x32xf32, #tpu.memory_space<hbm>> -> memref<1000000x32xf32, #tpu.memory_space<hbm>>
    tpu.enqueue_indirect_dma source(%dma_start3A_107 : memref<1000000x32xf32, #tpu.memory_space<hbm>>) target(%dma_start3A_99 : memref<80x32xf32, #tpu.memory_space<vmem>>) offsets(%dma_start3A_104 : memref<80xi32, #tpu.memory_space<vmem>>) semaphore(%arg8 : memref<!tpu.dma_semaphore, #tpu.memory_space<semaphore_mem>>)
    %dma_start3A_108 = arith.constant 0 : i32
    %dma_start3A_109 = arith.constant 0 : i32
    %dma_start3A_110 = arith.constant 0 : i32
    %dma_start3A_111 = arith.constant 0 : i32
    %dma_start3A_112 = tpu.memref_slice %arg6[%dma_start3A_109, %dma_start3A_110, %dma_start3A_111] : memref<2x1600x32xf32, #tpu.memory_space<vmem>> -> memref<1x1600x32xf32, #tpu.memory_space<vmem>>
    %dma_start3A_113 = tpu.memref_squeeze %dma_start3A_112 : memref<1x1600x32xf32, #tpu.memory_space<vmem>> -> memref<1600x32xf32, #tpu.memory_space<vmem>>
    %dma_start3A_114 = arith.constant 400 : i32
    %dma_start3A_115 = arith.constant 0 : i32
    %dma_start3A_116 = tpu.memref_slice %dma_start3A_113[%dma_start3A_114, %dma_start3A_115] : memref<1600x32xf32, #tpu.memory_space<vmem>> -> memref<80x32xf32, #tpu.memory_space<vmem>>
    %dma_start3A_117 = arith.constant 0 : i32
    %dma_start3A_118 = tpu.memref_slice %arg5[%dma_start3A_108, %dma_start3A_117] : memref<2x1600xi32, #tpu.memory_space<vmem>> -> memref<1x1600xi32, #tpu.memory_space<vmem>>
    %dma_start3A_119 = tpu.memref_squeeze %dma_start3A_118 : memref<1x1600xi32, #tpu.memory_space<vmem>> -> memref<1600xi32, #tpu.memory_space<vmem>>
    %dma_start3A_120 = arith.constant 400 : i32
    %dma_start3A_121 = tpu.memref_slice %dma_start3A_119[%dma_start3A_120] : memref<1600xi32, #tpu.memory_space<vmem>> -> memref<80xi32, #tpu.memory_space<vmem>>
    %dma_start3A_122 = arith.constant 0 : i32
    %dma_start3A_123 = arith.constant 0 : i32
    %dma_start3A_124 = tpu.memref_slice %arg3[%dma_start3A_122, %dma_start3A_123] : memref<1000000x32xf32, #tpu.memory_space<hbm>> -> memref<1000000x32xf32, #tpu.memory_space<hbm>>
    tpu.enqueue_indirect_dma source(%dma_start3A_124 : memref<1000000x32xf32, #tpu.memory_space<hbm>>) target(%dma_start3A_116 : memref<80x32xf32, #tpu.memory_space<vmem>>) offsets(%dma_start3A_121 : memref<80xi32, #tpu.memory_space<vmem>>) semaphore(%arg8 : memref<!tpu.dma_semaphore, #tpu.memory_space<semaphore_mem>>)
    %dma_start3A_125 = arith.constant 0 : i32
    %dma_start3A_126 = arith.constant 0 : i32
    %dma_start3A_127 = arith.constant 0 : i32
    %dma_start3A_128 = arith.constant 0 : i32
    %dma_start3A_129 = tpu.memref_slice %arg6[%dma_start3A_126, %dma_start3A_127, %dma_start3A_128] : memref<2x1600x32xf32, #tpu.memory_space<vmem>> -> memref<1x1600x32xf32, #tpu.memory_space<vmem>>
    %dma_start3A_130 = tpu.memref_squeeze %dma_start3A_129 : memref<1x1600x32xf32, #tpu.memory_space<vmem>> -> memref<1600x32xf32, #tpu.memory_space<vmem>>
    %dma_start3A_131 = arith.constant 480 : i32
    %dma_start3A_132 = arith.constant 0 : i32
    %dma_start3A_133 = tpu.memref_slice %dma_start3A_130[%dma_start3A_131, %dma_start3A_132] : memref<1600x32xf32, #tpu.memory_space<vmem>> -> memref<80x32xf32, #tpu.memory_space<vmem>>
    %dma_start3A_134 = arith.constant 0 : i32
    %dma_start3A_135 = tpu.memref_slice %arg5[%dma_start3A_125, %dma_start3A_134] : memref<2x1600xi32, #tpu.memory_space<vmem>> -> memref<1x1600xi32, #tpu.memory_space<vmem>>
    %dma_start3A_136 = tpu.memref_squeeze %dma_start3A_135 : memref<1x1600xi32, #tpu.memory_space<vmem>> -> memref<1600xi32, #tpu.memory_space<vmem>>
    %dma_start3A_137 = arith.constant 480 : i32
    %dma_start3A_138 = tpu.memref_slice %dma_start3A_136[%dma_start3A_137] : memref<1600xi32, #tpu.memory_space<vmem>> -> memref<80xi32, #tpu.memory_space<vmem>>
    %dma_start3A_139 = arith.constant 0 : i32
    %dma_start3A_140 = arith.constant 0 : i32
    %dma_start3A_141 = tpu.memref_slice %arg3[%dma_start3A_139, %dma_start3A_140] : memref<1000000x32xf32, #tpu.memory_space<hbm>> -> memref<1000000x32xf32, #tpu.memory_space<hbm>>
    tpu.enqueue_indirect_dma source(%dma_start3A_141 : memref<1000000x32xf32, #tpu.memory_space<hbm>>) target(%dma_start3A_133 : memref<80x32xf32, #tpu.memory_space<vmem>>) offsets(%dma_start3A_138 : memref<80xi32, #tpu.memory_space<vmem>>) semaphore(%arg8 : memref<!tpu.dma_semaphore, #tpu.memory_space<semaphore_mem>>)
    %dma_start3A_142 = arith.constant 0 : i32
    %dma_start3A_143 = arith.constant 0 : i32
    %dma_start3A_144 = arith.constant 0 : i32
    %dma_start3A_145 = arith.constant 0 : i32
    %dma_start3A_146 = tpu.memref_slice %arg6[%dma_start3A_143, %dma_start3A_144, %dma_start3A_145] : memref<2x1600x32xf32, #tpu.memory_space<vmem>> -> memref<1x1600x32xf32, #tpu.memory_space<vmem>>
    %dma_start3A_147 = tpu.memref_squeeze %dma_start3A_146 : memref<1x1600x32xf32, #tpu.memory_space<vmem>> -> memref<1600x32xf32, #tpu.memory_space<vmem>>
    %dma_start3A_148 = arith.constant 560 : i32
    %dma_start3A_149 = arith.constant 0 : i32
    %dma_start3A_150 = tpu.memref_slice %dma_start3A_147[%dma_start3A_148, %dma_start3A_149] : memref<1600x32xf32, #tpu.memory_space<vmem>> -> memref<80x32xf32, #tpu.memory_space<vmem>>
    %dma_start3A_151 = arith.constant 0 : i32
    %dma_start3A_152 = tpu.memref_slice %arg5[%dma_start3A_142, %dma_start3A_151] : memref<2x1600xi32, #tpu.memory_space<vmem>> -> memref<1x1600xi32, #tpu.memory_space<vmem>>
    %dma_start3A_153 = tpu.memref_squeeze %dma_start3A_152 : memref<1x1600xi32, #tpu.memory_space<vmem>> -> memref<1600xi32, #tpu.memory_space<vmem>>
    %dma_start3A_154 = arith.constant 560 : i32
    %dma_start3A_155 = tpu.memref_slice %dma_start3A_153[%dma_start3A_154] : memref<1600xi32, #tpu.memory_space<vmem>> -> memref<80xi32, #tpu.memory_space<vmem>>
    %dma_start3A_156 = arith.constant 0 : i32
    %dma_start3A_157 = arith.constant 0 : i32
    %dma_start3A_158 = tpu.memref_slice %arg3[%dma_start3A_156, %dma_start3A_157] : memref<1000000x32xf32, #tpu.memory_space<hbm>> -> memref<1000000x32xf32, #tpu.memory_space<hbm>>
    tpu.enqueue_indirect_dma source(%dma_start3A_158 : memref<1000000x32xf32, #tpu.memory_space<hbm>>) target(%dma_start3A_150 : memref<80x32xf32, #tpu.memory_space<vmem>>) offsets(%dma_start3A_155 : memref<80xi32, #tpu.memory_space<vmem>>) semaphore(%arg8 : memref<!tpu.dma_semaphore, #tpu.memory_space<semaphore_mem>>)
    %dma_start3A_159 = arith.constant 0 : i32
    %dma_start3A_160 = arith.constant 0 : i32
    %dma_start3A_161 = arith.constant 0 : i32
    %dma_start3A_162 = arith.constant 0 : i32
    %dma_start3A_163 = tpu.memref_slice %arg6[%dma_start3A_160, %dma_start3A_161, %dma_start3A_162] : memref<2x1600x32xf32, #tpu.memory_space<vmem>> -> memref<1x1600x32xf32, #tpu.memory_space<vmem>>
    %dma_start3A_164 = tpu.memref_squeeze %dma_start3A_163 : memref<1x1600x32xf32, #tpu.memory_space<vmem>> -> memref<1600x32xf32, #tpu.memory_space<vmem>>
    %dma_start3A_165 = arith.constant 640 : i32
    %dma_start3A_166 = arith.constant 0 : i32
    %dma_start3A_167 = tpu.memref_slice %dma_start3A_164[%dma_start3A_165, %dma_start3A_166] : memref<1600x32xf32, #tpu.memory_space<vmem>> -> memref<80x32xf32, #tpu.memory_space<vmem>>
    %dma_start3A_168 = arith.constant 0 : i32
    %dma_start3A_169 = tpu.memref_slice %arg5[%dma_start3A_159, %dma_start3A_168] : memref<2x1600xi32, #tpu.memory_space<vmem>> -> memref<1x1600xi32, #tpu.memory_space<vmem>>
    %dma_start3A_170 = tpu.memref_squeeze %dma_start3A_169 : memref<1x1600xi32, #tpu.memory_space<vmem>> -> memref<1600xi32, #tpu.memory_space<vmem>>
    %dma_start3A_171 = arith.constant 640 : i32
    %dma_start3A_172 = tpu.memref_slice %dma_start3A_170[%dma_start3A_171] : memref<1600xi32, #tpu.memory_space<vmem>> -> memref<80xi32, #tpu.memory_space<vmem>>
    %dma_start3A_173 = arith.constant 0 : i32
    %dma_start3A_174 = arith.constant 0 : i32
    %dma_start3A_175 = tpu.memref_slice %arg3[%dma_start3A_173, %dma_start3A_174] : memref<1000000x32xf32, #tpu.memory_space<hbm>> -> memref<1000000x32xf32, #tpu.memory_space<hbm>>
    tpu.enqueue_indirect_dma source(%dma_start3A_175 : memref<1000000x32xf32, #tpu.memory_space<hbm>>) target(%dma_start3A_167 : memref<80x32xf32, #tpu.memory_space<vmem>>) offsets(%dma_start3A_172 : memref<80xi32, #tpu.memory_space<vmem>>) semaphore(%arg8 : memref<!tpu.dma_semaphore, #tpu.memory_space<semaphore_mem>>)
    %dma_start3A_176 = arith.constant 0 : i32
    %dma_start3A_177 = arith.constant 0 : i32
    %dma_start3A_178 = arith.constant 0 : i32
    %dma_start3A_179 = arith.constant 0 : i32
    %dma_start3A_180 = tpu.memref_slice %arg6[%dma_start3A_177, %dma_start3A_178, %dma_start3A_179] : memref<2x1600x32xf32, #tpu.memory_space<vmem>> -> memref<1x1600x32xf32, #tpu.memory_space<vmem>>
    %dma_start3A_181 = tpu.memref_squeeze %dma_start3A_180 : memref<1x1600x32xf32, #tpu.memory_space<vmem>> -> memref<1600x32xf32, #tpu.memory_space<vmem>>
    %dma_start3A_182 = arith.constant 720 : i32
    %dma_start3A_183 = arith.constant 0 : i32
    %dma_start3A_184 = tpu.memref_slice %dma_start3A_181[%dma_start3A_182, %dma_start3A_183] : memref<1600x32xf32, #tpu.memory_space<vmem>> -> memref<80x32xf32, #tpu.memory_space<vmem>>
    %dma_start3A_185 = arith.constant 0 : i32
    %dma_start3A_186 = tpu.memref_slice %arg5[%dma_start3A_176, %dma_start3A_185] : memref<2x1600xi32, #tpu.memory_space<vmem>> -> memref<1x1600xi32, #tpu.memory_space<vmem>>
    %dma_start3A_187 = tpu.memref_squeeze %dma_start3A_186 : memref<1x1600xi32, #tpu.memory_space<vmem>> -> memref<1600xi32, #tpu.memory_space<vmem>>
    %dma_start3A_188 = arith.constant 720 : i32
    %dma_start3A_189 = tpu.memref_slice %dma_start3A_187[%dma_start3A_188] : memref<1600xi32, #tpu.memory_space<vmem>> -> memref<80xi32, #tpu.memory_space<vmem>>
    %dma_start3A_190 = arith.constant 0 : i32
    %dma_start3A_191 = arith.constant 0 : i32
    %dma_start3A_192 = tpu.memref_slice %arg3[%dma_start3A_190, %dma_start3A_191] : memref<1000000x32xf32, #tpu.memory_space<hbm>> -> memref<1000000x32xf32, #tpu.memory_space<hbm>>
    tpu.enqueue_indirect_dma source(%dma_start3A_192 : memref<1000000x32xf32, #tpu.memory_space<hbm>>) target(%dma_start3A_184 : memref<80x32xf32, #tpu.memory_space<vmem>>) offsets(%dma_start3A_189 : memref<80xi32, #tpu.memory_space<vmem>>) semaphore(%arg8 : memref<!tpu.dma_semaphore, #tpu.memory_space<semaphore_mem>>)
    %dma_start3A_193 = arith.constant 0 : i32
    %dma_start3A_194 = arith.constant 0 : i32
    %dma_start3A_195 = arith.constant 0 : i32
    %dma_start3A_196 = arith.constant 0 : i32
    %dma_start3A_197 = tpu.memref_slice %arg6[%dma_start3A_194, %dma_start3A_195, %dma_start3A_196] : memref<2x1600x32xf32, #tpu.memory_space<vmem>> -> memref<1x1600x32xf32, #tpu.memory_space<vmem>>
    %dma_start3A_198 = tpu.memref_squeeze %dma_start3A_197 : memref<1x1600x32xf32, #tpu.memory_space<vmem>> -> memref<1600x32xf32, #tpu.memory_space<vmem>>
    %dma_start3A_199 = arith.constant 800 : i32
    %dma_start3A_200 = arith.constant 0 : i32
    %dma_start3A_201 = tpu.memref_slice %dma_start3A_198[%dma_start3A_199, %dma_start3A_200] : memref<1600x32xf32, #tpu.memory_space<vmem>> -> memref<80x32xf32, #tpu.memory_space<vmem>>
    %dma_start3A_202 = arith.constant 0 : i32
    %dma_start3A_203 = tpu.memref_slice %arg5[%dma_start3A_193, %dma_start3A_202] : memref<2x1600xi32, #tpu.memory_space<vmem>> -> memref<1x1600xi32, #tpu.memory_space<vmem>>
    %dma_start3A_204 = tpu.memref_squeeze %dma_start3A_203 : memref<1x1600xi32, #tpu.memory_space<vmem>> -> memref<1600xi32, #tpu.memory_space<vmem>>
    %dma_start3A_205 = arith.constant 800 : i32
    %dma_start3A_206 = tpu.memref_slice %dma_start3A_204[%dma_start3A_205] : memref<1600xi32, #tpu.memory_space<vmem>> -> memref<80xi32, #tpu.memory_space<vmem>>
    %dma_start3A_207 = arith.constant 0 : i32
    %dma_start3A_208 = arith.constant 0 : i32
    %dma_start3A_209 = tpu.memref_slice %arg3[%dma_start3A_207, %dma_start3A_208] : memref<1000000x32xf32, #tpu.memory_space<hbm>> -> memref<1000000x32xf32, #tpu.memory_space<hbm>>
    tpu.enqueue_indirect_dma source(%dma_start3A_209 : memref<1000000x32xf32, #tpu.memory_space<hbm>>) target(%dma_start3A_201 : memref<80x32xf32, #tpu.memory_space<vmem>>) offsets(%dma_start3A_206 : memref<80xi32, #tpu.memory_space<vmem>>) semaphore(%arg8 : memref<!tpu.dma_semaphore, #tpu.memory_space<semaphore_mem>>)
    %dma_start3A_210 = arith.constant 0 : i32
    %dma_start3A_211 = arith.constant 0 : i32
    %dma_start3A_212 = arith.constant 0 : i32
    %dma_start3A_213 = arith.constant 0 : i32
    %dma_start3A_214 = tpu.memref_slice %arg6[%dma_start3A_211, %dma_start3A_212, %dma_start3A_213] : memref<2x1600x32xf32, #tpu.memory_space<vmem>> -> memref<1x1600x32xf32, #tpu.memory_space<vmem>>
    %dma_start3A_215 = tpu.memref_squeeze %dma_start3A_214 : memref<1x1600x32xf32, #tpu.memory_space<vmem>> -> memref<1600x32xf32, #tpu.memory_space<vmem>>
    %dma_start3A_216 = arith.constant 880 : i32
    %dma_start3A_217 = arith.constant 0 : i32
    %dma_start3A_218 = tpu.memref_slice %dma_start3A_215[%dma_start3A_216, %dma_start3A_217] : memref<1600x32xf32, #tpu.memory_space<vmem>> -> memref<80x32xf32, #tpu.memory_space<vmem>>
    %dma_start3A_219 = arith.constant 0 : i32
    %dma_start3A_220 = tpu.memref_slice %arg5[%dma_start3A_210, %dma_start3A_219] : memref<2x1600xi32, #tpu.memory_space<vmem>> -> memref<1x1600xi32, #tpu.memory_space<vmem>>
    %dma_start3A_221 = tpu.memref_squeeze %dma_start3A_220 : memref<1x1600xi32, #tpu.memory_space<vmem>> -> memref<1600xi32, #tpu.memory_space<vmem>>
    %dma_start3A_222 = arith.constant 880 : i32
    %dma_start3A_223 = tpu.memref_slice %dma_start3A_221[%dma_start3A_222] : memref<1600xi32, #tpu.memory_space<vmem>> -> memref<80xi32, #tpu.memory_space<vmem>>
    %dma_start3A_224 = arith.constant 0 : i32
    %dma_start3A_225 = arith.constant 0 : i32
    %dma_start3A_226 = tpu.memref_slice %arg3[%dma_start3A_224, %dma_start3A_225] : memref<1000000x32xf32, #tpu.memory_space<hbm>> -> memref<1000000x32xf32, #tpu.memory_space<hbm>>
    tpu.enqueue_indirect_dma source(%dma_start3A_226 : memref<1000000x32xf32, #tpu.memory_space<hbm>>) target(%dma_start3A_218 : memref<80x32xf32, #tpu.memory_space<vmem>>) offsets(%dma_start3A_223 : memref<80xi32, #tpu.memory_space<vmem>>) semaphore(%arg8 : memref<!tpu.dma_semaphore, #tpu.memory_space<semaphore_mem>>)
    %dma_start3A_227 = arith.constant 0 : i32
    %dma_start3A_228 = arith.constant 0 : i32
    %dma_start3A_229 = arith.constant 0 : i32
    %dma_start3A_230 = arith.constant 0 : i32
    %dma_start3A_231 = tpu.memref_slice %arg6[%dma_start3A_228, %dma_start3A_229, %dma_start3A_230] : memref<2x1600x32xf32, #tpu.memory_space<vmem>> -> memref<1x1600x32xf32, #tpu.memory_space<vmem>>
    %dma_start3A_232 = tpu.memref_squeeze %dma_start3A_231 : memref<1x1600x32xf32, #tpu.memory_space<vmem>> -> memref<1600x32xf32, #tpu.memory_space<vmem>>
    %dma_start3A_233 = arith.constant 960 : i32
    %dma_start3A_234 = arith.constant 0 : i32
    %dma_start3A_235 = tpu.memref_slice %dma_start3A_232[%dma_start3A_233, %dma_start3A_234] : memref<1600x32xf32, #tpu.memory_space<vmem>> -> memref<80x32xf32, #tpu.memory_space<vmem>>
    %dma_start3A_236 = arith.constant 0 : i32
    %dma_start3A_237 = tpu.memref_slice %arg5[%dma_start3A_227, %dma_start3A_236] : memref<2x1600xi32, #tpu.memory_space<vmem>> -> memref<1x1600xi32, #tpu.memory_space<vmem>>
    %dma_start3A_238 = tpu.memref_squeeze %dma_start3A_237 : memref<1x1600xi32, #tpu.memory_space<vmem>> -> memref<1600xi32, #tpu.memory_space<vmem>>
    %dma_start3A_239 = arith.constant 960 : i32
    %dma_start3A_240 = tpu.memref_slice %dma_start3A_238[%dma_start3A_239] : memref<1600xi32, #tpu.memory_space<vmem>> -> memref<80xi32, #tpu.memory_space<vmem>>
    %dma_start3A_241 = arith.constant 0 : i32
    %dma_start3A_242 = arith.constant 0 : i32
    %dma_start3A_243 = tpu.memref_slice %arg3[%dma_start3A_241, %dma_start3A_242] : memref<1000000x32xf32, #tpu.memory_space<hbm>> -> memref<1000000x32xf32, #tpu.memory_space<hbm>>
    tpu.enqueue_indirect_dma source(%dma_start3A_243 : memref<1000000x32xf32, #tpu.memory_space<hbm>>) target(%dma_start3A_235 : memref<80x32xf32, #tpu.memory_space<vmem>>) offsets(%dma_start3A_240 : memref<80xi32, #tpu.memory_space<vmem>>) semaphore(%arg8 : memref<!tpu.dma_semaphore, #tpu.memory_space<semaphore_mem>>)
    %dma_start3A_244 = arith.constant 0 : i32
    %dma_start3A_245 = arith.constant 0 : i32
    %dma_start3A_246 = arith.constant 0 : i32
    %dma_start3A_247 = arith.constant 0 : i32
    %dma_start3A_248 = tpu.memref_slice %arg6[%dma_start3A_245, %dma_start3A_246, %dma_start3A_247] : memref<2x1600x32xf32, #tpu.memory_space<vmem>> -> memref<1x1600x32xf32, #tpu.memory_space<vmem>>
    %dma_start3A_249 = tpu.memref_squeeze %dma_start3A_248 : memref<1x1600x32xf32, #tpu.memory_space<vmem>> -> memref<1600x32xf32, #tpu.memory_space<vmem>>
    %dma_start3A_250 = arith.constant 1040 : i32
    %dma_start3A_251 = arith.constant 0 : i32
    %dma_start3A_252 = tpu.memref_slice %dma_start3A_249[%dma_start3A_250, %dma_start3A_251] : memref<1600x32xf32, #tpu.memory_space<vmem>> -> memref<80x32xf32, #tpu.memory_space<vmem>>
    %dma_start3A_253 = arith.constant 0 : i32
    %dma_start3A_254 = tpu.memref_slice %arg5[%dma_start3A_244, %dma_start3A_253] : memref<2x1600xi32, #tpu.memory_space<vmem>> -> memref<1x1600xi32, #tpu.memory_space<vmem>>
    %dma_start3A_255 = tpu.memref_squeeze %dma_start3A_254 : memref<1x1600xi32, #tpu.memory_space<vmem>> -> memref<1600xi32, #tpu.memory_space<vmem>>
    %dma_start3A_256 = arith.constant 1040 : i32
    %dma_start3A_257 = tpu.memref_slice %dma_start3A_255[%dma_start3A_256] : memref<1600xi32, #tpu.memory_space<vmem>> -> memref<80xi32, #tpu.memory_space<vmem>>
    %dma_start3A_258 = arith.constant 0 : i32
    %dma_start3A_259 = arith.constant 0 : i32
    %dma_start3A_260 = tpu.memref_slice %arg3[%dma_start3A_258, %dma_start3A_259] : memref<1000000x32xf32, #tpu.memory_space<hbm>> -> memref<1000000x32xf32, #tpu.memory_space<hbm>>
    tpu.enqueue_indirect_dma source(%dma_start3A_260 : memref<1000000x32xf32, #tpu.memory_space<hbm>>) target(%dma_start3A_252 : memref<80x32xf32, #tpu.memory_space<vmem>>) offsets(%dma_start3A_257 : memref<80xi32, #tpu.memory_space<vmem>>) semaphore(%arg8 : memref<!tpu.dma_semaphore, #tpu.memory_space<semaphore_mem>>)
    %dma_start3A_261 = arith.constant 0 : i32
    %dma_start3A_262 = arith.constant 0 : i32
    %dma_start3A_263 = arith.constant 0 : i32
    %dma_start3A_264 = arith.constant 0 : i32
    %dma_start3A_265 = tpu.memref_slice %arg6[%dma_start3A_262, %dma_start3A_263, %dma_start3A_264] : memref<2x1600x32xf32, #tpu.memory_space<vmem>> -> memref<1x1600x32xf32, #tpu.memory_space<vmem>>
    %dma_start3A_266 = tpu.memref_squeeze %dma_start3A_265 : memref<1x1600x32xf32, #tpu.memory_space<vmem>> -> memref<1600x32xf32, #tpu.memory_space<vmem>>
    %dma_start3A_267 = arith.constant 1120 : i32
    %dma_start3A_268 = arith.constant 0 : i32
    %dma_start3A_269 = tpu.memref_slice %dma_start3A_266[%dma_start3A_267, %dma_start3A_268] : memref<1600x32xf32, #tpu.memory_space<vmem>> -> memref<80x32xf32, #tpu.memory_space<vmem>>
    %dma_start3A_270 = arith.constant 0 : i32
    %dma_start3A_271 = tpu.memref_slice %arg5[%dma_start3A_261, %dma_start3A_270] : memref<2x1600xi32, #tpu.memory_space<vmem>> -> memref<1x1600xi32, #tpu.memory_space<vmem>>
    %dma_start3A_272 = tpu.memref_squeeze %dma_start3A_271 : memref<1x1600xi32, #tpu.memory_space<vmem>> -> memref<1600xi32, #tpu.memory_space<vmem>>
    %dma_start3A_273 = arith.constant 1120 : i32
    %dma_start3A_274 = tpu.memref_slice %dma_start3A_272[%dma_start3A_273] : memref<1600xi32, #tpu.memory_space<vmem>> -> memref<80xi32, #tpu.memory_space<vmem>>
    %dma_start3A_275 = arith.constant 0 : i32
    %dma_start3A_276 = arith.constant 0 : i32
    %dma_start3A_277 = tpu.memref_slice %arg3[%dma_start3A_275, %dma_start3A_276] : memref<1000000x32xf32, #tpu.memory_space<hbm>> -> memref<1000000x32xf32, #tpu.memory_space<hbm>>
    tpu.enqueue_indirect_dma source(%dma_start3A_277 : memref<1000000x32xf32, #tpu.memory_space<hbm>>) target(%dma_start3A_269 : memref<80x32xf32, #tpu.memory_space<vmem>>) offsets(%dma_start3A_274 : memref<80xi32, #tpu.memory_space<vmem>>) semaphore(%arg8 : memref<!tpu.dma_semaphore, #tpu.memory_space<semaphore_mem>>)
    %dma_start3A_278 = arith.constant 0 : i32
    %dma_start3A_279 = arith.constant 0 : i32
    %dma_start3A_280 = arith.constant 0 : i32
    %dma_start3A_281 = arith.constant 0 : i32
    %dma_start3A_282 = tpu.memref_slice %arg6[%dma_start3A_279, %dma_start3A_280, %dma_start3A_281] : memref<2x1600x32xf32, #tpu.memory_space<vmem>> -> memref<1x1600x32xf32, #tpu.memory_space<vmem>>
    %dma_start3A_283 = tpu.memref_squeeze %dma_start3A_282 : memref<1x1600x32xf32, #tpu.memory_space<vmem>> -> memref<1600x32xf32, #tpu.memory_space<vmem>>
    %dma_start3A_284 = arith.constant 1200 : i32
    %dma_start3A_285 = arith.constant 0 : i32
    %dma_start3A_286 = tpu.memref_slice %dma_start3A_283[%dma_start3A_284, %dma_start3A_285] : memref<1600x32xf32, #tpu.memory_space<vmem>> -> memref<80x32xf32, #tpu.memory_space<vmem>>
    %dma_start3A_287 = arith.constant 0 : i32
    %dma_start3A_288 = tpu.memref_slice %arg5[%dma_start3A_278, %dma_start3A_287] : memref<2x1600xi32, #tpu.memory_space<vmem>> -> memref<1x1600xi32, #tpu.memory_space<vmem>>
    %dma_start3A_289 = tpu.memref_squeeze %dma_start3A_288 : memref<1x1600xi32, #tpu.memory_space<vmem>> -> memref<1600xi32, #tpu.memory_space<vmem>>
    %dma_start3A_290 = arith.constant 1200 : i32
    %dma_start3A_291 = tpu.memref_slice %dma_start3A_289[%dma_start3A_290] : memref<1600xi32, #tpu.memory_space<vmem>> -> memref<80xi32, #tpu.memory_space<vmem>>
    %dma_start3A_292 = arith.constant 0 : i32
    %dma_start3A_293 = arith.constant 0 : i32
    %dma_start3A_294 = tpu.memref_slice %arg3[%dma_start3A_292, %dma_start3A_293] : memref<1000000x32xf32, #tpu.memory_space<hbm>> -> memref<1000000x32xf32, #tpu.memory_space<hbm>>
    tpu.enqueue_indirect_dma source(%dma_start3A_294 : memref<1000000x32xf32, #tpu.memory_space<hbm>>) target(%dma_start3A_286 : memref<80x32xf32, #tpu.memory_space<vmem>>) offsets(%dma_start3A_291 : memref<80xi32, #tpu.memory_space<vmem>>) semaphore(%arg8 : memref<!tpu.dma_semaphore, #tpu.memory_space<semaphore_mem>>)
    %dma_start3A_295 = arith.constant 0 : i32
    %dma_start3A_296 = arith.constant 0 : i32
    %dma_start3A_297 = arith.constant 0 : i32
    %dma_start3A_298 = arith.constant 0 : i32
    %dma_start3A_299 = tpu.memref_slice %arg6[%dma_start3A_296, %dma_start3A_297, %dma_start3A_298] : memref<2x1600x32xf32, #tpu.memory_space<vmem>> -> memref<1x1600x32xf32, #tpu.memory_space<vmem>>
    %dma_start3A_300 = tpu.memref_squeeze %dma_start3A_299 : memref<1x1600x32xf32, #tpu.memory_space<vmem>> -> memref<1600x32xf32, #tpu.memory_space<vmem>>
    %dma_start3A_301 = arith.constant 1280 : i32
    %dma_start3A_302 = arith.constant 0 : i32
    %dma_start3A_303 = tpu.memref_slice %dma_start3A_300[%dma_start3A_301, %dma_start3A_302] : memref<1600x32xf32, #tpu.memory_space<vmem>> -> memref<80x32xf32, #tpu.memory_space<vmem>>
    %dma_start3A_304 = arith.constant 0 : i32
    %dma_start3A_305 = tpu.memref_slice %arg5[%dma_start3A_295, %dma_start3A_304] : memref<2x1600xi32, #tpu.memory_space<vmem>> -> memref<1x1600xi32, #tpu.memory_space<vmem>>
    %dma_start3A_306 = tpu.memref_squeeze %dma_start3A_305 : memref<1x1600xi32, #tpu.memory_space<vmem>> -> memref<1600xi32, #tpu.memory_space<vmem>>
    %dma_start3A_307 = arith.constant 1280 : i32
    %dma_start3A_308 = tpu.memref_slice %dma_start3A_306[%dma_start3A_307] : memref<1600xi32, #tpu.memory_space<vmem>> -> memref<80xi32, #tpu.memory_space<vmem>>
    %dma_start3A_309 = arith.constant 0 : i32
    %dma_start3A_310 = arith.constant 0 : i32
    %dma_start3A_311 = tpu.memref_slice %arg3[%dma_start3A_309, %dma_start3A_310] : memref<1000000x32xf32, #tpu.memory_space<hbm>> -> memref<1000000x32xf32, #tpu.memory_space<hbm>>
    tpu.enqueue_indirect_dma source(%dma_start3A_311 : memref<1000000x32xf32, #tpu.memory_space<hbm>>) target(%dma_start3A_303 : memref<80x32xf32, #tpu.memory_space<vmem>>) offsets(%dma_start3A_308 : memref<80xi32, #tpu.memory_space<vmem>>) semaphore(%arg8 : memref<!tpu.dma_semaphore, #tpu.memory_space<semaphore_mem>>)
    %dma_start3A_312 = arith.constant 0 : i32
    %dma_start3A_313 = arith.constant 0 : i32
    %dma_start3A_314 = arith.constant 0 : i32
    %dma_start3A_315 = arith.constant 0 : i32
    %dma_start3A_316 = tpu.memref_slice %arg6[%dma_start3A_313, %dma_start3A_314, %dma_start3A_315] : memref<2x1600x32xf32, #tpu.memory_space<vmem>> -> memref<1x1600x32xf32, #tpu.memory_space<vmem>>
    %dma_start3A_317 = tpu.memref_squeeze %dma_start3A_316 : memref<1x1600x32xf32, #tpu.memory_space<vmem>> -> memref<1600x32xf32, #tpu.memory_space<vmem>>
    %dma_start3A_318 = arith.constant 1360 : i32
    %dma_start3A_319 = arith.constant 0 : i32
    %dma_start3A_320 = tpu.memref_slice %dma_start3A_317[%dma_start3A_318, %dma_start3A_319] : memref<1600x32xf32, #tpu.memory_space<vmem>> -> memref<80x32xf32, #tpu.memory_space<vmem>>
    %dma_start3A_321 = arith.constant 0 : i32
    %dma_start3A_322 = tpu.memref_slice %arg5[%dma_start3A_312, %dma_start3A_321] : memref<2x1600xi32, #tpu.memory_space<vmem>> -> memref<1x1600xi32, #tpu.memory_space<vmem>>
    %dma_start3A_323 = tpu.memref_squeeze %dma_start3A_322 : memref<1x1600xi32, #tpu.memory_space<vmem>> -> memref<1600xi32, #tpu.memory_space<vmem>>
    %dma_start3A_324 = arith.constant 1360 : i32
    %dma_start3A_325 = tpu.memref_slice %dma_start3A_323[%dma_start3A_324] : memref<1600xi32, #tpu.memory_space<vmem>> -> memref<80xi32, #tpu.memory_space<vmem>>
    %dma_start3A_326 = arith.constant 0 : i32
    %dma_start3A_327 = arith.constant 0 : i32
    %dma_start3A_328 = tpu.memref_slice %arg3[%dma_start3A_326, %dma_start3A_327] : memref<1000000x32xf32, #tpu.memory_space<hbm>> -> memref<1000000x32xf32, #tpu.memory_space<hbm>>
    tpu.enqueue_indirect_dma source(%dma_start3A_328 : memref<1000000x32xf32, #tpu.memory_space<hbm>>) target(%dma_start3A_320 : memref<80x32xf32, #tpu.memory_space<vmem>>) offsets(%dma_start3A_325 : memref<80xi32, #tpu.memory_space<vmem>>) semaphore(%arg8 : memref<!tpu.dma_semaphore, #tpu.memory_space<semaphore_mem>>)
    %dma_start3A_329 = arith.constant 0 : i32
    %dma_start3A_330 = arith.constant 0 : i32
    %dma_start3A_331 = arith.constant 0 : i32
    %dma_start3A_332 = arith.constant 0 : i32
    %dma_start3A_333 = tpu.memref_slice %arg6[%dma_start3A_330, %dma_start3A_331, %dma_start3A_332] : memref<2x1600x32xf32, #tpu.memory_space<vmem>> -> memref<1x1600x32xf32, #tpu.memory_space<vmem>>
    %dma_start3A_334 = tpu.memref_squeeze %dma_start3A_333 : memref<1x1600x32xf32, #tpu.memory_space<vmem>> -> memref<1600x32xf32, #tpu.memory_space<vmem>>
    %dma_start3A_335 = arith.constant 1440 : i32
    %dma_start3A_336 = arith.constant 0 : i32
    %dma_start3A_337 = tpu.memref_slice %dma_start3A_334[%dma_start3A_335, %dma_start3A_336] : memref<1600x32xf32, #tpu.memory_space<vmem>> -> memref<80x32xf32, #tpu.memory_space<vmem>>
    %dma_start3A_338 = arith.constant 0 : i32
    %dma_start3A_339 = tpu.memref_slice %arg5[%dma_start3A_329, %dma_start3A_338] : memref<2x1600xi32, #tpu.memory_space<vmem>> -> memref<1x1600xi32, #tpu.memory_space<vmem>>
    %dma_start3A_340 = tpu.memref_squeeze %dma_start3A_339 : memref<1x1600xi32, #tpu.memory_space<vmem>> -> memref<1600xi32, #tpu.memory_space<vmem>>
    %dma_start3A_341 = arith.constant 1440 : i32
    %dma_start3A_342 = tpu.memref_slice %dma_start3A_340[%dma_start3A_341] : memref<1600xi32, #tpu.memory_space<vmem>> -> memref<80xi32, #tpu.memory_space<vmem>>
    %dma_start3A_343 = arith.constant 0 : i32
    %dma_start3A_344 = arith.constant 0 : i32
    %dma_start3A_345 = tpu.memref_slice %arg3[%dma_start3A_343, %dma_start3A_344] : memref<1000000x32xf32, #tpu.memory_space<hbm>> -> memref<1000000x32xf32, #tpu.memory_space<hbm>>
    tpu.enqueue_indirect_dma source(%dma_start3A_345 : memref<1000000x32xf32, #tpu.memory_space<hbm>>) target(%dma_start3A_337 : memref<80x32xf32, #tpu.memory_space<vmem>>) offsets(%dma_start3A_342 : memref<80xi32, #tpu.memory_space<vmem>>) semaphore(%arg8 : memref<!tpu.dma_semaphore, #tpu.memory_space<semaphore_mem>>)
    %dma_start3A_346 = arith.constant 0 : i32
    %dma_start3A_347 = arith.constant 0 : i32
    %dma_start3A_348 = arith.constant 0 : i32
    %dma_start3A_349 = arith.constant 0 : i32
    %dma_start3A_350 = tpu.memref_slice %arg6[%dma_start3A_347, %dma_start3A_348, %dma_start3A_349] : memref<2x1600x32xf32, #tpu.memory_space<vmem>> -> memref<1x1600x32xf32, #tpu.memory_space<vmem>>
    %dma_start3A_351 = tpu.memref_squeeze %dma_start3A_350 : memref<1x1600x32xf32, #tpu.memory_space<vmem>> -> memref<1600x32xf32, #tpu.memory_space<vmem>>
    %dma_start3A_352 = arith.constant 1520 : i32
    %dma_start3A_353 = arith.constant 0 : i32
    %dma_start3A_354 = tpu.memref_slice %dma_start3A_351[%dma_start3A_352, %dma_start3A_353] : memref<1600x32xf32, #tpu.memory_space<vmem>> -> memref<80x32xf32, #tpu.memory_space<vmem>>
    %dma_start3A_355 = arith.constant 0 : i32
    %dma_start3A_356 = tpu.memref_slice %arg5[%dma_start3A_346, %dma_start3A_355] : memref<2x1600xi32, #tpu.memory_space<vmem>> -> memref<1x1600xi32, #tpu.memory_space<vmem>>
    %dma_start3A_357 = tpu.memref_squeeze %dma_start3A_356 : memref<1x1600xi32, #tpu.memory_space<vmem>> -> memref<1600xi32, #tpu.memory_space<vmem>>
    %dma_start3A_358 = arith.constant 1520 : i32
    %dma_start3A_359 = tpu.memref_slice %dma_start3A_357[%dma_start3A_358] : memref<1600xi32, #tpu.memory_space<vmem>> -> memref<80xi32, #tpu.memory_space<vmem>>
    %dma_start3A_360 = arith.constant 0 : i32
    %dma_start3A_361 = arith.constant 0 : i32
    %dma_start3A_362 = tpu.memref_slice %arg3[%dma_start3A_360, %dma_start3A_361] : memref<1000000x32xf32, #tpu.memory_space<hbm>> -> memref<1000000x32xf32, #tpu.memory_space<hbm>>
    tpu.enqueue_indirect_dma source(%dma_start3A_362 : memref<1000000x32xf32, #tpu.memory_space<hbm>>) target(%dma_start3A_354 : memref<80x32xf32, #tpu.memory_space<vmem>>) offsets(%dma_start3A_359 : memref<80xi32, #tpu.memory_space<vmem>>) semaphore(%arg8 : memref<!tpu.dma_semaphore, #tpu.memory_space<semaphore_mem>>)
    %add3A_363 = arith.constant 8 : i32
    %add3A_364 = arith.addi %mul3A_2, %add3A_363 : i32
    %mul3A_365 = arith.constant 200 : i32
    %mul3A_366 = arith.muli %add3A_364, %mul3A_365 : i32
    %dma_start3A_367 = arith.constant 1 : i32
    %dma_start3A_368 = arith.constant 0 : i32
    %dma_start3A_369 = tpu.memref_slice %arg5[%dma_start3A_367, %dma_start3A_368] : memref<2x1600xi32, #tpu.memory_space<vmem>> -> memref<1x1600xi32, #tpu.memory_space<vmem>>
    %dma_start3A_370 = tpu.memref_squeeze %dma_start3A_369 : memref<1x1600xi32, #tpu.memory_space<vmem>> -> memref<1600xi32, #tpu.memory_space<vmem>>
    %dma_start3A_371 = tpu.memref_slice %arg2[%mul3A_366] : memref<1638400xi32, #tpu.memory_space<hbm>> -> memref<1600xi32, #tpu.memory_space<hbm>>
    %dma_start3A_372 = arith.constant 0 : i32
    %dma_start3A_373 = tpu.memref_slice %arg5[%dma_start3A_367, %dma_start3A_372] : memref<2x1600xi32, #tpu.memory_space<vmem>> -> memref<1x1600xi32, #tpu.memory_space<vmem>>
    %dma_start3A_374 = tpu.memref_squeeze %dma_start3A_373 : memref<1x1600xi32, #tpu.memory_space<vmem>> -> memref<1600xi32, #tpu.memory_space<vmem>>
    %dma_start3A_375 = tpu.memref_slice %arg2[%mul3A_366] : memref<1638400xi32, #tpu.memory_space<hbm>> -> memref<1600xi32, #tpu.memory_space<hbm>>
    tpu.enqueue_dma source(%dma_start3A_375 : memref<1600xi32, #tpu.memory_space<hbm>>) target(%dma_start3A_374 : memref<1600xi32, #tpu.memory_space<vmem>>) target_semaphore(%arg7 : memref<!tpu.dma_semaphore, #tpu.memory_space<semaphore_mem>>)
    %scan3A = arith.constant 0 : i32
    %scan3A_376 = arith.constant 0 : i32
    %scan3A_377 = arith.constant 32 : i32
    %scan3A_378 = arith.addi %scan3A_376, %scan3A_377 : i32
    %scan3A_379 = arith.constant 1 : i32
    scf.for %scan3A_583 = %scan3A_376 to %scan3A_378 step %scan3A_379  : i32 {
      %jit3A = arith.constant 2 : i32
      %eq3A = arith.constant 0 : i32
      %eq3A_584 = arith.cmpi eq, %jit3A, %eq3A : i32
      %jit3A_585 = arith.constant 1 : i32
      %select_n3A = arith.select %eq3A_584, %jit3A_585, %jit3A : i32
      %rem3A = arith.remsi %scan3A_583, %select_n3A : i32
      %ne3A = arith.constant 0 : i32
      %ne3A_586 = arith.cmpi ne, %rem3A, %ne3A : i32
      %lt3A = arith.constant 0 : i32
      %lt3A_587 = arith.cmpi slt, %rem3A, %lt3A : i32
      %lt3A_588 = arith.constant 0 : i32
      %lt3A_589 = arith.cmpi slt, %select_n3A, %lt3A_588 : i32
      %ne3A_590 = arith.xori %lt3A_587, %lt3A_589 : i1
      %and3A = arith.andi %ne3A_590, %ne3A_586 : i1
      %add3A_591 = arith.addi %rem3A, %select_n3A : i32
      %select_n3A_592 = arith.select %and3A, %add3A_591, %rem3A : i32
      %sub3A = arith.constant 1 : i32
      %sub3A_593 = arith.subi %sub3A, %select_n3A_592 : i32
      %lt3A_594 = arith.constant 31 : i32
      %lt3A_595 = arith.cmpi slt, %scan3A_583, %lt3A_594 : i32
      %convert_element_type3A = arith.extui %lt3A_595 : i1 to i32
      %cond3A = arith.constant 0 : i32
      %cond3A_596 = arith.cmpi ne, %convert_element_type3A, %cond3A : i32
      scf.if %cond3A_596 {
        %add3A_1106 = arith.constant 1 : i32
        %add3A_1107 = arith.addi %scan3A_583, %add3A_1106 : i32
        %mul3A_1108 = arith.constant 8 : i32
        %mul3A_1109 = arith.muli %add3A_1107, %mul3A_1108 : i32
        %add3A_1110 = arith.addi %mul3A_2, %mul3A_1109 : i32
        %mul3A_1111 = arith.constant 200 : i32
        %mul3A_1112 = arith.muli %add3A_1110, %mul3A_1111 : i32
        %dma_wait3A_1113 = arith.constant 0 : i32
        %dma_wait3A_1114 = tpu.memref_slice %arg5[%sub3A_593, %dma_wait3A_1113] : memref<2x1600xi32, #tpu.memory_space<vmem>> -> memref<1x1600xi32, #tpu.memory_space<vmem>>
        %dma_wait3A_1115 = tpu.memref_squeeze %dma_wait3A_1114 : memref<1x1600xi32, #tpu.memory_space<vmem>> -> memref<1600xi32, #tpu.memory_space<vmem>>
        %dma_wait3A_1116 = tpu.memref_slice %arg2[%mul3A_1112] : memref<1638400xi32, #tpu.memory_space<hbm>> -> memref<1600xi32, #tpu.memory_space<hbm>>
        %dma_wait3A_1117 = arith.constant 0 : i32
        %dma_wait3A_1118 = tpu.memref_slice %arg5[%sub3A_593, %dma_wait3A_1117] : memref<2x1600xi32, #tpu.memory_space<vmem>> -> memref<1x1600xi32, #tpu.memory_space<vmem>>
        %dma_wait3A_1119 = tpu.memref_squeeze %dma_wait3A_1118 : memref<1x1600xi32, #tpu.memory_space<vmem>> -> memref<1600xi32, #tpu.memory_space<vmem>>
        %dma_wait3A_1120 = tpu.memref_slice %arg2[%mul3A_1112] : memref<1638400xi32, #tpu.memory_space<hbm>> -> memref<1600xi32, #tpu.memory_space<hbm>>
        tpu.wait_dma2 semaphore(%arg7 : memref<!tpu.dma_semaphore, #tpu.memory_space<semaphore_mem>>) src(%dma_wait3A_1120 : memref<1600xi32, #tpu.memory_space<hbm>>) dst(%dma_wait3A_1119 : memref<1600xi32, #tpu.memory_space<vmem>>)
      } else {
      }
      %dma_wait3A_597 = arith.constant 0 : i32
      %dma_wait3A_598 = arith.constant 0 : i32
      %dma_wait3A_599 = tpu.memref_slice %arg6[%select_n3A_592, %dma_wait3A_597, %dma_wait3A_598] : memref<2x1600x32xf32, #tpu.memory_space<vmem>> -> memref<1x1600x32xf32, #tpu.memory_space<vmem>>
      %dma_wait3A_600 = tpu.memref_squeeze %dma_wait3A_599 : memref<1x1600x32xf32, #tpu.memory_space<vmem>> -> memref<1600x32xf32, #tpu.memory_space<vmem>>
      %dma_wait3A_601 = arith.constant 0 : i32
      %dma_wait3A_602 = arith.constant 0 : i32
      %dma_wait3A_603 = tpu.memref_slice %dma_wait3A_600[%dma_wait3A_601, %dma_wait3A_602] : memref<1600x32xf32, #tpu.memory_space<vmem>> -> memref<80x32xf32, #tpu.memory_space<vmem>>
      %dma_wait3A_604 = arith.constant 0 : i32
      %dma_wait3A_605 = tpu.memref_slice %arg5[%select_n3A_592, %dma_wait3A_604] : memref<2x1600xi32, #tpu.memory_space<vmem>> -> memref<1x1600xi32, #tpu.memory_space<vmem>>
      %dma_wait3A_606 = tpu.memref_squeeze %dma_wait3A_605 : memref<1x1600xi32, #tpu.memory_space<vmem>> -> memref<1600xi32, #tpu.memory_space<vmem>>
      %dma_wait3A_607 = arith.constant 0 : i32
      %dma_wait3A_608 = tpu.memref_slice %dma_wait3A_606[%dma_wait3A_607] : memref<1600xi32, #tpu.memory_space<vmem>> -> memref<80xi32, #tpu.memory_space<vmem>>
      %dma_wait3A_609 = arith.constant 0 : i32
      %dma_wait3A_610 = arith.constant 0 : i32
      %dma_wait3A_611 = tpu.memref_slice %arg3[%dma_wait3A_609, %dma_wait3A_610] : memref<1000000x32xf32, #tpu.memory_space<hbm>> -> memref<1000000x32xf32, #tpu.memory_space<hbm>>
      tpu.wait_indirect_dma semaphore(%arg8 : memref<!tpu.dma_semaphore, #tpu.memory_space<semaphore_mem>>) src(%dma_wait3A_611 : memref<1000000x32xf32, #tpu.memory_space<hbm>>) dst(%dma_wait3A_603 : memref<80x32xf32, #tpu.memory_space<vmem>>)
      %dma_wait3A_612 = arith.constant 0 : i32
      %dma_wait3A_613 = arith.constant 0 : i32
      %dma_wait3A_614 = tpu.memref_slice %arg6[%select_n3A_592, %dma_wait3A_612, %dma_wait3A_613] : memref<2x1600x32xf32, #tpu.memory_space<vmem>> -> memref<1x1600x32xf32, #tpu.memory_space<vmem>>
      %dma_wait3A_615 = tpu.memref_squeeze %dma_wait3A_614 : memref<1x1600x32xf32, #tpu.memory_space<vmem>> -> memref<1600x32xf32, #tpu.memory_space<vmem>>
      %dma_wait3A_616 = arith.constant 80 : i32
      %dma_wait3A_617 = arith.constant 0 : i32
      %dma_wait3A_618 = tpu.memref_slice %dma_wait3A_615[%dma_wait3A_616, %dma_wait3A_617] : memref<1600x32xf32, #tpu.memory_space<vmem>> -> memref<80x32xf32, #tpu.memory_space<vmem>>
      %dma_wait3A_619 = arith.constant 0 : i32
      %dma_wait3A_620 = tpu.memref_slice %arg5[%select_n3A_592, %dma_wait3A_619] : memref<2x1600xi32, #tpu.memory_space<vmem>> -> memref<1x1600xi32, #tpu.memory_space<vmem>>
      %dma_wait3A_621 = tpu.memref_squeeze %dma_wait3A_620 : memref<1x1600xi32, #tpu.memory_space<vmem>> -> memref<1600xi32, #tpu.memory_space<vmem>>
      %dma_wait3A_622 = arith.constant 80 : i32
      %dma_wait3A_623 = tpu.memref_slice %dma_wait3A_621[%dma_wait3A_622] : memref<1600xi32, #tpu.memory_space<vmem>> -> memref<80xi32, #tpu.memory_space<vmem>>
      %dma_wait3A_624 = arith.constant 0 : i32
      %dma_wait3A_625 = arith.constant 0 : i32
      %dma_wait3A_626 = tpu.memref_slice %arg3[%dma_wait3A_624, %dma_wait3A_625] : memref<1000000x32xf32, #tpu.memory_space<hbm>> -> memref<1000000x32xf32, #tpu.memory_space<hbm>>
      tpu.wait_indirect_dma semaphore(%arg8 : memref<!tpu.dma_semaphore, #tpu.memory_space<semaphore_mem>>) src(%dma_wait3A_626 : memref<1000000x32xf32, #tpu.memory_space<hbm>>) dst(%dma_wait3A_618 : memref<80x32xf32, #tpu.memory_space<vmem>>)
      %dma_wait3A_627 = arith.constant 0 : i32
      %dma_wait3A_628 = arith.constant 0 : i32
      %dma_wait3A_629 = tpu.memref_slice %arg6[%select_n3A_592, %dma_wait3A_627, %dma_wait3A_628] : memref<2x1600x32xf32, #tpu.memory_space<vmem>> -> memref<1x1600x32xf32, #tpu.memory_space<vmem>>
      %dma_wait3A_630 = tpu.memref_squeeze %dma_wait3A_629 : memref<1x1600x32xf32, #tpu.memory_space<vmem>> -> memref<1600x32xf32, #tpu.memory_space<vmem>>
      %dma_wait3A_631 = arith.constant 160 : i32
      %dma_wait3A_632 = arith.constant 0 : i32
      %dma_wait3A_633 = tpu.memref_slice %dma_wait3A_630[%dma_wait3A_631, %dma_wait3A_632] : memref<1600x32xf32, #tpu.memory_space<vmem>> -> memref<80x32xf32, #tpu.memory_space<vmem>>
      %dma_wait3A_634 = arith.constant 0 : i32
      %dma_wait3A_635 = tpu.memref_slice %arg5[%select_n3A_592, %dma_wait3A_634] : memref<2x1600xi32, #tpu.memory_space<vmem>> -> memref<1x1600xi32, #tpu.memory_space<vmem>>
      %dma_wait3A_636 = tpu.memref_squeeze %dma_wait3A_635 : memref<1x1600xi32, #tpu.memory_space<vmem>> -> memref<1600xi32, #tpu.memory_space<vmem>>
      %dma_wait3A_637 = arith.constant 160 : i32
      %dma_wait3A_638 = tpu.memref_slice %dma_wait3A_636[%dma_wait3A_637] : memref<1600xi32, #tpu.memory_space<vmem>> -> memref<80xi32, #tpu.memory_space<vmem>>
      %dma_wait3A_639 = arith.constant 0 : i32
      %dma_wait3A_640 = arith.constant 0 : i32
      %dma_wait3A_641 = tpu.memref_slice %arg3[%dma_wait3A_639, %dma_wait3A_640] : memref<1000000x32xf32, #tpu.memory_space<hbm>> -> memref<1000000x32xf32, #tpu.memory_space<hbm>>
      tpu.wait_indirect_dma semaphore(%arg8 : memref<!tpu.dma_semaphore, #tpu.memory_space<semaphore_mem>>) src(%dma_wait3A_641 : memref<1000000x32xf32, #tpu.memory_space<hbm>>) dst(%dma_wait3A_633 : memref<80x32xf32, #tpu.memory_space<vmem>>)
      %dma_wait3A_642 = arith.constant 0 : i32
      %dma_wait3A_643 = arith.constant 0 : i32
      %dma_wait3A_644 = tpu.memref_slice %arg6[%select_n3A_592, %dma_wait3A_642, %dma_wait3A_643] : memref<2x1600x32xf32, #tpu.memory_space<vmem>> -> memref<1x1600x32xf32, #tpu.memory_space<vmem>>
      %dma_wait3A_645 = tpu.memref_squeeze %dma_wait3A_644 : memref<1x1600x32xf32, #tpu.memory_space<vmem>> -> memref<1600x32xf32, #tpu.memory_space<vmem>>
      %dma_wait3A_646 = arith.constant 240 : i32
      %dma_wait3A_647 = arith.constant 0 : i32
      %dma_wait3A_648 = tpu.memref_slice %dma_wait3A_645[%dma_wait3A_646, %dma_wait3A_647] : memref<1600x32xf32, #tpu.memory_space<vmem>> -> memref<80x32xf32, #tpu.memory_space<vmem>>
      %dma_wait3A_649 = arith.constant 0 : i32
      %dma_wait3A_650 = tpu.memref_slice %arg5[%select_n3A_592, %dma_wait3A_649] : memref<2x1600xi32, #tpu.memory_space<vmem>> -> memref<1x1600xi32, #tpu.memory_space<vmem>>
      %dma_wait3A_651 = tpu.memref_squeeze %dma_wait3A_650 : memref<1x1600xi32, #tpu.memory_space<vmem>> -> memref<1600xi32, #tpu.memory_space<vmem>>
      %dma_wait3A_652 = arith.constant 240 : i32
      %dma_wait3A_653 = tpu.memref_slice %dma_wait3A_651[%dma_wait3A_652] : memref<1600xi32, #tpu.memory_space<vmem>> -> memref<80xi32, #tpu.memory_space<vmem>>
      %dma_wait3A_654 = arith.constant 0 : i32
      %dma_wait3A_655 = arith.constant 0 : i32
      %dma_wait3A_656 = tpu.memref_slice %arg3[%dma_wait3A_654, %dma_wait3A_655] : memref<1000000x32xf32, #tpu.memory_space<hbm>> -> memref<1000000x32xf32, #tpu.memory_space<hbm>>
      tpu.wait_indirect_dma semaphore(%arg8 : memref<!tpu.dma_semaphore, #tpu.memory_space<semaphore_mem>>) src(%dma_wait3A_656 : memref<1000000x32xf32, #tpu.memory_space<hbm>>) dst(%dma_wait3A_648 : memref<80x32xf32, #tpu.memory_space<vmem>>)
      %dma_wait3A_657 = arith.constant 0 : i32
      %dma_wait3A_658 = arith.constant 0 : i32
      %dma_wait3A_659 = tpu.memref_slice %arg6[%select_n3A_592, %dma_wait3A_657, %dma_wait3A_658] : memref<2x1600x32xf32, #tpu.memory_space<vmem>> -> memref<1x1600x32xf32, #tpu.memory_space<vmem>>
      %dma_wait3A_660 = tpu.memref_squeeze %dma_wait3A_659 : memref<1x1600x32xf32, #tpu.memory_space<vmem>> -> memref<1600x32xf32, #tpu.memory_space<vmem>>
      %dma_wait3A_661 = arith.constant 320 : i32
      %dma_wait3A_662 = arith.constant 0 : i32
      %dma_wait3A_663 = tpu.memref_slice %dma_wait3A_660[%dma_wait3A_661, %dma_wait3A_662] : memref<1600x32xf32, #tpu.memory_space<vmem>> -> memref<80x32xf32, #tpu.memory_space<vmem>>
      %dma_wait3A_664 = arith.constant 0 : i32
      %dma_wait3A_665 = tpu.memref_slice %arg5[%select_n3A_592, %dma_wait3A_664] : memref<2x1600xi32, #tpu.memory_space<vmem>> -> memref<1x1600xi32, #tpu.memory_space<vmem>>
      %dma_wait3A_666 = tpu.memref_squeeze %dma_wait3A_665 : memref<1x1600xi32, #tpu.memory_space<vmem>> -> memref<1600xi32, #tpu.memory_space<vmem>>
      %dma_wait3A_667 = arith.constant 320 : i32
      %dma_wait3A_668 = tpu.memref_slice %dma_wait3A_666[%dma_wait3A_667] : memref<1600xi32, #tpu.memory_space<vmem>> -> memref<80xi32, #tpu.memory_space<vmem>>
      %dma_wait3A_669 = arith.constant 0 : i32
      %dma_wait3A_670 = arith.constant 0 : i32
      %dma_wait3A_671 = tpu.memref_slice %arg3[%dma_wait3A_669, %dma_wait3A_670] : memref<1000000x32xf32, #tpu.memory_space<hbm>> -> memref<1000000x32xf32, #tpu.memory_space<hbm>>
      tpu.wait_indirect_dma semaphore(%arg8 : memref<!tpu.dma_semaphore, #tpu.memory_space<semaphore_mem>>) src(%dma_wait3A_671 : memref<1000000x32xf32, #tpu.memory_space<hbm>>) dst(%dma_wait3A_663 : memref<80x32xf32, #tpu.memory_space<vmem>>)
      %dma_wait3A_672 = arith.constant 0 : i32
      %dma_wait3A_673 = arith.constant 0 : i32
      %dma_wait3A_674 = tpu.memref_slice %arg6[%select_n3A_592, %dma_wait3A_672, %dma_wait3A_673] : memref<2x1600x32xf32, #tpu.memory_space<vmem>> -> memref<1x1600x32xf32, #tpu.memory_space<vmem>>
      %dma_wait3A_675 = tpu.memref_squeeze %dma_wait3A_674 : memref<1x1600x32xf32, #tpu.memory_space<vmem>> -> memref<1600x32xf32, #tpu.memory_space<vmem>>
      %dma_wait3A_676 = arith.constant 400 : i32
      %dma_wait3A_677 = arith.constant 0 : i32
      %dma_wait3A_678 = tpu.memref_slice %dma_wait3A_675[%dma_wait3A_676, %dma_wait3A_677] : memref<1600x32xf32, #tpu.memory_space<vmem>> -> memref<80x32xf32, #tpu.memory_space<vmem>>
      %dma_wait3A_679 = arith.constant 0 : i32
      %dma_wait3A_680 = tpu.memref_slice %arg5[%select_n3A_592, %dma_wait3A_679] : memref<2x1600xi32, #tpu.memory_space<vmem>> -> memref<1x1600xi32, #tpu.memory_space<vmem>>
      %dma_wait3A_681 = tpu.memref_squeeze %dma_wait3A_680 : memref<1x1600xi32, #tpu.memory_space<vmem>> -> memref<1600xi32, #tpu.memory_space<vmem>>
      %dma_wait3A_682 = arith.constant 400 : i32
      %dma_wait3A_683 = tpu.memref_slice %dma_wait3A_681[%dma_wait3A_682] : memref<1600xi32, #tpu.memory_space<vmem>> -> memref<80xi32, #tpu.memory_space<vmem>>
      %dma_wait3A_684 = arith.constant 0 : i32
      %dma_wait3A_685 = arith.constant 0 : i32
      %dma_wait3A_686 = tpu.memref_slice %arg3[%dma_wait3A_684, %dma_wait3A_685] : memref<1000000x32xf32, #tpu.memory_space<hbm>> -> memref<1000000x32xf32, #tpu.memory_space<hbm>>
      tpu.wait_indirect_dma semaphore(%arg8 : memref<!tpu.dma_semaphore, #tpu.memory_space<semaphore_mem>>) src(%dma_wait3A_686 : memref<1000000x32xf32, #tpu.memory_space<hbm>>) dst(%dma_wait3A_678 : memref<80x32xf32, #tpu.memory_space<vmem>>)
      %dma_wait3A_687 = arith.constant 0 : i32
      %dma_wait3A_688 = arith.constant 0 : i32
      %dma_wait3A_689 = tpu.memref_slice %arg6[%select_n3A_592, %dma_wait3A_687, %dma_wait3A_688] : memref<2x1600x32xf32, #tpu.memory_space<vmem>> -> memref<1x1600x32xf32, #tpu.memory_space<vmem>>
      %dma_wait3A_690 = tpu.memref_squeeze %dma_wait3A_689 : memref<1x1600x32xf32, #tpu.memory_space<vmem>> -> memref<1600x32xf32, #tpu.memory_space<vmem>>
      %dma_wait3A_691 = arith.constant 480 : i32
      %dma_wait3A_692 = arith.constant 0 : i32
      %dma_wait3A_693 = tpu.memref_slice %dma_wait3A_690[%dma_wait3A_691, %dma_wait3A_692] : memref<1600x32xf32, #tpu.memory_space<vmem>> -> memref<80x32xf32, #tpu.memory_space<vmem>>
      %dma_wait3A_694 = arith.constant 0 : i32
      %dma_wait3A_695 = tpu.memref_slice %arg5[%select_n3A_592, %dma_wait3A_694] : memref<2x1600xi32, #tpu.memory_space<vmem>> -> memref<1x1600xi32, #tpu.memory_space<vmem>>
      %dma_wait3A_696 = tpu.memref_squeeze %dma_wait3A_695 : memref<1x1600xi32, #tpu.memory_space<vmem>> -> memref<1600xi32, #tpu.memory_space<vmem>>
      %dma_wait3A_697 = arith.constant 480 : i32
      %dma_wait3A_698 = tpu.memref_slice %dma_wait3A_696[%dma_wait3A_697] : memref<1600xi32, #tpu.memory_space<vmem>> -> memref<80xi32, #tpu.memory_space<vmem>>
      %dma_wait3A_699 = arith.constant 0 : i32
      %dma_wait3A_700 = arith.constant 0 : i32
      %dma_wait3A_701 = tpu.memref_slice %arg3[%dma_wait3A_699, %dma_wait3A_700] : memref<1000000x32xf32, #tpu.memory_space<hbm>> -> memref<1000000x32xf32, #tpu.memory_space<hbm>>
      tpu.wait_indirect_dma semaphore(%arg8 : memref<!tpu.dma_semaphore, #tpu.memory_space<semaphore_mem>>) src(%dma_wait3A_701 : memref<1000000x32xf32, #tpu.memory_space<hbm>>) dst(%dma_wait3A_693 : memref<80x32xf32, #tpu.memory_space<vmem>>)
      %dma_wait3A_702 = arith.constant 0 : i32
      %dma_wait3A_703 = arith.constant 0 : i32
      %dma_wait3A_704 = tpu.memref_slice %arg6[%select_n3A_592, %dma_wait3A_702, %dma_wait3A_703] : memref<2x1600x32xf32, #tpu.memory_space<vmem>> -> memref<1x1600x32xf32, #tpu.memory_space<vmem>>
      %dma_wait3A_705 = tpu.memref_squeeze %dma_wait3A_704 : memref<1x1600x32xf32, #tpu.memory_space<vmem>> -> memref<1600x32xf32, #tpu.memory_space<vmem>>
      %dma_wait3A_706 = arith.constant 560 : i32
      %dma_wait3A_707 = arith.constant 0 : i32
      %dma_wait3A_708 = tpu.memref_slice %dma_wait3A_705[%dma_wait3A_706, %dma_wait3A_707] : memref<1600x32xf32, #tpu.memory_space<vmem>> -> memref<80x32xf32, #tpu.memory_space<vmem>>
      %dma_wait3A_709 = arith.constant 0 : i32
      %dma_wait3A_710 = tpu.memref_slice %arg5[%select_n3A_592, %dma_wait3A_709] : memref<2x1600xi32, #tpu.memory_space<vmem>> -> memref<1x1600xi32, #tpu.memory_space<vmem>>
      %dma_wait3A_711 = tpu.memref_squeeze %dma_wait3A_710 : memref<1x1600xi32, #tpu.memory_space<vmem>> -> memref<1600xi32, #tpu.memory_space<vmem>>
      %dma_wait3A_712 = arith.constant 560 : i32
      %dma_wait3A_713 = tpu.memref_slice %dma_wait3A_711[%dma_wait3A_712] : memref<1600xi32, #tpu.memory_space<vmem>> -> memref<80xi32, #tpu.memory_space<vmem>>
      %dma_wait3A_714 = arith.constant 0 : i32
      %dma_wait3A_715 = arith.constant 0 : i32
      %dma_wait3A_716 = tpu.memref_slice %arg3[%dma_wait3A_714, %dma_wait3A_715] : memref<1000000x32xf32, #tpu.memory_space<hbm>> -> memref<1000000x32xf32, #tpu.memory_space<hbm>>
      tpu.wait_indirect_dma semaphore(%arg8 : memref<!tpu.dma_semaphore, #tpu.memory_space<semaphore_mem>>) src(%dma_wait3A_716 : memref<1000000x32xf32, #tpu.memory_space<hbm>>) dst(%dma_wait3A_708 : memref<80x32xf32, #tpu.memory_space<vmem>>)
      %dma_wait3A_717 = arith.constant 0 : i32
      %dma_wait3A_718 = arith.constant 0 : i32
      %dma_wait3A_719 = tpu.memref_slice %arg6[%select_n3A_592, %dma_wait3A_717, %dma_wait3A_718] : memref<2x1600x32xf32, #tpu.memory_space<vmem>> -> memref<1x1600x32xf32, #tpu.memory_space<vmem>>
      %dma_wait3A_720 = tpu.memref_squeeze %dma_wait3A_719 : memref<1x1600x32xf32, #tpu.memory_space<vmem>> -> memref<1600x32xf32, #tpu.memory_space<vmem>>
      %dma_wait3A_721 = arith.constant 640 : i32
      %dma_wait3A_722 = arith.constant 0 : i32
      %dma_wait3A_723 = tpu.memref_slice %dma_wait3A_720[%dma_wait3A_721, %dma_wait3A_722] : memref<1600x32xf32, #tpu.memory_space<vmem>> -> memref<80x32xf32, #tpu.memory_space<vmem>>
      %dma_wait3A_724 = arith.constant 0 : i32
      %dma_wait3A_725 = tpu.memref_slice %arg5[%select_n3A_592, %dma_wait3A_724] : memref<2x1600xi32, #tpu.memory_space<vmem>> -> memref<1x1600xi32, #tpu.memory_space<vmem>>
      %dma_wait3A_726 = tpu.memref_squeeze %dma_wait3A_725 : memref<1x1600xi32, #tpu.memory_space<vmem>> -> memref<1600xi32, #tpu.memory_space<vmem>>
      %dma_wait3A_727 = arith.constant 640 : i32
      %dma_wait3A_728 = tpu.memref_slice %dma_wait3A_726[%dma_wait3A_727] : memref<1600xi32, #tpu.memory_space<vmem>> -> memref<80xi32, #tpu.memory_space<vmem>>
      %dma_wait3A_729 = arith.constant 0 : i32
      %dma_wait3A_730 = arith.constant 0 : i32
      %dma_wait3A_731 = tpu.memref_slice %arg3[%dma_wait3A_729, %dma_wait3A_730] : memref<1000000x32xf32, #tpu.memory_space<hbm>> -> memref<1000000x32xf32, #tpu.memory_space<hbm>>
      tpu.wait_indirect_dma semaphore(%arg8 : memref<!tpu.dma_semaphore, #tpu.memory_space<semaphore_mem>>) src(%dma_wait3A_731 : memref<1000000x32xf32, #tpu.memory_space<hbm>>) dst(%dma_wait3A_723 : memref<80x32xf32, #tpu.memory_space<vmem>>)
      %dma_wait3A_732 = arith.constant 0 : i32
      %dma_wait3A_733 = arith.constant 0 : i32
      %dma_wait3A_734 = tpu.memref_slice %arg6[%select_n3A_592, %dma_wait3A_732, %dma_wait3A_733] : memref<2x1600x32xf32, #tpu.memory_space<vmem>> -> memref<1x1600x32xf32, #tpu.memory_space<vmem>>
      %dma_wait3A_735 = tpu.memref_squeeze %dma_wait3A_734 : memref<1x1600x32xf32, #tpu.memory_space<vmem>> -> memref<1600x32xf32, #tpu.memory_space<vmem>>
      %dma_wait3A_736 = arith.constant 720 : i32
      %dma_wait3A_737 = arith.constant 0 : i32
      %dma_wait3A_738 = tpu.memref_slice %dma_wait3A_735[%dma_wait3A_736, %dma_wait3A_737] : memref<1600x32xf32, #tpu.memory_space<vmem>> -> memref<80x32xf32, #tpu.memory_space<vmem>>
      %dma_wait3A_739 = arith.constant 0 : i32
      %dma_wait3A_740 = tpu.memref_slice %arg5[%select_n3A_592, %dma_wait3A_739] : memref<2x1600xi32, #tpu.memory_space<vmem>> -> memref<1x1600xi32, #tpu.memory_space<vmem>>
      %dma_wait3A_741 = tpu.memref_squeeze %dma_wait3A_740 : memref<1x1600xi32, #tpu.memory_space<vmem>> -> memref<1600xi32, #tpu.memory_space<vmem>>
      %dma_wait3A_742 = arith.constant 720 : i32
      %dma_wait3A_743 = tpu.memref_slice %dma_wait3A_741[%dma_wait3A_742] : memref<1600xi32, #tpu.memory_space<vmem>> -> memref<80xi32, #tpu.memory_space<vmem>>
      %dma_wait3A_744 = arith.constant 0 : i32
      %dma_wait3A_745 = arith.constant 0 : i32
      %dma_wait3A_746 = tpu.memref_slice %arg3[%dma_wait3A_744, %dma_wait3A_745] : memref<1000000x32xf32, #tpu.memory_space<hbm>> -> memref<1000000x32xf32, #tpu.memory_space<hbm>>
      tpu.wait_indirect_dma semaphore(%arg8 : memref<!tpu.dma_semaphore, #tpu.memory_space<semaphore_mem>>) src(%dma_wait3A_746 : memref<1000000x32xf32, #tpu.memory_space<hbm>>) dst(%dma_wait3A_738 : memref<80x32xf32, #tpu.memory_space<vmem>>)
      %dma_wait3A_747 = arith.constant 0 : i32
      %dma_wait3A_748 = arith.constant 0 : i32
      %dma_wait3A_749 = tpu.memref_slice %arg6[%select_n3A_592, %dma_wait3A_747, %dma_wait3A_748] : memref<2x1600x32xf32, #tpu.memory_space<vmem>> -> memref<1x1600x32xf32, #tpu.memory_space<vmem>>
      %dma_wait3A_750 = tpu.memref_squeeze %dma_wait3A_749 : memref<1x1600x32xf32, #tpu.memory_space<vmem>> -> memref<1600x32xf32, #tpu.memory_space<vmem>>
      %dma_wait3A_751 = arith.constant 800 : i32
      %dma_wait3A_752 = arith.constant 0 : i32
      %dma_wait3A_753 = tpu.memref_slice %dma_wait3A_750[%dma_wait3A_751, %dma_wait3A_752] : memref<1600x32xf32, #tpu.memory_space<vmem>> -> memref<80x32xf32, #tpu.memory_space<vmem>>
      %dma_wait3A_754 = arith.constant 0 : i32
      %dma_wait3A_755 = tpu.memref_slice %arg5[%select_n3A_592, %dma_wait3A_754] : memref<2x1600xi32, #tpu.memory_space<vmem>> -> memref<1x1600xi32, #tpu.memory_space<vmem>>
      %dma_wait3A_756 = tpu.memref_squeeze %dma_wait3A_755 : memref<1x1600xi32, #tpu.memory_space<vmem>> -> memref<1600xi32, #tpu.memory_space<vmem>>
      %dma_wait3A_757 = arith.constant 800 : i32
      %dma_wait3A_758 = tpu.memref_slice %dma_wait3A_756[%dma_wait3A_757] : memref<1600xi32, #tpu.memory_space<vmem>> -> memref<80xi32, #tpu.memory_space<vmem>>
      %dma_wait3A_759 = arith.constant 0 : i32
      %dma_wait3A_760 = arith.constant 0 : i32
      %dma_wait3A_761 = tpu.memref_slice %arg3[%dma_wait3A_759, %dma_wait3A_760] : memref<1000000x32xf32, #tpu.memory_space<hbm>> -> memref<1000000x32xf32, #tpu.memory_space<hbm>>
      tpu.wait_indirect_dma semaphore(%arg8 : memref<!tpu.dma_semaphore, #tpu.memory_space<semaphore_mem>>) src(%dma_wait3A_761 : memref<1000000x32xf32, #tpu.memory_space<hbm>>) dst(%dma_wait3A_753 : memref<80x32xf32, #tpu.memory_space<vmem>>)
      %dma_wait3A_762 = arith.constant 0 : i32
      %dma_wait3A_763 = arith.constant 0 : i32
      %dma_wait3A_764 = tpu.memref_slice %arg6[%select_n3A_592, %dma_wait3A_762, %dma_wait3A_763] : memref<2x1600x32xf32, #tpu.memory_space<vmem>> -> memref<1x1600x32xf32, #tpu.memory_space<vmem>>
      %dma_wait3A_765 = tpu.memref_squeeze %dma_wait3A_764 : memref<1x1600x32xf32, #tpu.memory_space<vmem>> -> memref<1600x32xf32, #tpu.memory_space<vmem>>
      %dma_wait3A_766 = arith.constant 880 : i32
      %dma_wait3A_767 = arith.constant 0 : i32
      %dma_wait3A_768 = tpu.memref_slice %dma_wait3A_765[%dma_wait3A_766, %dma_wait3A_767] : memref<1600x32xf32, #tpu.memory_space<vmem>> -> memref<80x32xf32, #tpu.memory_space<vmem>>
      %dma_wait3A_769 = arith.constant 0 : i32
      %dma_wait3A_770 = tpu.memref_slice %arg5[%select_n3A_592, %dma_wait3A_769] : memref<2x1600xi32, #tpu.memory_space<vmem>> -> memref<1x1600xi32, #tpu.memory_space<vmem>>
      %dma_wait3A_771 = tpu.memref_squeeze %dma_wait3A_770 : memref<1x1600xi32, #tpu.memory_space<vmem>> -> memref<1600xi32, #tpu.memory_space<vmem>>
      %dma_wait3A_772 = arith.constant 880 : i32
      %dma_wait3A_773 = tpu.memref_slice %dma_wait3A_771[%dma_wait3A_772] : memref<1600xi32, #tpu.memory_space<vmem>> -> memref<80xi32, #tpu.memory_space<vmem>>
      %dma_wait3A_774 = arith.constant 0 : i32
      %dma_wait3A_775 = arith.constant 0 : i32
      %dma_wait3A_776 = tpu.memref_slice %arg3[%dma_wait3A_774, %dma_wait3A_775] : memref<1000000x32xf32, #tpu.memory_space<hbm>> -> memref<1000000x32xf32, #tpu.memory_space<hbm>>
      tpu.wait_indirect_dma semaphore(%arg8 : memref<!tpu.dma_semaphore, #tpu.memory_space<semaphore_mem>>) src(%dma_wait3A_776 : memref<1000000x32xf32, #tpu.memory_space<hbm>>) dst(%dma_wait3A_768 : memref<80x32xf32, #tpu.memory_space<vmem>>)
      %dma_wait3A_777 = arith.constant 0 : i32
      %dma_wait3A_778 = arith.constant 0 : i32
      %dma_wait3A_779 = tpu.memref_slice %arg6[%select_n3A_592, %dma_wait3A_777, %dma_wait3A_778] : memref<2x1600x32xf32, #tpu.memory_space<vmem>> -> memref<1x1600x32xf32, #tpu.memory_space<vmem>>
      %dma_wait3A_780 = tpu.memref_squeeze %dma_wait3A_779 : memref<1x1600x32xf32, #tpu.memory_space<vmem>> -> memref<1600x32xf32, #tpu.memory_space<vmem>>
      %dma_wait3A_781 = arith.constant 960 : i32
      %dma_wait3A_782 = arith.constant 0 : i32
      %dma_wait3A_783 = tpu.memref_slice %dma_wait3A_780[%dma_wait3A_781, %dma_wait3A_782] : memref<1600x32xf32, #tpu.memory_space<vmem>> -> memref<80x32xf32, #tpu.memory_space<vmem>>
      %dma_wait3A_784 = arith.constant 0 : i32
      %dma_wait3A_785 = tpu.memref_slice %arg5[%select_n3A_592, %dma_wait3A_784] : memref<2x1600xi32, #tpu.memory_space<vmem>> -> memref<1x1600xi32, #tpu.memory_space<vmem>>
      %dma_wait3A_786 = tpu.memref_squeeze %dma_wait3A_785 : memref<1x1600xi32, #tpu.memory_space<vmem>> -> memref<1600xi32, #tpu.memory_space<vmem>>
      %dma_wait3A_787 = arith.constant 960 : i32
      %dma_wait3A_788 = tpu.memref_slice %dma_wait3A_786[%dma_wait3A_787] : memref<1600xi32, #tpu.memory_space<vmem>> -> memref<80xi32, #tpu.memory_space<vmem>>
      %dma_wait3A_789 = arith.constant 0 : i32
      %dma_wait3A_790 = arith.constant 0 : i32
      %dma_wait3A_791 = tpu.memref_slice %arg3[%dma_wait3A_789, %dma_wait3A_790] : memref<1000000x32xf32, #tpu.memory_space<hbm>> -> memref<1000000x32xf32, #tpu.memory_space<hbm>>
      tpu.wait_indirect_dma semaphore(%arg8 : memref<!tpu.dma_semaphore, #tpu.memory_space<semaphore_mem>>) src(%dma_wait3A_791 : memref<1000000x32xf32, #tpu.memory_space<hbm>>) dst(%dma_wait3A_783 : memref<80x32xf32, #tpu.memory_space<vmem>>)
      %dma_wait3A_792 = arith.constant 0 : i32
      %dma_wait3A_793 = arith.constant 0 : i32
      %dma_wait3A_794 = tpu.memref_slice %arg6[%select_n3A_592, %dma_wait3A_792, %dma_wait3A_793] : memref<2x1600x32xf32, #tpu.memory_space<vmem>> -> memref<1x1600x32xf32, #tpu.memory_space<vmem>>
      %dma_wait3A_795 = tpu.memref_squeeze %dma_wait3A_794 : memref<1x1600x32xf32, #tpu.memory_space<vmem>> -> memref<1600x32xf32, #tpu.memory_space<vmem>>
      %dma_wait3A_796 = arith.constant 1040 : i32
      %dma_wait3A_797 = arith.constant 0 : i32
      %dma_wait3A_798 = tpu.memref_slice %dma_wait3A_795[%dma_wait3A_796, %dma_wait3A_797] : memref<1600x32xf32, #tpu.memory_space<vmem>> -> memref<80x32xf32, #tpu.memory_space<vmem>>
      %dma_wait3A_799 = arith.constant 0 : i32
      %dma_wait3A_800 = tpu.memref_slice %arg5[%select_n3A_592, %dma_wait3A_799] : memref<2x1600xi32, #tpu.memory_space<vmem>> -> memref<1x1600xi32, #tpu.memory_space<vmem>>
      %dma_wait3A_801 = tpu.memref_squeeze %dma_wait3A_800 : memref<1x1600xi32, #tpu.memory_space<vmem>> -> memref<1600xi32, #tpu.memory_space<vmem>>
      %dma_wait3A_802 = arith.constant 1040 : i32
      %dma_wait3A_803 = tpu.memref_slice %dma_wait3A_801[%dma_wait3A_802] : memref<1600xi32, #tpu.memory_space<vmem>> -> memref<80xi32, #tpu.memory_space<vmem>>
      %dma_wait3A_804 = arith.constant 0 : i32
      %dma_wait3A_805 = arith.constant 0 : i32
      %dma_wait3A_806 = tpu.memref_slice %arg3[%dma_wait3A_804, %dma_wait3A_805] : memref<1000000x32xf32, #tpu.memory_space<hbm>> -> memref<1000000x32xf32, #tpu.memory_space<hbm>>
      tpu.wait_indirect_dma semaphore(%arg8 : memref<!tpu.dma_semaphore, #tpu.memory_space<semaphore_mem>>) src(%dma_wait3A_806 : memref<1000000x32xf32, #tpu.memory_space<hbm>>) dst(%dma_wait3A_798 : memref<80x32xf32, #tpu.memory_space<vmem>>)
      %dma_wait3A_807 = arith.constant 0 : i32
      %dma_wait3A_808 = arith.constant 0 : i32
      %dma_wait3A_809 = tpu.memref_slice %arg6[%select_n3A_592, %dma_wait3A_807, %dma_wait3A_808] : memref<2x1600x32xf32, #tpu.memory_space<vmem>> -> memref<1x1600x32xf32, #tpu.memory_space<vmem>>
      %dma_wait3A_810 = tpu.memref_squeeze %dma_wait3A_809 : memref<1x1600x32xf32, #tpu.memory_space<vmem>> -> memref<1600x32xf32, #tpu.memory_space<vmem>>
      %dma_wait3A_811 = arith.constant 1120 : i32
      %dma_wait3A_812 = arith.constant 0 : i32
      %dma_wait3A_813 = tpu.memref_slice %dma_wait3A_810[%dma_wait3A_811, %dma_wait3A_812] : memref<1600x32xf32, #tpu.memory_space<vmem>> -> memref<80x32xf32, #tpu.memory_space<vmem>>
      %dma_wait3A_814 = arith.constant 0 : i32
      %dma_wait3A_815 = tpu.memref_slice %arg5[%select_n3A_592, %dma_wait3A_814] : memref<2x1600xi32, #tpu.memory_space<vmem>> -> memref<1x1600xi32, #tpu.memory_space<vmem>>
      %dma_wait3A_816 = tpu.memref_squeeze %dma_wait3A_815 : memref<1x1600xi32, #tpu.memory_space<vmem>> -> memref<1600xi32, #tpu.memory_space<vmem>>
      %dma_wait3A_817 = arith.constant 1120 : i32
      %dma_wait3A_818 = tpu.memref_slice %dma_wait3A_816[%dma_wait3A_817] : memref<1600xi32, #tpu.memory_space<vmem>> -> memref<80xi32, #tpu.memory_space<vmem>>
      %dma_wait3A_819 = arith.constant 0 : i32
      %dma_wait3A_820 = arith.constant 0 : i32
      %dma_wait3A_821 = tpu.memref_slice %arg3[%dma_wait3A_819, %dma_wait3A_820] : memref<1000000x32xf32, #tpu.memory_space<hbm>> -> memref<1000000x32xf32, #tpu.memory_space<hbm>>
      tpu.wait_indirect_dma semaphore(%arg8 : memref<!tpu.dma_semaphore, #tpu.memory_space<semaphore_mem>>) src(%dma_wait3A_821 : memref<1000000x32xf32, #tpu.memory_space<hbm>>) dst(%dma_wait3A_813 : memref<80x32xf32, #tpu.memory_space<vmem>>)
      %dma_wait3A_822 = arith.constant 0 : i32
      %dma_wait3A_823 = arith.constant 0 : i32
      %dma_wait3A_824 = tpu.memref_slice %arg6[%select_n3A_592, %dma_wait3A_822, %dma_wait3A_823] : memref<2x1600x32xf32, #tpu.memory_space<vmem>> -> memref<1x1600x32xf32, #tpu.memory_space<vmem>>
      %dma_wait3A_825 = tpu.memref_squeeze %dma_wait3A_824 : memref<1x1600x32xf32, #tpu.memory_space<vmem>> -> memref<1600x32xf32, #tpu.memory_space<vmem>>
      %dma_wait3A_826 = arith.constant 1200 : i32
      %dma_wait3A_827 = arith.constant 0 : i32
      %dma_wait3A_828 = tpu.memref_slice %dma_wait3A_825[%dma_wait3A_826, %dma_wait3A_827] : memref<1600x32xf32, #tpu.memory_space<vmem>> -> memref<80x32xf32, #tpu.memory_space<vmem>>
      %dma_wait3A_829 = arith.constant 0 : i32
      %dma_wait3A_830 = tpu.memref_slice %arg5[%select_n3A_592, %dma_wait3A_829] : memref<2x1600xi32, #tpu.memory_space<vmem>> -> memref<1x1600xi32, #tpu.memory_space<vmem>>
      %dma_wait3A_831 = tpu.memref_squeeze %dma_wait3A_830 : memref<1x1600xi32, #tpu.memory_space<vmem>> -> memref<1600xi32, #tpu.memory_space<vmem>>
      %dma_wait3A_832 = arith.constant 1200 : i32
      %dma_wait3A_833 = tpu.memref_slice %dma_wait3A_831[%dma_wait3A_832] : memref<1600xi32, #tpu.memory_space<vmem>> -> memref<80xi32, #tpu.memory_space<vmem>>
      %dma_wait3A_834 = arith.constant 0 : i32
      %dma_wait3A_835 = arith.constant 0 : i32
      %dma_wait3A_836 = tpu.memref_slice %arg3[%dma_wait3A_834, %dma_wait3A_835] : memref<1000000x32xf32, #tpu.memory_space<hbm>> -> memref<1000000x32xf32, #tpu.memory_space<hbm>>
      tpu.wait_indirect_dma semaphore(%arg8 : memref<!tpu.dma_semaphore, #tpu.memory_space<semaphore_mem>>) src(%dma_wait3A_836 : memref<1000000x32xf32, #tpu.memory_space<hbm>>) dst(%dma_wait3A_828 : memref<80x32xf32, #tpu.memory_space<vmem>>)
      %dma_wait3A_837 = arith.constant 0 : i32
      %dma_wait3A_838 = arith.constant 0 : i32
      %dma_wait3A_839 = tpu.memref_slice %arg6[%select_n3A_592, %dma_wait3A_837, %dma_wait3A_838] : memref<2x1600x32xf32, #tpu.memory_space<vmem>> -> memref<1x1600x32xf32, #tpu.memory_space<vmem>>
      %dma_wait3A_840 = tpu.memref_squeeze %dma_wait3A_839 : memref<1x1600x32xf32, #tpu.memory_space<vmem>> -> memref<1600x32xf32, #tpu.memory_space<vmem>>
      %dma_wait3A_841 = arith.constant 1280 : i32
      %dma_wait3A_842 = arith.constant 0 : i32
      %dma_wait3A_843 = tpu.memref_slice %dma_wait3A_840[%dma_wait3A_841, %dma_wait3A_842] : memref<1600x32xf32, #tpu.memory_space<vmem>> -> memref<80x32xf32, #tpu.memory_space<vmem>>
      %dma_wait3A_844 = arith.constant 0 : i32
      %dma_wait3A_845 = tpu.memref_slice %arg5[%select_n3A_592, %dma_wait3A_844] : memref<2x1600xi32, #tpu.memory_space<vmem>> -> memref<1x1600xi32, #tpu.memory_space<vmem>>
      %dma_wait3A_846 = tpu.memref_squeeze %dma_wait3A_845 : memref<1x1600xi32, #tpu.memory_space<vmem>> -> memref<1600xi32, #tpu.memory_space<vmem>>
      %dma_wait3A_847 = arith.constant 1280 : i32
      %dma_wait3A_848 = tpu.memref_slice %dma_wait3A_846[%dma_wait3A_847] : memref<1600xi32, #tpu.memory_space<vmem>> -> memref<80xi32, #tpu.memory_space<vmem>>
      %dma_wait3A_849 = arith.constant 0 : i32
      %dma_wait3A_850 = arith.constant 0 : i32
      %dma_wait3A_851 = tpu.memref_slice %arg3[%dma_wait3A_849, %dma_wait3A_850] : memref<1000000x32xf32, #tpu.memory_space<hbm>> -> memref<1000000x32xf32, #tpu.memory_space<hbm>>
      tpu.wait_indirect_dma semaphore(%arg8 : memref<!tpu.dma_semaphore, #tpu.memory_space<semaphore_mem>>) src(%dma_wait3A_851 : memref<1000000x32xf32, #tpu.memory_space<hbm>>) dst(%dma_wait3A_843 : memref<80x32xf32, #tpu.memory_space<vmem>>)
      %dma_wait3A_852 = arith.constant 0 : i32
      %dma_wait3A_853 = arith.constant 0 : i32
      %dma_wait3A_854 = tpu.memref_slice %arg6[%select_n3A_592, %dma_wait3A_852, %dma_wait3A_853] : memref<2x1600x32xf32, #tpu.memory_space<vmem>> -> memref<1x1600x32xf32, #tpu.memory_space<vmem>>
      %dma_wait3A_855 = tpu.memref_squeeze %dma_wait3A_854 : memref<1x1600x32xf32, #tpu.memory_space<vmem>> -> memref<1600x32xf32, #tpu.memory_space<vmem>>
      %dma_wait3A_856 = arith.constant 1360 : i32
      %dma_wait3A_857 = arith.constant 0 : i32
      %dma_wait3A_858 = tpu.memref_slice %dma_wait3A_855[%dma_wait3A_856, %dma_wait3A_857] : memref<1600x32xf32, #tpu.memory_space<vmem>> -> memref<80x32xf32, #tpu.memory_space<vmem>>
      %dma_wait3A_859 = arith.constant 0 : i32
      %dma_wait3A_860 = tpu.memref_slice %arg5[%select_n3A_592, %dma_wait3A_859] : memref<2x1600xi32, #tpu.memory_space<vmem>> -> memref<1x1600xi32, #tpu.memory_space<vmem>>
      %dma_wait3A_861 = tpu.memref_squeeze %dma_wait3A_860 : memref<1x1600xi32, #tpu.memory_space<vmem>> -> memref<1600xi32, #tpu.memory_space<vmem>>
      %dma_wait3A_862 = arith.constant 1360 : i32
      %dma_wait3A_863 = tpu.memref_slice %dma_wait3A_861[%dma_wait3A_862] : memref<1600xi32, #tpu.memory_space<vmem>> -> memref<80xi32, #tpu.memory_space<vmem>>
      %dma_wait3A_864 = arith.constant 0 : i32
      %dma_wait3A_865 = arith.constant 0 : i32
      %dma_wait3A_866 = tpu.memref_slice %arg3[%dma_wait3A_864, %dma_wait3A_865] : memref<1000000x32xf32, #tpu.memory_space<hbm>> -> memref<1000000x32xf32, #tpu.memory_space<hbm>>
      tpu.wait_indirect_dma semaphore(%arg8 : memref<!tpu.dma_semaphore, #tpu.memory_space<semaphore_mem>>) src(%dma_wait3A_866 : memref<1000000x32xf32, #tpu.memory_space<hbm>>) dst(%dma_wait3A_858 : memref<80x32xf32, #tpu.memory_space<vmem>>)
      %dma_wait3A_867 = arith.constant 0 : i32
      %dma_wait3A_868 = arith.constant 0 : i32
      %dma_wait3A_869 = tpu.memref_slice %arg6[%select_n3A_592, %dma_wait3A_867, %dma_wait3A_868] : memref<2x1600x32xf32, #tpu.memory_space<vmem>> -> memref<1x1600x32xf32, #tpu.memory_space<vmem>>
      %dma_wait3A_870 = tpu.memref_squeeze %dma_wait3A_869 : memref<1x1600x32xf32, #tpu.memory_space<vmem>> -> memref<1600x32xf32, #tpu.memory_space<vmem>>
      %dma_wait3A_871 = arith.constant 1440 : i32
      %dma_wait3A_872 = arith.constant 0 : i32
      %dma_wait3A_873 = tpu.memref_slice %dma_wait3A_870[%dma_wait3A_871, %dma_wait3A_872] : memref<1600x32xf32, #tpu.memory_space<vmem>> -> memref<80x32xf32, #tpu.memory_space<vmem>>
      %dma_wait3A_874 = arith.constant 0 : i32
      %dma_wait3A_875 = tpu.memref_slice %arg5[%select_n3A_592, %dma_wait3A_874] : memref<2x1600xi32, #tpu.memory_space<vmem>> -> memref<1x1600xi32, #tpu.memory_space<vmem>>
      %dma_wait3A_876 = tpu.memref_squeeze %dma_wait3A_875 : memref<1x1600xi32, #tpu.memory_space<vmem>> -> memref<1600xi32, #tpu.memory_space<vmem>>
      %dma_wait3A_877 = arith.constant 1440 : i32
      %dma_wait3A_878 = tpu.memref_slice %dma_wait3A_876[%dma_wait3A_877] : memref<1600xi32, #tpu.memory_space<vmem>> -> memref<80xi32, #tpu.memory_space<vmem>>
      %dma_wait3A_879 = arith.constant 0 : i32
      %dma_wait3A_880 = arith.constant 0 : i32
      %dma_wait3A_881 = tpu.memref_slice %arg3[%dma_wait3A_879, %dma_wait3A_880] : memref<1000000x32xf32, #tpu.memory_space<hbm>> -> memref<1000000x32xf32, #tpu.memory_space<hbm>>
      tpu.wait_indirect_dma semaphore(%arg8 : memref<!tpu.dma_semaphore, #tpu.memory_space<semaphore_mem>>) src(%dma_wait3A_881 : memref<1000000x32xf32, #tpu.memory_space<hbm>>) dst(%dma_wait3A_873 : memref<80x32xf32, #tpu.memory_space<vmem>>)
      %dma_wait3A_882 = arith.constant 0 : i32
      %dma_wait3A_883 = arith.constant 0 : i32
      %dma_wait3A_884 = tpu.memref_slice %arg6[%select_n3A_592, %dma_wait3A_882, %dma_wait3A_883] : memref<2x1600x32xf32, #tpu.memory_space<vmem>> -> memref<1x1600x32xf32, #tpu.memory_space<vmem>>
      %dma_wait3A_885 = tpu.memref_squeeze %dma_wait3A_884 : memref<1x1600x32xf32, #tpu.memory_space<vmem>> -> memref<1600x32xf32, #tpu.memory_space<vmem>>
      %dma_wait3A_886 = arith.constant 1520 : i32
      %dma_wait3A_887 = arith.constant 0 : i32
      %dma_wait3A_888 = tpu.memref_slice %dma_wait3A_885[%dma_wait3A_886, %dma_wait3A_887] : memref<1600x32xf32, #tpu.memory_space<vmem>> -> memref<80x32xf32, #tpu.memory_space<vmem>>
      %dma_wait3A_889 = arith.constant 0 : i32
      %dma_wait3A_890 = tpu.memref_slice %arg5[%select_n3A_592, %dma_wait3A_889] : memref<2x1600xi32, #tpu.memory_space<vmem>> -> memref<1x1600xi32, #tpu.memory_space<vmem>>
      %dma_wait3A_891 = tpu.memref_squeeze %dma_wait3A_890 : memref<1x1600xi32, #tpu.memory_space<vmem>> -> memref<1600xi32, #tpu.memory_space<vmem>>
      %dma_wait3A_892 = arith.constant 1520 : i32
      %dma_wait3A_893 = tpu.memref_slice %dma_wait3A_891[%dma_wait3A_892] : memref<1600xi32, #tpu.memory_space<vmem>> -> memref<80xi32, #tpu.memory_space<vmem>>
      %dma_wait3A_894 = arith.constant 0 : i32
      %dma_wait3A_895 = arith.constant 0 : i32
      %dma_wait3A_896 = tpu.memref_slice %arg3[%dma_wait3A_894, %dma_wait3A_895] : memref<1000000x32xf32, #tpu.memory_space<hbm>> -> memref<1000000x32xf32, #tpu.memory_space<hbm>>
      tpu.wait_indirect_dma semaphore(%arg8 : memref<!tpu.dma_semaphore, #tpu.memory_space<semaphore_mem>>) src(%dma_wait3A_896 : memref<1000000x32xf32, #tpu.memory_space<hbm>>) dst(%dma_wait3A_888 : memref<80x32xf32, #tpu.memory_space<vmem>>)
      %ge3A = arith.constant 1 : i32
      %ge3A_897 = arith.cmpi sge, %scan3A_583, %ge3A : i32
      %convert_element_type3A_898 = arith.extui %ge3A_897 : i1 to i32
      %cond3A_899 = arith.constant 0 : i32
      %cond3A_900 = arith.cmpi ne, %convert_element_type3A_898, %cond3A_899 : i32
      scf.if %cond3A_900 {
        %sub3A_1106 = arith.constant 1 : i32
        %sub3A_1107 = arith.subi %scan3A_583, %sub3A_1106 : i32
        %mul3A_1108 = arith.constant 8 : i32
        %mul3A_1109 = arith.muli %sub3A_1107, %mul3A_1108 : i32
        %add3A_1110 = arith.addi %mul3A_2, %mul3A_1109 : i32
        %add3A_1111 = arith.constant 0 : i32
        %add3A_1112 = arith.addi %add3A_1110, %add3A_1111 : i32
        %add3A_1113 = arith.constant 1 : i32
        %add3A_1114 = arith.addi %add3A_1110, %add3A_1113 : i32
        %add3A_1115 = arith.constant 2 : i32
        %add3A_1116 = arith.addi %add3A_1110, %add3A_1115 : i32
        %add3A_1117 = arith.constant 3 : i32
        %add3A_1118 = arith.addi %add3A_1110, %add3A_1117 : i32
        %add3A_1119 = arith.constant 4 : i32
        %add3A_1120 = arith.addi %add3A_1110, %add3A_1119 : i32
        %add3A_1121 = arith.constant 5 : i32
        %add3A_1122 = arith.addi %add3A_1110, %add3A_1121 : i32
        %add3A_1123 = arith.constant 6 : i32
        %add3A_1124 = arith.addi %add3A_1110, %add3A_1123 : i32
        %add3A_1125 = arith.constant 7 : i32
        %add3A_1126 = arith.addi %add3A_1110, %add3A_1125 : i32
        %dma_wait3A_1127 = arith.constant 0 : i32
        %dma_wait3A_1128 = arith.constant 0 : i32
        %dma_wait3A_1129 = tpu.memref_slice %arg6[%sub3A_593, %dma_wait3A_1127, %dma_wait3A_1128] : memref<2x1600x32xf32, #tpu.memory_space<vmem>> -> memref<1x1600x32xf32, #tpu.memory_space<vmem>>
        %dma_wait3A_1130 = tpu.memref_squeeze %dma_wait3A_1129 : memref<1x1600x32xf32, #tpu.memory_space<vmem>> -> memref<1600x32xf32, #tpu.memory_space<vmem>>
        %dma_wait3A_1131 = arith.constant 0 : i32
        %dma_wait3A_1132 = arith.constant 0 : i32
        %dma_wait3A_1133 = tpu.memref_slice %dma_wait3A_1130[%dma_wait3A_1131, %dma_wait3A_1132] : memref<1600x32xf32, #tpu.memory_space<vmem>> -> memref<200x32xf32, #tpu.memory_space<vmem>>
        %dma_wait3A_1134 = arith.constant 0 : i32
        %dma_wait3A_1135 = arith.constant 0 : i32
        %dma_wait3A_1136 = tpu.memref_slice %arg4[%add3A_1112, %dma_wait3A_1134, %dma_wait3A_1135] : memref<8192x200x32xf32, #tpu.memory_space<hbm>> -> memref<1x200x32xf32, #tpu.memory_space<hbm>>
        %dma_wait3A_1137 = tpu.memref_squeeze %dma_wait3A_1136 : memref<1x200x32xf32, #tpu.memory_space<hbm>> -> memref<200x32xf32, #tpu.memory_space<hbm>>
        %dma_wait3A_1138 = arith.constant 0 : i32
        %dma_wait3A_1139 = arith.constant 0 : i32
        %dma_wait3A_1140 = tpu.memref_slice %arg4[%add3A_1112, %dma_wait3A_1138, %dma_wait3A_1139] : memref<8192x200x32xf32, #tpu.memory_space<hbm>> -> memref<1x200x32xf32, #tpu.memory_space<hbm>>
        %dma_wait3A_1141 = tpu.memref_squeeze %dma_wait3A_1140 : memref<1x200x32xf32, #tpu.memory_space<hbm>> -> memref<200x32xf32, #tpu.memory_space<hbm>>
        %dma_wait3A_1142 = arith.constant 0 : i32
        %dma_wait3A_1143 = arith.constant 0 : i32
        %dma_wait3A_1144 = tpu.memref_slice %arg6[%sub3A_593, %dma_wait3A_1142, %dma_wait3A_1143] : memref<2x1600x32xf32, #tpu.memory_space<vmem>> -> memref<1x1600x32xf32, #tpu.memory_space<vmem>>
        %dma_wait3A_1145 = tpu.memref_squeeze %dma_wait3A_1144 : memref<1x1600x32xf32, #tpu.memory_space<vmem>> -> memref<1600x32xf32, #tpu.memory_space<vmem>>
        %dma_wait3A_1146 = arith.constant 0 : i32
        %dma_wait3A_1147 = arith.constant 0 : i32
        %dma_wait3A_1148 = tpu.memref_slice %dma_wait3A_1145[%dma_wait3A_1146, %dma_wait3A_1147] : memref<1600x32xf32, #tpu.memory_space<vmem>> -> memref<200x32xf32, #tpu.memory_space<vmem>>
        tpu.wait_dma2 semaphore(%arg9 : memref<!tpu.dma_semaphore, #tpu.memory_space<semaphore_mem>>) src(%dma_wait3A_1148 : memref<200x32xf32, #tpu.memory_space<vmem>>) dst(%dma_wait3A_1141 : memref<200x32xf32, #tpu.memory_space<hbm>>)
        %dma_wait3A_1149 = arith.constant 0 : i32
        %dma_wait3A_1150 = arith.constant 0 : i32
        %dma_wait3A_1151 = tpu.memref_slice %arg6[%sub3A_593, %dma_wait3A_1149, %dma_wait3A_1150] : memref<2x1600x32xf32, #tpu.memory_space<vmem>> -> memref<1x1600x32xf32, #tpu.memory_space<vmem>>
        %dma_wait3A_1152 = tpu.memref_squeeze %dma_wait3A_1151 : memref<1x1600x32xf32, #tpu.memory_space<vmem>> -> memref<1600x32xf32, #tpu.memory_space<vmem>>
        %dma_wait3A_1153 = arith.constant 200 : i32
        %dma_wait3A_1154 = arith.constant 0 : i32
        %dma_wait3A_1155 = tpu.memref_slice %dma_wait3A_1152[%dma_wait3A_1153, %dma_wait3A_1154] : memref<1600x32xf32, #tpu.memory_space<vmem>> -> memref<200x32xf32, #tpu.memory_space<vmem>>
        %dma_wait3A_1156 = arith.constant 0 : i32
        %dma_wait3A_1157 = arith.constant 0 : i32
        %dma_wait3A_1158 = tpu.memref_slice %arg4[%add3A_1114, %dma_wait3A_1156, %dma_wait3A_1157] : memref<8192x200x32xf32, #tpu.memory_space<hbm>> -> memref<1x200x32xf32, #tpu.memory_space<hbm>>
        %dma_wait3A_1159 = tpu.memref_squeeze %dma_wait3A_1158 : memref<1x200x32xf32, #tpu.memory_space<hbm>> -> memref<200x32xf32, #tpu.memory_space<hbm>>
        %dma_wait3A_1160 = arith.constant 0 : i32
        %dma_wait3A_1161 = arith.constant 0 : i32
        %dma_wait3A_1162 = tpu.memref_slice %arg4[%add3A_1114, %dma_wait3A_1160, %dma_wait3A_1161] : memref<8192x200x32xf32, #tpu.memory_space<hbm>> -> memref<1x200x32xf32, #tpu.memory_space<hbm>>
        %dma_wait3A_1163 = tpu.memref_squeeze %dma_wait3A_1162 : memref<1x200x32xf32, #tpu.memory_space<hbm>> -> memref<200x32xf32, #tpu.memory_space<hbm>>
        %dma_wait3A_1164 = arith.constant 0 : i32
        %dma_wait3A_1165 = arith.constant 0 : i32
        %dma_wait3A_1166 = tpu.memref_slice %arg6[%sub3A_593, %dma_wait3A_1164, %dma_wait3A_1165] : memref<2x1600x32xf32, #tpu.memory_space<vmem>> -> memref<1x1600x32xf32, #tpu.memory_space<vmem>>
        %dma_wait3A_1167 = tpu.memref_squeeze %dma_wait3A_1166 : memref<1x1600x32xf32, #tpu.memory_space<vmem>> -> memref<1600x32xf32, #tpu.memory_space<vmem>>
        %dma_wait3A_1168 = arith.constant 200 : i32
        %dma_wait3A_1169 = arith.constant 0 : i32
        %dma_wait3A_1170 = tpu.memref_slice %dma_wait3A_1167[%dma_wait3A_1168, %dma_wait3A_1169] : memref<1600x32xf32, #tpu.memory_space<vmem>> -> memref<200x32xf32, #tpu.memory_space<vmem>>
        tpu.wait_dma2 semaphore(%arg9 : memref<!tpu.dma_semaphore, #tpu.memory_space<semaphore_mem>>) src(%dma_wait3A_1170 : memref<200x32xf32, #tpu.memory_space<vmem>>) dst(%dma_wait3A_1163 : memref<200x32xf32, #tpu.memory_space<hbm>>)
        %dma_wait3A_1171 = arith.constant 0 : i32
        %dma_wait3A_1172 = arith.constant 0 : i32
        %dma_wait3A_1173 = tpu.memref_slice %arg6[%sub3A_593, %dma_wait3A_1171, %dma_wait3A_1172] : memref<2x1600x32xf32, #tpu.memory_space<vmem>> -> memref<1x1600x32xf32, #tpu.memory_space<vmem>>
        %dma_wait3A_1174 = tpu.memref_squeeze %dma_wait3A_1173 : memref<1x1600x32xf32, #tpu.memory_space<vmem>> -> memref<1600x32xf32, #tpu.memory_space<vmem>>
        %dma_wait3A_1175 = arith.constant 400 : i32
        %dma_wait3A_1176 = arith.constant 0 : i32
        %dma_wait3A_1177 = tpu.memref_slice %dma_wait3A_1174[%dma_wait3A_1175, %dma_wait3A_1176] : memref<1600x32xf32, #tpu.memory_space<vmem>> -> memref<200x32xf32, #tpu.memory_space<vmem>>
        %dma_wait3A_1178 = arith.constant 0 : i32
        %dma_wait3A_1179 = arith.constant 0 : i32
        %dma_wait3A_1180 = tpu.memref_slice %arg4[%add3A_1116, %dma_wait3A_1178, %dma_wait3A_1179] : memref<8192x200x32xf32, #tpu.memory_space<hbm>> -> memref<1x200x32xf32, #tpu.memory_space<hbm>>
        %dma_wait3A_1181 = tpu.memref_squeeze %dma_wait3A_1180 : memref<1x200x32xf32, #tpu.memory_space<hbm>> -> memref<200x32xf32, #tpu.memory_space<hbm>>
        %dma_wait3A_1182 = arith.constant 0 : i32
        %dma_wait3A_1183 = arith.constant 0 : i32
        %dma_wait3A_1184 = tpu.memref_slice %arg4[%add3A_1116, %dma_wait3A_1182, %dma_wait3A_1183] : memref<8192x200x32xf32, #tpu.memory_space<hbm>> -> memref<1x200x32xf32, #tpu.memory_space<hbm>>
        %dma_wait3A_1185 = tpu.memref_squeeze %dma_wait3A_1184 : memref<1x200x32xf32, #tpu.memory_space<hbm>> -> memref<200x32xf32, #tpu.memory_space<hbm>>
        %dma_wait3A_1186 = arith.constant 0 : i32
        %dma_wait3A_1187 = arith.constant 0 : i32
        %dma_wait3A_1188 = tpu.memref_slice %arg6[%sub3A_593, %dma_wait3A_1186, %dma_wait3A_1187] : memref<2x1600x32xf32, #tpu.memory_space<vmem>> -> memref<1x1600x32xf32, #tpu.memory_space<vmem>>
        %dma_wait3A_1189 = tpu.memref_squeeze %dma_wait3A_1188 : memref<1x1600x32xf32, #tpu.memory_space<vmem>> -> memref<1600x32xf32, #tpu.memory_space<vmem>>
        %dma_wait3A_1190 = arith.constant 400 : i32
        %dma_wait3A_1191 = arith.constant 0 : i32
        %dma_wait3A_1192 = tpu.memref_slice %dma_wait3A_1189[%dma_wait3A_1190, %dma_wait3A_1191] : memref<1600x32xf32, #tpu.memory_space<vmem>> -> memref<200x32xf32, #tpu.memory_space<vmem>>
        tpu.wait_dma2 semaphore(%arg9 : memref<!tpu.dma_semaphore, #tpu.memory_space<semaphore_mem>>) src(%dma_wait3A_1192 : memref<200x32xf32, #tpu.memory_space<vmem>>) dst(%dma_wait3A_1185 : memref<200x32xf32, #tpu.memory_space<hbm>>)
        %dma_wait3A_1193 = arith.constant 0 : i32
        %dma_wait3A_1194 = arith.constant 0 : i32
        %dma_wait3A_1195 = tpu.memref_slice %arg6[%sub3A_593, %dma_wait3A_1193, %dma_wait3A_1194] : memref<2x1600x32xf32, #tpu.memory_space<vmem>> -> memref<1x1600x32xf32, #tpu.memory_space<vmem>>
        %dma_wait3A_1196 = tpu.memref_squeeze %dma_wait3A_1195 : memref<1x1600x32xf32, #tpu.memory_space<vmem>> -> memref<1600x32xf32, #tpu.memory_space<vmem>>
        %dma_wait3A_1197 = arith.constant 600 : i32
        %dma_wait3A_1198 = arith.constant 0 : i32
        %dma_wait3A_1199 = tpu.memref_slice %dma_wait3A_1196[%dma_wait3A_1197, %dma_wait3A_1198] : memref<1600x32xf32, #tpu.memory_space<vmem>> -> memref<200x32xf32, #tpu.memory_space<vmem>>
        %dma_wait3A_1200 = arith.constant 0 : i32
        %dma_wait3A_1201 = arith.constant 0 : i32
        %dma_wait3A_1202 = tpu.memref_slice %arg4[%add3A_1118, %dma_wait3A_1200, %dma_wait3A_1201] : memref<8192x200x32xf32, #tpu.memory_space<hbm>> -> memref<1x200x32xf32, #tpu.memory_space<hbm>>
        %dma_wait3A_1203 = tpu.memref_squeeze %dma_wait3A_1202 : memref<1x200x32xf32, #tpu.memory_space<hbm>> -> memref<200x32xf32, #tpu.memory_space<hbm>>
        %dma_wait3A_1204 = arith.constant 0 : i32
        %dma_wait3A_1205 = arith.constant 0 : i32
        %dma_wait3A_1206 = tpu.memref_slice %arg4[%add3A_1118, %dma_wait3A_1204, %dma_wait3A_1205] : memref<8192x200x32xf32, #tpu.memory_space<hbm>> -> memref<1x200x32xf32, #tpu.memory_space<hbm>>
        %dma_wait3A_1207 = tpu.memref_squeeze %dma_wait3A_1206 : memref<1x200x32xf32, #tpu.memory_space<hbm>> -> memref<200x32xf32, #tpu.memory_space<hbm>>
        %dma_wait3A_1208 = arith.constant 0 : i32
        %dma_wait3A_1209 = arith.constant 0 : i32
        %dma_wait3A_1210 = tpu.memref_slice %arg6[%sub3A_593, %dma_wait3A_1208, %dma_wait3A_1209] : memref<2x1600x32xf32, #tpu.memory_space<vmem>> -> memref<1x1600x32xf32, #tpu.memory_space<vmem>>
        %dma_wait3A_1211 = tpu.memref_squeeze %dma_wait3A_1210 : memref<1x1600x32xf32, #tpu.memory_space<vmem>> -> memref<1600x32xf32, #tpu.memory_space<vmem>>
        %dma_wait3A_1212 = arith.constant 600 : i32
        %dma_wait3A_1213 = arith.constant 0 : i32
        %dma_wait3A_1214 = tpu.memref_slice %dma_wait3A_1211[%dma_wait3A_1212, %dma_wait3A_1213] : memref<1600x32xf32, #tpu.memory_space<vmem>> -> memref<200x32xf32, #tpu.memory_space<vmem>>
        tpu.wait_dma2 semaphore(%arg9 : memref<!tpu.dma_semaphore, #tpu.memory_space<semaphore_mem>>) src(%dma_wait3A_1214 : memref<200x32xf32, #tpu.memory_space<vmem>>) dst(%dma_wait3A_1207 : memref<200x32xf32, #tpu.memory_space<hbm>>)
        %dma_wait3A_1215 = arith.constant 0 : i32
        %dma_wait3A_1216 = arith.constant 0 : i32
        %dma_wait3A_1217 = tpu.memref_slice %arg6[%sub3A_593, %dma_wait3A_1215, %dma_wait3A_1216] : memref<2x1600x32xf32, #tpu.memory_space<vmem>> -> memref<1x1600x32xf32, #tpu.memory_space<vmem>>
        %dma_wait3A_1218 = tpu.memref_squeeze %dma_wait3A_1217 : memref<1x1600x32xf32, #tpu.memory_space<vmem>> -> memref<1600x32xf32, #tpu.memory_space<vmem>>
        %dma_wait3A_1219 = arith.constant 800 : i32
        %dma_wait3A_1220 = arith.constant 0 : i32
        %dma_wait3A_1221 = tpu.memref_slice %dma_wait3A_1218[%dma_wait3A_1219, %dma_wait3A_1220] : memref<1600x32xf32, #tpu.memory_space<vmem>> -> memref<200x32xf32, #tpu.memory_space<vmem>>
        %dma_wait3A_1222 = arith.constant 0 : i32
        %dma_wait3A_1223 = arith.constant 0 : i32
        %dma_wait3A_1224 = tpu.memref_slice %arg4[%add3A_1120, %dma_wait3A_1222, %dma_wait3A_1223] : memref<8192x200x32xf32, #tpu.memory_space<hbm>> -> memref<1x200x32xf32, #tpu.memory_space<hbm>>
        %dma_wait3A_1225 = tpu.memref_squeeze %dma_wait3A_1224 : memref<1x200x32xf32, #tpu.memory_space<hbm>> -> memref<200x32xf32, #tpu.memory_space<hbm>>
        %dma_wait3A_1226 = arith.constant 0 : i32
        %dma_wait3A_1227 = arith.constant 0 : i32
        %dma_wait3A_1228 = tpu.memref_slice %arg4[%add3A_1120, %dma_wait3A_1226, %dma_wait3A_1227] : memref<8192x200x32xf32, #tpu.memory_space<hbm>> -> memref<1x200x32xf32, #tpu.memory_space<hbm>>
        %dma_wait3A_1229 = tpu.memref_squeeze %dma_wait3A_1228 : memref<1x200x32xf32, #tpu.memory_space<hbm>> -> memref<200x32xf32, #tpu.memory_space<hbm>>
        %dma_wait3A_1230 = arith.constant 0 : i32
        %dma_wait3A_1231 = arith.constant 0 : i32
        %dma_wait3A_1232 = tpu.memref_slice %arg6[%sub3A_593, %dma_wait3A_1230, %dma_wait3A_1231] : memref<2x1600x32xf32, #tpu.memory_space<vmem>> -> memref<1x1600x32xf32, #tpu.memory_space<vmem>>
        %dma_wait3A_1233 = tpu.memref_squeeze %dma_wait3A_1232 : memref<1x1600x32xf32, #tpu.memory_space<vmem>> -> memref<1600x32xf32, #tpu.memory_space<vmem>>
        %dma_wait3A_1234 = arith.constant 800 : i32
        %dma_wait3A_1235 = arith.constant 0 : i32
        %dma_wait3A_1236 = tpu.memref_slice %dma_wait3A_1233[%dma_wait3A_1234, %dma_wait3A_1235] : memref<1600x32xf32, #tpu.memory_space<vmem>> -> memref<200x32xf32, #tpu.memory_space<vmem>>
        tpu.wait_dma2 semaphore(%arg9 : memref<!tpu.dma_semaphore, #tpu.memory_space<semaphore_mem>>) src(%dma_wait3A_1236 : memref<200x32xf32, #tpu.memory_space<vmem>>) dst(%dma_wait3A_1229 : memref<200x32xf32, #tpu.memory_space<hbm>>)
        %dma_wait3A_1237 = arith.constant 0 : i32
        %dma_wait3A_1238 = arith.constant 0 : i32
        %dma_wait3A_1239 = tpu.memref_slice %arg6[%sub3A_593, %dma_wait3A_1237, %dma_wait3A_1238] : memref<2x1600x32xf32, #tpu.memory_space<vmem>> -> memref<1x1600x32xf32, #tpu.memory_space<vmem>>
        %dma_wait3A_1240 = tpu.memref_squeeze %dma_wait3A_1239 : memref<1x1600x32xf32, #tpu.memory_space<vmem>> -> memref<1600x32xf32, #tpu.memory_space<vmem>>
        %dma_wait3A_1241 = arith.constant 1000 : i32
        %dma_wait3A_1242 = arith.constant 0 : i32
        %dma_wait3A_1243 = tpu.memref_slice %dma_wait3A_1240[%dma_wait3A_1241, %dma_wait3A_1242] : memref<1600x32xf32, #tpu.memory_space<vmem>> -> memref<200x32xf32, #tpu.memory_space<vmem>>
        %dma_wait3A_1244 = arith.constant 0 : i32
        %dma_wait3A_1245 = arith.constant 0 : i32
        %dma_wait3A_1246 = tpu.memref_slice %arg4[%add3A_1122, %dma_wait3A_1244, %dma_wait3A_1245] : memref<8192x200x32xf32, #tpu.memory_space<hbm>> -> memref<1x200x32xf32, #tpu.memory_space<hbm>>
        %dma_wait3A_1247 = tpu.memref_squeeze %dma_wait3A_1246 : memref<1x200x32xf32, #tpu.memory_space<hbm>> -> memref<200x32xf32, #tpu.memory_space<hbm>>
        %dma_wait3A_1248 = arith.constant 0 : i32
        %dma_wait3A_1249 = arith.constant 0 : i32
        %dma_wait3A_1250 = tpu.memref_slice %arg4[%add3A_1122, %dma_wait3A_1248, %dma_wait3A_1249] : memref<8192x200x32xf32, #tpu.memory_space<hbm>> -> memref<1x200x32xf32, #tpu.memory_space<hbm>>
        %dma_wait3A_1251 = tpu.memref_squeeze %dma_wait3A_1250 : memref<1x200x32xf32, #tpu.memory_space<hbm>> -> memref<200x32xf32, #tpu.memory_space<hbm>>
        %dma_wait3A_1252 = arith.constant 0 : i32
        %dma_wait3A_1253 = arith.constant 0 : i32
        %dma_wait3A_1254 = tpu.memref_slice %arg6[%sub3A_593, %dma_wait3A_1252, %dma_wait3A_1253] : memref<2x1600x32xf32, #tpu.memory_space<vmem>> -> memref<1x1600x32xf32, #tpu.memory_space<vmem>>
        %dma_wait3A_1255 = tpu.memref_squeeze %dma_wait3A_1254 : memref<1x1600x32xf32, #tpu.memory_space<vmem>> -> memref<1600x32xf32, #tpu.memory_space<vmem>>
        %dma_wait3A_1256 = arith.constant 1000 : i32
        %dma_wait3A_1257 = arith.constant 0 : i32
        %dma_wait3A_1258 = tpu.memref_slice %dma_wait3A_1255[%dma_wait3A_1256, %dma_wait3A_1257] : memref<1600x32xf32, #tpu.memory_space<vmem>> -> memref<200x32xf32, #tpu.memory_space<vmem>>
        tpu.wait_dma2 semaphore(%arg9 : memref<!tpu.dma_semaphore, #tpu.memory_space<semaphore_mem>>) src(%dma_wait3A_1258 : memref<200x32xf32, #tpu.memory_space<vmem>>) dst(%dma_wait3A_1251 : memref<200x32xf32, #tpu.memory_space<hbm>>)
        %dma_wait3A_1259 = arith.constant 0 : i32
        %dma_wait3A_1260 = arith.constant 0 : i32
        %dma_wait3A_1261 = tpu.memref_slice %arg6[%sub3A_593, %dma_wait3A_1259, %dma_wait3A_1260] : memref<2x1600x32xf32, #tpu.memory_space<vmem>> -> memref<1x1600x32xf32, #tpu.memory_space<vmem>>
        %dma_wait3A_1262 = tpu.memref_squeeze %dma_wait3A_1261 : memref<1x1600x32xf32, #tpu.memory_space<vmem>> -> memref<1600x32xf32, #tpu.memory_space<vmem>>
        %dma_wait3A_1263 = arith.constant 1200 : i32
        %dma_wait3A_1264 = arith.constant 0 : i32
        %dma_wait3A_1265 = tpu.memref_slice %dma_wait3A_1262[%dma_wait3A_1263, %dma_wait3A_1264] : memref<1600x32xf32, #tpu.memory_space<vmem>> -> memref<200x32xf32, #tpu.memory_space<vmem>>
        %dma_wait3A_1266 = arith.constant 0 : i32
        %dma_wait3A_1267 = arith.constant 0 : i32
        %dma_wait3A_1268 = tpu.memref_slice %arg4[%add3A_1124, %dma_wait3A_1266, %dma_wait3A_1267] : memref<8192x200x32xf32, #tpu.memory_space<hbm>> -> memref<1x200x32xf32, #tpu.memory_space<hbm>>
        %dma_wait3A_1269 = tpu.memref_squeeze %dma_wait3A_1268 : memref<1x200x32xf32, #tpu.memory_space<hbm>> -> memref<200x32xf32, #tpu.memory_space<hbm>>
        %dma_wait3A_1270 = arith.constant 0 : i32
        %dma_wait3A_1271 = arith.constant 0 : i32
        %dma_wait3A_1272 = tpu.memref_slice %arg4[%add3A_1124, %dma_wait3A_1270, %dma_wait3A_1271] : memref<8192x200x32xf32, #tpu.memory_space<hbm>> -> memref<1x200x32xf32, #tpu.memory_space<hbm>>
        %dma_wait3A_1273 = tpu.memref_squeeze %dma_wait3A_1272 : memref<1x200x32xf32, #tpu.memory_space<hbm>> -> memref<200x32xf32, #tpu.memory_space<hbm>>
        %dma_wait3A_1274 = arith.constant 0 : i32
        %dma_wait3A_1275 = arith.constant 0 : i32
        %dma_wait3A_1276 = tpu.memref_slice %arg6[%sub3A_593, %dma_wait3A_1274, %dma_wait3A_1275] : memref<2x1600x32xf32, #tpu.memory_space<vmem>> -> memref<1x1600x32xf32, #tpu.memory_space<vmem>>
        %dma_wait3A_1277 = tpu.memref_squeeze %dma_wait3A_1276 : memref<1x1600x32xf32, #tpu.memory_space<vmem>> -> memref<1600x32xf32, #tpu.memory_space<vmem>>
        %dma_wait3A_1278 = arith.constant 1200 : i32
        %dma_wait3A_1279 = arith.constant 0 : i32
        %dma_wait3A_1280 = tpu.memref_slice %dma_wait3A_1277[%dma_wait3A_1278, %dma_wait3A_1279] : memref<1600x32xf32, #tpu.memory_space<vmem>> -> memref<200x32xf32, #tpu.memory_space<vmem>>
        tpu.wait_dma2 semaphore(%arg9 : memref<!tpu.dma_semaphore, #tpu.memory_space<semaphore_mem>>) src(%dma_wait3A_1280 : memref<200x32xf32, #tpu.memory_space<vmem>>) dst(%dma_wait3A_1273 : memref<200x32xf32, #tpu.memory_space<hbm>>)
        %dma_wait3A_1281 = arith.constant 0 : i32
        %dma_wait3A_1282 = arith.constant 0 : i32
        %dma_wait3A_1283 = tpu.memref_slice %arg6[%sub3A_593, %dma_wait3A_1281, %dma_wait3A_1282] : memref<2x1600x32xf32, #tpu.memory_space<vmem>> -> memref<1x1600x32xf32, #tpu.memory_space<vmem>>
        %dma_wait3A_1284 = tpu.memref_squeeze %dma_wait3A_1283 : memref<1x1600x32xf32, #tpu.memory_space<vmem>> -> memref<1600x32xf32, #tpu.memory_space<vmem>>
        %dma_wait3A_1285 = arith.constant 1400 : i32
        %dma_wait3A_1286 = arith.constant 0 : i32
        %dma_wait3A_1287 = tpu.memref_slice %dma_wait3A_1284[%dma_wait3A_1285, %dma_wait3A_1286] : memref<1600x32xf32, #tpu.memory_space<vmem>> -> memref<200x32xf32, #tpu.memory_space<vmem>>
        %dma_wait3A_1288 = arith.constant 0 : i32
        %dma_wait3A_1289 = arith.constant 0 : i32
        %dma_wait3A_1290 = tpu.memref_slice %arg4[%add3A_1126, %dma_wait3A_1288, %dma_wait3A_1289] : memref<8192x200x32xf32, #tpu.memory_space<hbm>> -> memref<1x200x32xf32, #tpu.memory_space<hbm>>
        %dma_wait3A_1291 = tpu.memref_squeeze %dma_wait3A_1290 : memref<1x200x32xf32, #tpu.memory_space<hbm>> -> memref<200x32xf32, #tpu.memory_space<hbm>>
        %dma_wait3A_1292 = arith.constant 0 : i32
        %dma_wait3A_1293 = arith.constant 0 : i32
        %dma_wait3A_1294 = tpu.memref_slice %arg4[%add3A_1126, %dma_wait3A_1292, %dma_wait3A_1293] : memref<8192x200x32xf32, #tpu.memory_space<hbm>> -> memref<1x200x32xf32, #tpu.memory_space<hbm>>
        %dma_wait3A_1295 = tpu.memref_squeeze %dma_wait3A_1294 : memref<1x200x32xf32, #tpu.memory_space<hbm>> -> memref<200x32xf32, #tpu.memory_space<hbm>>
        %dma_wait3A_1296 = arith.constant 0 : i32
        %dma_wait3A_1297 = arith.constant 0 : i32
        %dma_wait3A_1298 = tpu.memref_slice %arg6[%sub3A_593, %dma_wait3A_1296, %dma_wait3A_1297] : memref<2x1600x32xf32, #tpu.memory_space<vmem>> -> memref<1x1600x32xf32, #tpu.memory_space<vmem>>
        %dma_wait3A_1299 = tpu.memref_squeeze %dma_wait3A_1298 : memref<1x1600x32xf32, #tpu.memory_space<vmem>> -> memref<1600x32xf32, #tpu.memory_space<vmem>>
        %dma_wait3A_1300 = arith.constant 1400 : i32
        %dma_wait3A_1301 = arith.constant 0 : i32
        %dma_wait3A_1302 = tpu.memref_slice %dma_wait3A_1299[%dma_wait3A_1300, %dma_wait3A_1301] : memref<1600x32xf32, #tpu.memory_space<vmem>> -> memref<200x32xf32, #tpu.memory_space<vmem>>
        tpu.wait_dma2 semaphore(%arg9 : memref<!tpu.dma_semaphore, #tpu.memory_space<semaphore_mem>>) src(%dma_wait3A_1302 : memref<200x32xf32, #tpu.memory_space<vmem>>) dst(%dma_wait3A_1295 : memref<200x32xf32, #tpu.memory_space<hbm>>)
      } else {
      }
      %lt3A_901 = arith.constant 31 : i32
      %lt3A_902 = arith.cmpi slt, %scan3A_583, %lt3A_901 : i32
      %convert_element_type3A_903 = arith.extui %lt3A_902 : i1 to i32
      %cond3A_904 = arith.constant 0 : i32
      %cond3A_905 = arith.cmpi ne, %convert_element_type3A_903, %cond3A_904 : i32
      scf.if %cond3A_905 {
        %dma_start3A_1106 = arith.constant 0 : i32
        %dma_start3A_1107 = arith.constant 0 : i32
        %dma_start3A_1108 = tpu.memref_slice %arg6[%sub3A_593, %dma_start3A_1106, %dma_start3A_1107] : memref<2x1600x32xf32, #tpu.memory_space<vmem>> -> memref<1x1600x32xf32, #tpu.memory_space<vmem>>
        %dma_start3A_1109 = tpu.memref_squeeze %dma_start3A_1108 : memref<1x1600x32xf32, #tpu.memory_space<vmem>> -> memref<1600x32xf32, #tpu.memory_space<vmem>>
        %dma_start3A_1110 = arith.constant 0 : i32
        %dma_start3A_1111 = arith.constant 0 : i32
        %dma_start3A_1112 = tpu.memref_slice %dma_start3A_1109[%dma_start3A_1110, %dma_start3A_1111] : memref<1600x32xf32, #tpu.memory_space<vmem>> -> memref<80x32xf32, #tpu.memory_space<vmem>>
        %dma_start3A_1113 = arith.constant 0 : i32
        %dma_start3A_1114 = tpu.memref_slice %arg5[%sub3A_593, %dma_start3A_1113] : memref<2x1600xi32, #tpu.memory_space<vmem>> -> memref<1x1600xi32, #tpu.memory_space<vmem>>
        %dma_start3A_1115 = tpu.memref_squeeze %dma_start3A_1114 : memref<1x1600xi32, #tpu.memory_space<vmem>> -> memref<1600xi32, #tpu.memory_space<vmem>>
        %dma_start3A_1116 = arith.constant 0 : i32
        %dma_start3A_1117 = tpu.memref_slice %dma_start3A_1115[%dma_start3A_1116] : memref<1600xi32, #tpu.memory_space<vmem>> -> memref<80xi32, #tpu.memory_space<vmem>>
        %dma_start3A_1118 = arith.constant 0 : i32
        %dma_start3A_1119 = arith.constant 0 : i32
        %dma_start3A_1120 = tpu.memref_slice %arg3[%dma_start3A_1118, %dma_start3A_1119] : memref<1000000x32xf32, #tpu.memory_space<hbm>> -> memref<1000000x32xf32, #tpu.memory_space<hbm>>
        tpu.enqueue_indirect_dma source(%dma_start3A_1120 : memref<1000000x32xf32, #tpu.memory_space<hbm>>) target(%dma_start3A_1112 : memref<80x32xf32, #tpu.memory_space<vmem>>) offsets(%dma_start3A_1117 : memref<80xi32, #tpu.memory_space<vmem>>) semaphore(%arg8 : memref<!tpu.dma_semaphore, #tpu.memory_space<semaphore_mem>>)
        %dma_start3A_1121 = arith.constant 0 : i32
        %dma_start3A_1122 = arith.constant 0 : i32
        %dma_start3A_1123 = tpu.memref_slice %arg6[%sub3A_593, %dma_start3A_1121, %dma_start3A_1122] : memref<2x1600x32xf32, #tpu.memory_space<vmem>> -> memref<1x1600x32xf32, #tpu.memory_space<vmem>>
        %dma_start3A_1124 = tpu.memref_squeeze %dma_start3A_1123 : memref<1x1600x32xf32, #tpu.memory_space<vmem>> -> memref<1600x32xf32, #tpu.memory_space<vmem>>
        %dma_start3A_1125 = arith.constant 80 : i32
        %dma_start3A_1126 = arith.constant 0 : i32
        %dma_start3A_1127 = tpu.memref_slice %dma_start3A_1124[%dma_start3A_1125, %dma_start3A_1126] : memref<1600x32xf32, #tpu.memory_space<vmem>> -> memref<80x32xf32, #tpu.memory_space<vmem>>
        %dma_start3A_1128 = arith.constant 0 : i32
        %dma_start3A_1129 = tpu.memref_slice %arg5[%sub3A_593, %dma_start3A_1128] : memref<2x1600xi32, #tpu.memory_space<vmem>> -> memref<1x1600xi32, #tpu.memory_space<vmem>>
        %dma_start3A_1130 = tpu.memref_squeeze %dma_start3A_1129 : memref<1x1600xi32, #tpu.memory_space<vmem>> -> memref<1600xi32, #tpu.memory_space<vmem>>
        %dma_start3A_1131 = arith.constant 80 : i32
        %dma_start3A_1132 = tpu.memref_slice %dma_start3A_1130[%dma_start3A_1131] : memref<1600xi32, #tpu.memory_space<vmem>> -> memref<80xi32, #tpu.memory_space<vmem>>
        %dma_start3A_1133 = arith.constant 0 : i32
        %dma_start3A_1134 = arith.constant 0 : i32
        %dma_start3A_1135 = tpu.memref_slice %arg3[%dma_start3A_1133, %dma_start3A_1134] : memref<1000000x32xf32, #tpu.memory_space<hbm>> -> memref<1000000x32xf32, #tpu.memory_space<hbm>>
        tpu.enqueue_indirect_dma source(%dma_start3A_1135 : memref<1000000x32xf32, #tpu.memory_space<hbm>>) target(%dma_start3A_1127 : memref<80x32xf32, #tpu.memory_space<vmem>>) offsets(%dma_start3A_1132 : memref<80xi32, #tpu.memory_space<vmem>>) semaphore(%arg8 : memref<!tpu.dma_semaphore, #tpu.memory_space<semaphore_mem>>)
        %dma_start3A_1136 = arith.constant 0 : i32
        %dma_start3A_1137 = arith.constant 0 : i32
        %dma_start3A_1138 = tpu.memref_slice %arg6[%sub3A_593, %dma_start3A_1136, %dma_start3A_1137] : memref<2x1600x32xf32, #tpu.memory_space<vmem>> -> memref<1x1600x32xf32, #tpu.memory_space<vmem>>
        %dma_start3A_1139 = tpu.memref_squeeze %dma_start3A_1138 : memref<1x1600x32xf32, #tpu.memory_space<vmem>> -> memref<1600x32xf32, #tpu.memory_space<vmem>>
        %dma_start3A_1140 = arith.constant 160 : i32
        %dma_start3A_1141 = arith.constant 0 : i32
        %dma_start3A_1142 = tpu.memref_slice %dma_start3A_1139[%dma_start3A_1140, %dma_start3A_1141] : memref<1600x32xf32, #tpu.memory_space<vmem>> -> memref<80x32xf32, #tpu.memory_space<vmem>>
        %dma_start3A_1143 = arith.constant 0 : i32
        %dma_start3A_1144 = tpu.memref_slice %arg5[%sub3A_593, %dma_start3A_1143] : memref<2x1600xi32, #tpu.memory_space<vmem>> -> memref<1x1600xi32, #tpu.memory_space<vmem>>
        %dma_start3A_1145 = tpu.memref_squeeze %dma_start3A_1144 : memref<1x1600xi32, #tpu.memory_space<vmem>> -> memref<1600xi32, #tpu.memory_space<vmem>>
        %dma_start3A_1146 = arith.constant 160 : i32
        %dma_start3A_1147 = tpu.memref_slice %dma_start3A_1145[%dma_start3A_1146] : memref<1600xi32, #tpu.memory_space<vmem>> -> memref<80xi32, #tpu.memory_space<vmem>>
        %dma_start3A_1148 = arith.constant 0 : i32
        %dma_start3A_1149 = arith.constant 0 : i32
        %dma_start3A_1150 = tpu.memref_slice %arg3[%dma_start3A_1148, %dma_start3A_1149] : memref<1000000x32xf32, #tpu.memory_space<hbm>> -> memref<1000000x32xf32, #tpu.memory_space<hbm>>
        tpu.enqueue_indirect_dma source(%dma_start3A_1150 : memref<1000000x32xf32, #tpu.memory_space<hbm>>) target(%dma_start3A_1142 : memref<80x32xf32, #tpu.memory_space<vmem>>) offsets(%dma_start3A_1147 : memref<80xi32, #tpu.memory_space<vmem>>) semaphore(%arg8 : memref<!tpu.dma_semaphore, #tpu.memory_space<semaphore_mem>>)
        %dma_start3A_1151 = arith.constant 0 : i32
        %dma_start3A_1152 = arith.constant 0 : i32
        %dma_start3A_1153 = tpu.memref_slice %arg6[%sub3A_593, %dma_start3A_1151, %dma_start3A_1152] : memref<2x1600x32xf32, #tpu.memory_space<vmem>> -> memref<1x1600x32xf32, #tpu.memory_space<vmem>>
        %dma_start3A_1154 = tpu.memref_squeeze %dma_start3A_1153 : memref<1x1600x32xf32, #tpu.memory_space<vmem>> -> memref<1600x32xf32, #tpu.memory_space<vmem>>
        %dma_start3A_1155 = arith.constant 240 : i32
        %dma_start3A_1156 = arith.constant 0 : i32
        %dma_start3A_1157 = tpu.memref_slice %dma_start3A_1154[%dma_start3A_1155, %dma_start3A_1156] : memref<1600x32xf32, #tpu.memory_space<vmem>> -> memref<80x32xf32, #tpu.memory_space<vmem>>
        %dma_start3A_1158 = arith.constant 0 : i32
        %dma_start3A_1159 = tpu.memref_slice %arg5[%sub3A_593, %dma_start3A_1158] : memref<2x1600xi32, #tpu.memory_space<vmem>> -> memref<1x1600xi32, #tpu.memory_space<vmem>>
        %dma_start3A_1160 = tpu.memref_squeeze %dma_start3A_1159 : memref<1x1600xi32, #tpu.memory_space<vmem>> -> memref<1600xi32, #tpu.memory_space<vmem>>
        %dma_start3A_1161 = arith.constant 240 : i32
        %dma_start3A_1162 = tpu.memref_slice %dma_start3A_1160[%dma_start3A_1161] : memref<1600xi32, #tpu.memory_space<vmem>> -> memref<80xi32, #tpu.memory_space<vmem>>
        %dma_start3A_1163 = arith.constant 0 : i32
        %dma_start3A_1164 = arith.constant 0 : i32
        %dma_start3A_1165 = tpu.memref_slice %arg3[%dma_start3A_1163, %dma_start3A_1164] : memref<1000000x32xf32, #tpu.memory_space<hbm>> -> memref<1000000x32xf32, #tpu.memory_space<hbm>>
        tpu.enqueue_indirect_dma source(%dma_start3A_1165 : memref<1000000x32xf32, #tpu.memory_space<hbm>>) target(%dma_start3A_1157 : memref<80x32xf32, #tpu.memory_space<vmem>>) offsets(%dma_start3A_1162 : memref<80xi32, #tpu.memory_space<vmem>>) semaphore(%arg8 : memref<!tpu.dma_semaphore, #tpu.memory_space<semaphore_mem>>)
        %dma_start3A_1166 = arith.constant 0 : i32
        %dma_start3A_1167 = arith.constant 0 : i32
        %dma_start3A_1168 = tpu.memref_slice %arg6[%sub3A_593, %dma_start3A_1166, %dma_start3A_1167] : memref<2x1600x32xf32, #tpu.memory_space<vmem>> -> memref<1x1600x32xf32, #tpu.memory_space<vmem>>
        %dma_start3A_1169 = tpu.memref_squeeze %dma_start3A_1168 : memref<1x1600x32xf32, #tpu.memory_space<vmem>> -> memref<1600x32xf32, #tpu.memory_space<vmem>>
        %dma_start3A_1170 = arith.constant 320 : i32
        %dma_start3A_1171 = arith.constant 0 : i32
        %dma_start3A_1172 = tpu.memref_slice %dma_start3A_1169[%dma_start3A_1170, %dma_start3A_1171] : memref<1600x32xf32, #tpu.memory_space<vmem>> -> memref<80x32xf32, #tpu.memory_space<vmem>>
        %dma_start3A_1173 = arith.constant 0 : i32
        %dma_start3A_1174 = tpu.memref_slice %arg5[%sub3A_593, %dma_start3A_1173] : memref<2x1600xi32, #tpu.memory_space<vmem>> -> memref<1x1600xi32, #tpu.memory_space<vmem>>
        %dma_start3A_1175 = tpu.memref_squeeze %dma_start3A_1174 : memref<1x1600xi32, #tpu.memory_space<vmem>> -> memref<1600xi32, #tpu.memory_space<vmem>>
        %dma_start3A_1176 = arith.constant 320 : i32
        %dma_start3A_1177 = tpu.memref_slice %dma_start3A_1175[%dma_start3A_1176] : memref<1600xi32, #tpu.memory_space<vmem>> -> memref<80xi32, #tpu.memory_space<vmem>>
        %dma_start3A_1178 = arith.constant 0 : i32
        %dma_start3A_1179 = arith.constant 0 : i32
        %dma_start3A_1180 = tpu.memref_slice %arg3[%dma_start3A_1178, %dma_start3A_1179] : memref<1000000x32xf32, #tpu.memory_space<hbm>> -> memref<1000000x32xf32, #tpu.memory_space<hbm>>
        tpu.enqueue_indirect_dma source(%dma_start3A_1180 : memref<1000000x32xf32, #tpu.memory_space<hbm>>) target(%dma_start3A_1172 : memref<80x32xf32, #tpu.memory_space<vmem>>) offsets(%dma_start3A_1177 : memref<80xi32, #tpu.memory_space<vmem>>) semaphore(%arg8 : memref<!tpu.dma_semaphore, #tpu.memory_space<semaphore_mem>>)
        %dma_start3A_1181 = arith.constant 0 : i32
        %dma_start3A_1182 = arith.constant 0 : i32
        %dma_start3A_1183 = tpu.memref_slice %arg6[%sub3A_593, %dma_start3A_1181, %dma_start3A_1182] : memref<2x1600x32xf32, #tpu.memory_space<vmem>> -> memref<1x1600x32xf32, #tpu.memory_space<vmem>>
        %dma_start3A_1184 = tpu.memref_squeeze %dma_start3A_1183 : memref<1x1600x32xf32, #tpu.memory_space<vmem>> -> memref<1600x32xf32, #tpu.memory_space<vmem>>
        %dma_start3A_1185 = arith.constant 400 : i32
        %dma_start3A_1186 = arith.constant 0 : i32
        %dma_start3A_1187 = tpu.memref_slice %dma_start3A_1184[%dma_start3A_1185, %dma_start3A_1186] : memref<1600x32xf32, #tpu.memory_space<vmem>> -> memref<80x32xf32, #tpu.memory_space<vmem>>
        %dma_start3A_1188 = arith.constant 0 : i32
        %dma_start3A_1189 = tpu.memref_slice %arg5[%sub3A_593, %dma_start3A_1188] : memref<2x1600xi32, #tpu.memory_space<vmem>> -> memref<1x1600xi32, #tpu.memory_space<vmem>>
        %dma_start3A_1190 = tpu.memref_squeeze %dma_start3A_1189 : memref<1x1600xi32, #tpu.memory_space<vmem>> -> memref<1600xi32, #tpu.memory_space<vmem>>
        %dma_start3A_1191 = arith.constant 400 : i32
        %dma_start3A_1192 = tpu.memref_slice %dma_start3A_1190[%dma_start3A_1191] : memref<1600xi32, #tpu.memory_space<vmem>> -> memref<80xi32, #tpu.memory_space<vmem>>
        %dma_start3A_1193 = arith.constant 0 : i32
        %dma_start3A_1194 = arith.constant 0 : i32
        %dma_start3A_1195 = tpu.memref_slice %arg3[%dma_start3A_1193, %dma_start3A_1194] : memref<1000000x32xf32, #tpu.memory_space<hbm>> -> memref<1000000x32xf32, #tpu.memory_space<hbm>>
        tpu.enqueue_indirect_dma source(%dma_start3A_1195 : memref<1000000x32xf32, #tpu.memory_space<hbm>>) target(%dma_start3A_1187 : memref<80x32xf32, #tpu.memory_space<vmem>>) offsets(%dma_start3A_1192 : memref<80xi32, #tpu.memory_space<vmem>>) semaphore(%arg8 : memref<!tpu.dma_semaphore, #tpu.memory_space<semaphore_mem>>)
        %dma_start3A_1196 = arith.constant 0 : i32
        %dma_start3A_1197 = arith.constant 0 : i32
        %dma_start3A_1198 = tpu.memref_slice %arg6[%sub3A_593, %dma_start3A_1196, %dma_start3A_1197] : memref<2x1600x32xf32, #tpu.memory_space<vmem>> -> memref<1x1600x32xf32, #tpu.memory_space<vmem>>
        %dma_start3A_1199 = tpu.memref_squeeze %dma_start3A_1198 : memref<1x1600x32xf32, #tpu.memory_space<vmem>> -> memref<1600x32xf32, #tpu.memory_space<vmem>>
        %dma_start3A_1200 = arith.constant 480 : i32
        %dma_start3A_1201 = arith.constant 0 : i32
        %dma_start3A_1202 = tpu.memref_slice %dma_start3A_1199[%dma_start3A_1200, %dma_start3A_1201] : memref<1600x32xf32, #tpu.memory_space<vmem>> -> memref<80x32xf32, #tpu.memory_space<vmem>>
        %dma_start3A_1203 = arith.constant 0 : i32
        %dma_start3A_1204 = tpu.memref_slice %arg5[%sub3A_593, %dma_start3A_1203] : memref<2x1600xi32, #tpu.memory_space<vmem>> -> memref<1x1600xi32, #tpu.memory_space<vmem>>
        %dma_start3A_1205 = tpu.memref_squeeze %dma_start3A_1204 : memref<1x1600xi32, #tpu.memory_space<vmem>> -> memref<1600xi32, #tpu.memory_space<vmem>>
        %dma_start3A_1206 = arith.constant 480 : i32
        %dma_start3A_1207 = tpu.memref_slice %dma_start3A_1205[%dma_start3A_1206] : memref<1600xi32, #tpu.memory_space<vmem>> -> memref<80xi32, #tpu.memory_space<vmem>>
        %dma_start3A_1208 = arith.constant 0 : i32
        %dma_start3A_1209 = arith.constant 0 : i32
        %dma_start3A_1210 = tpu.memref_slice %arg3[%dma_start3A_1208, %dma_start3A_1209] : memref<1000000x32xf32, #tpu.memory_space<hbm>> -> memref<1000000x32xf32, #tpu.memory_space<hbm>>
        tpu.enqueue_indirect_dma source(%dma_start3A_1210 : memref<1000000x32xf32, #tpu.memory_space<hbm>>) target(%dma_start3A_1202 : memref<80x32xf32, #tpu.memory_space<vmem>>) offsets(%dma_start3A_1207 : memref<80xi32, #tpu.memory_space<vmem>>) semaphore(%arg8 : memref<!tpu.dma_semaphore, #tpu.memory_space<semaphore_mem>>)
        %dma_start3A_1211 = arith.constant 0 : i32
        %dma_start3A_1212 = arith.constant 0 : i32
        %dma_start3A_1213 = tpu.memref_slice %arg6[%sub3A_593, %dma_start3A_1211, %dma_start3A_1212] : memref<2x1600x32xf32, #tpu.memory_space<vmem>> -> memref<1x1600x32xf32, #tpu.memory_space<vmem>>
        %dma_start3A_1214 = tpu.memref_squeeze %dma_start3A_1213 : memref<1x1600x32xf32, #tpu.memory_space<vmem>> -> memref<1600x32xf32, #tpu.memory_space<vmem>>
        %dma_start3A_1215 = arith.constant 560 : i32
        %dma_start3A_1216 = arith.constant 0 : i32
        %dma_start3A_1217 = tpu.memref_slice %dma_start3A_1214[%dma_start3A_1215, %dma_start3A_1216] : memref<1600x32xf32, #tpu.memory_space<vmem>> -> memref<80x32xf32, #tpu.memory_space<vmem>>
        %dma_start3A_1218 = arith.constant 0 : i32
        %dma_start3A_1219 = tpu.memref_slice %arg5[%sub3A_593, %dma_start3A_1218] : memref<2x1600xi32, #tpu.memory_space<vmem>> -> memref<1x1600xi32, #tpu.memory_space<vmem>>
        %dma_start3A_1220 = tpu.memref_squeeze %dma_start3A_1219 : memref<1x1600xi32, #tpu.memory_space<vmem>> -> memref<1600xi32, #tpu.memory_space<vmem>>
        %dma_start3A_1221 = arith.constant 560 : i32
        %dma_start3A_1222 = tpu.memref_slice %dma_start3A_1220[%dma_start3A_1221] : memref<1600xi32, #tpu.memory_space<vmem>> -> memref<80xi32, #tpu.memory_space<vmem>>
        %dma_start3A_1223 = arith.constant 0 : i32
        %dma_start3A_1224 = arith.constant 0 : i32
        %dma_start3A_1225 = tpu.memref_slice %arg3[%dma_start3A_1223, %dma_start3A_1224] : memref<1000000x32xf32, #tpu.memory_space<hbm>> -> memref<1000000x32xf32, #tpu.memory_space<hbm>>
        tpu.enqueue_indirect_dma source(%dma_start3A_1225 : memref<1000000x32xf32, #tpu.memory_space<hbm>>) target(%dma_start3A_1217 : memref<80x32xf32, #tpu.memory_space<vmem>>) offsets(%dma_start3A_1222 : memref<80xi32, #tpu.memory_space<vmem>>) semaphore(%arg8 : memref<!tpu.dma_semaphore, #tpu.memory_space<semaphore_mem>>)
        %dma_start3A_1226 = arith.constant 0 : i32
        %dma_start3A_1227 = arith.constant 0 : i32
        %dma_start3A_1228 = tpu.memref_slice %arg6[%sub3A_593, %dma_start3A_1226, %dma_start3A_1227] : memref<2x1600x32xf32, #tpu.memory_space<vmem>> -> memref<1x1600x32xf32, #tpu.memory_space<vmem>>
        %dma_start3A_1229 = tpu.memref_squeeze %dma_start3A_1228 : memref<1x1600x32xf32, #tpu.memory_space<vmem>> -> memref<1600x32xf32, #tpu.memory_space<vmem>>
        %dma_start3A_1230 = arith.constant 640 : i32
        %dma_start3A_1231 = arith.constant 0 : i32
        %dma_start3A_1232 = tpu.memref_slice %dma_start3A_1229[%dma_start3A_1230, %dma_start3A_1231] : memref<1600x32xf32, #tpu.memory_space<vmem>> -> memref<80x32xf32, #tpu.memory_space<vmem>>
        %dma_start3A_1233 = arith.constant 0 : i32
        %dma_start3A_1234 = tpu.memref_slice %arg5[%sub3A_593, %dma_start3A_1233] : memref<2x1600xi32, #tpu.memory_space<vmem>> -> memref<1x1600xi32, #tpu.memory_space<vmem>>
        %dma_start3A_1235 = tpu.memref_squeeze %dma_start3A_1234 : memref<1x1600xi32, #tpu.memory_space<vmem>> -> memref<1600xi32, #tpu.memory_space<vmem>>
        %dma_start3A_1236 = arith.constant 640 : i32
        %dma_start3A_1237 = tpu.memref_slice %dma_start3A_1235[%dma_start3A_1236] : memref<1600xi32, #tpu.memory_space<vmem>> -> memref<80xi32, #tpu.memory_space<vmem>>
        %dma_start3A_1238 = arith.constant 0 : i32
        %dma_start3A_1239 = arith.constant 0 : i32
        %dma_start3A_1240 = tpu.memref_slice %arg3[%dma_start3A_1238, %dma_start3A_1239] : memref<1000000x32xf32, #tpu.memory_space<hbm>> -> memref<1000000x32xf32, #tpu.memory_space<hbm>>
        tpu.enqueue_indirect_dma source(%dma_start3A_1240 : memref<1000000x32xf32, #tpu.memory_space<hbm>>) target(%dma_start3A_1232 : memref<80x32xf32, #tpu.memory_space<vmem>>) offsets(%dma_start3A_1237 : memref<80xi32, #tpu.memory_space<vmem>>) semaphore(%arg8 : memref<!tpu.dma_semaphore, #tpu.memory_space<semaphore_mem>>)
        %dma_start3A_1241 = arith.constant 0 : i32
        %dma_start3A_1242 = arith.constant 0 : i32
        %dma_start3A_1243 = tpu.memref_slice %arg6[%sub3A_593, %dma_start3A_1241, %dma_start3A_1242] : memref<2x1600x32xf32, #tpu.memory_space<vmem>> -> memref<1x1600x32xf32, #tpu.memory_space<vmem>>
        %dma_start3A_1244 = tpu.memref_squeeze %dma_start3A_1243 : memref<1x1600x32xf32, #tpu.memory_space<vmem>> -> memref<1600x32xf32, #tpu.memory_space<vmem>>
        %dma_start3A_1245 = arith.constant 720 : i32
        %dma_start3A_1246 = arith.constant 0 : i32
        %dma_start3A_1247 = tpu.memref_slice %dma_start3A_1244[%dma_start3A_1245, %dma_start3A_1246] : memref<1600x32xf32, #tpu.memory_space<vmem>> -> memref<80x32xf32, #tpu.memory_space<vmem>>
        %dma_start3A_1248 = arith.constant 0 : i32
        %dma_start3A_1249 = tpu.memref_slice %arg5[%sub3A_593, %dma_start3A_1248] : memref<2x1600xi32, #tpu.memory_space<vmem>> -> memref<1x1600xi32, #tpu.memory_space<vmem>>
        %dma_start3A_1250 = tpu.memref_squeeze %dma_start3A_1249 : memref<1x1600xi32, #tpu.memory_space<vmem>> -> memref<1600xi32, #tpu.memory_space<vmem>>
        %dma_start3A_1251 = arith.constant 720 : i32
        %dma_start3A_1252 = tpu.memref_slice %dma_start3A_1250[%dma_start3A_1251] : memref<1600xi32, #tpu.memory_space<vmem>> -> memref<80xi32, #tpu.memory_space<vmem>>
        %dma_start3A_1253 = arith.constant 0 : i32
        %dma_start3A_1254 = arith.constant 0 : i32
        %dma_start3A_1255 = tpu.memref_slice %arg3[%dma_start3A_1253, %dma_start3A_1254] : memref<1000000x32xf32, #tpu.memory_space<hbm>> -> memref<1000000x32xf32, #tpu.memory_space<hbm>>
        tpu.enqueue_indirect_dma source(%dma_start3A_1255 : memref<1000000x32xf32, #tpu.memory_space<hbm>>) target(%dma_start3A_1247 : memref<80x32xf32, #tpu.memory_space<vmem>>) offsets(%dma_start3A_1252 : memref<80xi32, #tpu.memory_space<vmem>>) semaphore(%arg8 : memref<!tpu.dma_semaphore, #tpu.memory_space<semaphore_mem>>)
        %dma_start3A_1256 = arith.constant 0 : i32
        %dma_start3A_1257 = arith.constant 0 : i32
        %dma_start3A_1258 = tpu.memref_slice %arg6[%sub3A_593, %dma_start3A_1256, %dma_start3A_1257] : memref<2x1600x32xf32, #tpu.memory_space<vmem>> -> memref<1x1600x32xf32, #tpu.memory_space<vmem>>
        %dma_start3A_1259 = tpu.memref_squeeze %dma_start3A_1258 : memref<1x1600x32xf32, #tpu.memory_space<vmem>> -> memref<1600x32xf32, #tpu.memory_space<vmem>>
        %dma_start3A_1260 = arith.constant 800 : i32
        %dma_start3A_1261 = arith.constant 0 : i32
        %dma_start3A_1262 = tpu.memref_slice %dma_start3A_1259[%dma_start3A_1260, %dma_start3A_1261] : memref<1600x32xf32, #tpu.memory_space<vmem>> -> memref<80x32xf32, #tpu.memory_space<vmem>>
        %dma_start3A_1263 = arith.constant 0 : i32
        %dma_start3A_1264 = tpu.memref_slice %arg5[%sub3A_593, %dma_start3A_1263] : memref<2x1600xi32, #tpu.memory_space<vmem>> -> memref<1x1600xi32, #tpu.memory_space<vmem>>
        %dma_start3A_1265 = tpu.memref_squeeze %dma_start3A_1264 : memref<1x1600xi32, #tpu.memory_space<vmem>> -> memref<1600xi32, #tpu.memory_space<vmem>>
        %dma_start3A_1266 = arith.constant 800 : i32
        %dma_start3A_1267 = tpu.memref_slice %dma_start3A_1265[%dma_start3A_1266] : memref<1600xi32, #tpu.memory_space<vmem>> -> memref<80xi32, #tpu.memory_space<vmem>>
        %dma_start3A_1268 = arith.constant 0 : i32
        %dma_start3A_1269 = arith.constant 0 : i32
        %dma_start3A_1270 = tpu.memref_slice %arg3[%dma_start3A_1268, %dma_start3A_1269] : memref<1000000x32xf32, #tpu.memory_space<hbm>> -> memref<1000000x32xf32, #tpu.memory_space<hbm>>
        tpu.enqueue_indirect_dma source(%dma_start3A_1270 : memref<1000000x32xf32, #tpu.memory_space<hbm>>) target(%dma_start3A_1262 : memref<80x32xf32, #tpu.memory_space<vmem>>) offsets(%dma_start3A_1267 : memref<80xi32, #tpu.memory_space<vmem>>) semaphore(%arg8 : memref<!tpu.dma_semaphore, #tpu.memory_space<semaphore_mem>>)
        %dma_start3A_1271 = arith.constant 0 : i32
        %dma_start3A_1272 = arith.constant 0 : i32
        %dma_start3A_1273 = tpu.memref_slice %arg6[%sub3A_593, %dma_start3A_1271, %dma_start3A_1272] : memref<2x1600x32xf32, #tpu.memory_space<vmem>> -> memref<1x1600x32xf32, #tpu.memory_space<vmem>>
        %dma_start3A_1274 = tpu.memref_squeeze %dma_start3A_1273 : memref<1x1600x32xf32, #tpu.memory_space<vmem>> -> memref<1600x32xf32, #tpu.memory_space<vmem>>
        %dma_start3A_1275 = arith.constant 880 : i32
        %dma_start3A_1276 = arith.constant 0 : i32
        %dma_start3A_1277 = tpu.memref_slice %dma_start3A_1274[%dma_start3A_1275, %dma_start3A_1276] : memref<1600x32xf32, #tpu.memory_space<vmem>> -> memref<80x32xf32, #tpu.memory_space<vmem>>
        %dma_start3A_1278 = arith.constant 0 : i32
        %dma_start3A_1279 = tpu.memref_slice %arg5[%sub3A_593, %dma_start3A_1278] : memref<2x1600xi32, #tpu.memory_space<vmem>> -> memref<1x1600xi32, #tpu.memory_space<vmem>>
        %dma_start3A_1280 = tpu.memref_squeeze %dma_start3A_1279 : memref<1x1600xi32, #tpu.memory_space<vmem>> -> memref<1600xi32, #tpu.memory_space<vmem>>
        %dma_start3A_1281 = arith.constant 880 : i32
        %dma_start3A_1282 = tpu.memref_slice %dma_start3A_1280[%dma_start3A_1281] : memref<1600xi32, #tpu.memory_space<vmem>> -> memref<80xi32, #tpu.memory_space<vmem>>
        %dma_start3A_1283 = arith.constant 0 : i32
        %dma_start3A_1284 = arith.constant 0 : i32
        %dma_start3A_1285 = tpu.memref_slice %arg3[%dma_start3A_1283, %dma_start3A_1284] : memref<1000000x32xf32, #tpu.memory_space<hbm>> -> memref<1000000x32xf32, #tpu.memory_space<hbm>>
        tpu.enqueue_indirect_dma source(%dma_start3A_1285 : memref<1000000x32xf32, #tpu.memory_space<hbm>>) target(%dma_start3A_1277 : memref<80x32xf32, #tpu.memory_space<vmem>>) offsets(%dma_start3A_1282 : memref<80xi32, #tpu.memory_space<vmem>>) semaphore(%arg8 : memref<!tpu.dma_semaphore, #tpu.memory_space<semaphore_mem>>)
        %dma_start3A_1286 = arith.constant 0 : i32
        %dma_start3A_1287 = arith.constant 0 : i32
        %dma_start3A_1288 = tpu.memref_slice %arg6[%sub3A_593, %dma_start3A_1286, %dma_start3A_1287] : memref<2x1600x32xf32, #tpu.memory_space<vmem>> -> memref<1x1600x32xf32, #tpu.memory_space<vmem>>
        %dma_start3A_1289 = tpu.memref_squeeze %dma_start3A_1288 : memref<1x1600x32xf32, #tpu.memory_space<vmem>> -> memref<1600x32xf32, #tpu.memory_space<vmem>>
        %dma_start3A_1290 = arith.constant 960 : i32
        %dma_start3A_1291 = arith.constant 0 : i32
        %dma_start3A_1292 = tpu.memref_slice %dma_start3A_1289[%dma_start3A_1290, %dma_start3A_1291] : memref<1600x32xf32, #tpu.memory_space<vmem>> -> memref<80x32xf32, #tpu.memory_space<vmem>>
        %dma_start3A_1293 = arith.constant 0 : i32
        %dma_start3A_1294 = tpu.memref_slice %arg5[%sub3A_593, %dma_start3A_1293] : memref<2x1600xi32, #tpu.memory_space<vmem>> -> memref<1x1600xi32, #tpu.memory_space<vmem>>
        %dma_start3A_1295 = tpu.memref_squeeze %dma_start3A_1294 : memref<1x1600xi32, #tpu.memory_space<vmem>> -> memref<1600xi32, #tpu.memory_space<vmem>>
        %dma_start3A_1296 = arith.constant 960 : i32
        %dma_start3A_1297 = tpu.memref_slice %dma_start3A_1295[%dma_start3A_1296] : memref<1600xi32, #tpu.memory_space<vmem>> -> memref<80xi32, #tpu.memory_space<vmem>>
        %dma_start3A_1298 = arith.constant 0 : i32
        %dma_start3A_1299 = arith.constant 0 : i32
        %dma_start3A_1300 = tpu.memref_slice %arg3[%dma_start3A_1298, %dma_start3A_1299] : memref<1000000x32xf32, #tpu.memory_space<hbm>> -> memref<1000000x32xf32, #tpu.memory_space<hbm>>
        tpu.enqueue_indirect_dma source(%dma_start3A_1300 : memref<1000000x32xf32, #tpu.memory_space<hbm>>) target(%dma_start3A_1292 : memref<80x32xf32, #tpu.memory_space<vmem>>) offsets(%dma_start3A_1297 : memref<80xi32, #tpu.memory_space<vmem>>) semaphore(%arg8 : memref<!tpu.dma_semaphore, #tpu.memory_space<semaphore_mem>>)
        %dma_start3A_1301 = arith.constant 0 : i32
        %dma_start3A_1302 = arith.constant 0 : i32
        %dma_start3A_1303 = tpu.memref_slice %arg6[%sub3A_593, %dma_start3A_1301, %dma_start3A_1302] : memref<2x1600x32xf32, #tpu.memory_space<vmem>> -> memref<1x1600x32xf32, #tpu.memory_space<vmem>>
        %dma_start3A_1304 = tpu.memref_squeeze %dma_start3A_1303 : memref<1x1600x32xf32, #tpu.memory_space<vmem>> -> memref<1600x32xf32, #tpu.memory_space<vmem>>
        %dma_start3A_1305 = arith.constant 1040 : i32
        %dma_start3A_1306 = arith.constant 0 : i32
        %dma_start3A_1307 = tpu.memref_slice %dma_start3A_1304[%dma_start3A_1305, %dma_start3A_1306] : memref<1600x32xf32, #tpu.memory_space<vmem>> -> memref<80x32xf32, #tpu.memory_space<vmem>>
        %dma_start3A_1308 = arith.constant 0 : i32
        %dma_start3A_1309 = tpu.memref_slice %arg5[%sub3A_593, %dma_start3A_1308] : memref<2x1600xi32, #tpu.memory_space<vmem>> -> memref<1x1600xi32, #tpu.memory_space<vmem>>
        %dma_start3A_1310 = tpu.memref_squeeze %dma_start3A_1309 : memref<1x1600xi32, #tpu.memory_space<vmem>> -> memref<1600xi32, #tpu.memory_space<vmem>>
        %dma_start3A_1311 = arith.constant 1040 : i32
        %dma_start3A_1312 = tpu.memref_slice %dma_start3A_1310[%dma_start3A_1311] : memref<1600xi32, #tpu.memory_space<vmem>> -> memref<80xi32, #tpu.memory_space<vmem>>
        %dma_start3A_1313 = arith.constant 0 : i32
        %dma_start3A_1314 = arith.constant 0 : i32
        %dma_start3A_1315 = tpu.memref_slice %arg3[%dma_start3A_1313, %dma_start3A_1314] : memref<1000000x32xf32, #tpu.memory_space<hbm>> -> memref<1000000x32xf32, #tpu.memory_space<hbm>>
        tpu.enqueue_indirect_dma source(%dma_start3A_1315 : memref<1000000x32xf32, #tpu.memory_space<hbm>>) target(%dma_start3A_1307 : memref<80x32xf32, #tpu.memory_space<vmem>>) offsets(%dma_start3A_1312 : memref<80xi32, #tpu.memory_space<vmem>>) semaphore(%arg8 : memref<!tpu.dma_semaphore, #tpu.memory_space<semaphore_mem>>)
        %dma_start3A_1316 = arith.constant 0 : i32
        %dma_start3A_1317 = arith.constant 0 : i32
        %dma_start3A_1318 = tpu.memref_slice %arg6[%sub3A_593, %dma_start3A_1316, %dma_start3A_1317] : memref<2x1600x32xf32, #tpu.memory_space<vmem>> -> memref<1x1600x32xf32, #tpu.memory_space<vmem>>
        %dma_start3A_1319 = tpu.memref_squeeze %dma_start3A_1318 : memref<1x1600x32xf32, #tpu.memory_space<vmem>> -> memref<1600x32xf32, #tpu.memory_space<vmem>>
        %dma_start3A_1320 = arith.constant 1120 : i32
        %dma_start3A_1321 = arith.constant 0 : i32
        %dma_start3A_1322 = tpu.memref_slice %dma_start3A_1319[%dma_start3A_1320, %dma_start3A_1321] : memref<1600x32xf32, #tpu.memory_space<vmem>> -> memref<80x32xf32, #tpu.memory_space<vmem>>
        %dma_start3A_1323 = arith.constant 0 : i32
        %dma_start3A_1324 = tpu.memref_slice %arg5[%sub3A_593, %dma_start3A_1323] : memref<2x1600xi32, #tpu.memory_space<vmem>> -> memref<1x1600xi32, #tpu.memory_space<vmem>>
        %dma_start3A_1325 = tpu.memref_squeeze %dma_start3A_1324 : memref<1x1600xi32, #tpu.memory_space<vmem>> -> memref<1600xi32, #tpu.memory_space<vmem>>
        %dma_start3A_1326 = arith.constant 1120 : i32
        %dma_start3A_1327 = tpu.memref_slice %dma_start3A_1325[%dma_start3A_1326] : memref<1600xi32, #tpu.memory_space<vmem>> -> memref<80xi32, #tpu.memory_space<vmem>>
        %dma_start3A_1328 = arith.constant 0 : i32
        %dma_start3A_1329 = arith.constant 0 : i32
        %dma_start3A_1330 = tpu.memref_slice %arg3[%dma_start3A_1328, %dma_start3A_1329] : memref<1000000x32xf32, #tpu.memory_space<hbm>> -> memref<1000000x32xf32, #tpu.memory_space<hbm>>
        tpu.enqueue_indirect_dma source(%dma_start3A_1330 : memref<1000000x32xf32, #tpu.memory_space<hbm>>) target(%dma_start3A_1322 : memref<80x32xf32, #tpu.memory_space<vmem>>) offsets(%dma_start3A_1327 : memref<80xi32, #tpu.memory_space<vmem>>) semaphore(%arg8 : memref<!tpu.dma_semaphore, #tpu.memory_space<semaphore_mem>>)
        %dma_start3A_1331 = arith.constant 0 : i32
        %dma_start3A_1332 = arith.constant 0 : i32
        %dma_start3A_1333 = tpu.memref_slice %arg6[%sub3A_593, %dma_start3A_1331, %dma_start3A_1332] : memref<2x1600x32xf32, #tpu.memory_space<vmem>> -> memref<1x1600x32xf32, #tpu.memory_space<vmem>>
        %dma_start3A_1334 = tpu.memref_squeeze %dma_start3A_1333 : memref<1x1600x32xf32, #tpu.memory_space<vmem>> -> memref<1600x32xf32, #tpu.memory_space<vmem>>
        %dma_start3A_1335 = arith.constant 1200 : i32
        %dma_start3A_1336 = arith.constant 0 : i32
        %dma_start3A_1337 = tpu.memref_slice %dma_start3A_1334[%dma_start3A_1335, %dma_start3A_1336] : memref<1600x32xf32, #tpu.memory_space<vmem>> -> memref<80x32xf32, #tpu.memory_space<vmem>>
        %dma_start3A_1338 = arith.constant 0 : i32
        %dma_start3A_1339 = tpu.memref_slice %arg5[%sub3A_593, %dma_start3A_1338] : memref<2x1600xi32, #tpu.memory_space<vmem>> -> memref<1x1600xi32, #tpu.memory_space<vmem>>
        %dma_start3A_1340 = tpu.memref_squeeze %dma_start3A_1339 : memref<1x1600xi32, #tpu.memory_space<vmem>> -> memref<1600xi32, #tpu.memory_space<vmem>>
        %dma_start3A_1341 = arith.constant 1200 : i32
        %dma_start3A_1342 = tpu.memref_slice %dma_start3A_1340[%dma_start3A_1341] : memref<1600xi32, #tpu.memory_space<vmem>> -> memref<80xi32, #tpu.memory_space<vmem>>
        %dma_start3A_1343 = arith.constant 0 : i32
        %dma_start3A_1344 = arith.constant 0 : i32
        %dma_start3A_1345 = tpu.memref_slice %arg3[%dma_start3A_1343, %dma_start3A_1344] : memref<1000000x32xf32, #tpu.memory_space<hbm>> -> memref<1000000x32xf32, #tpu.memory_space<hbm>>
        tpu.enqueue_indirect_dma source(%dma_start3A_1345 : memref<1000000x32xf32, #tpu.memory_space<hbm>>) target(%dma_start3A_1337 : memref<80x32xf32, #tpu.memory_space<vmem>>) offsets(%dma_start3A_1342 : memref<80xi32, #tpu.memory_space<vmem>>) semaphore(%arg8 : memref<!tpu.dma_semaphore, #tpu.memory_space<semaphore_mem>>)
        %dma_start3A_1346 = arith.constant 0 : i32
        %dma_start3A_1347 = arith.constant 0 : i32
        %dma_start3A_1348 = tpu.memref_slice %arg6[%sub3A_593, %dma_start3A_1346, %dma_start3A_1347] : memref<2x1600x32xf32, #tpu.memory_space<vmem>> -> memref<1x1600x32xf32, #tpu.memory_space<vmem>>
        %dma_start3A_1349 = tpu.memref_squeeze %dma_start3A_1348 : memref<1x1600x32xf32, #tpu.memory_space<vmem>> -> memref<1600x32xf32, #tpu.memory_space<vmem>>
        %dma_start3A_1350 = arith.constant 1280 : i32
        %dma_start3A_1351 = arith.constant 0 : i32
        %dma_start3A_1352 = tpu.memref_slice %dma_start3A_1349[%dma_start3A_1350, %dma_start3A_1351] : memref<1600x32xf32, #tpu.memory_space<vmem>> -> memref<80x32xf32, #tpu.memory_space<vmem>>
        %dma_start3A_1353 = arith.constant 0 : i32
        %dma_start3A_1354 = tpu.memref_slice %arg5[%sub3A_593, %dma_start3A_1353] : memref<2x1600xi32, #tpu.memory_space<vmem>> -> memref<1x1600xi32, #tpu.memory_space<vmem>>
        %dma_start3A_1355 = tpu.memref_squeeze %dma_start3A_1354 : memref<1x1600xi32, #tpu.memory_space<vmem>> -> memref<1600xi32, #tpu.memory_space<vmem>>
        %dma_start3A_1356 = arith.constant 1280 : i32
        %dma_start3A_1357 = tpu.memref_slice %dma_start3A_1355[%dma_start3A_1356] : memref<1600xi32, #tpu.memory_space<vmem>> -> memref<80xi32, #tpu.memory_space<vmem>>
        %dma_start3A_1358 = arith.constant 0 : i32
        %dma_start3A_1359 = arith.constant 0 : i32
        %dma_start3A_1360 = tpu.memref_slice %arg3[%dma_start3A_1358, %dma_start3A_1359] : memref<1000000x32xf32, #tpu.memory_space<hbm>> -> memref<1000000x32xf32, #tpu.memory_space<hbm>>
        tpu.enqueue_indirect_dma source(%dma_start3A_1360 : memref<1000000x32xf32, #tpu.memory_space<hbm>>) target(%dma_start3A_1352 : memref<80x32xf32, #tpu.memory_space<vmem>>) offsets(%dma_start3A_1357 : memref<80xi32, #tpu.memory_space<vmem>>) semaphore(%arg8 : memref<!tpu.dma_semaphore, #tpu.memory_space<semaphore_mem>>)
        %dma_start3A_1361 = arith.constant 0 : i32
        %dma_start3A_1362 = arith.constant 0 : i32
        %dma_start3A_1363 = tpu.memref_slice %arg6[%sub3A_593, %dma_start3A_1361, %dma_start3A_1362] : memref<2x1600x32xf32, #tpu.memory_space<vmem>> -> memref<1x1600x32xf32, #tpu.memory_space<vmem>>
        %dma_start3A_1364 = tpu.memref_squeeze %dma_start3A_1363 : memref<1x1600x32xf32, #tpu.memory_space<vmem>> -> memref<1600x32xf32, #tpu.memory_space<vmem>>
        %dma_start3A_1365 = arith.constant 1360 : i32
        %dma_start3A_1366 = arith.constant 0 : i32
        %dma_start3A_1367 = tpu.memref_slice %dma_start3A_1364[%dma_start3A_1365, %dma_start3A_1366] : memref<1600x32xf32, #tpu.memory_space<vmem>> -> memref<80x32xf32, #tpu.memory_space<vmem>>
        %dma_start3A_1368 = arith.constant 0 : i32
        %dma_start3A_1369 = tpu.memref_slice %arg5[%sub3A_593, %dma_start3A_1368] : memref<2x1600xi32, #tpu.memory_space<vmem>> -> memref<1x1600xi32, #tpu.memory_space<vmem>>
        %dma_start3A_1370 = tpu.memref_squeeze %dma_start3A_1369 : memref<1x1600xi32, #tpu.memory_space<vmem>> -> memref<1600xi32, #tpu.memory_space<vmem>>
        %dma_start3A_1371 = arith.constant 1360 : i32
        %dma_start3A_1372 = tpu.memref_slice %dma_start3A_1370[%dma_start3A_1371] : memref<1600xi32, #tpu.memory_space<vmem>> -> memref<80xi32, #tpu.memory_space<vmem>>
        %dma_start3A_1373 = arith.constant 0 : i32
        %dma_start3A_1374 = arith.constant 0 : i32
        %dma_start3A_1375 = tpu.memref_slice %arg3[%dma_start3A_1373, %dma_start3A_1374] : memref<1000000x32xf32, #tpu.memory_space<hbm>> -> memref<1000000x32xf32, #tpu.memory_space<hbm>>
        tpu.enqueue_indirect_dma source(%dma_start3A_1375 : memref<1000000x32xf32, #tpu.memory_space<hbm>>) target(%dma_start3A_1367 : memref<80x32xf32, #tpu.memory_space<vmem>>) offsets(%dma_start3A_1372 : memref<80xi32, #tpu.memory_space<vmem>>) semaphore(%arg8 : memref<!tpu.dma_semaphore, #tpu.memory_space<semaphore_mem>>)
        %dma_start3A_1376 = arith.constant 0 : i32
        %dma_start3A_1377 = arith.constant 0 : i32
        %dma_start3A_1378 = tpu.memref_slice %arg6[%sub3A_593, %dma_start3A_1376, %dma_start3A_1377] : memref<2x1600x32xf32, #tpu.memory_space<vmem>> -> memref<1x1600x32xf32, #tpu.memory_space<vmem>>
        %dma_start3A_1379 = tpu.memref_squeeze %dma_start3A_1378 : memref<1x1600x32xf32, #tpu.memory_space<vmem>> -> memref<1600x32xf32, #tpu.memory_space<vmem>>
        %dma_start3A_1380 = arith.constant 1440 : i32
        %dma_start3A_1381 = arith.constant 0 : i32
        %dma_start3A_1382 = tpu.memref_slice %dma_start3A_1379[%dma_start3A_1380, %dma_start3A_1381] : memref<1600x32xf32, #tpu.memory_space<vmem>> -> memref<80x32xf32, #tpu.memory_space<vmem>>
        %dma_start3A_1383 = arith.constant 0 : i32
        %dma_start3A_1384 = tpu.memref_slice %arg5[%sub3A_593, %dma_start3A_1383] : memref<2x1600xi32, #tpu.memory_space<vmem>> -> memref<1x1600xi32, #tpu.memory_space<vmem>>
        %dma_start3A_1385 = tpu.memref_squeeze %dma_start3A_1384 : memref<1x1600xi32, #tpu.memory_space<vmem>> -> memref<1600xi32, #tpu.memory_space<vmem>>
        %dma_start3A_1386 = arith.constant 1440 : i32
        %dma_start3A_1387 = tpu.memref_slice %dma_start3A_1385[%dma_start3A_1386] : memref<1600xi32, #tpu.memory_space<vmem>> -> memref<80xi32, #tpu.memory_space<vmem>>
        %dma_start3A_1388 = arith.constant 0 : i32
        %dma_start3A_1389 = arith.constant 0 : i32
        %dma_start3A_1390 = tpu.memref_slice %arg3[%dma_start3A_1388, %dma_start3A_1389] : memref<1000000x32xf32, #tpu.memory_space<hbm>> -> memref<1000000x32xf32, #tpu.memory_space<hbm>>
        tpu.enqueue_indirect_dma source(%dma_start3A_1390 : memref<1000000x32xf32, #tpu.memory_space<hbm>>) target(%dma_start3A_1382 : memref<80x32xf32, #tpu.memory_space<vmem>>) offsets(%dma_start3A_1387 : memref<80xi32, #tpu.memory_space<vmem>>) semaphore(%arg8 : memref<!tpu.dma_semaphore, #tpu.memory_space<semaphore_mem>>)
        %dma_start3A_1391 = arith.constant 0 : i32
        %dma_start3A_1392 = arith.constant 0 : i32
        %dma_start3A_1393 = tpu.memref_slice %arg6[%sub3A_593, %dma_start3A_1391, %dma_start3A_1392] : memref<2x1600x32xf32, #tpu.memory_space<vmem>> -> memref<1x1600x32xf32, #tpu.memory_space<vmem>>
        %dma_start3A_1394 = tpu.memref_squeeze %dma_start3A_1393 : memref<1x1600x32xf32, #tpu.memory_space<vmem>> -> memref<1600x32xf32, #tpu.memory_space<vmem>>
        %dma_start3A_1395 = arith.constant 1520 : i32
        %dma_start3A_1396 = arith.constant 0 : i32
        %dma_start3A_1397 = tpu.memref_slice %dma_start3A_1394[%dma_start3A_1395, %dma_start3A_1396] : memref<1600x32xf32, #tpu.memory_space<vmem>> -> memref<80x32xf32, #tpu.memory_space<vmem>>
        %dma_start3A_1398 = arith.constant 0 : i32
        %dma_start3A_1399 = tpu.memref_slice %arg5[%sub3A_593, %dma_start3A_1398] : memref<2x1600xi32, #tpu.memory_space<vmem>> -> memref<1x1600xi32, #tpu.memory_space<vmem>>
        %dma_start3A_1400 = tpu.memref_squeeze %dma_start3A_1399 : memref<1x1600xi32, #tpu.memory_space<vmem>> -> memref<1600xi32, #tpu.memory_space<vmem>>
        %dma_start3A_1401 = arith.constant 1520 : i32
        %dma_start3A_1402 = tpu.memref_slice %dma_start3A_1400[%dma_start3A_1401] : memref<1600xi32, #tpu.memory_space<vmem>> -> memref<80xi32, #tpu.memory_space<vmem>>
        %dma_start3A_1403 = arith.constant 0 : i32
        %dma_start3A_1404 = arith.constant 0 : i32
        %dma_start3A_1405 = tpu.memref_slice %arg3[%dma_start3A_1403, %dma_start3A_1404] : memref<1000000x32xf32, #tpu.memory_space<hbm>> -> memref<1000000x32xf32, #tpu.memory_space<hbm>>
        tpu.enqueue_indirect_dma source(%dma_start3A_1405 : memref<1000000x32xf32, #tpu.memory_space<hbm>>) target(%dma_start3A_1397 : memref<80x32xf32, #tpu.memory_space<vmem>>) offsets(%dma_start3A_1402 : memref<80xi32, #tpu.memory_space<vmem>>) semaphore(%arg8 : memref<!tpu.dma_semaphore, #tpu.memory_space<semaphore_mem>>)
      } else {
      }
      %mul3A_906 = arith.constant 8 : i32
      %mul3A_907 = arith.muli %scan3A_583, %mul3A_906 : i32
      %add3A_908 = arith.addi %mul3A_2, %mul3A_907 : i32
      %add3A_909 = arith.constant 0 : i32
      %add3A_910 = arith.addi %add3A_908, %add3A_909 : i32
      %add3A_911 = arith.constant 1 : i32
      %add3A_912 = arith.addi %add3A_908, %add3A_911 : i32
      %add3A_913 = arith.constant 2 : i32
      %add3A_914 = arith.addi %add3A_908, %add3A_913 : i32
      %add3A_915 = arith.constant 3 : i32
      %add3A_916 = arith.addi %add3A_908, %add3A_915 : i32
      %add3A_917 = arith.constant 4 : i32
      %add3A_918 = arith.addi %add3A_908, %add3A_917 : i32
      %add3A_919 = arith.constant 5 : i32
      %add3A_920 = arith.addi %add3A_908, %add3A_919 : i32
      %add3A_921 = arith.constant 6 : i32
      %add3A_922 = arith.addi %add3A_908, %add3A_921 : i32
      %add3A_923 = arith.constant 7 : i32
      %add3A_924 = arith.addi %add3A_908, %add3A_923 : i32
      %dma_start3A_925 = arith.constant 0 : i32
      %dma_start3A_926 = arith.constant 0 : i32
      %dma_start3A_927 = tpu.memref_slice %arg6[%select_n3A_592, %dma_start3A_925, %dma_start3A_926] : memref<2x1600x32xf32, #tpu.memory_space<vmem>> -> memref<1x1600x32xf32, #tpu.memory_space<vmem>>
      %dma_start3A_928 = tpu.memref_squeeze %dma_start3A_927 : memref<1x1600x32xf32, #tpu.memory_space<vmem>> -> memref<1600x32xf32, #tpu.memory_space<vmem>>
      %dma_start3A_929 = arith.constant 0 : i32
      %dma_start3A_930 = arith.constant 0 : i32
      %dma_start3A_931 = tpu.memref_slice %dma_start3A_928[%dma_start3A_929, %dma_start3A_930] : memref<1600x32xf32, #tpu.memory_space<vmem>> -> memref<200x32xf32, #tpu.memory_space<vmem>>
      %dma_start3A_932 = arith.constant 0 : i32
      %dma_start3A_933 = arith.constant 0 : i32
      %dma_start3A_934 = tpu.memref_slice %arg4[%add3A_910, %dma_start3A_932, %dma_start3A_933] : memref<8192x200x32xf32, #tpu.memory_space<hbm>> -> memref<1x200x32xf32, #tpu.memory_space<hbm>>
      %dma_start3A_935 = tpu.memref_squeeze %dma_start3A_934 : memref<1x200x32xf32, #tpu.memory_space<hbm>> -> memref<200x32xf32, #tpu.memory_space<hbm>>
      %dma_start3A_936 = arith.constant 0 : i32
      %dma_start3A_937 = arith.constant 0 : i32
      %dma_start3A_938 = tpu.memref_slice %arg4[%add3A_910, %dma_start3A_936, %dma_start3A_937] : memref<8192x200x32xf32, #tpu.memory_space<hbm>> -> memref<1x200x32xf32, #tpu.memory_space<hbm>>
      %dma_start3A_939 = tpu.memref_squeeze %dma_start3A_938 : memref<1x200x32xf32, #tpu.memory_space<hbm>> -> memref<200x32xf32, #tpu.memory_space<hbm>>
      %dma_start3A_940 = arith.constant 0 : i32
      %dma_start3A_941 = arith.constant 0 : i32
      %dma_start3A_942 = tpu.memref_slice %arg6[%select_n3A_592, %dma_start3A_940, %dma_start3A_941] : memref<2x1600x32xf32, #tpu.memory_space<vmem>> -> memref<1x1600x32xf32, #tpu.memory_space<vmem>>
      %dma_start3A_943 = tpu.memref_squeeze %dma_start3A_942 : memref<1x1600x32xf32, #tpu.memory_space<vmem>> -> memref<1600x32xf32, #tpu.memory_space<vmem>>
      %dma_start3A_944 = arith.constant 0 : i32
      %dma_start3A_945 = arith.constant 0 : i32
      %dma_start3A_946 = tpu.memref_slice %dma_start3A_943[%dma_start3A_944, %dma_start3A_945] : memref<1600x32xf32, #tpu.memory_space<vmem>> -> memref<200x32xf32, #tpu.memory_space<vmem>>
      tpu.enqueue_dma source(%dma_start3A_946 : memref<200x32xf32, #tpu.memory_space<vmem>>) target(%dma_start3A_939 : memref<200x32xf32, #tpu.memory_space<hbm>>) target_semaphore(%arg9 : memref<!tpu.dma_semaphore, #tpu.memory_space<semaphore_mem>>)
      %dma_start3A_947 = arith.constant 0 : i32
      %dma_start3A_948 = arith.constant 0 : i32
      %dma_start3A_949 = tpu.memref_slice %arg6[%select_n3A_592, %dma_start3A_947, %dma_start3A_948] : memref<2x1600x32xf32, #tpu.memory_space<vmem>> -> memref<1x1600x32xf32, #tpu.memory_space<vmem>>
      %dma_start3A_950 = tpu.memref_squeeze %dma_start3A_949 : memref<1x1600x32xf32, #tpu.memory_space<vmem>> -> memref<1600x32xf32, #tpu.memory_space<vmem>>
      %dma_start3A_951 = arith.constant 200 : i32
      %dma_start3A_952 = arith.constant 0 : i32
      %dma_start3A_953 = tpu.memref_slice %dma_start3A_950[%dma_start3A_951, %dma_start3A_952] : memref<1600x32xf32, #tpu.memory_space<vmem>> -> memref<200x32xf32, #tpu.memory_space<vmem>>
      %dma_start3A_954 = arith.constant 0 : i32
      %dma_start3A_955 = arith.constant 0 : i32
      %dma_start3A_956 = tpu.memref_slice %arg4[%add3A_912, %dma_start3A_954, %dma_start3A_955] : memref<8192x200x32xf32, #tpu.memory_space<hbm>> -> memref<1x200x32xf32, #tpu.memory_space<hbm>>
      %dma_start3A_957 = tpu.memref_squeeze %dma_start3A_956 : memref<1x200x32xf32, #tpu.memory_space<hbm>> -> memref<200x32xf32, #tpu.memory_space<hbm>>
      %dma_start3A_958 = arith.constant 0 : i32
      %dma_start3A_959 = arith.constant 0 : i32
      %dma_start3A_960 = tpu.memref_slice %arg4[%add3A_912, %dma_start3A_958, %dma_start3A_959] : memref<8192x200x32xf32, #tpu.memory_space<hbm>> -> memref<1x200x32xf32, #tpu.memory_space<hbm>>
      %dma_start3A_961 = tpu.memref_squeeze %dma_start3A_960 : memref<1x200x32xf32, #tpu.memory_space<hbm>> -> memref<200x32xf32, #tpu.memory_space<hbm>>
      %dma_start3A_962 = arith.constant 0 : i32
      %dma_start3A_963 = arith.constant 0 : i32
      %dma_start3A_964 = tpu.memref_slice %arg6[%select_n3A_592, %dma_start3A_962, %dma_start3A_963] : memref<2x1600x32xf32, #tpu.memory_space<vmem>> -> memref<1x1600x32xf32, #tpu.memory_space<vmem>>
      %dma_start3A_965 = tpu.memref_squeeze %dma_start3A_964 : memref<1x1600x32xf32, #tpu.memory_space<vmem>> -> memref<1600x32xf32, #tpu.memory_space<vmem>>
      %dma_start3A_966 = arith.constant 200 : i32
      %dma_start3A_967 = arith.constant 0 : i32
      %dma_start3A_968 = tpu.memref_slice %dma_start3A_965[%dma_start3A_966, %dma_start3A_967] : memref<1600x32xf32, #tpu.memory_space<vmem>> -> memref<200x32xf32, #tpu.memory_space<vmem>>
      tpu.enqueue_dma source(%dma_start3A_968 : memref<200x32xf32, #tpu.memory_space<vmem>>) target(%dma_start3A_961 : memref<200x32xf32, #tpu.memory_space<hbm>>) target_semaphore(%arg9 : memref<!tpu.dma_semaphore, #tpu.memory_space<semaphore_mem>>)
      %dma_start3A_969 = arith.constant 0 : i32
      %dma_start3A_970 = arith.constant 0 : i32
      %dma_start3A_971 = tpu.memref_slice %arg6[%select_n3A_592, %dma_start3A_969, %dma_start3A_970] : memref<2x1600x32xf32, #tpu.memory_space<vmem>> -> memref<1x1600x32xf32, #tpu.memory_space<vmem>>
      %dma_start3A_972 = tpu.memref_squeeze %dma_start3A_971 : memref<1x1600x32xf32, #tpu.memory_space<vmem>> -> memref<1600x32xf32, #tpu.memory_space<vmem>>
      %dma_start3A_973 = arith.constant 400 : i32
      %dma_start3A_974 = arith.constant 0 : i32
      %dma_start3A_975 = tpu.memref_slice %dma_start3A_972[%dma_start3A_973, %dma_start3A_974] : memref<1600x32xf32, #tpu.memory_space<vmem>> -> memref<200x32xf32, #tpu.memory_space<vmem>>
      %dma_start3A_976 = arith.constant 0 : i32
      %dma_start3A_977 = arith.constant 0 : i32
      %dma_start3A_978 = tpu.memref_slice %arg4[%add3A_914, %dma_start3A_976, %dma_start3A_977] : memref<8192x200x32xf32, #tpu.memory_space<hbm>> -> memref<1x200x32xf32, #tpu.memory_space<hbm>>
      %dma_start3A_979 = tpu.memref_squeeze %dma_start3A_978 : memref<1x200x32xf32, #tpu.memory_space<hbm>> -> memref<200x32xf32, #tpu.memory_space<hbm>>
      %dma_start3A_980 = arith.constant 0 : i32
      %dma_start3A_981 = arith.constant 0 : i32
      %dma_start3A_982 = tpu.memref_slice %arg4[%add3A_914, %dma_start3A_980, %dma_start3A_981] : memref<8192x200x32xf32, #tpu.memory_space<hbm>> -> memref<1x200x32xf32, #tpu.memory_space<hbm>>
      %dma_start3A_983 = tpu.memref_squeeze %dma_start3A_982 : memref<1x200x32xf32, #tpu.memory_space<hbm>> -> memref<200x32xf32, #tpu.memory_space<hbm>>
      %dma_start3A_984 = arith.constant 0 : i32
      %dma_start3A_985 = arith.constant 0 : i32
      %dma_start3A_986 = tpu.memref_slice %arg6[%select_n3A_592, %dma_start3A_984, %dma_start3A_985] : memref<2x1600x32xf32, #tpu.memory_space<vmem>> -> memref<1x1600x32xf32, #tpu.memory_space<vmem>>
      %dma_start3A_987 = tpu.memref_squeeze %dma_start3A_986 : memref<1x1600x32xf32, #tpu.memory_space<vmem>> -> memref<1600x32xf32, #tpu.memory_space<vmem>>
      %dma_start3A_988 = arith.constant 400 : i32
      %dma_start3A_989 = arith.constant 0 : i32
      %dma_start3A_990 = tpu.memref_slice %dma_start3A_987[%dma_start3A_988, %dma_start3A_989] : memref<1600x32xf32, #tpu.memory_space<vmem>> -> memref<200x32xf32, #tpu.memory_space<vmem>>
      tpu.enqueue_dma source(%dma_start3A_990 : memref<200x32xf32, #tpu.memory_space<vmem>>) target(%dma_start3A_983 : memref<200x32xf32, #tpu.memory_space<hbm>>) target_semaphore(%arg9 : memref<!tpu.dma_semaphore, #tpu.memory_space<semaphore_mem>>)
      %dma_start3A_991 = arith.constant 0 : i32
      %dma_start3A_992 = arith.constant 0 : i32
      %dma_start3A_993 = tpu.memref_slice %arg6[%select_n3A_592, %dma_start3A_991, %dma_start3A_992] : memref<2x1600x32xf32, #tpu.memory_space<vmem>> -> memref<1x1600x32xf32, #tpu.memory_space<vmem>>
      %dma_start3A_994 = tpu.memref_squeeze %dma_start3A_993 : memref<1x1600x32xf32, #tpu.memory_space<vmem>> -> memref<1600x32xf32, #tpu.memory_space<vmem>>
      %dma_start3A_995 = arith.constant 600 : i32
      %dma_start3A_996 = arith.constant 0 : i32
      %dma_start3A_997 = tpu.memref_slice %dma_start3A_994[%dma_start3A_995, %dma_start3A_996] : memref<1600x32xf32, #tpu.memory_space<vmem>> -> memref<200x32xf32, #tpu.memory_space<vmem>>
      %dma_start3A_998 = arith.constant 0 : i32
      %dma_start3A_999 = arith.constant 0 : i32
      %dma_start3A_1000 = tpu.memref_slice %arg4[%add3A_916, %dma_start3A_998, %dma_start3A_999] : memref<8192x200x32xf32, #tpu.memory_space<hbm>> -> memref<1x200x32xf32, #tpu.memory_space<hbm>>
      %dma_start3A_1001 = tpu.memref_squeeze %dma_start3A_1000 : memref<1x200x32xf32, #tpu.memory_space<hbm>> -> memref<200x32xf32, #tpu.memory_space<hbm>>
      %dma_start3A_1002 = arith.constant 0 : i32
      %dma_start3A_1003 = arith.constant 0 : i32
      %dma_start3A_1004 = tpu.memref_slice %arg4[%add3A_916, %dma_start3A_1002, %dma_start3A_1003] : memref<8192x200x32xf32, #tpu.memory_space<hbm>> -> memref<1x200x32xf32, #tpu.memory_space<hbm>>
      %dma_start3A_1005 = tpu.memref_squeeze %dma_start3A_1004 : memref<1x200x32xf32, #tpu.memory_space<hbm>> -> memref<200x32xf32, #tpu.memory_space<hbm>>
      %dma_start3A_1006 = arith.constant 0 : i32
      %dma_start3A_1007 = arith.constant 0 : i32
      %dma_start3A_1008 = tpu.memref_slice %arg6[%select_n3A_592, %dma_start3A_1006, %dma_start3A_1007] : memref<2x1600x32xf32, #tpu.memory_space<vmem>> -> memref<1x1600x32xf32, #tpu.memory_space<vmem>>
      %dma_start3A_1009 = tpu.memref_squeeze %dma_start3A_1008 : memref<1x1600x32xf32, #tpu.memory_space<vmem>> -> memref<1600x32xf32, #tpu.memory_space<vmem>>
      %dma_start3A_1010 = arith.constant 600 : i32
      %dma_start3A_1011 = arith.constant 0 : i32
      %dma_start3A_1012 = tpu.memref_slice %dma_start3A_1009[%dma_start3A_1010, %dma_start3A_1011] : memref<1600x32xf32, #tpu.memory_space<vmem>> -> memref<200x32xf32, #tpu.memory_space<vmem>>
      tpu.enqueue_dma source(%dma_start3A_1012 : memref<200x32xf32, #tpu.memory_space<vmem>>) target(%dma_start3A_1005 : memref<200x32xf32, #tpu.memory_space<hbm>>) target_semaphore(%arg9 : memref<!tpu.dma_semaphore, #tpu.memory_space<semaphore_mem>>)
      %dma_start3A_1013 = arith.constant 0 : i32
      %dma_start3A_1014 = arith.constant 0 : i32
      %dma_start3A_1015 = tpu.memref_slice %arg6[%select_n3A_592, %dma_start3A_1013, %dma_start3A_1014] : memref<2x1600x32xf32, #tpu.memory_space<vmem>> -> memref<1x1600x32xf32, #tpu.memory_space<vmem>>
      %dma_start3A_1016 = tpu.memref_squeeze %dma_start3A_1015 : memref<1x1600x32xf32, #tpu.memory_space<vmem>> -> memref<1600x32xf32, #tpu.memory_space<vmem>>
      %dma_start3A_1017 = arith.constant 800 : i32
      %dma_start3A_1018 = arith.constant 0 : i32
      %dma_start3A_1019 = tpu.memref_slice %dma_start3A_1016[%dma_start3A_1017, %dma_start3A_1018] : memref<1600x32xf32, #tpu.memory_space<vmem>> -> memref<200x32xf32, #tpu.memory_space<vmem>>
      %dma_start3A_1020 = arith.constant 0 : i32
      %dma_start3A_1021 = arith.constant 0 : i32
      %dma_start3A_1022 = tpu.memref_slice %arg4[%add3A_918, %dma_start3A_1020, %dma_start3A_1021] : memref<8192x200x32xf32, #tpu.memory_space<hbm>> -> memref<1x200x32xf32, #tpu.memory_space<hbm>>
      %dma_start3A_1023 = tpu.memref_squeeze %dma_start3A_1022 : memref<1x200x32xf32, #tpu.memory_space<hbm>> -> memref<200x32xf32, #tpu.memory_space<hbm>>
      %dma_start3A_1024 = arith.constant 0 : i32
      %dma_start3A_1025 = arith.constant 0 : i32
      %dma_start3A_1026 = tpu.memref_slice %arg4[%add3A_918, %dma_start3A_1024, %dma_start3A_1025] : memref<8192x200x32xf32, #tpu.memory_space<hbm>> -> memref<1x200x32xf32, #tpu.memory_space<hbm>>
      %dma_start3A_1027 = tpu.memref_squeeze %dma_start3A_1026 : memref<1x200x32xf32, #tpu.memory_space<hbm>> -> memref<200x32xf32, #tpu.memory_space<hbm>>
      %dma_start3A_1028 = arith.constant 0 : i32
      %dma_start3A_1029 = arith.constant 0 : i32
      %dma_start3A_1030 = tpu.memref_slice %arg6[%select_n3A_592, %dma_start3A_1028, %dma_start3A_1029] : memref<2x1600x32xf32, #tpu.memory_space<vmem>> -> memref<1x1600x32xf32, #tpu.memory_space<vmem>>
      %dma_start3A_1031 = tpu.memref_squeeze %dma_start3A_1030 : memref<1x1600x32xf32, #tpu.memory_space<vmem>> -> memref<1600x32xf32, #tpu.memory_space<vmem>>
      %dma_start3A_1032 = arith.constant 800 : i32
      %dma_start3A_1033 = arith.constant 0 : i32
      %dma_start3A_1034 = tpu.memref_slice %dma_start3A_1031[%dma_start3A_1032, %dma_start3A_1033] : memref<1600x32xf32, #tpu.memory_space<vmem>> -> memref<200x32xf32, #tpu.memory_space<vmem>>
      tpu.enqueue_dma source(%dma_start3A_1034 : memref<200x32xf32, #tpu.memory_space<vmem>>) target(%dma_start3A_1027 : memref<200x32xf32, #tpu.memory_space<hbm>>) target_semaphore(%arg9 : memref<!tpu.dma_semaphore, #tpu.memory_space<semaphore_mem>>)
      %dma_start3A_1035 = arith.constant 0 : i32
      %dma_start3A_1036 = arith.constant 0 : i32
      %dma_start3A_1037 = tpu.memref_slice %arg6[%select_n3A_592, %dma_start3A_1035, %dma_start3A_1036] : memref<2x1600x32xf32, #tpu.memory_space<vmem>> -> memref<1x1600x32xf32, #tpu.memory_space<vmem>>
      %dma_start3A_1038 = tpu.memref_squeeze %dma_start3A_1037 : memref<1x1600x32xf32, #tpu.memory_space<vmem>> -> memref<1600x32xf32, #tpu.memory_space<vmem>>
      %dma_start3A_1039 = arith.constant 1000 : i32
      %dma_start3A_1040 = arith.constant 0 : i32
      %dma_start3A_1041 = tpu.memref_slice %dma_start3A_1038[%dma_start3A_1039, %dma_start3A_1040] : memref<1600x32xf32, #tpu.memory_space<vmem>> -> memref<200x32xf32, #tpu.memory_space<vmem>>
      %dma_start3A_1042 = arith.constant 0 : i32
      %dma_start3A_1043 = arith.constant 0 : i32
      %dma_start3A_1044 = tpu.memref_slice %arg4[%add3A_920, %dma_start3A_1042, %dma_start3A_1043] : memref<8192x200x32xf32, #tpu.memory_space<hbm>> -> memref<1x200x32xf32, #tpu.memory_space<hbm>>
      %dma_start3A_1045 = tpu.memref_squeeze %dma_start3A_1044 : memref<1x200x32xf32, #tpu.memory_space<hbm>> -> memref<200x32xf32, #tpu.memory_space<hbm>>
      %dma_start3A_1046 = arith.constant 0 : i32
      %dma_start3A_1047 = arith.constant 0 : i32
      %dma_start3A_1048 = tpu.memref_slice %arg4[%add3A_920, %dma_start3A_1046, %dma_start3A_1047] : memref<8192x200x32xf32, #tpu.memory_space<hbm>> -> memref<1x200x32xf32, #tpu.memory_space<hbm>>
      %dma_start3A_1049 = tpu.memref_squeeze %dma_start3A_1048 : memref<1x200x32xf32, #tpu.memory_space<hbm>> -> memref<200x32xf32, #tpu.memory_space<hbm>>
      %dma_start3A_1050 = arith.constant 0 : i32
      %dma_start3A_1051 = arith.constant 0 : i32
      %dma_start3A_1052 = tpu.memref_slice %arg6[%select_n3A_592, %dma_start3A_1050, %dma_start3A_1051] : memref<2x1600x32xf32, #tpu.memory_space<vmem>> -> memref<1x1600x32xf32, #tpu.memory_space<vmem>>
      %dma_start3A_1053 = tpu.memref_squeeze %dma_start3A_1052 : memref<1x1600x32xf32, #tpu.memory_space<vmem>> -> memref<1600x32xf32, #tpu.memory_space<vmem>>
      %dma_start3A_1054 = arith.constant 1000 : i32
      %dma_start3A_1055 = arith.constant 0 : i32
      %dma_start3A_1056 = tpu.memref_slice %dma_start3A_1053[%dma_start3A_1054, %dma_start3A_1055] : memref<1600x32xf32, #tpu.memory_space<vmem>> -> memref<200x32xf32, #tpu.memory_space<vmem>>
      tpu.enqueue_dma source(%dma_start3A_1056 : memref<200x32xf32, #tpu.memory_space<vmem>>) target(%dma_start3A_1049 : memref<200x32xf32, #tpu.memory_space<hbm>>) target_semaphore(%arg9 : memref<!tpu.dma_semaphore, #tpu.memory_space<semaphore_mem>>)
      %dma_start3A_1057 = arith.constant 0 : i32
      %dma_start3A_1058 = arith.constant 0 : i32
      %dma_start3A_1059 = tpu.memref_slice %arg6[%select_n3A_592, %dma_start3A_1057, %dma_start3A_1058] : memref<2x1600x32xf32, #tpu.memory_space<vmem>> -> memref<1x1600x32xf32, #tpu.memory_space<vmem>>
      %dma_start3A_1060 = tpu.memref_squeeze %dma_start3A_1059 : memref<1x1600x32xf32, #tpu.memory_space<vmem>> -> memref<1600x32xf32, #tpu.memory_space<vmem>>
      %dma_start3A_1061 = arith.constant 1200 : i32
      %dma_start3A_1062 = arith.constant 0 : i32
      %dma_start3A_1063 = tpu.memref_slice %dma_start3A_1060[%dma_start3A_1061, %dma_start3A_1062] : memref<1600x32xf32, #tpu.memory_space<vmem>> -> memref<200x32xf32, #tpu.memory_space<vmem>>
      %dma_start3A_1064 = arith.constant 0 : i32
      %dma_start3A_1065 = arith.constant 0 : i32
      %dma_start3A_1066 = tpu.memref_slice %arg4[%add3A_922, %dma_start3A_1064, %dma_start3A_1065] : memref<8192x200x32xf32, #tpu.memory_space<hbm>> -> memref<1x200x32xf32, #tpu.memory_space<hbm>>
      %dma_start3A_1067 = tpu.memref_squeeze %dma_start3A_1066 : memref<1x200x32xf32, #tpu.memory_space<hbm>> -> memref<200x32xf32, #tpu.memory_space<hbm>>
      %dma_start3A_1068 = arith.constant 0 : i32
      %dma_start3A_1069 = arith.constant 0 : i32
      %dma_start3A_1070 = tpu.memref_slice %arg4[%add3A_922, %dma_start3A_1068, %dma_start3A_1069] : memref<8192x200x32xf32, #tpu.memory_space<hbm>> -> memref<1x200x32xf32, #tpu.memory_space<hbm>>
      %dma_start3A_1071 = tpu.memref_squeeze %dma_start3A_1070 : memref<1x200x32xf32, #tpu.memory_space<hbm>> -> memref<200x32xf32, #tpu.memory_space<hbm>>
      %dma_start3A_1072 = arith.constant 0 : i32
      %dma_start3A_1073 = arith.constant 0 : i32
      %dma_start3A_1074 = tpu.memref_slice %arg6[%select_n3A_592, %dma_start3A_1072, %dma_start3A_1073] : memref<2x1600x32xf32, #tpu.memory_space<vmem>> -> memref<1x1600x32xf32, #tpu.memory_space<vmem>>
      %dma_start3A_1075 = tpu.memref_squeeze %dma_start3A_1074 : memref<1x1600x32xf32, #tpu.memory_space<vmem>> -> memref<1600x32xf32, #tpu.memory_space<vmem>>
      %dma_start3A_1076 = arith.constant 1200 : i32
      %dma_start3A_1077 = arith.constant 0 : i32
      %dma_start3A_1078 = tpu.memref_slice %dma_start3A_1075[%dma_start3A_1076, %dma_start3A_1077] : memref<1600x32xf32, #tpu.memory_space<vmem>> -> memref<200x32xf32, #tpu.memory_space<vmem>>
      tpu.enqueue_dma source(%dma_start3A_1078 : memref<200x32xf32, #tpu.memory_space<vmem>>) target(%dma_start3A_1071 : memref<200x32xf32, #tpu.memory_space<hbm>>) target_semaphore(%arg9 : memref<!tpu.dma_semaphore, #tpu.memory_space<semaphore_mem>>)
      %dma_start3A_1079 = arith.constant 0 : i32
      %dma_start3A_1080 = arith.constant 0 : i32
      %dma_start3A_1081 = tpu.memref_slice %arg6[%select_n3A_592, %dma_start3A_1079, %dma_start3A_1080] : memref<2x1600x32xf32, #tpu.memory_space<vmem>> -> memref<1x1600x32xf32, #tpu.memory_space<vmem>>
      %dma_start3A_1082 = tpu.memref_squeeze %dma_start3A_1081 : memref<1x1600x32xf32, #tpu.memory_space<vmem>> -> memref<1600x32xf32, #tpu.memory_space<vmem>>
      %dma_start3A_1083 = arith.constant 1400 : i32
      %dma_start3A_1084 = arith.constant 0 : i32
      %dma_start3A_1085 = tpu.memref_slice %dma_start3A_1082[%dma_start3A_1083, %dma_start3A_1084] : memref<1600x32xf32, #tpu.memory_space<vmem>> -> memref<200x32xf32, #tpu.memory_space<vmem>>
      %dma_start3A_1086 = arith.constant 0 : i32
      %dma_start3A_1087 = arith.constant 0 : i32
      %dma_start3A_1088 = tpu.memref_slice %arg4[%add3A_924, %dma_start3A_1086, %dma_start3A_1087] : memref<8192x200x32xf32, #tpu.memory_space<hbm>> -> memref<1x200x32xf32, #tpu.memory_space<hbm>>
      %dma_start3A_1089 = tpu.memref_squeeze %dma_start3A_1088 : memref<1x200x32xf32, #tpu.memory_space<hbm>> -> memref<200x32xf32, #tpu.memory_space<hbm>>
      %dma_start3A_1090 = arith.constant 0 : i32
      %dma_start3A_1091 = arith.constant 0 : i32
      %dma_start3A_1092 = tpu.memref_slice %arg4[%add3A_924, %dma_start3A_1090, %dma_start3A_1091] : memref<8192x200x32xf32, #tpu.memory_space<hbm>> -> memref<1x200x32xf32, #tpu.memory_space<hbm>>
      %dma_start3A_1093 = tpu.memref_squeeze %dma_start3A_1092 : memref<1x200x32xf32, #tpu.memory_space<hbm>> -> memref<200x32xf32, #tpu.memory_space<hbm>>
      %dma_start3A_1094 = arith.constant 0 : i32
      %dma_start3A_1095 = arith.constant 0 : i32
      %dma_start3A_1096 = tpu.memref_slice %arg6[%select_n3A_592, %dma_start3A_1094, %dma_start3A_1095] : memref<2x1600x32xf32, #tpu.memory_space<vmem>> -> memref<1x1600x32xf32, #tpu.memory_space<vmem>>
      %dma_start3A_1097 = tpu.memref_squeeze %dma_start3A_1096 : memref<1x1600x32xf32, #tpu.memory_space<vmem>> -> memref<1600x32xf32, #tpu.memory_space<vmem>>
      %dma_start3A_1098 = arith.constant 1400 : i32
      %dma_start3A_1099 = arith.constant 0 : i32
      %dma_start3A_1100 = tpu.memref_slice %dma_start3A_1097[%dma_start3A_1098, %dma_start3A_1099] : memref<1600x32xf32, #tpu.memory_space<vmem>> -> memref<200x32xf32, #tpu.memory_space<vmem>>
      tpu.enqueue_dma source(%dma_start3A_1100 : memref<200x32xf32, #tpu.memory_space<vmem>>) target(%dma_start3A_1093 : memref<200x32xf32, #tpu.memory_space<hbm>>) target_semaphore(%arg9 : memref<!tpu.dma_semaphore, #tpu.memory_space<semaphore_mem>>)
      %lt3A_1101 = arith.constant 30 : i32
      %lt3A_1102 = arith.cmpi slt, %scan3A_583, %lt3A_1101 : i32
      %convert_element_type3A_1103 = arith.extui %lt3A_1102 : i1 to i32
      %cond3A_1104 = arith.constant 0 : i32
      %cond3A_1105 = arith.cmpi ne, %convert_element_type3A_1103, %cond3A_1104 : i32
      scf.if %cond3A_1105 {
        %add3A_1106 = arith.constant 2 : i32
        %add3A_1107 = arith.addi %scan3A_583, %add3A_1106 : i32
        %mul3A_1108 = arith.constant 8 : i32
        %mul3A_1109 = arith.muli %add3A_1107, %mul3A_1108 : i32
        %add3A_1110 = arith.addi %mul3A_2, %mul3A_1109 : i32
        %mul3A_1111 = arith.constant 200 : i32
        %mul3A_1112 = arith.muli %add3A_1110, %mul3A_1111 : i32
        %dma_start3A_1113 = arith.constant 0 : i32
        %dma_start3A_1114 = tpu.memref_slice %arg5[%select_n3A_592, %dma_start3A_1113] : memref<2x1600xi32, #tpu.memory_space<vmem>> -> memref<1x1600xi32, #tpu.memory_space<vmem>>
        %dma_start3A_1115 = tpu.memref_squeeze %dma_start3A_1114 : memref<1x1600xi32, #tpu.memory_space<vmem>> -> memref<1600xi32, #tpu.memory_space<vmem>>
        %dma_start3A_1116 = tpu.memref_slice %arg2[%mul3A_1112] : memref<1638400xi32, #tpu.memory_space<hbm>> -> memref<1600xi32, #tpu.memory_space<hbm>>
        %dma_start3A_1117 = arith.constant 0 : i32
        %dma_start3A_1118 = tpu.memref_slice %arg5[%select_n3A_592, %dma_start3A_1117] : memref<2x1600xi32, #tpu.memory_space<vmem>> -> memref<1x1600xi32, #tpu.memory_space<vmem>>
        %dma_start3A_1119 = tpu.memref_squeeze %dma_start3A_1118 : memref<1x1600xi32, #tpu.memory_space<vmem>> -> memref<1600xi32, #tpu.memory_space<vmem>>
        %dma_start3A_1120 = tpu.memref_slice %arg2[%mul3A_1112] : memref<1638400xi32, #tpu.memory_space<hbm>> -> memref<1600xi32, #tpu.memory_space<hbm>>
        tpu.enqueue_dma source(%dma_start3A_1120 : memref<1600xi32, #tpu.memory_space<hbm>>) target(%dma_start3A_1119 : memref<1600xi32, #tpu.memory_space<vmem>>) target_semaphore(%arg7 : memref<!tpu.dma_semaphore, #tpu.memory_space<semaphore_mem>>)
      } else {
      }
    }
    %scan3A_380 = arith.constant 32 : i32
    %add3A_381 = arith.constant 248 : i32
    %add3A_382 = arith.addi %mul3A_2, %add3A_381 : i32
    %add3A_383 = arith.constant 0 : i32
    %add3A_384 = arith.addi %add3A_382, %add3A_383 : i32
    %add3A_385 = arith.constant 1 : i32
    %add3A_386 = arith.addi %add3A_382, %add3A_385 : i32
    %add3A_387 = arith.constant 2 : i32
    %add3A_388 = arith.addi %add3A_382, %add3A_387 : i32
    %add3A_389 = arith.constant 3 : i32
    %add3A_390 = arith.addi %add3A_382, %add3A_389 : i32
    %add3A_391 = arith.constant 4 : i32
    %add3A_392 = arith.addi %add3A_382, %add3A_391 : i32
    %add3A_393 = arith.constant 5 : i32
    %add3A_394 = arith.addi %add3A_382, %add3A_393 : i32
    %add3A_395 = arith.constant 6 : i32
    %add3A_396 = arith.addi %add3A_382, %add3A_395 : i32
    %add3A_397 = arith.constant 7 : i32
    %add3A_398 = arith.addi %add3A_382, %add3A_397 : i32
    %dma_wait3A_399 = arith.constant 1 : i32
    %dma_wait3A_400 = arith.constant 0 : i32
    %dma_wait3A_401 = arith.constant 0 : i32
    %dma_wait3A_402 = tpu.memref_slice %arg6[%dma_wait3A_399, %dma_wait3A_400, %dma_wait3A_401] : memref<2x1600x32xf32, #tpu.memory_space<vmem>> -> memref<1x1600x32xf32, #tpu.memory_space<vmem>>
    %dma_wait3A_403 = tpu.memref_squeeze %dma_wait3A_402 : memref<1x1600x32xf32, #tpu.memory_space<vmem>> -> memref<1600x32xf32, #tpu.memory_space<vmem>>
    %dma_wait3A_404 = arith.constant 0 : i32
    %dma_wait3A_405 = arith.constant 0 : i32
    %dma_wait3A_406 = tpu.memref_slice %dma_wait3A_403[%dma_wait3A_404, %dma_wait3A_405] : memref<1600x32xf32, #tpu.memory_space<vmem>> -> memref<200x32xf32, #tpu.memory_space<vmem>>
    %dma_wait3A_407 = arith.constant 0 : i32
    %dma_wait3A_408 = arith.constant 0 : i32
    %dma_wait3A_409 = tpu.memref_slice %arg4[%add3A_384, %dma_wait3A_407, %dma_wait3A_408] : memref<8192x200x32xf32, #tpu.memory_space<hbm>> -> memref<1x200x32xf32, #tpu.memory_space<hbm>>
    %dma_wait3A_410 = tpu.memref_squeeze %dma_wait3A_409 : memref<1x200x32xf32, #tpu.memory_space<hbm>> -> memref<200x32xf32, #tpu.memory_space<hbm>>
    %dma_wait3A_411 = arith.constant 0 : i32
    %dma_wait3A_412 = arith.constant 0 : i32
    %dma_wait3A_413 = tpu.memref_slice %arg4[%add3A_384, %dma_wait3A_411, %dma_wait3A_412] : memref<8192x200x32xf32, #tpu.memory_space<hbm>> -> memref<1x200x32xf32, #tpu.memory_space<hbm>>
    %dma_wait3A_414 = tpu.memref_squeeze %dma_wait3A_413 : memref<1x200x32xf32, #tpu.memory_space<hbm>> -> memref<200x32xf32, #tpu.memory_space<hbm>>
    %dma_wait3A_415 = arith.constant 0 : i32
    %dma_wait3A_416 = arith.constant 0 : i32
    %dma_wait3A_417 = tpu.memref_slice %arg6[%dma_wait3A_399, %dma_wait3A_415, %dma_wait3A_416] : memref<2x1600x32xf32, #tpu.memory_space<vmem>> -> memref<1x1600x32xf32, #tpu.memory_space<vmem>>
    %dma_wait3A_418 = tpu.memref_squeeze %dma_wait3A_417 : memref<1x1600x32xf32, #tpu.memory_space<vmem>> -> memref<1600x32xf32, #tpu.memory_space<vmem>>
    %dma_wait3A_419 = arith.constant 0 : i32
    %dma_wait3A_420 = arith.constant 0 : i32
    %dma_wait3A_421 = tpu.memref_slice %dma_wait3A_418[%dma_wait3A_419, %dma_wait3A_420] : memref<1600x32xf32, #tpu.memory_space<vmem>> -> memref<200x32xf32, #tpu.memory_space<vmem>>
    tpu.wait_dma2 semaphore(%arg9 : memref<!tpu.dma_semaphore, #tpu.memory_space<semaphore_mem>>) src(%dma_wait3A_421 : memref<200x32xf32, #tpu.memory_space<vmem>>) dst(%dma_wait3A_414 : memref<200x32xf32, #tpu.memory_space<hbm>>)
    %dma_wait3A_422 = arith.constant 1 : i32
    %dma_wait3A_423 = arith.constant 0 : i32
    %dma_wait3A_424 = arith.constant 0 : i32
    %dma_wait3A_425 = tpu.memref_slice %arg6[%dma_wait3A_422, %dma_wait3A_423, %dma_wait3A_424] : memref<2x1600x32xf32, #tpu.memory_space<vmem>> -> memref<1x1600x32xf32, #tpu.memory_space<vmem>>
    %dma_wait3A_426 = tpu.memref_squeeze %dma_wait3A_425 : memref<1x1600x32xf32, #tpu.memory_space<vmem>> -> memref<1600x32xf32, #tpu.memory_space<vmem>>
    %dma_wait3A_427 = arith.constant 200 : i32
    %dma_wait3A_428 = arith.constant 0 : i32
    %dma_wait3A_429 = tpu.memref_slice %dma_wait3A_426[%dma_wait3A_427, %dma_wait3A_428] : memref<1600x32xf32, #tpu.memory_space<vmem>> -> memref<200x32xf32, #tpu.memory_space<vmem>>
    %dma_wait3A_430 = arith.constant 0 : i32
    %dma_wait3A_431 = arith.constant 0 : i32
    %dma_wait3A_432 = tpu.memref_slice %arg4[%add3A_386, %dma_wait3A_430, %dma_wait3A_431] : memref<8192x200x32xf32, #tpu.memory_space<hbm>> -> memref<1x200x32xf32, #tpu.memory_space<hbm>>
    %dma_wait3A_433 = tpu.memref_squeeze %dma_wait3A_432 : memref<1x200x32xf32, #tpu.memory_space<hbm>> -> memref<200x32xf32, #tpu.memory_space<hbm>>
    %dma_wait3A_434 = arith.constant 0 : i32
    %dma_wait3A_435 = arith.constant 0 : i32
    %dma_wait3A_436 = tpu.memref_slice %arg4[%add3A_386, %dma_wait3A_434, %dma_wait3A_435] : memref<8192x200x32xf32, #tpu.memory_space<hbm>> -> memref<1x200x32xf32, #tpu.memory_space<hbm>>
    %dma_wait3A_437 = tpu.memref_squeeze %dma_wait3A_436 : memref<1x200x32xf32, #tpu.memory_space<hbm>> -> memref<200x32xf32, #tpu.memory_space<hbm>>
    %dma_wait3A_438 = arith.constant 0 : i32
    %dma_wait3A_439 = arith.constant 0 : i32
    %dma_wait3A_440 = tpu.memref_slice %arg6[%dma_wait3A_422, %dma_wait3A_438, %dma_wait3A_439] : memref<2x1600x32xf32, #tpu.memory_space<vmem>> -> memref<1x1600x32xf32, #tpu.memory_space<vmem>>
    %dma_wait3A_441 = tpu.memref_squeeze %dma_wait3A_440 : memref<1x1600x32xf32, #tpu.memory_space<vmem>> -> memref<1600x32xf32, #tpu.memory_space<vmem>>
    %dma_wait3A_442 = arith.constant 200 : i32
    %dma_wait3A_443 = arith.constant 0 : i32
    %dma_wait3A_444 = tpu.memref_slice %dma_wait3A_441[%dma_wait3A_442, %dma_wait3A_443] : memref<1600x32xf32, #tpu.memory_space<vmem>> -> memref<200x32xf32, #tpu.memory_space<vmem>>
    tpu.wait_dma2 semaphore(%arg9 : memref<!tpu.dma_semaphore, #tpu.memory_space<semaphore_mem>>) src(%dma_wait3A_444 : memref<200x32xf32, #tpu.memory_space<vmem>>) dst(%dma_wait3A_437 : memref<200x32xf32, #tpu.memory_space<hbm>>)
    %dma_wait3A_445 = arith.constant 1 : i32
    %dma_wait3A_446 = arith.constant 0 : i32
    %dma_wait3A_447 = arith.constant 0 : i32
    %dma_wait3A_448 = tpu.memref_slice %arg6[%dma_wait3A_445, %dma_wait3A_446, %dma_wait3A_447] : memref<2x1600x32xf32, #tpu.memory_space<vmem>> -> memref<1x1600x32xf32, #tpu.memory_space<vmem>>
    %dma_wait3A_449 = tpu.memref_squeeze %dma_wait3A_448 : memref<1x1600x32xf32, #tpu.memory_space<vmem>> -> memref<1600x32xf32, #tpu.memory_space<vmem>>
    %dma_wait3A_450 = arith.constant 400 : i32
    %dma_wait3A_451 = arith.constant 0 : i32
    %dma_wait3A_452 = tpu.memref_slice %dma_wait3A_449[%dma_wait3A_450, %dma_wait3A_451] : memref<1600x32xf32, #tpu.memory_space<vmem>> -> memref<200x32xf32, #tpu.memory_space<vmem>>
    %dma_wait3A_453 = arith.constant 0 : i32
    %dma_wait3A_454 = arith.constant 0 : i32
    %dma_wait3A_455 = tpu.memref_slice %arg4[%add3A_388, %dma_wait3A_453, %dma_wait3A_454] : memref<8192x200x32xf32, #tpu.memory_space<hbm>> -> memref<1x200x32xf32, #tpu.memory_space<hbm>>
    %dma_wait3A_456 = tpu.memref_squeeze %dma_wait3A_455 : memref<1x200x32xf32, #tpu.memory_space<hbm>> -> memref<200x32xf32, #tpu.memory_space<hbm>>
    %dma_wait3A_457 = arith.constant 0 : i32
    %dma_wait3A_458 = arith.constant 0 : i32
    %dma_wait3A_459 = tpu.memref_slice %arg4[%add3A_388, %dma_wait3A_457, %dma_wait3A_458] : memref<8192x200x32xf32, #tpu.memory_space<hbm>> -> memref<1x200x32xf32, #tpu.memory_space<hbm>>
    %dma_wait3A_460 = tpu.memref_squeeze %dma_wait3A_459 : memref<1x200x32xf32, #tpu.memory_space<hbm>> -> memref<200x32xf32, #tpu.memory_space<hbm>>
    %dma_wait3A_461 = arith.constant 0 : i32
    %dma_wait3A_462 = arith.constant 0 : i32
    %dma_wait3A_463 = tpu.memref_slice %arg6[%dma_wait3A_445, %dma_wait3A_461, %dma_wait3A_462] : memref<2x1600x32xf32, #tpu.memory_space<vmem>> -> memref<1x1600x32xf32, #tpu.memory_space<vmem>>
    %dma_wait3A_464 = tpu.memref_squeeze %dma_wait3A_463 : memref<1x1600x32xf32, #tpu.memory_space<vmem>> -> memref<1600x32xf32, #tpu.memory_space<vmem>>
    %dma_wait3A_465 = arith.constant 400 : i32
    %dma_wait3A_466 = arith.constant 0 : i32
    %dma_wait3A_467 = tpu.memref_slice %dma_wait3A_464[%dma_wait3A_465, %dma_wait3A_466] : memref<1600x32xf32, #tpu.memory_space<vmem>> -> memref<200x32xf32, #tpu.memory_space<vmem>>
    tpu.wait_dma2 semaphore(%arg9 : memref<!tpu.dma_semaphore, #tpu.memory_space<semaphore_mem>>) src(%dma_wait3A_467 : memref<200x32xf32, #tpu.memory_space<vmem>>) dst(%dma_wait3A_460 : memref<200x32xf32, #tpu.memory_space<hbm>>)
    %dma_wait3A_468 = arith.constant 1 : i32
    %dma_wait3A_469 = arith.constant 0 : i32
    %dma_wait3A_470 = arith.constant 0 : i32
    %dma_wait3A_471 = tpu.memref_slice %arg6[%dma_wait3A_468, %dma_wait3A_469, %dma_wait3A_470] : memref<2x1600x32xf32, #tpu.memory_space<vmem>> -> memref<1x1600x32xf32, #tpu.memory_space<vmem>>
    %dma_wait3A_472 = tpu.memref_squeeze %dma_wait3A_471 : memref<1x1600x32xf32, #tpu.memory_space<vmem>> -> memref<1600x32xf32, #tpu.memory_space<vmem>>
    %dma_wait3A_473 = arith.constant 600 : i32
    %dma_wait3A_474 = arith.constant 0 : i32
    %dma_wait3A_475 = tpu.memref_slice %dma_wait3A_472[%dma_wait3A_473, %dma_wait3A_474] : memref<1600x32xf32, #tpu.memory_space<vmem>> -> memref<200x32xf32, #tpu.memory_space<vmem>>
    %dma_wait3A_476 = arith.constant 0 : i32
    %dma_wait3A_477 = arith.constant 0 : i32
    %dma_wait3A_478 = tpu.memref_slice %arg4[%add3A_390, %dma_wait3A_476, %dma_wait3A_477] : memref<8192x200x32xf32, #tpu.memory_space<hbm>> -> memref<1x200x32xf32, #tpu.memory_space<hbm>>
    %dma_wait3A_479 = tpu.memref_squeeze %dma_wait3A_478 : memref<1x200x32xf32, #tpu.memory_space<hbm>> -> memref<200x32xf32, #tpu.memory_space<hbm>>
    %dma_wait3A_480 = arith.constant 0 : i32
    %dma_wait3A_481 = arith.constant 0 : i32
    %dma_wait3A_482 = tpu.memref_slice %arg4[%add3A_390, %dma_wait3A_480, %dma_wait3A_481] : memref<8192x200x32xf32, #tpu.memory_space<hbm>> -> memref<1x200x32xf32, #tpu.memory_space<hbm>>
    %dma_wait3A_483 = tpu.memref_squeeze %dma_wait3A_482 : memref<1x200x32xf32, #tpu.memory_space<hbm>> -> memref<200x32xf32, #tpu.memory_space<hbm>>
    %dma_wait3A_484 = arith.constant 0 : i32
    %dma_wait3A_485 = arith.constant 0 : i32
    %dma_wait3A_486 = tpu.memref_slice %arg6[%dma_wait3A_468, %dma_wait3A_484, %dma_wait3A_485] : memref<2x1600x32xf32, #tpu.memory_space<vmem>> -> memref<1x1600x32xf32, #tpu.memory_space<vmem>>
    %dma_wait3A_487 = tpu.memref_squeeze %dma_wait3A_486 : memref<1x1600x32xf32, #tpu.memory_space<vmem>> -> memref<1600x32xf32, #tpu.memory_space<vmem>>
    %dma_wait3A_488 = arith.constant 600 : i32
    %dma_wait3A_489 = arith.constant 0 : i32
    %dma_wait3A_490 = tpu.memref_slice %dma_wait3A_487[%dma_wait3A_488, %dma_wait3A_489] : memref<1600x32xf32, #tpu.memory_space<vmem>> -> memref<200x32xf32, #tpu.memory_space<vmem>>
    tpu.wait_dma2 semaphore(%arg9 : memref<!tpu.dma_semaphore, #tpu.memory_space<semaphore_mem>>) src(%dma_wait3A_490 : memref<200x32xf32, #tpu.memory_space<vmem>>) dst(%dma_wait3A_483 : memref<200x32xf32, #tpu.memory_space<hbm>>)
    %dma_wait3A_491 = arith.constant 1 : i32
    %dma_wait3A_492 = arith.constant 0 : i32
    %dma_wait3A_493 = arith.constant 0 : i32
    %dma_wait3A_494 = tpu.memref_slice %arg6[%dma_wait3A_491, %dma_wait3A_492, %dma_wait3A_493] : memref<2x1600x32xf32, #tpu.memory_space<vmem>> -> memref<1x1600x32xf32, #tpu.memory_space<vmem>>
    %dma_wait3A_495 = tpu.memref_squeeze %dma_wait3A_494 : memref<1x1600x32xf32, #tpu.memory_space<vmem>> -> memref<1600x32xf32, #tpu.memory_space<vmem>>
    %dma_wait3A_496 = arith.constant 800 : i32
    %dma_wait3A_497 = arith.constant 0 : i32
    %dma_wait3A_498 = tpu.memref_slice %dma_wait3A_495[%dma_wait3A_496, %dma_wait3A_497] : memref<1600x32xf32, #tpu.memory_space<vmem>> -> memref<200x32xf32, #tpu.memory_space<vmem>>
    %dma_wait3A_499 = arith.constant 0 : i32
    %dma_wait3A_500 = arith.constant 0 : i32
    %dma_wait3A_501 = tpu.memref_slice %arg4[%add3A_392, %dma_wait3A_499, %dma_wait3A_500] : memref<8192x200x32xf32, #tpu.memory_space<hbm>> -> memref<1x200x32xf32, #tpu.memory_space<hbm>>
    %dma_wait3A_502 = tpu.memref_squeeze %dma_wait3A_501 : memref<1x200x32xf32, #tpu.memory_space<hbm>> -> memref<200x32xf32, #tpu.memory_space<hbm>>
    %dma_wait3A_503 = arith.constant 0 : i32
    %dma_wait3A_504 = arith.constant 0 : i32
    %dma_wait3A_505 = tpu.memref_slice %arg4[%add3A_392, %dma_wait3A_503, %dma_wait3A_504] : memref<8192x200x32xf32, #tpu.memory_space<hbm>> -> memref<1x200x32xf32, #tpu.memory_space<hbm>>
    %dma_wait3A_506 = tpu.memref_squeeze %dma_wait3A_505 : memref<1x200x32xf32, #tpu.memory_space<hbm>> -> memref<200x32xf32, #tpu.memory_space<hbm>>
    %dma_wait3A_507 = arith.constant 0 : i32
    %dma_wait3A_508 = arith.constant 0 : i32
    %dma_wait3A_509 = tpu.memref_slice %arg6[%dma_wait3A_491, %dma_wait3A_507, %dma_wait3A_508] : memref<2x1600x32xf32, #tpu.memory_space<vmem>> -> memref<1x1600x32xf32, #tpu.memory_space<vmem>>
    %dma_wait3A_510 = tpu.memref_squeeze %dma_wait3A_509 : memref<1x1600x32xf32, #tpu.memory_space<vmem>> -> memref<1600x32xf32, #tpu.memory_space<vmem>>
    %dma_wait3A_511 = arith.constant 800 : i32
    %dma_wait3A_512 = arith.constant 0 : i32
    %dma_wait3A_513 = tpu.memref_slice %dma_wait3A_510[%dma_wait3A_511, %dma_wait3A_512] : memref<1600x32xf32, #tpu.memory_space<vmem>> -> memref<200x32xf32, #tpu.memory_space<vmem>>
    tpu.wait_dma2 semaphore(%arg9 : memref<!tpu.dma_semaphore, #tpu.memory_space<semaphore_mem>>) src(%dma_wait3A_513 : memref<200x32xf32, #tpu.memory_space<vmem>>) dst(%dma_wait3A_506 : memref<200x32xf32, #tpu.memory_space<hbm>>)
    %dma_wait3A_514 = arith.constant 1 : i32
    %dma_wait3A_515 = arith.constant 0 : i32
    %dma_wait3A_516 = arith.constant 0 : i32
    %dma_wait3A_517 = tpu.memref_slice %arg6[%dma_wait3A_514, %dma_wait3A_515, %dma_wait3A_516] : memref<2x1600x32xf32, #tpu.memory_space<vmem>> -> memref<1x1600x32xf32, #tpu.memory_space<vmem>>
    %dma_wait3A_518 = tpu.memref_squeeze %dma_wait3A_517 : memref<1x1600x32xf32, #tpu.memory_space<vmem>> -> memref<1600x32xf32, #tpu.memory_space<vmem>>
    %dma_wait3A_519 = arith.constant 1000 : i32
    %dma_wait3A_520 = arith.constant 0 : i32
    %dma_wait3A_521 = tpu.memref_slice %dma_wait3A_518[%dma_wait3A_519, %dma_wait3A_520] : memref<1600x32xf32, #tpu.memory_space<vmem>> -> memref<200x32xf32, #tpu.memory_space<vmem>>
    %dma_wait3A_522 = arith.constant 0 : i32
    %dma_wait3A_523 = arith.constant 0 : i32
    %dma_wait3A_524 = tpu.memref_slice %arg4[%add3A_394, %dma_wait3A_522, %dma_wait3A_523] : memref<8192x200x32xf32, #tpu.memory_space<hbm>> -> memref<1x200x32xf32, #tpu.memory_space<hbm>>
    %dma_wait3A_525 = tpu.memref_squeeze %dma_wait3A_524 : memref<1x200x32xf32, #tpu.memory_space<hbm>> -> memref<200x32xf32, #tpu.memory_space<hbm>>
    %dma_wait3A_526 = arith.constant 0 : i32
    %dma_wait3A_527 = arith.constant 0 : i32
    %dma_wait3A_528 = tpu.memref_slice %arg4[%add3A_394, %dma_wait3A_526, %dma_wait3A_527] : memref<8192x200x32xf32, #tpu.memory_space<hbm>> -> memref<1x200x32xf32, #tpu.memory_space<hbm>>
    %dma_wait3A_529 = tpu.memref_squeeze %dma_wait3A_528 : memref<1x200x32xf32, #tpu.memory_space<hbm>> -> memref<200x32xf32, #tpu.memory_space<hbm>>
    %dma_wait3A_530 = arith.constant 0 : i32
    %dma_wait3A_531 = arith.constant 0 : i32
    %dma_wait3A_532 = tpu.memref_slice %arg6[%dma_wait3A_514, %dma_wait3A_530, %dma_wait3A_531] : memref<2x1600x32xf32, #tpu.memory_space<vmem>> -> memref<1x1600x32xf32, #tpu.memory_space<vmem>>
    %dma_wait3A_533 = tpu.memref_squeeze %dma_wait3A_532 : memref<1x1600x32xf32, #tpu.memory_space<vmem>> -> memref<1600x32xf32, #tpu.memory_space<vmem>>
    %dma_wait3A_534 = arith.constant 1000 : i32
    %dma_wait3A_535 = arith.constant 0 : i32
    %dma_wait3A_536 = tpu.memref_slice %dma_wait3A_533[%dma_wait3A_534, %dma_wait3A_535] : memref<1600x32xf32, #tpu.memory_space<vmem>> -> memref<200x32xf32, #tpu.memory_space<vmem>>
    tpu.wait_dma2 semaphore(%arg9 : memref<!tpu.dma_semaphore, #tpu.memory_space<semaphore_mem>>) src(%dma_wait3A_536 : memref<200x32xf32, #tpu.memory_space<vmem>>) dst(%dma_wait3A_529 : memref<200x32xf32, #tpu.memory_space<hbm>>)
    %dma_wait3A_537 = arith.constant 1 : i32
    %dma_wait3A_538 = arith.constant 0 : i32
    %dma_wait3A_539 = arith.constant 0 : i32
    %dma_wait3A_540 = tpu.memref_slice %arg6[%dma_wait3A_537, %dma_wait3A_538, %dma_wait3A_539] : memref<2x1600x32xf32, #tpu.memory_space<vmem>> -> memref<1x1600x32xf32, #tpu.memory_space<vmem>>
    %dma_wait3A_541 = tpu.memref_squeeze %dma_wait3A_540 : memref<1x1600x32xf32, #tpu.memory_space<vmem>> -> memref<1600x32xf32, #tpu.memory_space<vmem>>
    %dma_wait3A_542 = arith.constant 1200 : i32
    %dma_wait3A_543 = arith.constant 0 : i32
    %dma_wait3A_544 = tpu.memref_slice %dma_wait3A_541[%dma_wait3A_542, %dma_wait3A_543] : memref<1600x32xf32, #tpu.memory_space<vmem>> -> memref<200x32xf32, #tpu.memory_space<vmem>>
    %dma_wait3A_545 = arith.constant 0 : i32
    %dma_wait3A_546 = arith.constant 0 : i32
    %dma_wait3A_547 = tpu.memref_slice %arg4[%add3A_396, %dma_wait3A_545, %dma_wait3A_546] : memref<8192x200x32xf32, #tpu.memory_space<hbm>> -> memref<1x200x32xf32, #tpu.memory_space<hbm>>
    %dma_wait3A_548 = tpu.memref_squeeze %dma_wait3A_547 : memref<1x200x32xf32, #tpu.memory_space<hbm>> -> memref<200x32xf32, #tpu.memory_space<hbm>>
    %dma_wait3A_549 = arith.constant 0 : i32
    %dma_wait3A_550 = arith.constant 0 : i32
    %dma_wait3A_551 = tpu.memref_slice %arg4[%add3A_396, %dma_wait3A_549, %dma_wait3A_550] : memref<8192x200x32xf32, #tpu.memory_space<hbm>> -> memref<1x200x32xf32, #tpu.memory_space<hbm>>
    %dma_wait3A_552 = tpu.memref_squeeze %dma_wait3A_551 : memref<1x200x32xf32, #tpu.memory_space<hbm>> -> memref<200x32xf32, #tpu.memory_space<hbm>>
    %dma_wait3A_553 = arith.constant 0 : i32
    %dma_wait3A_554 = arith.constant 0 : i32
    %dma_wait3A_555 = tpu.memref_slice %arg6[%dma_wait3A_537, %dma_wait3A_553, %dma_wait3A_554] : memref<2x1600x32xf32, #tpu.memory_space<vmem>> -> memref<1x1600x32xf32, #tpu.memory_space<vmem>>
    %dma_wait3A_556 = tpu.memref_squeeze %dma_wait3A_555 : memref<1x1600x32xf32, #tpu.memory_space<vmem>> -> memref<1600x32xf32, #tpu.memory_space<vmem>>
    %dma_wait3A_557 = arith.constant 1200 : i32
    %dma_wait3A_558 = arith.constant 0 : i32
    %dma_wait3A_559 = tpu.memref_slice %dma_wait3A_556[%dma_wait3A_557, %dma_wait3A_558] : memref<1600x32xf32, #tpu.memory_space<vmem>> -> memref<200x32xf32, #tpu.memory_space<vmem>>
    tpu.wait_dma2 semaphore(%arg9 : memref<!tpu.dma_semaphore, #tpu.memory_space<semaphore_mem>>) src(%dma_wait3A_559 : memref<200x32xf32, #tpu.memory_space<vmem>>) dst(%dma_wait3A_552 : memref<200x32xf32, #tpu.memory_space<hbm>>)
    %dma_wait3A_560 = arith.constant 1 : i32
    %dma_wait3A_561 = arith.constant 0 : i32
    %dma_wait3A_562 = arith.constant 0 : i32
    %dma_wait3A_563 = tpu.memref_slice %arg6[%dma_wait3A_560, %dma_wait3A_561, %dma_wait3A_562] : memref<2x1600x32xf32, #tpu.memory_space<vmem>> -> memref<1x1600x32xf32, #tpu.memory_space<vmem>>
    %dma_wait3A_564 = tpu.memref_squeeze %dma_wait3A_563 : memref<1x1600x32xf32, #tpu.memory_space<vmem>> -> memref<1600x32xf32, #tpu.memory_space<vmem>>
    %dma_wait3A_565 = arith.constant 1400 : i32
    %dma_wait3A_566 = arith.constant 0 : i32
    %dma_wait3A_567 = tpu.memref_slice %dma_wait3A_564[%dma_wait3A_565, %dma_wait3A_566] : memref<1600x32xf32, #tpu.memory_space<vmem>> -> memref<200x32xf32, #tpu.memory_space<vmem>>
    %dma_wait3A_568 = arith.constant 0 : i32
    %dma_wait3A_569 = arith.constant 0 : i32
    %dma_wait3A_570 = tpu.memref_slice %arg4[%add3A_398, %dma_wait3A_568, %dma_wait3A_569] : memref<8192x200x32xf32, #tpu.memory_space<hbm>> -> memref<1x200x32xf32, #tpu.memory_space<hbm>>
    %dma_wait3A_571 = tpu.memref_squeeze %dma_wait3A_570 : memref<1x200x32xf32, #tpu.memory_space<hbm>> -> memref<200x32xf32, #tpu.memory_space<hbm>>
    %dma_wait3A_572 = arith.constant 0 : i32
    %dma_wait3A_573 = arith.constant 0 : i32
    %dma_wait3A_574 = tpu.memref_slice %arg4[%add3A_398, %dma_wait3A_572, %dma_wait3A_573] : memref<8192x200x32xf32, #tpu.memory_space<hbm>> -> memref<1x200x32xf32, #tpu.memory_space<hbm>>
    %dma_wait3A_575 = tpu.memref_squeeze %dma_wait3A_574 : memref<1x200x32xf32, #tpu.memory_space<hbm>> -> memref<200x32xf32, #tpu.memory_space<hbm>>
    %dma_wait3A_576 = arith.constant 0 : i32
    %dma_wait3A_577 = arith.constant 0 : i32
    %dma_wait3A_578 = tpu.memref_slice %arg6[%dma_wait3A_560, %dma_wait3A_576, %dma_wait3A_577] : memref<2x1600x32xf32, #tpu.memory_space<vmem>> -> memref<1x1600x32xf32, #tpu.memory_space<vmem>>
    %dma_wait3A_579 = tpu.memref_squeeze %dma_wait3A_578 : memref<1x1600x32xf32, #tpu.memory_space<vmem>> -> memref<1600x32xf32, #tpu.memory_space<vmem>>
    %dma_wait3A_580 = arith.constant 1400 : i32
    %dma_wait3A_581 = arith.constant 0 : i32
    %dma_wait3A_582 = tpu.memref_slice %dma_wait3A_579[%dma_wait3A_580, %dma_wait3A_581] : memref<1600x32xf32, #tpu.memory_space<vmem>> -> memref<200x32xf32, #tpu.memory_space<vmem>>
    tpu.wait_dma2 semaphore(%arg9 : memref<!tpu.dma_semaphore, #tpu.memory_space<semaphore_mem>>) src(%dma_wait3A_582 : memref<200x32xf32, #tpu.memory_space<vmem>>) dst(%dma_wait3A_575 : memref<200x32xf32, #tpu.memory_space<hbm>>)
    return
  }
}

#map = affine_map<(d0, d1) -> (0)>
#map1 = affine_map<(d0, d1) -> (0, 0)>
#map2 = affine_map<(d0, d1) -> (0, 0, 0)>
module attributes {stable_mosaic.version = 14 : i64} {
  func.func @lookup(%arg0: i32, %arg1: i32, %arg2: memref<1638400xi32, #tpu.memory_space<hbm>>, %arg3: memref<1000000x32xf32, #tpu.memory_space<hbm>>, %arg4: memref<8192x200x32xf32, #tpu.memory_space<hbm>>, %arg5: memref<2x1600xi32, #tpu.memory_space<vmem>>, %arg6: memref<2x1600x32xf32, #tpu.memory_space<vmem>>, %arg7: memref<!tpu.dma_semaphore, #tpu.memory_space<semaphore_mem>>, %arg8: memref<!tpu.dma_semaphore, #tpu.memory_space<semaphore_mem>>, %arg9: memref<!tpu.dma_semaphore, #tpu.memory_space<semaphore_mem>>) attributes {dimension_semantics = [#tpu.dimension_semantics<core_parallel>, #tpu.dimension_semantics<subcore_parallel>], iteration_bounds = array<i64: 2, 16>, scalar_prefetch = 0 : i64, scratch_operands = 5 : i64, tpu.core_type = #tpu.core_type<sc_vector_subcore>, window_params = [{transform_indices = #map}, {transform_indices = #map1}, {transform_indices = #map2}]} {
    %mul3A = arith.constant 2 : i32
    %mul3A_0 = arith.muli %arg1, %mul3A : i32
    %add3A = arith.addi %mul3A_0, %arg0 : i32
    %mul3A_1 = arith.constant 256 : i32
    %mul3A_2 = arith.muli %add3A, %mul3A_1 : i32
    %add3A_3 = arith.constant 0 : i32
    %add3A_4 = arith.addi %mul3A_2, %add3A_3 : i32
    %mul3A_5 = arith.constant 200 : i32
    %mul3A_6 = arith.muli %add3A_4, %mul3A_5 : i32
    %dma_start3A = arith.constant 0 : i32
    %dma_start3A_7 = arith.constant 0 : i32
    %dma_start3A_8 = tpu.memref_slice %arg5[%dma_start3A, %dma_start3A_7] : memref<2x1600xi32, #tpu.memory_space<vmem>> -> memref<1x1600xi32, #tpu.memory_space<vmem>>
    %dma_start3A_9 = tpu.memref_squeeze %dma_start3A_8 : memref<1x1600xi32, #tpu.memory_space<vmem>> -> memref<1600xi32, #tpu.memory_space<vmem>>
    %dma_start3A_10 = tpu.memref_slice %arg2[%mul3A_6] : memref<1638400xi32, #tpu.memory_space<hbm>> -> memref<1600xi32, #tpu.memory_space<hbm>>
    %dma_start3A_11 = arith.constant 0 : i32
    %dma_start3A_12 = tpu.memref_slice %arg5[%dma_start3A, %dma_start3A_11] : memref<2x1600xi32, #tpu.memory_space<vmem>> -> memref<1x1600xi32, #tpu.memory_space<vmem>>
    %dma_start3A_13 = tpu.memref_squeeze %dma_start3A_12 : memref<1x1600xi32, #tpu.memory_space<vmem>> -> memref<1600xi32, #tpu.memory_space<vmem>>
    %dma_start3A_14 = tpu.memref_slice %arg2[%mul3A_6] : memref<1638400xi32, #tpu.memory_space<hbm>> -> memref<1600xi32, #tpu.memory_space<hbm>>
    tpu.enqueue_dma source(%dma_start3A_14 : memref<1600xi32, #tpu.memory_space<hbm>>) target(%dma_start3A_13 : memref<1600xi32, #tpu.memory_space<vmem>>) target_semaphore(%arg7 : memref<!tpu.dma_semaphore, #tpu.memory_space<semaphore_mem>>)
    %dma_wait3A = arith.constant 0 : i32
    %dma_wait3A_15 = arith.constant 0 : i32
    %dma_wait3A_16 = tpu.memref_slice %arg5[%dma_wait3A, %dma_wait3A_15] : memref<2x1600xi32, #tpu.memory_space<vmem>> -> memref<1x1600xi32, #tpu.memory_space<vmem>>
    %dma_wait3A_17 = tpu.memref_squeeze %dma_wait3A_16 : memref<1x1600xi32, #tpu.memory_space<vmem>> -> memref<1600xi32, #tpu.memory_space<vmem>>
    %dma_wait3A_18 = tpu.memref_slice %arg2[%mul3A_6] : memref<1638400xi32, #tpu.memory_space<hbm>> -> memref<1600xi32, #tpu.memory_space<hbm>>
    %dma_wait3A_19 = arith.constant 0 : i32
    %dma_wait3A_20 = tpu.memref_slice %arg5[%dma_wait3A, %dma_wait3A_19] : memref<2x1600xi32, #tpu.memory_space<vmem>> -> memref<1x1600xi32, #tpu.memory_space<vmem>>
    %dma_wait3A_21 = tpu.memref_squeeze %dma_wait3A_20 : memref<1x1600xi32, #tpu.memory_space<vmem>> -> memref<1600xi32, #tpu.memory_space<vmem>>
    %dma_wait3A_22 = tpu.memref_slice %arg2[%mul3A_6] : memref<1638400xi32, #tpu.memory_space<hbm>> -> memref<1600xi32, #tpu.memory_space<hbm>>
    tpu.wait_dma2 semaphore(%arg7 : memref<!tpu.dma_semaphore, #tpu.memory_space<semaphore_mem>>) src(%dma_wait3A_22 : memref<1600xi32, #tpu.memory_space<hbm>>) dst(%dma_wait3A_21 : memref<1600xi32, #tpu.memory_space<vmem>>)
    %dma_start3A_23 = arith.constant 0 : i32
    %dma_start3A_24 = arith.constant 0 : i32
    %dma_start3A_25 = arith.constant 0 : i32
    %dma_start3A_26 = arith.constant 0 : i32
    %dma_start3A_27 = tpu.memref_slice %arg6[%dma_start3A_24, %dma_start3A_25, %dma_start3A_26] : memref<2x1600x32xf32, #tpu.memory_space<vmem>> -> memref<1x1600x32xf32, #tpu.memory_space<vmem>>
    %dma_start3A_28 = tpu.memref_squeeze %dma_start3A_27 : memref<1x1600x32xf32, #tpu.memory_space<vmem>> -> memref<1600x32xf32, #tpu.memory_space<vmem>>
    %dma_start3A_29 = arith.constant 0 : i32
    %dma_start3A_30 = arith.constant 0 : i32
    %dma_start3A_31 = tpu.memref_slice %dma_start3A_28[%dma_start3A_29, %dma_start3A_30] : memref<1600x32xf32, #tpu.memory_space<vmem>> -> memref<80x32xf32, #tpu.memory_space<vmem>>
    %dma_start3A_32 = arith.constant 0 : i32
    %dma_start3A_33 = tpu.memref_slice %arg5[%dma_start3A_23, %dma_start3A_32] : memref<2x1600xi32, #tpu.memory_space<vmem>> -> memref<1x1600xi32, #tpu.memory_space<vmem>>
    %dma_start3A_34 = tpu.memref_squeeze %dma_start3A_33 : memref<1x1600xi32, #tpu.memory_space<vmem>> -> memref<1600xi32, #tpu.memory_space<vmem>>
    %dma_start3A_35 = arith.constant 0 : i32
    %dma_start3A_36 = tpu.memref_slice %dma_start3A_34[%dma_start3A_35] : memref<1600xi32, #tpu.memory_space<vmem>> -> memref<80xi32, #tpu.memory_space<vmem>>
    %dma_start3A_37 = arith.constant 0 : i32
    %dma_start3A_38 = arith.constant 0 : i32
    %dma_start3A_39 = tpu.memref_slice %arg3[%dma_start3A_37, %dma_start3A_38] : memref<1000000x32xf32, #tpu.memory_space<hbm>> -> memref<1000000x32xf32, #tpu.memory_space<hbm>>
    tpu.enqueue_indirect_dma source(%dma_start3A_39 : memref<1000000x32xf32, #tpu.memory_space<hbm>>) target(%dma_start3A_31 : memref<80x32xf32, #tpu.memory_space<vmem>>) offsets(%dma_start3A_36 : memref<80xi32, #tpu.memory_space<vmem>>) semaphore(%arg8 : memref<!tpu.dma_semaphore, #tpu.memory_space<semaphore_mem>>)
    %dma_start3A_40 = arith.constant 0 : i32
    %dma_start3A_41 = arith.constant 0 : i32
    %dma_start3A_42 = arith.constant 0 : i32
    %dma_start3A_43 = arith.constant 0 : i32
    %dma_start3A_44 = tpu.memref_slice %arg6[%dma_start3A_41, %dma_start3A_42, %dma_start3A_43] : memref<2x1600x32xf32, #tpu.memory_space<vmem>> -> memref<1x1600x32xf32, #tpu.memory_space<vmem>>
    %dma_start3A_45 = tpu.memref_squeeze %dma_start3A_44 : memref<1x1600x32xf32, #tpu.memory_space<vmem>> -> memref<1600x32xf32, #tpu.memory_space<vmem>>
    %dma_start3A_46 = arith.constant 80 : i32
    %dma_start3A_47 = arith.constant 0 : i32
    %dma_start3A_48 = tpu.memref_slice %dma_start3A_45[%dma_start3A_46, %dma_start3A_47] : memref<1600x32xf32, #tpu.memory_space<vmem>> -> memref<80x32xf32, #tpu.memory_space<vmem>>
    %dma_start3A_49 = arith.constant 0 : i32
    %dma_start3A_50 = tpu.memref_slice %arg5[%dma_start3A_40, %dma_start3A_49] : memref<2x1600xi32, #tpu.memory_space<vmem>> -> memref<1x1600xi32, #tpu.memory_space<vmem>>
    %dma_start3A_51 = tpu.memref_squeeze %dma_start3A_50 : memref<1x1600xi32, #tpu.memory_space<vmem>> -> memref<1600xi32, #tpu.memory_space<vmem>>
    %dma_start3A_52 = arith.constant 80 : i32
    %dma_start3A_53 = tpu.memref_slice %dma_start3A_51[%dma_start3A_52] : memref<1600xi32, #tpu.memory_space<vmem>> -> memref<80xi32, #tpu.memory_space<vmem>>
    %dma_start3A_54 = arith.constant 0 : i32
    %dma_start3A_55 = arith.constant 0 : i32
    %dma_start3A_56 = tpu.memref_slice %arg3[%dma_start3A_54, %dma_start3A_55] : memref<1000000x32xf32, #tpu.memory_space<hbm>> -> memref<1000000x32xf32, #tpu.memory_space<hbm>>
    tpu.enqueue_indirect_dma source(%dma_start3A_56 : memref<1000000x32xf32, #tpu.memory_space<hbm>>) target(%dma_start3A_48 : memref<80x32xf32, #tpu.memory_space<vmem>>) offsets(%dma_start3A_53 : memref<80xi32, #tpu.memory_space<vmem>>) semaphore(%arg8 : memref<!tpu.dma_semaphore, #tpu.memory_space<semaphore_mem>>)
    %dma_start3A_57 = arith.constant 0 : i32
    %dma_start3A_58 = arith.constant 0 : i32
    %dma_start3A_59 = arith.constant 0 : i32
    %dma_start3A_60 = arith.constant 0 : i32
    %dma_start3A_61 = tpu.memref_slice %arg6[%dma_start3A_58, %dma_start3A_59, %dma_start3A_60] : memref<2x1600x32xf32, #tpu.memory_space<vmem>> -> memref<1x1600x32xf32, #tpu.memory_space<vmem>>
    %dma_start3A_62 = tpu.memref_squeeze %dma_start3A_61 : memref<1x1600x32xf32, #tpu.memory_space<vmem>> -> memref<1600x32xf32, #tpu.memory_space<vmem>>
    %dma_start3A_63 = arith.constant 160 : i32
    %dma_start3A_64 = arith.constant 0 : i32
    %dma_start3A_65 = tpu.memref_slice %dma_start3A_62[%dma_start3A_63, %dma_start3A_64] : memref<1600x32xf32, #tpu.memory_space<vmem>> -> memref<80x32xf32, #tpu.memory_space<vmem>>
    %dma_start3A_66 = arith.constant 0 : i32
    %dma_start3A_67 = tpu.memref_slice %arg5[%dma_start3A_57, %dma_start3A_66] : memref<2x1600xi32, #tpu.memory_space<vmem>> -> memref<1x1600xi32, #tpu.memory_space<vmem>>
    %dma_start3A_68 = tpu.memref_squeeze %dma_start3A_67 : memref<1x1600xi32, #tpu.memory_space<vmem>> -> memref<1600xi32, #tpu.memory_space<vmem>>
    %dma_start3A_69 = arith.constant 160 : i32
    %dma_start3A_70 = tpu.memref_slice %dma_start3A_68[%dma_start3A_69] : memref<1600xi32, #tpu.memory_space<vmem>> -> memref<80xi32, #tpu.memory_space<vmem>>
    %dma_start3A_71 = arith.constant 0 : i32
    %dma_start3A_72 = arith.constant 0 : i32
    %dma_start3A_73 = tpu.memref_slice %arg3[%dma_start3A_71, %dma_start3A_72] : memref<1000000x32xf32, #tpu.memory_space<hbm>> -> memref<1000000x32xf32, #tpu.memory_space<hbm>>
    tpu.enqueue_indirect_dma source(%dma_start3A_73 : memref<1000000x32xf32, #tpu.memory_space<hbm>>) target(%dma_start3A_65 : memref<80x32xf32, #tpu.memory_space<vmem>>) offsets(%dma_start3A_70 : memref<80xi32, #tpu.memory_space<vmem>>) semaphore(%arg8 : memref<!tpu.dma_semaphore, #tpu.memory_space<semaphore_mem>>)
    %dma_start3A_74 = arith.constant 0 : i32
    %dma_start3A_75 = arith.constant 0 : i32
    %dma_start3A_76 = arith.constant 0 : i32
    %dma_start3A_77 = arith.constant 0 : i32
    %dma_start3A_78 = tpu.memref_slice %arg6[%dma_start3A_75, %dma_start3A_76, %dma_start3A_77] : memref<2x1600x32xf32, #tpu.memory_space<vmem>> -> memref<1x1600x32xf32, #tpu.memory_space<vmem>>
    %dma_start3A_79 = tpu.memref_squeeze %dma_start3A_78 : memref<1x1600x32xf32, #tpu.memory_space<vmem>> -> memref<1600x32xf32, #tpu.memory_space<vmem>>
    %dma_start3A_80 = arith.constant 240 : i32
    %dma_start3A_81 = arith.constant 0 : i32
    %dma_start3A_82 = tpu.memref_slice %dma_start3A_79[%dma_start3A_80, %dma_start3A_81] : memref<1600x32xf32, #tpu.memory_space<vmem>> -> memref<80x32xf32, #tpu.memory_space<vmem>>
    %dma_start3A_83 = arith.constant 0 : i32
    %dma_start3A_84 = tpu.memref_slice %arg5[%dma_start3A_74, %dma_start3A_83] : memref<2x1600xi32, #tpu.memory_space<vmem>> -> memref<1x1600xi32, #tpu.memory_space<vmem>>
    %dma_start3A_85 = tpu.memref_squeeze %dma_start3A_84 : memref<1x1600xi32, #tpu.memory_space<vmem>> -> memref<1600xi32, #tpu.memory_space<vmem>>
    %dma_start3A_86 = arith.constant 240 : i32
    %dma_start3A_87 = tpu.memref_slice %dma_start3A_85[%dma_start3A_86] : memref<1600xi32, #tpu.memory_space<vmem>> -> memref<80xi32, #tpu.memory_space<vmem>>
    %dma_start3A_88 = arith.constant 0 : i32
    %dma_start3A_89 = arith.constant 0 : i32
    %dma_start3A_90 = tpu.memref_slice %arg3[%dma_start3A_88, %dma_start3A_89] : memref<1000000x32xf32, #tpu.memory_space<hbm>> -> memref<1000000x32xf32, #tpu.memory_space<hbm>>
    tpu.enqueue_indirect_dma source(%dma_start3A_90 : memref<1000000x32xf32, #tpu.memory_space<hbm>>) target(%dma_start3A_82 : memref<80x32xf32, #tpu.memory_space<vmem>>) offsets(%dma_start3A_87 : memref<80xi32, #tpu.memory_space<vmem>>) semaphore(%arg8 : memref<!tpu.dma_semaphore, #tpu.memory_space<semaphore_mem>>)
    %dma_start3A_91 = arith.constant 0 : i32
    %dma_start3A_92 = arith.constant 0 : i32
    %dma_start3A_93 = arith.constant 0 : i32
    %dma_start3A_94 = arith.constant 0 : i32
    %dma_start3A_95 = tpu.memref_slice %arg6[%dma_start3A_92, %dma_start3A_93, %dma_start3A_94] : memref<2x1600x32xf32, #tpu.memory_space<vmem>> -> memref<1x1600x32xf32, #tpu.memory_space<vmem>>
    %dma_start3A_96 = tpu.memref_squeeze %dma_start3A_95 : memref<1x1600x32xf32, #tpu.memory_space<vmem>> -> memref<1600x32xf32, #tpu.memory_space<vmem>>
    %dma_start3A_97 = arith.constant 320 : i32
    %dma_start3A_98 = arith.constant 0 : i32
    %dma_start3A_99 = tpu.memref_slice %dma_start3A_96[%dma_start3A_97, %dma_start3A_98] : memref<1600x32xf32, #tpu.memory_space<vmem>> -> memref<80x32xf32, #tpu.memory_space<vmem>>
    %dma_start3A_100 = arith.constant 0 : i32
    %dma_start3A_101 = tpu.memref_slice %arg5[%dma_start3A_91, %dma_start3A_100] : memref<2x1600xi32, #tpu.memory_space<vmem>> -> memref<1x1600xi32, #tpu.memory_space<vmem>>
    %dma_start3A_102 = tpu.memref_squeeze %dma_start3A_101 : memref<1x1600xi32, #tpu.memory_space<vmem>> -> memref<1600xi32, #tpu.memory_space<vmem>>
    %dma_start3A_103 = arith.constant 320 : i32
    %dma_start3A_104 = tpu.memref_slice %dma_start3A_102[%dma_start3A_103] : memref<1600xi32, #tpu.memory_space<vmem>> -> memref<80xi32, #tpu.memory_space<vmem>>
    %dma_start3A_105 = arith.constant 0 : i32
    %dma_start3A_106 = arith.constant 0 : i32
    %dma_start3A_107 = tpu.memref_slice %arg3[%dma_start3A_105, %dma_start3A_106] : memref<1000000x32xf32, #tpu.memory_space<hbm>> -> memref<1000000x32xf32, #tpu.memory_space<hbm>>
    tpu.enqueue_indirect_dma source(%dma_start3A_107 : memref<1000000x32xf32, #tpu.memory_space<hbm>>) target(%dma_start3A_99 : memref<80x32xf32, #tpu.memory_space<vmem>>) offsets(%dma_start3A_104 : memref<80xi32, #tpu.memory_space<vmem>>) semaphore(%arg8 : memref<!tpu.dma_semaphore, #tpu.memory_space<semaphore_mem>>)
    %dma_start3A_108 = arith.constant 0 : i32
    %dma_start3A_109 = arith.constant 0 : i32
    %dma_start3A_110 = arith.constant 0 : i32
    %dma_start3A_111 = arith.constant 0 : i32
    %dma_start3A_112 = tpu.memref_slice %arg6[%dma_start3A_109, %dma_start3A_110, %dma_start3A_111] : memref<2x1600x32xf32, #tpu.memory_space<vmem>> -> memref<1x1600x32xf32, #tpu.memory_space<vmem>>
    %dma_start3A_113 = tpu.memref_squeeze %dma_start3A_112 : memref<1x1600x32xf32, #tpu.memory_space<vmem>> -> memref<1600x32xf32, #tpu.memory_space<vmem>>
    %dma_start3A_114 = arith.constant 400 : i32
    %dma_start3A_115 = arith.constant 0 : i32
    %dma_start3A_116 = tpu.memref_slice %dma_start3A_113[%dma_start3A_114, %dma_start3A_115] : memref<1600x32xf32, #tpu.memory_space<vmem>> -> memref<80x32xf32, #tpu.memory_space<vmem>>
    %dma_start3A_117 = arith.constant 0 : i32
    %dma_start3A_118 = tpu.memref_slice %arg5[%dma_start3A_108, %dma_start3A_117] : memref<2x1600xi32, #tpu.memory_space<vmem>> -> memref<1x1600xi32, #tpu.memory_space<vmem>>
    %dma_start3A_119 = tpu.memref_squeeze %dma_start3A_118 : memref<1x1600xi32, #tpu.memory_space<vmem>> -> memref<1600xi32, #tpu.memory_space<vmem>>
    %dma_start3A_120 = arith.constant 400 : i32
    %dma_start3A_121 = tpu.memref_slice %dma_start3A_119[%dma_start3A_120] : memref<1600xi32, #tpu.memory_space<vmem>> -> memref<80xi32, #tpu.memory_space<vmem>>
    %dma_start3A_122 = arith.constant 0 : i32
    %dma_start3A_123 = arith.constant 0 : i32
    %dma_start3A_124 = tpu.memref_slice %arg3[%dma_start3A_122, %dma_start3A_123] : memref<1000000x32xf32, #tpu.memory_space<hbm>> -> memref<1000000x32xf32, #tpu.memory_space<hbm>>
    tpu.enqueue_indirect_dma source(%dma_start3A_124 : memref<1000000x32xf32, #tpu.memory_space<hbm>>) target(%dma_start3A_116 : memref<80x32xf32, #tpu.memory_space<vmem>>) offsets(%dma_start3A_121 : memref<80xi32, #tpu.memory_space<vmem>>) semaphore(%arg8 : memref<!tpu.dma_semaphore, #tpu.memory_space<semaphore_mem>>)
    %dma_start3A_125 = arith.constant 0 : i32
    %dma_start3A_126 = arith.constant 0 : i32
    %dma_start3A_127 = arith.constant 0 : i32
    %dma_start3A_128 = arith.constant 0 : i32
    %dma_start3A_129 = tpu.memref_slice %arg6[%dma_start3A_126, %dma_start3A_127, %dma_start3A_128] : memref<2x1600x32xf32, #tpu.memory_space<vmem>> -> memref<1x1600x32xf32, #tpu.memory_space<vmem>>
    %dma_start3A_130 = tpu.memref_squeeze %dma_start3A_129 : memref<1x1600x32xf32, #tpu.memory_space<vmem>> -> memref<1600x32xf32, #tpu.memory_space<vmem>>
    %dma_start3A_131 = arith.constant 480 : i32
    %dma_start3A_132 = arith.constant 0 : i32
    %dma_start3A_133 = tpu.memref_slice %dma_start3A_130[%dma_start3A_131, %dma_start3A_132] : memref<1600x32xf32, #tpu.memory_space<vmem>> -> memref<80x32xf32, #tpu.memory_space<vmem>>
    %dma_start3A_134 = arith.constant 0 : i32
    %dma_start3A_135 = tpu.memref_slice %arg5[%dma_start3A_125, %dma_start3A_134] : memref<2x1600xi32, #tpu.memory_space<vmem>> -> memref<1x1600xi32, #tpu.memory_space<vmem>>
    %dma_start3A_136 = tpu.memref_squeeze %dma_start3A_135 : memref<1x1600xi32, #tpu.memory_space<vmem>> -> memref<1600xi32, #tpu.memory_space<vmem>>
    %dma_start3A_137 = arith.constant 480 : i32
    %dma_start3A_138 = tpu.memref_slice %dma_start3A_136[%dma_start3A_137] : memref<1600xi32, #tpu.memory_space<vmem>> -> memref<80xi32, #tpu.memory_space<vmem>>
    %dma_start3A_139 = arith.constant 0 : i32
    %dma_start3A_140 = arith.constant 0 : i32
    %dma_start3A_141 = tpu.memref_slice %arg3[%dma_start3A_139, %dma_start3A_140] : memref<1000000x32xf32, #tpu.memory_space<hbm>> -> memref<1000000x32xf32, #tpu.memory_space<hbm>>
    tpu.enqueue_indirect_dma source(%dma_start3A_141 : memref<1000000x32xf32, #tpu.memory_space<hbm>>) target(%dma_start3A_133 : memref<80x32xf32, #tpu.memory_space<vmem>>) offsets(%dma_start3A_138 : memref<80xi32, #tpu.memory_space<vmem>>) semaphore(%arg8 : memref<!tpu.dma_semaphore, #tpu.memory_space<semaphore_mem>>)
    %dma_start3A_142 = arith.constant 0 : i32
    %dma_start3A_143 = arith.constant 0 : i32
    %dma_start3A_144 = arith.constant 0 : i32
    %dma_start3A_145 = arith.constant 0 : i32
    %dma_start3A_146 = tpu.memref_slice %arg6[%dma_start3A_143, %dma_start3A_144, %dma_start3A_145] : memref<2x1600x32xf32, #tpu.memory_space<vmem>> -> memref<1x1600x32xf32, #tpu.memory_space<vmem>>
    %dma_start3A_147 = tpu.memref_squeeze %dma_start3A_146 : memref<1x1600x32xf32, #tpu.memory_space<vmem>> -> memref<1600x32xf32, #tpu.memory_space<vmem>>
    %dma_start3A_148 = arith.constant 560 : i32
    %dma_start3A_149 = arith.constant 0 : i32
    %dma_start3A_150 = tpu.memref_slice %dma_start3A_147[%dma_start3A_148, %dma_start3A_149] : memref<1600x32xf32, #tpu.memory_space<vmem>> -> memref<80x32xf32, #tpu.memory_space<vmem>>
    %dma_start3A_151 = arith.constant 0 : i32
    %dma_start3A_152 = tpu.memref_slice %arg5[%dma_start3A_142, %dma_start3A_151] : memref<2x1600xi32, #tpu.memory_space<vmem>> -> memref<1x1600xi32, #tpu.memory_space<vmem>>
    %dma_start3A_153 = tpu.memref_squeeze %dma_start3A_152 : memref<1x1600xi32, #tpu.memory_space<vmem>> -> memref<1600xi32, #tpu.memory_space<vmem>>
    %dma_start3A_154 = arith.constant 560 : i32
    %dma_start3A_155 = tpu.memref_slice %dma_start3A_153[%dma_start3A_154] : memref<1600xi32, #tpu.memory_space<vmem>> -> memref<80xi32, #tpu.memory_space<vmem>>
    %dma_start3A_156 = arith.constant 0 : i32
    %dma_start3A_157 = arith.constant 0 : i32
    %dma_start3A_158 = tpu.memref_slice %arg3[%dma_start3A_156, %dma_start3A_157] : memref<1000000x32xf32, #tpu.memory_space<hbm>> -> memref<1000000x32xf32, #tpu.memory_space<hbm>>
    tpu.enqueue_indirect_dma source(%dma_start3A_158 : memref<1000000x32xf32, #tpu.memory_space<hbm>>) target(%dma_start3A_150 : memref<80x32xf32, #tpu.memory_space<vmem>>) offsets(%dma_start3A_155 : memref<80xi32, #tpu.memory_space<vmem>>) semaphore(%arg8 : memref<!tpu.dma_semaphore, #tpu.memory_space<semaphore_mem>>)
    %dma_start3A_159 = arith.constant 0 : i32
    %dma_start3A_160 = arith.constant 0 : i32
    %dma_start3A_161 = arith.constant 0 : i32
    %dma_start3A_162 = arith.constant 0 : i32
    %dma_start3A_163 = tpu.memref_slice %arg6[%dma_start3A_160, %dma_start3A_161, %dma_start3A_162] : memref<2x1600x32xf32, #tpu.memory_space<vmem>> -> memref<1x1600x32xf32, #tpu.memory_space<vmem>>
    %dma_start3A_164 = tpu.memref_squeeze %dma_start3A_163 : memref<1x1600x32xf32, #tpu.memory_space<vmem>> -> memref<1600x32xf32, #tpu.memory_space<vmem>>
    %dma_start3A_165 = arith.constant 640 : i32
    %dma_start3A_166 = arith.constant 0 : i32
    %dma_start3A_167 = tpu.memref_slice %dma_start3A_164[%dma_start3A_165, %dma_start3A_166] : memref<1600x32xf32, #tpu.memory_space<vmem>> -> memref<80x32xf32, #tpu.memory_space<vmem>>
    %dma_start3A_168 = arith.constant 0 : i32
    %dma_start3A_169 = tpu.memref_slice %arg5[%dma_start3A_159, %dma_start3A_168] : memref<2x1600xi32, #tpu.memory_space<vmem>> -> memref<1x1600xi32, #tpu.memory_space<vmem>>
    %dma_start3A_170 = tpu.memref_squeeze %dma_start3A_169 : memref<1x1600xi32, #tpu.memory_space<vmem>> -> memref<1600xi32, #tpu.memory_space<vmem>>
    %dma_start3A_171 = arith.constant 640 : i32
    %dma_start3A_172 = tpu.memref_slice %dma_start3A_170[%dma_start3A_171] : memref<1600xi32, #tpu.memory_space<vmem>> -> memref<80xi32, #tpu.memory_space<vmem>>
    %dma_start3A_173 = arith.constant 0 : i32
    %dma_start3A_174 = arith.constant 0 : i32
    %dma_start3A_175 = tpu.memref_slice %arg3[%dma_start3A_173, %dma_start3A_174] : memref<1000000x32xf32, #tpu.memory_space<hbm>> -> memref<1000000x32xf32, #tpu.memory_space<hbm>>
    tpu.enqueue_indirect_dma source(%dma_start3A_175 : memref<1000000x32xf32, #tpu.memory_space<hbm>>) target(%dma_start3A_167 : memref<80x32xf32, #tpu.memory_space<vmem>>) offsets(%dma_start3A_172 : memref<80xi32, #tpu.memory_space<vmem>>) semaphore(%arg8 : memref<!tpu.dma_semaphore, #tpu.memory_space<semaphore_mem>>)
    %dma_start3A_176 = arith.constant 0 : i32
    %dma_start3A_177 = arith.constant 0 : i32
    %dma_start3A_178 = arith.constant 0 : i32
    %dma_start3A_179 = arith.constant 0 : i32
    %dma_start3A_180 = tpu.memref_slice %arg6[%dma_start3A_177, %dma_start3A_178, %dma_start3A_179] : memref<2x1600x32xf32, #tpu.memory_space<vmem>> -> memref<1x1600x32xf32, #tpu.memory_space<vmem>>
    %dma_start3A_181 = tpu.memref_squeeze %dma_start3A_180 : memref<1x1600x32xf32, #tpu.memory_space<vmem>> -> memref<1600x32xf32, #tpu.memory_space<vmem>>
    %dma_start3A_182 = arith.constant 720 : i32
    %dma_start3A_183 = arith.constant 0 : i32
    %dma_start3A_184 = tpu.memref_slice %dma_start3A_181[%dma_start3A_182, %dma_start3A_183] : memref<1600x32xf32, #tpu.memory_space<vmem>> -> memref<80x32xf32, #tpu.memory_space<vmem>>
    %dma_start3A_185 = arith.constant 0 : i32
    %dma_start3A_186 = tpu.memref_slice %arg5[%dma_start3A_176, %dma_start3A_185] : memref<2x1600xi32, #tpu.memory_space<vmem>> -> memref<1x1600xi32, #tpu.memory_space<vmem>>
    %dma_start3A_187 = tpu.memref_squeeze %dma_start3A_186 : memref<1x1600xi32, #tpu.memory_space<vmem>> -> memref<1600xi32, #tpu.memory_space<vmem>>
    %dma_start3A_188 = arith.constant 720 : i32
    %dma_start3A_189 = tpu.memref_slice %dma_start3A_187[%dma_start3A_188] : memref<1600xi32, #tpu.memory_space<vmem>> -> memref<80xi32, #tpu.memory_space<vmem>>
    %dma_start3A_190 = arith.constant 0 : i32
    %dma_start3A_191 = arith.constant 0 : i32
    %dma_start3A_192 = tpu.memref_slice %arg3[%dma_start3A_190, %dma_start3A_191] : memref<1000000x32xf32, #tpu.memory_space<hbm>> -> memref<1000000x32xf32, #tpu.memory_space<hbm>>
    tpu.enqueue_indirect_dma source(%dma_start3A_192 : memref<1000000x32xf32, #tpu.memory_space<hbm>>) target(%dma_start3A_184 : memref<80x32xf32, #tpu.memory_space<vmem>>) offsets(%dma_start3A_189 : memref<80xi32, #tpu.memory_space<vmem>>) semaphore(%arg8 : memref<!tpu.dma_semaphore, #tpu.memory_space<semaphore_mem>>)
    %dma_start3A_193 = arith.constant 0 : i32
    %dma_start3A_194 = arith.constant 0 : i32
    %dma_start3A_195 = arith.constant 0 : i32
    %dma_start3A_196 = arith.constant 0 : i32
    %dma_start3A_197 = tpu.memref_slice %arg6[%dma_start3A_194, %dma_start3A_195, %dma_start3A_196] : memref<2x1600x32xf32, #tpu.memory_space<vmem>> -> memref<1x1600x32xf32, #tpu.memory_space<vmem>>
    %dma_start3A_198 = tpu.memref_squeeze %dma_start3A_197 : memref<1x1600x32xf32, #tpu.memory_space<vmem>> -> memref<1600x32xf32, #tpu.memory_space<vmem>>
    %dma_start3A_199 = arith.constant 800 : i32
    %dma_start3A_200 = arith.constant 0 : i32
    %dma_start3A_201 = tpu.memref_slice %dma_start3A_198[%dma_start3A_199, %dma_start3A_200] : memref<1600x32xf32, #tpu.memory_space<vmem>> -> memref<80x32xf32, #tpu.memory_space<vmem>>
    %dma_start3A_202 = arith.constant 0 : i32
    %dma_start3A_203 = tpu.memref_slice %arg5[%dma_start3A_193, %dma_start3A_202] : memref<2x1600xi32, #tpu.memory_space<vmem>> -> memref<1x1600xi32, #tpu.memory_space<vmem>>
    %dma_start3A_204 = tpu.memref_squeeze %dma_start3A_203 : memref<1x1600xi32, #tpu.memory_space<vmem>> -> memref<1600xi32, #tpu.memory_space<vmem>>
    %dma_start3A_205 = arith.constant 800 : i32
    %dma_start3A_206 = tpu.memref_slice %dma_start3A_204[%dma_start3A_205] : memref<1600xi32, #tpu.memory_space<vmem>> -> memref<80xi32, #tpu.memory_space<vmem>>
    %dma_start3A_207 = arith.constant 0 : i32
    %dma_start3A_208 = arith.constant 0 : i32
    %dma_start3A_209 = tpu.memref_slice %arg3[%dma_start3A_207, %dma_start3A_208] : memref<1000000x32xf32, #tpu.memory_space<hbm>> -> memref<1000000x32xf32, #tpu.memory_space<hbm>>
    tpu.enqueue_indirect_dma source(%dma_start3A_209 : memref<1000000x32xf32, #tpu.memory_space<hbm>>) target(%dma_start3A_201 : memref<80x32xf32, #tpu.memory_space<vmem>>) offsets(%dma_start3A_206 : memref<80xi32, #tpu.memory_space<vmem>>) semaphore(%arg8 : memref<!tpu.dma_semaphore, #tpu.memory_space<semaphore_mem>>)
    %dma_start3A_210 = arith.constant 0 : i32
    %dma_start3A_211 = arith.constant 0 : i32
    %dma_start3A_212 = arith.constant 0 : i32
    %dma_start3A_213 = arith.constant 0 : i32
    %dma_start3A_214 = tpu.memref_slice %arg6[%dma_start3A_211, %dma_start3A_212, %dma_start3A_213] : memref<2x1600x32xf32, #tpu.memory_space<vmem>> -> memref<1x1600x32xf32, #tpu.memory_space<vmem>>
    %dma_start3A_215 = tpu.memref_squeeze %dma_start3A_214 : memref<1x1600x32xf32, #tpu.memory_space<vmem>> -> memref<1600x32xf32, #tpu.memory_space<vmem>>
    %dma_start3A_216 = arith.constant 880 : i32
    %dma_start3A_217 = arith.constant 0 : i32
    %dma_start3A_218 = tpu.memref_slice %dma_start3A_215[%dma_start3A_216, %dma_start3A_217] : memref<1600x32xf32, #tpu.memory_space<vmem>> -> memref<80x32xf32, #tpu.memory_space<vmem>>
    %dma_start3A_219 = arith.constant 0 : i32
    %dma_start3A_220 = tpu.memref_slice %arg5[%dma_start3A_210, %dma_start3A_219] : memref<2x1600xi32, #tpu.memory_space<vmem>> -> memref<1x1600xi32, #tpu.memory_space<vmem>>
    %dma_start3A_221 = tpu.memref_squeeze %dma_start3A_220 : memref<1x1600xi32, #tpu.memory_space<vmem>> -> memref<1600xi32, #tpu.memory_space<vmem>>
    %dma_start3A_222 = arith.constant 880 : i32
    %dma_start3A_223 = tpu.memref_slice %dma_start3A_221[%dma_start3A_222] : memref<1600xi32, #tpu.memory_space<vmem>> -> memref<80xi32, #tpu.memory_space<vmem>>
    %dma_start3A_224 = arith.constant 0 : i32
    %dma_start3A_225 = arith.constant 0 : i32
    %dma_start3A_226 = tpu.memref_slice %arg3[%dma_start3A_224, %dma_start3A_225] : memref<1000000x32xf32, #tpu.memory_space<hbm>> -> memref<1000000x32xf32, #tpu.memory_space<hbm>>
    tpu.enqueue_indirect_dma source(%dma_start3A_226 : memref<1000000x32xf32, #tpu.memory_space<hbm>>) target(%dma_start3A_218 : memref<80x32xf32, #tpu.memory_space<vmem>>) offsets(%dma_start3A_223 : memref<80xi32, #tpu.memory_space<vmem>>) semaphore(%arg8 : memref<!tpu.dma_semaphore, #tpu.memory_space<semaphore_mem>>)
    %dma_start3A_227 = arith.constant 0 : i32
    %dma_start3A_228 = arith.constant 0 : i32
    %dma_start3A_229 = arith.constant 0 : i32
    %dma_start3A_230 = arith.constant 0 : i32
    %dma_start3A_231 = tpu.memref_slice %arg6[%dma_start3A_228, %dma_start3A_229, %dma_start3A_230] : memref<2x1600x32xf32, #tpu.memory_space<vmem>> -> memref<1x1600x32xf32, #tpu.memory_space<vmem>>
    %dma_start3A_232 = tpu.memref_squeeze %dma_start3A_231 : memref<1x1600x32xf32, #tpu.memory_space<vmem>> -> memref<1600x32xf32, #tpu.memory_space<vmem>>
    %dma_start3A_233 = arith.constant 960 : i32
    %dma_start3A_234 = arith.constant 0 : i32
    %dma_start3A_235 = tpu.memref_slice %dma_start3A_232[%dma_start3A_233, %dma_start3A_234] : memref<1600x32xf32, #tpu.memory_space<vmem>> -> memref<80x32xf32, #tpu.memory_space<vmem>>
    %dma_start3A_236 = arith.constant 0 : i32
    %dma_start3A_237 = tpu.memref_slice %arg5[%dma_start3A_227, %dma_start3A_236] : memref<2x1600xi32, #tpu.memory_space<vmem>> -> memref<1x1600xi32, #tpu.memory_space<vmem>>
    %dma_start3A_238 = tpu.memref_squeeze %dma_start3A_237 : memref<1x1600xi32, #tpu.memory_space<vmem>> -> memref<1600xi32, #tpu.memory_space<vmem>>
    %dma_start3A_239 = arith.constant 960 : i32
    %dma_start3A_240 = tpu.memref_slice %dma_start3A_238[%dma_start3A_239] : memref<1600xi32, #tpu.memory_space<vmem>> -> memref<80xi32, #tpu.memory_space<vmem>>
    %dma_start3A_241 = arith.constant 0 : i32
    %dma_start3A_242 = arith.constant 0 : i32
    %dma_start3A_243 = tpu.memref_slice %arg3[%dma_start3A_241, %dma_start3A_242] : memref<1000000x32xf32, #tpu.memory_space<hbm>> -> memref<1000000x32xf32, #tpu.memory_space<hbm>>
    tpu.enqueue_indirect_dma source(%dma_start3A_243 : memref<1000000x32xf32, #tpu.memory_space<hbm>>) target(%dma_start3A_235 : memref<80x32xf32, #tpu.memory_space<vmem>>) offsets(%dma_start3A_240 : memref<80xi32, #tpu.memory_space<vmem>>) semaphore(%arg8 : memref<!tpu.dma_semaphore, #tpu.memory_space<semaphore_mem>>)
    %dma_start3A_244 = arith.constant 0 : i32
    %dma_start3A_245 = arith.constant 0 : i32
    %dma_start3A_246 = arith.constant 0 : i32
    %dma_start3A_247 = arith.constant 0 : i32
    %dma_start3A_248 = tpu.memref_slice %arg6[%dma_start3A_245, %dma_start3A_246, %dma_start3A_247] : memref<2x1600x32xf32, #tpu.memory_space<vmem>> -> memref<1x1600x32xf32, #tpu.memory_space<vmem>>
    %dma_start3A_249 = tpu.memref_squeeze %dma_start3A_248 : memref<1x1600x32xf32, #tpu.memory_space<vmem>> -> memref<1600x32xf32, #tpu.memory_space<vmem>>
    %dma_start3A_250 = arith.constant 1040 : i32
    %dma_start3A_251 = arith.constant 0 : i32
    %dma_start3A_252 = tpu.memref_slice %dma_start3A_249[%dma_start3A_250, %dma_start3A_251] : memref<1600x32xf32, #tpu.memory_space<vmem>> -> memref<80x32xf32, #tpu.memory_space<vmem>>
    %dma_start3A_253 = arith.constant 0 : i32
    %dma_start3A_254 = tpu.memref_slice %arg5[%dma_start3A_244, %dma_start3A_253] : memref<2x1600xi32, #tpu.memory_space<vmem>> -> memref<1x1600xi32, #tpu.memory_space<vmem>>
    %dma_start3A_255 = tpu.memref_squeeze %dma_start3A_254 : memref<1x1600xi32, #tpu.memory_space<vmem>> -> memref<1600xi32, #tpu.memory_space<vmem>>
    %dma_start3A_256 = arith.constant 1040 : i32
    %dma_start3A_257 = tpu.memref_slice %dma_start3A_255[%dma_start3A_256] : memref<1600xi32, #tpu.memory_space<vmem>> -> memref<80xi32, #tpu.memory_space<vmem>>
    %dma_start3A_258 = arith.constant 0 : i32
    %dma_start3A_259 = arith.constant 0 : i32
    %dma_start3A_260 = tpu.memref_slice %arg3[%dma_start3A_258, %dma_start3A_259] : memref<1000000x32xf32, #tpu.memory_space<hbm>> -> memref<1000000x32xf32, #tpu.memory_space<hbm>>
    tpu.enqueue_indirect_dma source(%dma_start3A_260 : memref<1000000x32xf32, #tpu.memory_space<hbm>>) target(%dma_start3A_252 : memref<80x32xf32, #tpu.memory_space<vmem>>) offsets(%dma_start3A_257 : memref<80xi32, #tpu.memory_space<vmem>>) semaphore(%arg8 : memref<!tpu.dma_semaphore, #tpu.memory_space<semaphore_mem>>)
    %dma_start3A_261 = arith.constant 0 : i32
    %dma_start3A_262 = arith.constant 0 : i32
    %dma_start3A_263 = arith.constant 0 : i32
    %dma_start3A_264 = arith.constant 0 : i32
    %dma_start3A_265 = tpu.memref_slice %arg6[%dma_start3A_262, %dma_start3A_263, %dma_start3A_264] : memref<2x1600x32xf32, #tpu.memory_space<vmem>> -> memref<1x1600x32xf32, #tpu.memory_space<vmem>>
    %dma_start3A_266 = tpu.memref_squeeze %dma_start3A_265 : memref<1x1600x32xf32, #tpu.memory_space<vmem>> -> memref<1600x32xf32, #tpu.memory_space<vmem>>
    %dma_start3A_267 = arith.constant 1120 : i32
    %dma_start3A_268 = arith.constant 0 : i32
    %dma_start3A_269 = tpu.memref_slice %dma_start3A_266[%dma_start3A_267, %dma_start3A_268] : memref<1600x32xf32, #tpu.memory_space<vmem>> -> memref<80x32xf32, #tpu.memory_space<vmem>>
    %dma_start3A_270 = arith.constant 0 : i32
    %dma_start3A_271 = tpu.memref_slice %arg5[%dma_start3A_261, %dma_start3A_270] : memref<2x1600xi32, #tpu.memory_space<vmem>> -> memref<1x1600xi32, #tpu.memory_space<vmem>>
    %dma_start3A_272 = tpu.memref_squeeze %dma_start3A_271 : memref<1x1600xi32, #tpu.memory_space<vmem>> -> memref<1600xi32, #tpu.memory_space<vmem>>
    %dma_start3A_273 = arith.constant 1120 : i32
    %dma_start3A_274 = tpu.memref_slice %dma_start3A_272[%dma_start3A_273] : memref<1600xi32, #tpu.memory_space<vmem>> -> memref<80xi32, #tpu.memory_space<vmem>>
    %dma_start3A_275 = arith.constant 0 : i32
    %dma_start3A_276 = arith.constant 0 : i32
    %dma_start3A_277 = tpu.memref_slice %arg3[%dma_start3A_275, %dma_start3A_276] : memref<1000000x32xf32, #tpu.memory_space<hbm>> -> memref<1000000x32xf32, #tpu.memory_space<hbm>>
    tpu.enqueue_indirect_dma source(%dma_start3A_277 : memref<1000000x32xf32, #tpu.memory_space<hbm>>) target(%dma_start3A_269 : memref<80x32xf32, #tpu.memory_space<vmem>>) offsets(%dma_start3A_274 : memref<80xi32, #tpu.memory_space<vmem>>) semaphore(%arg8 : memref<!tpu.dma_semaphore, #tpu.memory_space<semaphore_mem>>)
    %dma_start3A_278 = arith.constant 0 : i32
    %dma_start3A_279 = arith.constant 0 : i32
    %dma_start3A_280 = arith.constant 0 : i32
    %dma_start3A_281 = arith.constant 0 : i32
    %dma_start3A_282 = tpu.memref_slice %arg6[%dma_start3A_279, %dma_start3A_280, %dma_start3A_281] : memref<2x1600x32xf32, #tpu.memory_space<vmem>> -> memref<1x1600x32xf32, #tpu.memory_space<vmem>>
    %dma_start3A_283 = tpu.memref_squeeze %dma_start3A_282 : memref<1x1600x32xf32, #tpu.memory_space<vmem>> -> memref<1600x32xf32, #tpu.memory_space<vmem>>
    %dma_start3A_284 = arith.constant 1200 : i32
    %dma_start3A_285 = arith.constant 0 : i32
    %dma_start3A_286 = tpu.memref_slice %dma_start3A_283[%dma_start3A_284, %dma_start3A_285] : memref<1600x32xf32, #tpu.memory_space<vmem>> -> memref<80x32xf32, #tpu.memory_space<vmem>>
    %dma_start3A_287 = arith.constant 0 : i32
    %dma_start3A_288 = tpu.memref_slice %arg5[%dma_start3A_278, %dma_start3A_287] : memref<2x1600xi32, #tpu.memory_space<vmem>> -> memref<1x1600xi32, #tpu.memory_space<vmem>>
    %dma_start3A_289 = tpu.memref_squeeze %dma_start3A_288 : memref<1x1600xi32, #tpu.memory_space<vmem>> -> memref<1600xi32, #tpu.memory_space<vmem>>
    %dma_start3A_290 = arith.constant 1200 : i32
    %dma_start3A_291 = tpu.memref_slice %dma_start3A_289[%dma_start3A_290] : memref<1600xi32, #tpu.memory_space<vmem>> -> memref<80xi32, #tpu.memory_space<vmem>>
    %dma_start3A_292 = arith.constant 0 : i32
    %dma_start3A_293 = arith.constant 0 : i32
    %dma_start3A_294 = tpu.memref_slice %arg3[%dma_start3A_292, %dma_start3A_293] : memref<1000000x32xf32, #tpu.memory_space<hbm>> -> memref<1000000x32xf32, #tpu.memory_space<hbm>>
    tpu.enqueue_indirect_dma source(%dma_start3A_294 : memref<1000000x32xf32, #tpu.memory_space<hbm>>) target(%dma_start3A_286 : memref<80x32xf32, #tpu.memory_space<vmem>>) offsets(%dma_start3A_291 : memref<80xi32, #tpu.memory_space<vmem>>) semaphore(%arg8 : memref<!tpu.dma_semaphore, #tpu.memory_space<semaphore_mem>>)
    %dma_start3A_295 = arith.constant 0 : i32
    %dma_start3A_296 = arith.constant 0 : i32
    %dma_start3A_297 = arith.constant 0 : i32
    %dma_start3A_298 = arith.constant 0 : i32
    %dma_start3A_299 = tpu.memref_slice %arg6[%dma_start3A_296, %dma_start3A_297, %dma_start3A_298] : memref<2x1600x32xf32, #tpu.memory_space<vmem>> -> memref<1x1600x32xf32, #tpu.memory_space<vmem>>
    %dma_start3A_300 = tpu.memref_squeeze %dma_start3A_299 : memref<1x1600x32xf32, #tpu.memory_space<vmem>> -> memref<1600x32xf32, #tpu.memory_space<vmem>>
    %dma_start3A_301 = arith.constant 1280 : i32
    %dma_start3A_302 = arith.constant 0 : i32
    %dma_start3A_303 = tpu.memref_slice %dma_start3A_300[%dma_start3A_301, %dma_start3A_302] : memref<1600x32xf32, #tpu.memory_space<vmem>> -> memref<80x32xf32, #tpu.memory_space<vmem>>
    %dma_start3A_304 = arith.constant 0 : i32
    %dma_start3A_305 = tpu.memref_slice %arg5[%dma_start3A_295, %dma_start3A_304] : memref<2x1600xi32, #tpu.memory_space<vmem>> -> memref<1x1600xi32, #tpu.memory_space<vmem>>
    %dma_start3A_306 = tpu.memref_squeeze %dma_start3A_305 : memref<1x1600xi32, #tpu.memory_space<vmem>> -> memref<1600xi32, #tpu.memory_space<vmem>>
    %dma_start3A_307 = arith.constant 1280 : i32
    %dma_start3A_308 = tpu.memref_slice %dma_start3A_306[%dma_start3A_307] : memref<1600xi32, #tpu.memory_space<vmem>> -> memref<80xi32, #tpu.memory_space<vmem>>
    %dma_start3A_309 = arith.constant 0 : i32
    %dma_start3A_310 = arith.constant 0 : i32
    %dma_start3A_311 = tpu.memref_slice %arg3[%dma_start3A_309, %dma_start3A_310] : memref<1000000x32xf32, #tpu.memory_space<hbm>> -> memref<1000000x32xf32, #tpu.memory_space<hbm>>
    tpu.enqueue_indirect_dma source(%dma_start3A_311 : memref<1000000x32xf32, #tpu.memory_space<hbm>>) target(%dma_start3A_303 : memref<80x32xf32, #tpu.memory_space<vmem>>) offsets(%dma_start3A_308 : memref<80xi32, #tpu.memory_space<vmem>>) semaphore(%arg8 : memref<!tpu.dma_semaphore, #tpu.memory_space<semaphore_mem>>)
    %dma_start3A_312 = arith.constant 0 : i32
    %dma_start3A_313 = arith.constant 0 : i32
    %dma_start3A_314 = arith.constant 0 : i32
    %dma_start3A_315 = arith.constant 0 : i32
    %dma_start3A_316 = tpu.memref_slice %arg6[%dma_start3A_313, %dma_start3A_314, %dma_start3A_315] : memref<2x1600x32xf32, #tpu.memory_space<vmem>> -> memref<1x1600x32xf32, #tpu.memory_space<vmem>>
    %dma_start3A_317 = tpu.memref_squeeze %dma_start3A_316 : memref<1x1600x32xf32, #tpu.memory_space<vmem>> -> memref<1600x32xf32, #tpu.memory_space<vmem>>
    %dma_start3A_318 = arith.constant 1360 : i32
    %dma_start3A_319 = arith.constant 0 : i32
    %dma_start3A_320 = tpu.memref_slice %dma_start3A_317[%dma_start3A_318, %dma_start3A_319] : memref<1600x32xf32, #tpu.memory_space<vmem>> -> memref<80x32xf32, #tpu.memory_space<vmem>>
    %dma_start3A_321 = arith.constant 0 : i32
    %dma_start3A_322 = tpu.memref_slice %arg5[%dma_start3A_312, %dma_start3A_321] : memref<2x1600xi32, #tpu.memory_space<vmem>> -> memref<1x1600xi32, #tpu.memory_space<vmem>>
    %dma_start3A_323 = tpu.memref_squeeze %dma_start3A_322 : memref<1x1600xi32, #tpu.memory_space<vmem>> -> memref<1600xi32, #tpu.memory_space<vmem>>
    %dma_start3A_324 = arith.constant 1360 : i32
    %dma_start3A_325 = tpu.memref_slice %dma_start3A_323[%dma_start3A_324] : memref<1600xi32, #tpu.memory_space<vmem>> -> memref<80xi32, #tpu.memory_space<vmem>>
    %dma_start3A_326 = arith.constant 0 : i32
    %dma_start3A_327 = arith.constant 0 : i32
    %dma_start3A_328 = tpu.memref_slice %arg3[%dma_start3A_326, %dma_start3A_327] : memref<1000000x32xf32, #tpu.memory_space<hbm>> -> memref<1000000x32xf32, #tpu.memory_space<hbm>>
    tpu.enqueue_indirect_dma source(%dma_start3A_328 : memref<1000000x32xf32, #tpu.memory_space<hbm>>) target(%dma_start3A_320 : memref<80x32xf32, #tpu.memory_space<vmem>>) offsets(%dma_start3A_325 : memref<80xi32, #tpu.memory_space<vmem>>) semaphore(%arg8 : memref<!tpu.dma_semaphore, #tpu.memory_space<semaphore_mem>>)
    %dma_start3A_329 = arith.constant 0 : i32
    %dma_start3A_330 = arith.constant 0 : i32
    %dma_start3A_331 = arith.constant 0 : i32
    %dma_start3A_332 = arith.constant 0 : i32
    %dma_start3A_333 = tpu.memref_slice %arg6[%dma_start3A_330, %dma_start3A_331, %dma_start3A_332] : memref<2x1600x32xf32, #tpu.memory_space<vmem>> -> memref<1x1600x32xf32, #tpu.memory_space<vmem>>
    %dma_start3A_334 = tpu.memref_squeeze %dma_start3A_333 : memref<1x1600x32xf32, #tpu.memory_space<vmem>> -> memref<1600x32xf32, #tpu.memory_space<vmem>>
    %dma_start3A_335 = arith.constant 1440 : i32
    %dma_start3A_336 = arith.constant 0 : i32
    %dma_start3A_337 = tpu.memref_slice %dma_start3A_334[%dma_start3A_335, %dma_start3A_336] : memref<1600x32xf32, #tpu.memory_space<vmem>> -> memref<80x32xf32, #tpu.memory_space<vmem>>
    %dma_start3A_338 = arith.constant 0 : i32
    %dma_start3A_339 = tpu.memref_slice %arg5[%dma_start3A_329, %dma_start3A_338] : memref<2x1600xi32, #tpu.memory_space<vmem>> -> memref<1x1600xi32, #tpu.memory_space<vmem>>
    %dma_start3A_340 = tpu.memref_squeeze %dma_start3A_339 : memref<1x1600xi32, #tpu.memory_space<vmem>> -> memref<1600xi32, #tpu.memory_space<vmem>>
    %dma_start3A_341 = arith.constant 1440 : i32
    %dma_start3A_342 = tpu.memref_slice %dma_start3A_340[%dma_start3A_341] : memref<1600xi32, #tpu.memory_space<vmem>> -> memref<80xi32, #tpu.memory_space<vmem>>
    %dma_start3A_343 = arith.constant 0 : i32
    %dma_start3A_344 = arith.constant 0 : i32
    %dma_start3A_345 = tpu.memref_slice %arg3[%dma_start3A_343, %dma_start3A_344] : memref<1000000x32xf32, #tpu.memory_space<hbm>> -> memref<1000000x32xf32, #tpu.memory_space<hbm>>
    tpu.enqueue_indirect_dma source(%dma_start3A_345 : memref<1000000x32xf32, #tpu.memory_space<hbm>>) target(%dma_start3A_337 : memref<80x32xf32, #tpu.memory_space<vmem>>) offsets(%dma_start3A_342 : memref<80xi32, #tpu.memory_space<vmem>>) semaphore(%arg8 : memref<!tpu.dma_semaphore, #tpu.memory_space<semaphore_mem>>)
    %dma_start3A_346 = arith.constant 0 : i32
    %dma_start3A_347 = arith.constant 0 : i32
    %dma_start3A_348 = arith.constant 0 : i32
    %dma_start3A_349 = arith.constant 0 : i32
    %dma_start3A_350 = tpu.memref_slice %arg6[%dma_start3A_347, %dma_start3A_348, %dma_start3A_349] : memref<2x1600x32xf32, #tpu.memory_space<vmem>> -> memref<1x1600x32xf32, #tpu.memory_space<vmem>>
    %dma_start3A_351 = tpu.memref_squeeze %dma_start3A_350 : memref<1x1600x32xf32, #tpu.memory_space<vmem>> -> memref<1600x32xf32, #tpu.memory_space<vmem>>
    %dma_start3A_352 = arith.constant 1520 : i32
    %dma_start3A_353 = arith.constant 0 : i32
    %dma_start3A_354 = tpu.memref_slice %dma_start3A_351[%dma_start3A_352, %dma_start3A_353] : memref<1600x32xf32, #tpu.memory_space<vmem>> -> memref<80x32xf32, #tpu.memory_space<vmem>>
    %dma_start3A_355 = arith.constant 0 : i32
    %dma_start3A_356 = tpu.memref_slice %arg5[%dma_start3A_346, %dma_start3A_355] : memref<2x1600xi32, #tpu.memory_space<vmem>> -> memref<1x1600xi32, #tpu.memory_space<vmem>>
    %dma_start3A_357 = tpu.memref_squeeze %dma_start3A_356 : memref<1x1600xi32, #tpu.memory_space<vmem>> -> memref<1600xi32, #tpu.memory_space<vmem>>
    %dma_start3A_358 = arith.constant 1520 : i32
    %dma_start3A_359 = tpu.memref_slice %dma_start3A_357[%dma_start3A_358] : memref<1600xi32, #tpu.memory_space<vmem>> -> memref<80xi32, #tpu.memory_space<vmem>>
    %dma_start3A_360 = arith.constant 0 : i32
    %dma_start3A_361 = arith.constant 0 : i32
    %dma_start3A_362 = tpu.memref_slice %arg3[%dma_start3A_360, %dma_start3A_361] : memref<1000000x32xf32, #tpu.memory_space<hbm>> -> memref<1000000x32xf32, #tpu.memory_space<hbm>>
    tpu.enqueue_indirect_dma source(%dma_start3A_362 : memref<1000000x32xf32, #tpu.memory_space<hbm>>) target(%dma_start3A_354 : memref<80x32xf32, #tpu.memory_space<vmem>>) offsets(%dma_start3A_359 : memref<80xi32, #tpu.memory_space<vmem>>) semaphore(%arg8 : memref<!tpu.dma_semaphore, #tpu.memory_space<semaphore_mem>>)
    %add3A_363 = arith.constant 8 : i32
    %add3A_364 = arith.addi %mul3A_2, %add3A_363 : i32
    %mul3A_365 = arith.constant 200 : i32
    %mul3A_366 = arith.muli %add3A_364, %mul3A_365 : i32
    %dma_start3A_367 = arith.constant 1 : i32
    %dma_start3A_368 = arith.constant 0 : i32
    %dma_start3A_369 = tpu.memref_slice %arg5[%dma_start3A_367, %dma_start3A_368] : memref<2x1600xi32, #tpu.memory_space<vmem>> -> memref<1x1600xi32, #tpu.memory_space<vmem>>
    %dma_start3A_370 = tpu.memref_squeeze %dma_start3A_369 : memref<1x1600xi32, #tpu.memory_space<vmem>> -> memref<1600xi32, #tpu.memory_space<vmem>>
    %dma_start3A_371 = tpu.memref_slice %arg2[%mul3A_366] : memref<1638400xi32, #tpu.memory_space<hbm>> -> memref<1600xi32, #tpu.memory_space<hbm>>
    %dma_start3A_372 = arith.constant 0 : i32
    %dma_start3A_373 = tpu.memref_slice %arg5[%dma_start3A_367, %dma_start3A_372] : memref<2x1600xi32, #tpu.memory_space<vmem>> -> memref<1x1600xi32, #tpu.memory_space<vmem>>
    %dma_start3A_374 = tpu.memref_squeeze %dma_start3A_373 : memref<1x1600xi32, #tpu.memory_space<vmem>> -> memref<1600xi32, #tpu.memory_space<vmem>>
    %dma_start3A_375 = tpu.memref_slice %arg2[%mul3A_366] : memref<1638400xi32, #tpu.memory_space<hbm>> -> memref<1600xi32, #tpu.memory_space<hbm>>
    tpu.enqueue_dma source(%dma_start3A_375 : memref<1600xi32, #tpu.memory_space<hbm>>) target(%dma_start3A_374 : memref<1600xi32, #tpu.memory_space<vmem>>) target_semaphore(%arg7 : memref<!tpu.dma_semaphore, #tpu.memory_space<semaphore_mem>>)
    %scan3A = arith.constant 0 : i32
    %scan3A_376 = arith.constant 0 : i32
    %scan3A_377 = arith.constant 32 : i32
    %scan3A_378 = arith.addi %scan3A_376, %scan3A_377 : i32
    %scan3A_379 = arith.constant 1 : i32
    scf.for %scan3A_583 = %scan3A_376 to %scan3A_378 step %scan3A_379  : i32 {
      %jit3A = arith.constant 2 : i32
      %eq3A = arith.constant 0 : i32
      %eq3A_584 = arith.cmpi eq, %jit3A, %eq3A : i32
      %jit3A_585 = arith.constant 1 : i32
      %select_n3A = arith.select %eq3A_584, %jit3A_585, %jit3A : i32
      %rem3A = arith.remsi %scan3A_583, %select_n3A : i32
      %ne3A = arith.constant 0 : i32
      %ne3A_586 = arith.cmpi ne, %rem3A, %ne3A : i32
      %lt3A = arith.constant 0 : i32
      %lt3A_587 = arith.cmpi slt, %rem3A, %lt3A : i32
      %lt3A_588 = arith.constant 0 : i32
      %lt3A_589 = arith.cmpi slt, %select_n3A, %lt3A_588 : i32
      %ne3A_590 = arith.xori %lt3A_587, %lt3A_589 : i1
      %and3A = arith.andi %ne3A_590, %ne3A_586 : i1
      %add3A_591 = arith.addi %rem3A, %select_n3A : i32
      %select_n3A_592 = arith.select %and3A, %add3A_591, %rem3A : i32
      %sub3A = arith.constant 1 : i32
      %sub3A_593 = arith.subi %sub3A, %select_n3A_592 : i32
      %lt3A_594 = arith.constant 31 : i32
      %lt3A_595 = arith.cmpi slt, %scan3A_583, %lt3A_594 : i32
      %convert_element_type3A = arith.extui %lt3A_595 : i1 to i32
      %cond3A = arith.constant 0 : i32
      %cond3A_596 = arith.cmpi ne, %convert_element_type3A, %cond3A : i32
      scf.if %cond3A_596 {
        %add3A_1106 = arith.constant 1 : i32
        %add3A_1107 = arith.addi %scan3A_583, %add3A_1106 : i32
        %mul3A_1108 = arith.constant 8 : i32
        %mul3A_1109 = arith.muli %add3A_1107, %mul3A_1108 : i32
        %add3A_1110 = arith.addi %mul3A_2, %mul3A_1109 : i32
        %mul3A_1111 = arith.constant 200 : i32
        %mul3A_1112 = arith.muli %add3A_1110, %mul3A_1111 : i32
        %dma_wait3A_1113 = arith.constant 0 : i32
        %dma_wait3A_1114 = tpu.memref_slice %arg5[%sub3A_593, %dma_wait3A_1113] : memref<2x1600xi32, #tpu.memory_space<vmem>> -> memref<1x1600xi32, #tpu.memory_space<vmem>>
        %dma_wait3A_1115 = tpu.memref_squeeze %dma_wait3A_1114 : memref<1x1600xi32, #tpu.memory_space<vmem>> -> memref<1600xi32, #tpu.memory_space<vmem>>
        %dma_wait3A_1116 = tpu.memref_slice %arg2[%mul3A_1112] : memref<1638400xi32, #tpu.memory_space<hbm>> -> memref<1600xi32, #tpu.memory_space<hbm>>
        %dma_wait3A_1117 = arith.constant 0 : i32
        %dma_wait3A_1118 = tpu.memref_slice %arg5[%sub3A_593, %dma_wait3A_1117] : memref<2x1600xi32, #tpu.memory_space<vmem>> -> memref<1x1600xi32, #tpu.memory_space<vmem>>
        %dma_wait3A_1119 = tpu.memref_squeeze %dma_wait3A_1118 : memref<1x1600xi32, #tpu.memory_space<vmem>> -> memref<1600xi32, #tpu.memory_space<vmem>>
        %dma_wait3A_1120 = tpu.memref_slice %arg2[%mul3A_1112] : memref<1638400xi32, #tpu.memory_space<hbm>> -> memref<1600xi32, #tpu.memory_space<hbm>>
        tpu.wait_dma2 semaphore(%arg7 : memref<!tpu.dma_semaphore, #tpu.memory_space<semaphore_mem>>) src(%dma_wait3A_1120 : memref<1600xi32, #tpu.memory_space<hbm>>) dst(%dma_wait3A_1119 : memref<1600xi32, #tpu.memory_space<vmem>>)
      } else {
      }
      %dma_wait3A_597 = arith.constant 0 : i32
      %dma_wait3A_598 = arith.constant 0 : i32
      %dma_wait3A_599 = tpu.memref_slice %arg6[%select_n3A_592, %dma_wait3A_597, %dma_wait3A_598] : memref<2x1600x32xf32, #tpu.memory_space<vmem>> -> memref<1x1600x32xf32, #tpu.memory_space<vmem>>
      %dma_wait3A_600 = tpu.memref_squeeze %dma_wait3A_599 : memref<1x1600x32xf32, #tpu.memory_space<vmem>> -> memref<1600x32xf32, #tpu.memory_space<vmem>>
      %dma_wait3A_601 = arith.constant 0 : i32
      %dma_wait3A_602 = arith.constant 0 : i32
      %dma_wait3A_603 = tpu.memref_slice %dma_wait3A_600[%dma_wait3A_601, %dma_wait3A_602] : memref<1600x32xf32, #tpu.memory_space<vmem>> -> memref<80x32xf32, #tpu.memory_space<vmem>>
      %dma_wait3A_604 = arith.constant 0 : i32
      %dma_wait3A_605 = tpu.memref_slice %arg5[%select_n3A_592, %dma_wait3A_604] : memref<2x1600xi32, #tpu.memory_space<vmem>> -> memref<1x1600xi32, #tpu.memory_space<vmem>>
      %dma_wait3A_606 = tpu.memref_squeeze %dma_wait3A_605 : memref<1x1600xi32, #tpu.memory_space<vmem>> -> memref<1600xi32, #tpu.memory_space<vmem>>
      %dma_wait3A_607 = arith.constant 0 : i32
      %dma_wait3A_608 = tpu.memref_slice %dma_wait3A_606[%dma_wait3A_607] : memref<1600xi32, #tpu.memory_space<vmem>> -> memref<80xi32, #tpu.memory_space<vmem>>
      %dma_wait3A_609 = arith.constant 0 : i32
      %dma_wait3A_610 = arith.constant 0 : i32
      %dma_wait3A_611 = tpu.memref_slice %arg3[%dma_wait3A_609, %dma_wait3A_610] : memref<1000000x32xf32, #tpu.memory_space<hbm>> -> memref<1000000x32xf32, #tpu.memory_space<hbm>>
      tpu.wait_indirect_dma semaphore(%arg8 : memref<!tpu.dma_semaphore, #tpu.memory_space<semaphore_mem>>) src(%dma_wait3A_611 : memref<1000000x32xf32, #tpu.memory_space<hbm>>) dst(%dma_wait3A_603 : memref<80x32xf32, #tpu.memory_space<vmem>>)
      %dma_wait3A_612 = arith.constant 0 : i32
      %dma_wait3A_613 = arith.constant 0 : i32
      %dma_wait3A_614 = tpu.memref_slice %arg6[%select_n3A_592, %dma_wait3A_612, %dma_wait3A_613] : memref<2x1600x32xf32, #tpu.memory_space<vmem>> -> memref<1x1600x32xf32, #tpu.memory_space<vmem>>
      %dma_wait3A_615 = tpu.memref_squeeze %dma_wait3A_614 : memref<1x1600x32xf32, #tpu.memory_space<vmem>> -> memref<1600x32xf32, #tpu.memory_space<vmem>>
      %dma_wait3A_616 = arith.constant 80 : i32
      %dma_wait3A_617 = arith.constant 0 : i32
      %dma_wait3A_618 = tpu.memref_slice %dma_wait3A_615[%dma_wait3A_616, %dma_wait3A_617] : memref<1600x32xf32, #tpu.memory_space<vmem>> -> memref<80x32xf32, #tpu.memory_space<vmem>>
      %dma_wait3A_619 = arith.constant 0 : i32
      %dma_wait3A_620 = tpu.memref_slice %arg5[%select_n3A_592, %dma_wait3A_619] : memref<2x1600xi32, #tpu.memory_space<vmem>> -> memref<1x1600xi32, #tpu.memory_space<vmem>>
      %dma_wait3A_621 = tpu.memref_squeeze %dma_wait3A_620 : memref<1x1600xi32, #tpu.memory_space<vmem>> -> memref<1600xi32, #tpu.memory_space<vmem>>
      %dma_wait3A_622 = arith.constant 80 : i32
      %dma_wait3A_623 = tpu.memref_slice %dma_wait3A_621[%dma_wait3A_622] : memref<1600xi32, #tpu.memory_space<vmem>> -> memref<80xi32, #tpu.memory_space<vmem>>
      %dma_wait3A_624 = arith.constant 0 : i32
      %dma_wait3A_625 = arith.constant 0 : i32
      %dma_wait3A_626 = tpu.memref_slice %arg3[%dma_wait3A_624, %dma_wait3A_625] : memref<1000000x32xf32, #tpu.memory_space<hbm>> -> memref<1000000x32xf32, #tpu.memory_space<hbm>>
      tpu.wait_indirect_dma semaphore(%arg8 : memref<!tpu.dma_semaphore, #tpu.memory_space<semaphore_mem>>) src(%dma_wait3A_626 : memref<1000000x32xf32, #tpu.memory_space<hbm>>) dst(%dma_wait3A_618 : memref<80x32xf32, #tpu.memory_space<vmem>>)
      %dma_wait3A_627 = arith.constant 0 : i32
      %dma_wait3A_628 = arith.constant 0 : i32
      %dma_wait3A_629 = tpu.memref_slice %arg6[%select_n3A_592, %dma_wait3A_627, %dma_wait3A_628] : memref<2x1600x32xf32, #tpu.memory_space<vmem>> -> memref<1x1600x32xf32, #tpu.memory_space<vmem>>
      %dma_wait3A_630 = tpu.memref_squeeze %dma_wait3A_629 : memref<1x1600x32xf32, #tpu.memory_space<vmem>> -> memref<1600x32xf32, #tpu.memory_space<vmem>>
      %dma_wait3A_631 = arith.constant 160 : i32
      %dma_wait3A_632 = arith.constant 0 : i32
      %dma_wait3A_633 = tpu.memref_slice %dma_wait3A_630[%dma_wait3A_631, %dma_wait3A_632] : memref<1600x32xf32, #tpu.memory_space<vmem>> -> memref<80x32xf32, #tpu.memory_space<vmem>>
      %dma_wait3A_634 = arith.constant 0 : i32
      %dma_wait3A_635 = tpu.memref_slice %arg5[%select_n3A_592, %dma_wait3A_634] : memref<2x1600xi32, #tpu.memory_space<vmem>> -> memref<1x1600xi32, #tpu.memory_space<vmem>>
      %dma_wait3A_636 = tpu.memref_squeeze %dma_wait3A_635 : memref<1x1600xi32, #tpu.memory_space<vmem>> -> memref<1600xi32, #tpu.memory_space<vmem>>
      %dma_wait3A_637 = arith.constant 160 : i32
      %dma_wait3A_638 = tpu.memref_slice %dma_wait3A_636[%dma_wait3A_637] : memref<1600xi32, #tpu.memory_space<vmem>> -> memref<80xi32, #tpu.memory_space<vmem>>
      %dma_wait3A_639 = arith.constant 0 : i32
      %dma_wait3A_640 = arith.constant 0 : i32
      %dma_wait3A_641 = tpu.memref_slice %arg3[%dma_wait3A_639, %dma_wait3A_640] : memref<1000000x32xf32, #tpu.memory_space<hbm>> -> memref<1000000x32xf32, #tpu.memory_space<hbm>>
      tpu.wait_indirect_dma semaphore(%arg8 : memref<!tpu.dma_semaphore, #tpu.memory_space<semaphore_mem>>) src(%dma_wait3A_641 : memref<1000000x32xf32, #tpu.memory_space<hbm>>) dst(%dma_wait3A_633 : memref<80x32xf32, #tpu.memory_space<vmem>>)
      %dma_wait3A_642 = arith.constant 0 : i32
      %dma_wait3A_643 = arith.constant 0 : i32
      %dma_wait3A_644 = tpu.memref_slice %arg6[%select_n3A_592, %dma_wait3A_642, %dma_wait3A_643] : memref<2x1600x32xf32, #tpu.memory_space<vmem>> -> memref<1x1600x32xf32, #tpu.memory_space<vmem>>
      %dma_wait3A_645 = tpu.memref_squeeze %dma_wait3A_644 : memref<1x1600x32xf32, #tpu.memory_space<vmem>> -> memref<1600x32xf32, #tpu.memory_space<vmem>>
      %dma_wait3A_646 = arith.constant 240 : i32
      %dma_wait3A_647 = arith.constant 0 : i32
      %dma_wait3A_648 = tpu.memref_slice %dma_wait3A_645[%dma_wait3A_646, %dma_wait3A_647] : memref<1600x32xf32, #tpu.memory_space<vmem>> -> memref<80x32xf32, #tpu.memory_space<vmem>>
      %dma_wait3A_649 = arith.constant 0 : i32
      %dma_wait3A_650 = tpu.memref_slice %arg5[%select_n3A_592, %dma_wait3A_649] : memref<2x1600xi32, #tpu.memory_space<vmem>> -> memref<1x1600xi32, #tpu.memory_space<vmem>>
      %dma_wait3A_651 = tpu.memref_squeeze %dma_wait3A_650 : memref<1x1600xi32, #tpu.memory_space<vmem>> -> memref<1600xi32, #tpu.memory_space<vmem>>
      %dma_wait3A_652 = arith.constant 240 : i32
      %dma_wait3A_653 = tpu.memref_slice %dma_wait3A_651[%dma_wait3A_652] : memref<1600xi32, #tpu.memory_space<vmem>> -> memref<80xi32, #tpu.memory_space<vmem>>
      %dma_wait3A_654 = arith.constant 0 : i32
      %dma_wait3A_655 = arith.constant 0 : i32
      %dma_wait3A_656 = tpu.memref_slice %arg3[%dma_wait3A_654, %dma_wait3A_655] : memref<1000000x32xf32, #tpu.memory_space<hbm>> -> memref<1000000x32xf32, #tpu.memory_space<hbm>>
      tpu.wait_indirect_dma semaphore(%arg8 : memref<!tpu.dma_semaphore, #tpu.memory_space<semaphore_mem>>) src(%dma_wait3A_656 : memref<1000000x32xf32, #tpu.memory_space<hbm>>) dst(%dma_wait3A_648 : memref<80x32xf32, #tpu.memory_space<vmem>>)
      %dma_wait3A_657 = arith.constant 0 : i32
      %dma_wait3A_658 = arith.constant 0 : i32
      %dma_wait3A_659 = tpu.memref_slice %arg6[%select_n3A_592, %dma_wait3A_657, %dma_wait3A_658] : memref<2x1600x32xf32, #tpu.memory_space<vmem>> -> memref<1x1600x32xf32, #tpu.memory_space<vmem>>
      %dma_wait3A_660 = tpu.memref_squeeze %dma_wait3A_659 : memref<1x1600x32xf32, #tpu.memory_space<vmem>> -> memref<1600x32xf32, #tpu.memory_space<vmem>>
      %dma_wait3A_661 = arith.constant 320 : i32
      %dma_wait3A_662 = arith.constant 0 : i32
      %dma_wait3A_663 = tpu.memref_slice %dma_wait3A_660[%dma_wait3A_661, %dma_wait3A_662] : memref<1600x32xf32, #tpu.memory_space<vmem>> -> memref<80x32xf32, #tpu.memory_space<vmem>>
      %dma_wait3A_664 = arith.constant 0 : i32
      %dma_wait3A_665 = tpu.memref_slice %arg5[%select_n3A_592, %dma_wait3A_664] : memref<2x1600xi32, #tpu.memory_space<vmem>> -> memref<1x1600xi32, #tpu.memory_space<vmem>>
      %dma_wait3A_666 = tpu.memref_squeeze %dma_wait3A_665 : memref<1x1600xi32, #tpu.memory_space<vmem>> -> memref<1600xi32, #tpu.memory_space<vmem>>
      %dma_wait3A_667 = arith.constant 320 : i32
      %dma_wait3A_668 = tpu.memref_slice %dma_wait3A_666[%dma_wait3A_667] : memref<1600xi32, #tpu.memory_space<vmem>> -> memref<80xi32, #tpu.memory_space<vmem>>
      %dma_wait3A_669 = arith.constant 0 : i32
      %dma_wait3A_670 = arith.constant 0 : i32
      %dma_wait3A_671 = tpu.memref_slice %arg3[%dma_wait3A_669, %dma_wait3A_670] : memref<1000000x32xf32, #tpu.memory_space<hbm>> -> memref<1000000x32xf32, #tpu.memory_space<hbm>>
      tpu.wait_indirect_dma semaphore(%arg8 : memref<!tpu.dma_semaphore, #tpu.memory_space<semaphore_mem>>) src(%dma_wait3A_671 : memref<1000000x32xf32, #tpu.memory_space<hbm>>) dst(%dma_wait3A_663 : memref<80x32xf32, #tpu.memory_space<vmem>>)
      %dma_wait3A_672 = arith.constant 0 : i32
      %dma_wait3A_673 = arith.constant 0 : i32
      %dma_wait3A_674 = tpu.memref_slice %arg6[%select_n3A_592, %dma_wait3A_672, %dma_wait3A_673] : memref<2x1600x32xf32, #tpu.memory_space<vmem>> -> memref<1x1600x32xf32, #tpu.memory_space<vmem>>
      %dma_wait3A_675 = tpu.memref_squeeze %dma_wait3A_674 : memref<1x1600x32xf32, #tpu.memory_space<vmem>> -> memref<1600x32xf32, #tpu.memory_space<vmem>>
      %dma_wait3A_676 = arith.constant 400 : i32
      %dma_wait3A_677 = arith.constant 0 : i32
      %dma_wait3A_678 = tpu.memref_slice %dma_wait3A_675[%dma_wait3A_676, %dma_wait3A_677] : memref<1600x32xf32, #tpu.memory_space<vmem>> -> memref<80x32xf32, #tpu.memory_space<vmem>>
      %dma_wait3A_679 = arith.constant 0 : i32
      %dma_wait3A_680 = tpu.memref_slice %arg5[%select_n3A_592, %dma_wait3A_679] : memref<2x1600xi32, #tpu.memory_space<vmem>> -> memref<1x1600xi32, #tpu.memory_space<vmem>>
      %dma_wait3A_681 = tpu.memref_squeeze %dma_wait3A_680 : memref<1x1600xi32, #tpu.memory_space<vmem>> -> memref<1600xi32, #tpu.memory_space<vmem>>
      %dma_wait3A_682 = arith.constant 400 : i32
      %dma_wait3A_683 = tpu.memref_slice %dma_wait3A_681[%dma_wait3A_682] : memref<1600xi32, #tpu.memory_space<vmem>> -> memref<80xi32, #tpu.memory_space<vmem>>
      %dma_wait3A_684 = arith.constant 0 : i32
      %dma_wait3A_685 = arith.constant 0 : i32
      %dma_wait3A_686 = tpu.memref_slice %arg3[%dma_wait3A_684, %dma_wait3A_685] : memref<1000000x32xf32, #tpu.memory_space<hbm>> -> memref<1000000x32xf32, #tpu.memory_space<hbm>>
      tpu.wait_indirect_dma semaphore(%arg8 : memref<!tpu.dma_semaphore, #tpu.memory_space<semaphore_mem>>) src(%dma_wait3A_686 : memref<1000000x32xf32, #tpu.memory_space<hbm>>) dst(%dma_wait3A_678 : memref<80x32xf32, #tpu.memory_space<vmem>>)
      %dma_wait3A_687 = arith.constant 0 : i32
      %dma_wait3A_688 = arith.constant 0 : i32
      %dma_wait3A_689 = tpu.memref_slice %arg6[%select_n3A_592, %dma_wait3A_687, %dma_wait3A_688] : memref<2x1600x32xf32, #tpu.memory_space<vmem>> -> memref<1x1600x32xf32, #tpu.memory_space<vmem>>
      %dma_wait3A_690 = tpu.memref_squeeze %dma_wait3A_689 : memref<1x1600x32xf32, #tpu.memory_space<vmem>> -> memref<1600x32xf32, #tpu.memory_space<vmem>>
      %dma_wait3A_691 = arith.constant 480 : i32
      %dma_wait3A_692 = arith.constant 0 : i32
      %dma_wait3A_693 = tpu.memref_slice %dma_wait3A_690[%dma_wait3A_691, %dma_wait3A_692] : memref<1600x32xf32, #tpu.memory_space<vmem>> -> memref<80x32xf32, #tpu.memory_space<vmem>>
      %dma_wait3A_694 = arith.constant 0 : i32
      %dma_wait3A_695 = tpu.memref_slice %arg5[%select_n3A_592, %dma_wait3A_694] : memref<2x1600xi32, #tpu.memory_space<vmem>> -> memref<1x1600xi32, #tpu.memory_space<vmem>>
      %dma_wait3A_696 = tpu.memref_squeeze %dma_wait3A_695 : memref<1x1600xi32, #tpu.memory_space<vmem>> -> memref<1600xi32, #tpu.memory_space<vmem>>
      %dma_wait3A_697 = arith.constant 480 : i32
      %dma_wait3A_698 = tpu.memref_slice %dma_wait3A_696[%dma_wait3A_697] : memref<1600xi32, #tpu.memory_space<vmem>> -> memref<80xi32, #tpu.memory_space<vmem>>
      %dma_wait3A_699 = arith.constant 0 : i32
      %dma_wait3A_700 = arith.constant 0 : i32
      %dma_wait3A_701 = tpu.memref_slice %arg3[%dma_wait3A_699, %dma_wait3A_700] : memref<1000000x32xf32, #tpu.memory_space<hbm>> -> memref<1000000x32xf32, #tpu.memory_space<hbm>>
      tpu.wait_indirect_dma semaphore(%arg8 : memref<!tpu.dma_semaphore, #tpu.memory_space<semaphore_mem>>) src(%dma_wait3A_701 : memref<1000000x32xf32, #tpu.memory_space<hbm>>) dst(%dma_wait3A_693 : memref<80x32xf32, #tpu.memory_space<vmem>>)
      %dma_wait3A_702 = arith.constant 0 : i32
      %dma_wait3A_703 = arith.constant 0 : i32
      %dma_wait3A_704 = tpu.memref_slice %arg6[%select_n3A_592, %dma_wait3A_702, %dma_wait3A_703] : memref<2x1600x32xf32, #tpu.memory_space<vmem>> -> memref<1x1600x32xf32, #tpu.memory_space<vmem>>
      %dma_wait3A_705 = tpu.memref_squeeze %dma_wait3A_704 : memref<1x1600x32xf32, #tpu.memory_space<vmem>> -> memref<1600x32xf32, #tpu.memory_space<vmem>>
      %dma_wait3A_706 = arith.constant 560 : i32
      %dma_wait3A_707 = arith.constant 0 : i32
      %dma_wait3A_708 = tpu.memref_slice %dma_wait3A_705[%dma_wait3A_706, %dma_wait3A_707] : memref<1600x32xf32, #tpu.memory_space<vmem>> -> memref<80x32xf32, #tpu.memory_space<vmem>>
      %dma_wait3A_709 = arith.constant 0 : i32
      %dma_wait3A_710 = tpu.memref_slice %arg5[%select_n3A_592, %dma_wait3A_709] : memref<2x1600xi32, #tpu.memory_space<vmem>> -> memref<1x1600xi32, #tpu.memory_space<vmem>>
      %dma_wait3A_711 = tpu.memref_squeeze %dma_wait3A_710 : memref<1x1600xi32, #tpu.memory_space<vmem>> -> memref<1600xi32, #tpu.memory_space<vmem>>
      %dma_wait3A_712 = arith.constant 560 : i32
      %dma_wait3A_713 = tpu.memref_slice %dma_wait3A_711[%dma_wait3A_712] : memref<1600xi32, #tpu.memory_space<vmem>> -> memref<80xi32, #tpu.memory_space<vmem>>
      %dma_wait3A_714 = arith.constant 0 : i32
      %dma_wait3A_715 = arith.constant 0 : i32
      %dma_wait3A_716 = tpu.memref_slice %arg3[%dma_wait3A_714, %dma_wait3A_715] : memref<1000000x32xf32, #tpu.memory_space<hbm>> -> memref<1000000x32xf32, #tpu.memory_space<hbm>>
      tpu.wait_indirect_dma semaphore(%arg8 : memref<!tpu.dma_semaphore, #tpu.memory_space<semaphore_mem>>) src(%dma_wait3A_716 : memref<1000000x32xf32, #tpu.memory_space<hbm>>) dst(%dma_wait3A_708 : memref<80x32xf32, #tpu.memory_space<vmem>>)
      %dma_wait3A_717 = arith.constant 0 : i32
      %dma_wait3A_718 = arith.constant 0 : i32
      %dma_wait3A_719 = tpu.memref_slice %arg6[%select_n3A_592, %dma_wait3A_717, %dma_wait3A_718] : memref<2x1600x32xf32, #tpu.memory_space<vmem>> -> memref<1x1600x32xf32, #tpu.memory_space<vmem>>
      %dma_wait3A_720 = tpu.memref_squeeze %dma_wait3A_719 : memref<1x1600x32xf32, #tpu.memory_space<vmem>> -> memref<1600x32xf32, #tpu.memory_space<vmem>>
      %dma_wait3A_721 = arith.constant 640 : i32
      %dma_wait3A_722 = arith.constant 0 : i32
      %dma_wait3A_723 = tpu.memref_slice %dma_wait3A_720[%dma_wait3A_721, %dma_wait3A_722] : memref<1600x32xf32, #tpu.memory_space<vmem>> -> memref<80x32xf32, #tpu.memory_space<vmem>>
      %dma_wait3A_724 = arith.constant 0 : i32
      %dma_wait3A_725 = tpu.memref_slice %arg5[%select_n3A_592, %dma_wait3A_724] : memref<2x1600xi32, #tpu.memory_space<vmem>> -> memref<1x1600xi32, #tpu.memory_space<vmem>>
      %dma_wait3A_726 = tpu.memref_squeeze %dma_wait3A_725 : memref<1x1600xi32, #tpu.memory_space<vmem>> -> memref<1600xi32, #tpu.memory_space<vmem>>
      %dma_wait3A_727 = arith.constant 640 : i32
      %dma_wait3A_728 = tpu.memref_slice %dma_wait3A_726[%dma_wait3A_727] : memref<1600xi32, #tpu.memory_space<vmem>> -> memref<80xi32, #tpu.memory_space<vmem>>
      %dma_wait3A_729 = arith.constant 0 : i32
      %dma_wait3A_730 = arith.constant 0 : i32
      %dma_wait3A_731 = tpu.memref_slice %arg3[%dma_wait3A_729, %dma_wait3A_730] : memref<1000000x32xf32, #tpu.memory_space<hbm>> -> memref<1000000x32xf32, #tpu.memory_space<hbm>>
      tpu.wait_indirect_dma semaphore(%arg8 : memref<!tpu.dma_semaphore, #tpu.memory_space<semaphore_mem>>) src(%dma_wait3A_731 : memref<1000000x32xf32, #tpu.memory_space<hbm>>) dst(%dma_wait3A_723 : memref<80x32xf32, #tpu.memory_space<vmem>>)
      %dma_wait3A_732 = arith.constant 0 : i32
      %dma_wait3A_733 = arith.constant 0 : i32
      %dma_wait3A_734 = tpu.memref_slice %arg6[%select_n3A_592, %dma_wait3A_732, %dma_wait3A_733] : memref<2x1600x32xf32, #tpu.memory_space<vmem>> -> memref<1x1600x32xf32, #tpu.memory_space<vmem>>
      %dma_wait3A_735 = tpu.memref_squeeze %dma_wait3A_734 : memref<1x1600x32xf32, #tpu.memory_space<vmem>> -> memref<1600x32xf32, #tpu.memory_space<vmem>>
      %dma_wait3A_736 = arith.constant 720 : i32
      %dma_wait3A_737 = arith.constant 0 : i32
      %dma_wait3A_738 = tpu.memref_slice %dma_wait3A_735[%dma_wait3A_736, %dma_wait3A_737] : memref<1600x32xf32, #tpu.memory_space<vmem>> -> memref<80x32xf32, #tpu.memory_space<vmem>>
      %dma_wait3A_739 = arith.constant 0 : i32
      %dma_wait3A_740 = tpu.memref_slice %arg5[%select_n3A_592, %dma_wait3A_739] : memref<2x1600xi32, #tpu.memory_space<vmem>> -> memref<1x1600xi32, #tpu.memory_space<vmem>>
      %dma_wait3A_741 = tpu.memref_squeeze %dma_wait3A_740 : memref<1x1600xi32, #tpu.memory_space<vmem>> -> memref<1600xi32, #tpu.memory_space<vmem>>
      %dma_wait3A_742 = arith.constant 720 : i32
      %dma_wait3A_743 = tpu.memref_slice %dma_wait3A_741[%dma_wait3A_742] : memref<1600xi32, #tpu.memory_space<vmem>> -> memref<80xi32, #tpu.memory_space<vmem>>
      %dma_wait3A_744 = arith.constant 0 : i32
      %dma_wait3A_745 = arith.constant 0 : i32
      %dma_wait3A_746 = tpu.memref_slice %arg3[%dma_wait3A_744, %dma_wait3A_745] : memref<1000000x32xf32, #tpu.memory_space<hbm>> -> memref<1000000x32xf32, #tpu.memory_space<hbm>>
      tpu.wait_indirect_dma semaphore(%arg8 : memref<!tpu.dma_semaphore, #tpu.memory_space<semaphore_mem>>) src(%dma_wait3A_746 : memref<1000000x32xf32, #tpu.memory_space<hbm>>) dst(%dma_wait3A_738 : memref<80x32xf32, #tpu.memory_space<vmem>>)
      %dma_wait3A_747 = arith.constant 0 : i32
      %dma_wait3A_748 = arith.constant 0 : i32
      %dma_wait3A_749 = tpu.memref_slice %arg6[%select_n3A_592, %dma_wait3A_747, %dma_wait3A_748] : memref<2x1600x32xf32, #tpu.memory_space<vmem>> -> memref<1x1600x32xf32, #tpu.memory_space<vmem>>
      %dma_wait3A_750 = tpu.memref_squeeze %dma_wait3A_749 : memref<1x1600x32xf32, #tpu.memory_space<vmem>> -> memref<1600x32xf32, #tpu.memory_space<vmem>>
      %dma_wait3A_751 = arith.constant 800 : i32
      %dma_wait3A_752 = arith.constant 0 : i32
      %dma_wait3A_753 = tpu.memref_slice %dma_wait3A_750[%dma_wait3A_751, %dma_wait3A_752] : memref<1600x32xf32, #tpu.memory_space<vmem>> -> memref<80x32xf32, #tpu.memory_space<vmem>>
      %dma_wait3A_754 = arith.constant 0 : i32
      %dma_wait3A_755 = tpu.memref_slice %arg5[%select_n3A_592, %dma_wait3A_754] : memref<2x1600xi32, #tpu.memory_space<vmem>> -> memref<1x1600xi32, #tpu.memory_space<vmem>>
      %dma_wait3A_756 = tpu.memref_squeeze %dma_wait3A_755 : memref<1x1600xi32, #tpu.memory_space<vmem>> -> memref<1600xi32, #tpu.memory_space<vmem>>
      %dma_wait3A_757 = arith.constant 800 : i32
      %dma_wait3A_758 = tpu.memref_slice %dma_wait3A_756[%dma_wait3A_757] : memref<1600xi32, #tpu.memory_space<vmem>> -> memref<80xi32, #tpu.memory_space<vmem>>
      %dma_wait3A_759 = arith.constant 0 : i32
      %dma_wait3A_760 = arith.constant 0 : i32
      %dma_wait3A_761 = tpu.memref_slice %arg3[%dma_wait3A_759, %dma_wait3A_760] : memref<1000000x32xf32, #tpu.memory_space<hbm>> -> memref<1000000x32xf32, #tpu.memory_space<hbm>>
      tpu.wait_indirect_dma semaphore(%arg8 : memref<!tpu.dma_semaphore, #tpu.memory_space<semaphore_mem>>) src(%dma_wait3A_761 : memref<1000000x32xf32, #tpu.memory_space<hbm>>) dst(%dma_wait3A_753 : memref<80x32xf32, #tpu.memory_space<vmem>>)
      %dma_wait3A_762 = arith.constant 0 : i32
      %dma_wait3A_763 = arith.constant 0 : i32
      %dma_wait3A_764 = tpu.memref_slice %arg6[%select_n3A_592, %dma_wait3A_762, %dma_wait3A_763] : memref<2x1600x32xf32, #tpu.memory_space<vmem>> -> memref<1x1600x32xf32, #tpu.memory_space<vmem>>
      %dma_wait3A_765 = tpu.memref_squeeze %dma_wait3A_764 : memref<1x1600x32xf32, #tpu.memory_space<vmem>> -> memref<1600x32xf32, #tpu.memory_space<vmem>>
      %dma_wait3A_766 = arith.constant 880 : i32
      %dma_wait3A_767 = arith.constant 0 : i32
      %dma_wait3A_768 = tpu.memref_slice %dma_wait3A_765[%dma_wait3A_766, %dma_wait3A_767] : memref<1600x32xf32, #tpu.memory_space<vmem>> -> memref<80x32xf32, #tpu.memory_space<vmem>>
      %dma_wait3A_769 = arith.constant 0 : i32
      %dma_wait3A_770 = tpu.memref_slice %arg5[%select_n3A_592, %dma_wait3A_769] : memref<2x1600xi32, #tpu.memory_space<vmem>> -> memref<1x1600xi32, #tpu.memory_space<vmem>>
      %dma_wait3A_771 = tpu.memref_squeeze %dma_wait3A_770 : memref<1x1600xi32, #tpu.memory_space<vmem>> -> memref<1600xi32, #tpu.memory_space<vmem>>
      %dma_wait3A_772 = arith.constant 880 : i32
      %dma_wait3A_773 = tpu.memref_slice %dma_wait3A_771[%dma_wait3A_772] : memref<1600xi32, #tpu.memory_space<vmem>> -> memref<80xi32, #tpu.memory_space<vmem>>
      %dma_wait3A_774 = arith.constant 0 : i32
      %dma_wait3A_775 = arith.constant 0 : i32
      %dma_wait3A_776 = tpu.memref_slice %arg3[%dma_wait3A_774, %dma_wait3A_775] : memref<1000000x32xf32, #tpu.memory_space<hbm>> -> memref<1000000x32xf32, #tpu.memory_space<hbm>>
      tpu.wait_indirect_dma semaphore(%arg8 : memref<!tpu.dma_semaphore, #tpu.memory_space<semaphore_mem>>) src(%dma_wait3A_776 : memref<1000000x32xf32, #tpu.memory_space<hbm>>) dst(%dma_wait3A_768 : memref<80x32xf32, #tpu.memory_space<vmem>>)
      %dma_wait3A_777 = arith.constant 0 : i32
      %dma_wait3A_778 = arith.constant 0 : i32
      %dma_wait3A_779 = tpu.memref_slice %arg6[%select_n3A_592, %dma_wait3A_777, %dma_wait3A_778] : memref<2x1600x32xf32, #tpu.memory_space<vmem>> -> memref<1x1600x32xf32, #tpu.memory_space<vmem>>
      %dma_wait3A_780 = tpu.memref_squeeze %dma_wait3A_779 : memref<1x1600x32xf32, #tpu.memory_space<vmem>> -> memref<1600x32xf32, #tpu.memory_space<vmem>>
      %dma_wait3A_781 = arith.constant 960 : i32
      %dma_wait3A_782 = arith.constant 0 : i32
      %dma_wait3A_783 = tpu.memref_slice %dma_wait3A_780[%dma_wait3A_781, %dma_wait3A_782] : memref<1600x32xf32, #tpu.memory_space<vmem>> -> memref<80x32xf32, #tpu.memory_space<vmem>>
      %dma_wait3A_784 = arith.constant 0 : i32
      %dma_wait3A_785 = tpu.memref_slice %arg5[%select_n3A_592, %dma_wait3A_784] : memref<2x1600xi32, #tpu.memory_space<vmem>> -> memref<1x1600xi32, #tpu.memory_space<vmem>>
      %dma_wait3A_786 = tpu.memref_squeeze %dma_wait3A_785 : memref<1x1600xi32, #tpu.memory_space<vmem>> -> memref<1600xi32, #tpu.memory_space<vmem>>
      %dma_wait3A_787 = arith.constant 960 : i32
      %dma_wait3A_788 = tpu.memref_slice %dma_wait3A_786[%dma_wait3A_787] : memref<1600xi32, #tpu.memory_space<vmem>> -> memref<80xi32, #tpu.memory_space<vmem>>
      %dma_wait3A_789 = arith.constant 0 : i32
      %dma_wait3A_790 = arith.constant 0 : i32
      %dma_wait3A_791 = tpu.memref_slice %arg3[%dma_wait3A_789, %dma_wait3A_790] : memref<1000000x32xf32, #tpu.memory_space<hbm>> -> memref<1000000x32xf32, #tpu.memory_space<hbm>>
      tpu.wait_indirect_dma semaphore(%arg8 : memref<!tpu.dma_semaphore, #tpu.memory_space<semaphore_mem>>) src(%dma_wait3A_791 : memref<1000000x32xf32, #tpu.memory_space<hbm>>) dst(%dma_wait3A_783 : memref<80x32xf32, #tpu.memory_space<vmem>>)
      %dma_wait3A_792 = arith.constant 0 : i32
      %dma_wait3A_793 = arith.constant 0 : i32
      %dma_wait3A_794 = tpu.memref_slice %arg6[%select_n3A_592, %dma_wait3A_792, %dma_wait3A_793] : memref<2x1600x32xf32, #tpu.memory_space<vmem>> -> memref<1x1600x32xf32, #tpu.memory_space<vmem>>
      %dma_wait3A_795 = tpu.memref_squeeze %dma_wait3A_794 : memref<1x1600x32xf32, #tpu.memory_space<vmem>> -> memref<1600x32xf32, #tpu.memory_space<vmem>>
      %dma_wait3A_796 = arith.constant 1040 : i32
      %dma_wait3A_797 = arith.constant 0 : i32
      %dma_wait3A_798 = tpu.memref_slice %dma_wait3A_795[%dma_wait3A_796, %dma_wait3A_797] : memref<1600x32xf32, #tpu.memory_space<vmem>> -> memref<80x32xf32, #tpu.memory_space<vmem>>
      %dma_wait3A_799 = arith.constant 0 : i32
      %dma_wait3A_800 = tpu.memref_slice %arg5[%select_n3A_592, %dma_wait3A_799] : memref<2x1600xi32, #tpu.memory_space<vmem>> -> memref<1x1600xi32, #tpu.memory_space<vmem>>
      %dma_wait3A_801 = tpu.memref_squeeze %dma_wait3A_800 : memref<1x1600xi32, #tpu.memory_space<vmem>> -> memref<1600xi32, #tpu.memory_space<vmem>>
      %dma_wait3A_802 = arith.constant 1040 : i32
      %dma_wait3A_803 = tpu.memref_slice %dma_wait3A_801[%dma_wait3A_802] : memref<1600xi32, #tpu.memory_space<vmem>> -> memref<80xi32, #tpu.memory_space<vmem>>
      %dma_wait3A_804 = arith.constant 0 : i32
      %dma_wait3A_805 = arith.constant 0 : i32
      %dma_wait3A_806 = tpu.memref_slice %arg3[%dma_wait3A_804, %dma_wait3A_805] : memref<1000000x32xf32, #tpu.memory_space<hbm>> -> memref<1000000x32xf32, #tpu.memory_space<hbm>>
      tpu.wait_indirect_dma semaphore(%arg8 : memref<!tpu.dma_semaphore, #tpu.memory_space<semaphore_mem>>) src(%dma_wait3A_806 : memref<1000000x32xf32, #tpu.memory_space<hbm>>) dst(%dma_wait3A_798 : memref<80x32xf32, #tpu.memory_space<vmem>>)
      %dma_wait3A_807 = arith.constant 0 : i32
      %dma_wait3A_808 = arith.constant 0 : i32
      %dma_wait3A_809 = tpu.memref_slice %arg6[%select_n3A_592, %dma_wait3A_807, %dma_wait3A_808] : memref<2x1600x32xf32, #tpu.memory_space<vmem>> -> memref<1x1600x32xf32, #tpu.memory_space<vmem>>
      %dma_wait3A_810 = tpu.memref_squeeze %dma_wait3A_809 : memref<1x1600x32xf32, #tpu.memory_space<vmem>> -> memref<1600x32xf32, #tpu.memory_space<vmem>>
      %dma_wait3A_811 = arith.constant 1120 : i32
      %dma_wait3A_812 = arith.constant 0 : i32
      %dma_wait3A_813 = tpu.memref_slice %dma_wait3A_810[%dma_wait3A_811, %dma_wait3A_812] : memref<1600x32xf32, #tpu.memory_space<vmem>> -> memref<80x32xf32, #tpu.memory_space<vmem>>
      %dma_wait3A_814 = arith.constant 0 : i32
      %dma_wait3A_815 = tpu.memref_slice %arg5[%select_n3A_592, %dma_wait3A_814] : memref<2x1600xi32, #tpu.memory_space<vmem>> -> memref<1x1600xi32, #tpu.memory_space<vmem>>
      %dma_wait3A_816 = tpu.memref_squeeze %dma_wait3A_815 : memref<1x1600xi32, #tpu.memory_space<vmem>> -> memref<1600xi32, #tpu.memory_space<vmem>>
      %dma_wait3A_817 = arith.constant 1120 : i32
      %dma_wait3A_818 = tpu.memref_slice %dma_wait3A_816[%dma_wait3A_817] : memref<1600xi32, #tpu.memory_space<vmem>> -> memref<80xi32, #tpu.memory_space<vmem>>
      %dma_wait3A_819 = arith.constant 0 : i32
      %dma_wait3A_820 = arith.constant 0 : i32
      %dma_wait3A_821 = tpu.memref_slice %arg3[%dma_wait3A_819, %dma_wait3A_820] : memref<1000000x32xf32, #tpu.memory_space<hbm>> -> memref<1000000x32xf32, #tpu.memory_space<hbm>>
      tpu.wait_indirect_dma semaphore(%arg8 : memref<!tpu.dma_semaphore, #tpu.memory_space<semaphore_mem>>) src(%dma_wait3A_821 : memref<1000000x32xf32, #tpu.memory_space<hbm>>) dst(%dma_wait3A_813 : memref<80x32xf32, #tpu.memory_space<vmem>>)
      %dma_wait3A_822 = arith.constant 0 : i32
      %dma_wait3A_823 = arith.constant 0 : i32
      %dma_wait3A_824 = tpu.memref_slice %arg6[%select_n3A_592, %dma_wait3A_822, %dma_wait3A_823] : memref<2x1600x32xf32, #tpu.memory_space<vmem>> -> memref<1x1600x32xf32, #tpu.memory_space<vmem>>
      %dma_wait3A_825 = tpu.memref_squeeze %dma_wait3A_824 : memref<1x1600x32xf32, #tpu.memory_space<vmem>> -> memref<1600x32xf32, #tpu.memory_space<vmem>>
      %dma_wait3A_826 = arith.constant 1200 : i32
      %dma_wait3A_827 = arith.constant 0 : i32
      %dma_wait3A_828 = tpu.memref_slice %dma_wait3A_825[%dma_wait3A_826, %dma_wait3A_827] : memref<1600x32xf32, #tpu.memory_space<vmem>> -> memref<80x32xf32, #tpu.memory_space<vmem>>
      %dma_wait3A_829 = arith.constant 0 : i32
      %dma_wait3A_830 = tpu.memref_slice %arg5[%select_n3A_592, %dma_wait3A_829] : memref<2x1600xi32, #tpu.memory_space<vmem>> -> memref<1x1600xi32, #tpu.memory_space<vmem>>
      %dma_wait3A_831 = tpu.memref_squeeze %dma_wait3A_830 : memref<1x1600xi32, #tpu.memory_space<vmem>> -> memref<1600xi32, #tpu.memory_space<vmem>>
      %dma_wait3A_832 = arith.constant 1200 : i32
      %dma_wait3A_833 = tpu.memref_slice %dma_wait3A_831[%dma_wait3A_832] : memref<1600xi32, #tpu.memory_space<vmem>> -> memref<80xi32, #tpu.memory_space<vmem>>
      %dma_wait3A_834 = arith.constant 0 : i32
      %dma_wait3A_835 = arith.constant 0 : i32
      %dma_wait3A_836 = tpu.memref_slice %arg3[%dma_wait3A_834, %dma_wait3A_835] : memref<1000000x32xf32, #tpu.memory_space<hbm>> -> memref<1000000x32xf32, #tpu.memory_space<hbm>>
      tpu.wait_indirect_dma semaphore(%arg8 : memref<!tpu.dma_semaphore, #tpu.memory_space<semaphore_mem>>) src(%dma_wait3A_836 : memref<1000000x32xf32, #tpu.memory_space<hbm>>) dst(%dma_wait3A_828 : memref<80x32xf32, #tpu.memory_space<vmem>>)
      %dma_wait3A_837 = arith.constant 0 : i32
      %dma_wait3A_838 = arith.constant 0 : i32
      %dma_wait3A_839 = tpu.memref_slice %arg6[%select_n3A_592, %dma_wait3A_837, %dma_wait3A_838] : memref<2x1600x32xf32, #tpu.memory_space<vmem>> -> memref<1x1600x32xf32, #tpu.memory_space<vmem>>
      %dma_wait3A_840 = tpu.memref_squeeze %dma_wait3A_839 : memref<1x1600x32xf32, #tpu.memory_space<vmem>> -> memref<1600x32xf32, #tpu.memory_space<vmem>>
      %dma_wait3A_841 = arith.constant 1280 : i32
      %dma_wait3A_842 = arith.constant 0 : i32
      %dma_wait3A_843 = tpu.memref_slice %dma_wait3A_840[%dma_wait3A_841, %dma_wait3A_842] : memref<1600x32xf32, #tpu.memory_space<vmem>> -> memref<80x32xf32, #tpu.memory_space<vmem>>
      %dma_wait3A_844 = arith.constant 0 : i32
      %dma_wait3A_845 = tpu.memref_slice %arg5[%select_n3A_592, %dma_wait3A_844] : memref<2x1600xi32, #tpu.memory_space<vmem>> -> memref<1x1600xi32, #tpu.memory_space<vmem>>
      %dma_wait3A_846 = tpu.memref_squeeze %dma_wait3A_845 : memref<1x1600xi32, #tpu.memory_space<vmem>> -> memref<1600xi32, #tpu.memory_space<vmem>>
      %dma_wait3A_847 = arith.constant 1280 : i32
      %dma_wait3A_848 = tpu.memref_slice %dma_wait3A_846[%dma_wait3A_847] : memref<1600xi32, #tpu.memory_space<vmem>> -> memref<80xi32, #tpu.memory_space<vmem>>
      %dma_wait3A_849 = arith.constant 0 : i32
      %dma_wait3A_850 = arith.constant 0 : i32
      %dma_wait3A_851 = tpu.memref_slice %arg3[%dma_wait3A_849, %dma_wait3A_850] : memref<1000000x32xf32, #tpu.memory_space<hbm>> -> memref<1000000x32xf32, #tpu.memory_space<hbm>>
      tpu.wait_indirect_dma semaphore(%arg8 : memref<!tpu.dma_semaphore, #tpu.memory_space<semaphore_mem>>) src(%dma_wait3A_851 : memref<1000000x32xf32, #tpu.memory_space<hbm>>) dst(%dma_wait3A_843 : memref<80x32xf32, #tpu.memory_space<vmem>>)
      %dma_wait3A_852 = arith.constant 0 : i32
      %dma_wait3A_853 = arith.constant 0 : i32
      %dma_wait3A_854 = tpu.memref_slice %arg6[%select_n3A_592, %dma_wait3A_852, %dma_wait3A_853] : memref<2x1600x32xf32, #tpu.memory_space<vmem>> -> memref<1x1600x32xf32, #tpu.memory_space<vmem>>
      %dma_wait3A_855 = tpu.memref_squeeze %dma_wait3A_854 : memref<1x1600x32xf32, #tpu.memory_space<vmem>> -> memref<1600x32xf32, #tpu.memory_space<vmem>>
      %dma_wait3A_856 = arith.constant 1360 : i32
      %dma_wait3A_857 = arith.constant 0 : i32
      %dma_wait3A_858 = tpu.memref_slice %dma_wait3A_855[%dma_wait3A_856, %dma_wait3A_857] : memref<1600x32xf32, #tpu.memory_space<vmem>> -> memref<80x32xf32, #tpu.memory_space<vmem>>
      %dma_wait3A_859 = arith.constant 0 : i32
      %dma_wait3A_860 = tpu.memref_slice %arg5[%select_n3A_592, %dma_wait3A_859] : memref<2x1600xi32, #tpu.memory_space<vmem>> -> memref<1x1600xi32, #tpu.memory_space<vmem>>
      %dma_wait3A_861 = tpu.memref_squeeze %dma_wait3A_860 : memref<1x1600xi32, #tpu.memory_space<vmem>> -> memref<1600xi32, #tpu.memory_space<vmem>>
      %dma_wait3A_862 = arith.constant 1360 : i32
      %dma_wait3A_863 = tpu.memref_slice %dma_wait3A_861[%dma_wait3A_862] : memref<1600xi32, #tpu.memory_space<vmem>> -> memref<80xi32, #tpu.memory_space<vmem>>
      %dma_wait3A_864 = arith.constant 0 : i32
      %dma_wait3A_865 = arith.constant 0 : i32
      %dma_wait3A_866 = tpu.memref_slice %arg3[%dma_wait3A_864, %dma_wait3A_865] : memref<1000000x32xf32, #tpu.memory_space<hbm>> -> memref<1000000x32xf32, #tpu.memory_space<hbm>>
      tpu.wait_indirect_dma semaphore(%arg8 : memref<!tpu.dma_semaphore, #tpu.memory_space<semaphore_mem>>) src(%dma_wait3A_866 : memref<1000000x32xf32, #tpu.memory_space<hbm>>) dst(%dma_wait3A_858 : memref<80x32xf32, #tpu.memory_space<vmem>>)
      %dma_wait3A_867 = arith.constant 0 : i32
      %dma_wait3A_868 = arith.constant 0 : i32
      %dma_wait3A_869 = tpu.memref_slice %arg6[%select_n3A_592, %dma_wait3A_867, %dma_wait3A_868] : memref<2x1600x32xf32, #tpu.memory_space<vmem>> -> memref<1x1600x32xf32, #tpu.memory_space<vmem>>
      %dma_wait3A_870 = tpu.memref_squeeze %dma_wait3A_869 : memref<1x1600x32xf32, #tpu.memory_space<vmem>> -> memref<1600x32xf32, #tpu.memory_space<vmem>>
      %dma_wait3A_871 = arith.constant 1440 : i32
      %dma_wait3A_872 = arith.constant 0 : i32
      %dma_wait3A_873 = tpu.memref_slice %dma_wait3A_870[%dma_wait3A_871, %dma_wait3A_872] : memref<1600x32xf32, #tpu.memory_space<vmem>> -> memref<80x32xf32, #tpu.memory_space<vmem>>
      %dma_wait3A_874 = arith.constant 0 : i32
      %dma_wait3A_875 = tpu.memref_slice %arg5[%select_n3A_592, %dma_wait3A_874] : memref<2x1600xi32, #tpu.memory_space<vmem>> -> memref<1x1600xi32, #tpu.memory_space<vmem>>
      %dma_wait3A_876 = tpu.memref_squeeze %dma_wait3A_875 : memref<1x1600xi32, #tpu.memory_space<vmem>> -> memref<1600xi32, #tpu.memory_space<vmem>>
      %dma_wait3A_877 = arith.constant 1440 : i32
      %dma_wait3A_878 = tpu.memref_slice %dma_wait3A_876[%dma_wait3A_877] : memref<1600xi32, #tpu.memory_space<vmem>> -> memref<80xi32, #tpu.memory_space<vmem>>
      %dma_wait3A_879 = arith.constant 0 : i32
      %dma_wait3A_880 = arith.constant 0 : i32
      %dma_wait3A_881 = tpu.memref_slice %arg3[%dma_wait3A_879, %dma_wait3A_880] : memref<1000000x32xf32, #tpu.memory_space<hbm>> -> memref<1000000x32xf32, #tpu.memory_space<hbm>>
      tpu.wait_indirect_dma semaphore(%arg8 : memref<!tpu.dma_semaphore, #tpu.memory_space<semaphore_mem>>) src(%dma_wait3A_881 : memref<1000000x32xf32, #tpu.memory_space<hbm>>) dst(%dma_wait3A_873 : memref<80x32xf32, #tpu.memory_space<vmem>>)
      %dma_wait3A_882 = arith.constant 0 : i32
      %dma_wait3A_883 = arith.constant 0 : i32
      %dma_wait3A_884 = tpu.memref_slice %arg6[%select_n3A_592, %dma_wait3A_882, %dma_wait3A_883] : memref<2x1600x32xf32, #tpu.memory_space<vmem>> -> memref<1x1600x32xf32, #tpu.memory_space<vmem>>
      %dma_wait3A_885 = tpu.memref_squeeze %dma_wait3A_884 : memref<1x1600x32xf32, #tpu.memory_space<vmem>> -> memref<1600x32xf32, #tpu.memory_space<vmem>>
      %dma_wait3A_886 = arith.constant 1520 : i32
      %dma_wait3A_887 = arith.constant 0 : i32
      %dma_wait3A_888 = tpu.memref_slice %dma_wait3A_885[%dma_wait3A_886, %dma_wait3A_887] : memref<1600x32xf32, #tpu.memory_space<vmem>> -> memref<80x32xf32, #tpu.memory_space<vmem>>
      %dma_wait3A_889 = arith.constant 0 : i32
      %dma_wait3A_890 = tpu.memref_slice %arg5[%select_n3A_592, %dma_wait3A_889] : memref<2x1600xi32, #tpu.memory_space<vmem>> -> memref<1x1600xi32, #tpu.memory_space<vmem>>
      %dma_wait3A_891 = tpu.memref_squeeze %dma_wait3A_890 : memref<1x1600xi32, #tpu.memory_space<vmem>> -> memref<1600xi32, #tpu.memory_space<vmem>>
      %dma_wait3A_892 = arith.constant 1520 : i32
      %dma_wait3A_893 = tpu.memref_slice %dma_wait3A_891[%dma_wait3A_892] : memref<1600xi32, #tpu.memory_space<vmem>> -> memref<80xi32, #tpu.memory_space<vmem>>
      %dma_wait3A_894 = arith.constant 0 : i32
      %dma_wait3A_895 = arith.constant 0 : i32
      %dma_wait3A_896 = tpu.memref_slice %arg3[%dma_wait3A_894, %dma_wait3A_895] : memref<1000000x32xf32, #tpu.memory_space<hbm>> -> memref<1000000x32xf32, #tpu.memory_space<hbm>>
      tpu.wait_indirect_dma semaphore(%arg8 : memref<!tpu.dma_semaphore, #tpu.memory_space<semaphore_mem>>) src(%dma_wait3A_896 : memref<1000000x32xf32, #tpu.memory_space<hbm>>) dst(%dma_wait3A_888 : memref<80x32xf32, #tpu.memory_space<vmem>>)
      %ge3A = arith.constant 1 : i32
      %ge3A_897 = arith.cmpi sge, %scan3A_583, %ge3A : i32
      %convert_element_type3A_898 = arith.extui %ge3A_897 : i1 to i32
      %cond3A_899 = arith.constant 0 : i32
      %cond3A_900 = arith.cmpi ne, %convert_element_type3A_898, %cond3A_899 : i32
      scf.if %cond3A_900 {
        %sub3A_1106 = arith.constant 1 : i32
        %sub3A_1107 = arith.subi %scan3A_583, %sub3A_1106 : i32
        %mul3A_1108 = arith.constant 8 : i32
        %mul3A_1109 = arith.muli %sub3A_1107, %mul3A_1108 : i32
        %add3A_1110 = arith.addi %mul3A_2, %mul3A_1109 : i32
        %add3A_1111 = arith.constant 0 : i32
        %add3A_1112 = arith.addi %add3A_1110, %add3A_1111 : i32
        %add3A_1113 = arith.constant 1 : i32
        %add3A_1114 = arith.addi %add3A_1110, %add3A_1113 : i32
        %add3A_1115 = arith.constant 2 : i32
        %add3A_1116 = arith.addi %add3A_1110, %add3A_1115 : i32
        %add3A_1117 = arith.constant 3 : i32
        %add3A_1118 = arith.addi %add3A_1110, %add3A_1117 : i32
        %add3A_1119 = arith.constant 4 : i32
        %add3A_1120 = arith.addi %add3A_1110, %add3A_1119 : i32
        %add3A_1121 = arith.constant 5 : i32
        %add3A_1122 = arith.addi %add3A_1110, %add3A_1121 : i32
        %add3A_1123 = arith.constant 6 : i32
        %add3A_1124 = arith.addi %add3A_1110, %add3A_1123 : i32
        %add3A_1125 = arith.constant 7 : i32
        %add3A_1126 = arith.addi %add3A_1110, %add3A_1125 : i32
        %dma_wait3A_1127 = arith.constant 0 : i32
        %dma_wait3A_1128 = arith.constant 0 : i32
        %dma_wait3A_1129 = tpu.memref_slice %arg6[%sub3A_593, %dma_wait3A_1127, %dma_wait3A_1128] : memref<2x1600x32xf32, #tpu.memory_space<vmem>> -> memref<1x1600x32xf32, #tpu.memory_space<vmem>>
        %dma_wait3A_1130 = tpu.memref_squeeze %dma_wait3A_1129 : memref<1x1600x32xf32, #tpu.memory_space<vmem>> -> memref<1600x32xf32, #tpu.memory_space<vmem>>
        %dma_wait3A_1131 = arith.constant 0 : i32
        %dma_wait3A_1132 = arith.constant 0 : i32
        %dma_wait3A_1133 = tpu.memref_slice %dma_wait3A_1130[%dma_wait3A_1131, %dma_wait3A_1132] : memref<1600x32xf32, #tpu.memory_space<vmem>> -> memref<200x32xf32, #tpu.memory_space<vmem>>
        %dma_wait3A_1134 = arith.constant 0 : i32
        %dma_wait3A_1135 = arith.constant 0 : i32
        %dma_wait3A_1136 = tpu.memref_slice %arg4[%add3A_1112, %dma_wait3A_1134, %dma_wait3A_1135] : memref<8192x200x32xf32, #tpu.memory_space<hbm>> -> memref<1x200x32xf32, #tpu.memory_space<hbm>>
        %dma_wait3A_1137 = tpu.memref_squeeze %dma_wait3A_1136 : memref<1x200x32xf32, #tpu.memory_space<hbm>> -> memref<200x32xf32, #tpu.memory_space<hbm>>
        %dma_wait3A_1138 = arith.constant 0 : i32
        %dma_wait3A_1139 = arith.constant 0 : i32
        %dma_wait3A_1140 = tpu.memref_slice %arg4[%add3A_1112, %dma_wait3A_1138, %dma_wait3A_1139] : memref<8192x200x32xf32, #tpu.memory_space<hbm>> -> memref<1x200x32xf32, #tpu.memory_space<hbm>>
        %dma_wait3A_1141 = tpu.memref_squeeze %dma_wait3A_1140 : memref<1x200x32xf32, #tpu.memory_space<hbm>> -> memref<200x32xf32, #tpu.memory_space<hbm>>
        %dma_wait3A_1142 = arith.constant 0 : i32
        %dma_wait3A_1143 = arith.constant 0 : i32
        %dma_wait3A_1144 = tpu.memref_slice %arg6[%sub3A_593, %dma_wait3A_1142, %dma_wait3A_1143] : memref<2x1600x32xf32, #tpu.memory_space<vmem>> -> memref<1x1600x32xf32, #tpu.memory_space<vmem>>
        %dma_wait3A_1145 = tpu.memref_squeeze %dma_wait3A_1144 : memref<1x1600x32xf32, #tpu.memory_space<vmem>> -> memref<1600x32xf32, #tpu.memory_space<vmem>>
        %dma_wait3A_1146 = arith.constant 0 : i32
        %dma_wait3A_1147 = arith.constant 0 : i32
        %dma_wait3A_1148 = tpu.memref_slice %dma_wait3A_1145[%dma_wait3A_1146, %dma_wait3A_1147] : memref<1600x32xf32, #tpu.memory_space<vmem>> -> memref<200x32xf32, #tpu.memory_space<vmem>>
        tpu.wait_dma2 semaphore(%arg9 : memref<!tpu.dma_semaphore, #tpu.memory_space<semaphore_mem>>) src(%dma_wait3A_1148 : memref<200x32xf32, #tpu.memory_space<vmem>>) dst(%dma_wait3A_1141 : memref<200x32xf32, #tpu.memory_space<hbm>>)
        %dma_wait3A_1149 = arith.constant 0 : i32
        %dma_wait3A_1150 = arith.constant 0 : i32
        %dma_wait3A_1151 = tpu.memref_slice %arg6[%sub3A_593, %dma_wait3A_1149, %dma_wait3A_1150] : memref<2x1600x32xf32, #tpu.memory_space<vmem>> -> memref<1x1600x32xf32, #tpu.memory_space<vmem>>
        %dma_wait3A_1152 = tpu.memref_squeeze %dma_wait3A_1151 : memref<1x1600x32xf32, #tpu.memory_space<vmem>> -> memref<1600x32xf32, #tpu.memory_space<vmem>>
        %dma_wait3A_1153 = arith.constant 200 : i32
        %dma_wait3A_1154 = arith.constant 0 : i32
        %dma_wait3A_1155 = tpu.memref_slice %dma_wait3A_1152[%dma_wait3A_1153, %dma_wait3A_1154] : memref<1600x32xf32, #tpu.memory_space<vmem>> -> memref<200x32xf32, #tpu.memory_space<vmem>>
        %dma_wait3A_1156 = arith.constant 0 : i32
        %dma_wait3A_1157 = arith.constant 0 : i32
        %dma_wait3A_1158 = tpu.memref_slice %arg4[%add3A_1114, %dma_wait3A_1156, %dma_wait3A_1157] : memref<8192x200x32xf32, #tpu.memory_space<hbm>> -> memref<1x200x32xf32, #tpu.memory_space<hbm>>
        %dma_wait3A_1159 = tpu.memref_squeeze %dma_wait3A_1158 : memref<1x200x32xf32, #tpu.memory_space<hbm>> -> memref<200x32xf32, #tpu.memory_space<hbm>>
        %dma_wait3A_1160 = arith.constant 0 : i32
        %dma_wait3A_1161 = arith.constant 0 : i32
        %dma_wait3A_1162 = tpu.memref_slice %arg4[%add3A_1114, %dma_wait3A_1160, %dma_wait3A_1161] : memref<8192x200x32xf32, #tpu.memory_space<hbm>> -> memref<1x200x32xf32, #tpu.memory_space<hbm>>
        %dma_wait3A_1163 = tpu.memref_squeeze %dma_wait3A_1162 : memref<1x200x32xf32, #tpu.memory_space<hbm>> -> memref<200x32xf32, #tpu.memory_space<hbm>>
        %dma_wait3A_1164 = arith.constant 0 : i32
        %dma_wait3A_1165 = arith.constant 0 : i32
        %dma_wait3A_1166 = tpu.memref_slice %arg6[%sub3A_593, %dma_wait3A_1164, %dma_wait3A_1165] : memref<2x1600x32xf32, #tpu.memory_space<vmem>> -> memref<1x1600x32xf32, #tpu.memory_space<vmem>>
        %dma_wait3A_1167 = tpu.memref_squeeze %dma_wait3A_1166 : memref<1x1600x32xf32, #tpu.memory_space<vmem>> -> memref<1600x32xf32, #tpu.memory_space<vmem>>
        %dma_wait3A_1168 = arith.constant 200 : i32
        %dma_wait3A_1169 = arith.constant 0 : i32
        %dma_wait3A_1170 = tpu.memref_slice %dma_wait3A_1167[%dma_wait3A_1168, %dma_wait3A_1169] : memref<1600x32xf32, #tpu.memory_space<vmem>> -> memref<200x32xf32, #tpu.memory_space<vmem>>
        tpu.wait_dma2 semaphore(%arg9 : memref<!tpu.dma_semaphore, #tpu.memory_space<semaphore_mem>>) src(%dma_wait3A_1170 : memref<200x32xf32, #tpu.memory_space<vmem>>) dst(%dma_wait3A_1163 : memref<200x32xf32, #tpu.memory_space<hbm>>)
        %dma_wait3A_1171 = arith.constant 0 : i32
        %dma_wait3A_1172 = arith.constant 0 : i32
        %dma_wait3A_1173 = tpu.memref_slice %arg6[%sub3A_593, %dma_wait3A_1171, %dma_wait3A_1172] : memref<2x1600x32xf32, #tpu.memory_space<vmem>> -> memref<1x1600x32xf32, #tpu.memory_space<vmem>>
        %dma_wait3A_1174 = tpu.memref_squeeze %dma_wait3A_1173 : memref<1x1600x32xf32, #tpu.memory_space<vmem>> -> memref<1600x32xf32, #tpu.memory_space<vmem>>
        %dma_wait3A_1175 = arith.constant 400 : i32
        %dma_wait3A_1176 = arith.constant 0 : i32
        %dma_wait3A_1177 = tpu.memref_slice %dma_wait3A_1174[%dma_wait3A_1175, %dma_wait3A_1176] : memref<1600x32xf32, #tpu.memory_space<vmem>> -> memref<200x32xf32, #tpu.memory_space<vmem>>
        %dma_wait3A_1178 = arith.constant 0 : i32
        %dma_wait3A_1179 = arith.constant 0 : i32
        %dma_wait3A_1180 = tpu.memref_slice %arg4[%add3A_1116, %dma_wait3A_1178, %dma_wait3A_1179] : memref<8192x200x32xf32, #tpu.memory_space<hbm>> -> memref<1x200x32xf32, #tpu.memory_space<hbm>>
        %dma_wait3A_1181 = tpu.memref_squeeze %dma_wait3A_1180 : memref<1x200x32xf32, #tpu.memory_space<hbm>> -> memref<200x32xf32, #tpu.memory_space<hbm>>
        %dma_wait3A_1182 = arith.constant 0 : i32
        %dma_wait3A_1183 = arith.constant 0 : i32
        %dma_wait3A_1184 = tpu.memref_slice %arg4[%add3A_1116, %dma_wait3A_1182, %dma_wait3A_1183] : memref<8192x200x32xf32, #tpu.memory_space<hbm>> -> memref<1x200x32xf32, #tpu.memory_space<hbm>>
        %dma_wait3A_1185 = tpu.memref_squeeze %dma_wait3A_1184 : memref<1x200x32xf32, #tpu.memory_space<hbm>> -> memref<200x32xf32, #tpu.memory_space<hbm>>
        %dma_wait3A_1186 = arith.constant 0 : i32
        %dma_wait3A_1187 = arith.constant 0 : i32
        %dma_wait3A_1188 = tpu.memref_slice %arg6[%sub3A_593, %dma_wait3A_1186, %dma_wait3A_1187] : memref<2x1600x32xf32, #tpu.memory_space<vmem>> -> memref<1x1600x32xf32, #tpu.memory_space<vmem>>
        %dma_wait3A_1189 = tpu.memref_squeeze %dma_wait3A_1188 : memref<1x1600x32xf32, #tpu.memory_space<vmem>> -> memref<1600x32xf32, #tpu.memory_space<vmem>>
        %dma_wait3A_1190 = arith.constant 400 : i32
        %dma_wait3A_1191 = arith.constant 0 : i32
        %dma_wait3A_1192 = tpu.memref_slice %dma_wait3A_1189[%dma_wait3A_1190, %dma_wait3A_1191] : memref<1600x32xf32, #tpu.memory_space<vmem>> -> memref<200x32xf32, #tpu.memory_space<vmem>>
        tpu.wait_dma2 semaphore(%arg9 : memref<!tpu.dma_semaphore, #tpu.memory_space<semaphore_mem>>) src(%dma_wait3A_1192 : memref<200x32xf32, #tpu.memory_space<vmem>>) dst(%dma_wait3A_1185 : memref<200x32xf32, #tpu.memory_space<hbm>>)
        %dma_wait3A_1193 = arith.constant 0 : i32
        %dma_wait3A_1194 = arith.constant 0 : i32
        %dma_wait3A_1195 = tpu.memref_slice %arg6[%sub3A_593, %dma_wait3A_1193, %dma_wait3A_1194] : memref<2x1600x32xf32, #tpu.memory_space<vmem>> -> memref<1x1600x32xf32, #tpu.memory_space<vmem>>
        %dma_wait3A_1196 = tpu.memref_squeeze %dma_wait3A_1195 : memref<1x1600x32xf32, #tpu.memory_space<vmem>> -> memref<1600x32xf32, #tpu.memory_space<vmem>>
        %dma_wait3A_1197 = arith.constant 600 : i32
        %dma_wait3A_1198 = arith.constant 0 : i32
        %dma_wait3A_1199 = tpu.memref_slice %dma_wait3A_1196[%dma_wait3A_1197, %dma_wait3A_1198] : memref<1600x32xf32, #tpu.memory_space<vmem>> -> memref<200x32xf32, #tpu.memory_space<vmem>>
        %dma_wait3A_1200 = arith.constant 0 : i32
        %dma_wait3A_1201 = arith.constant 0 : i32
        %dma_wait3A_1202 = tpu.memref_slice %arg4[%add3A_1118, %dma_wait3A_1200, %dma_wait3A_1201] : memref<8192x200x32xf32, #tpu.memory_space<hbm>> -> memref<1x200x32xf32, #tpu.memory_space<hbm>>
        %dma_wait3A_1203 = tpu.memref_squeeze %dma_wait3A_1202 : memref<1x200x32xf32, #tpu.memory_space<hbm>> -> memref<200x32xf32, #tpu.memory_space<hbm>>
        %dma_wait3A_1204 = arith.constant 0 : i32
        %dma_wait3A_1205 = arith.constant 0 : i32
        %dma_wait3A_1206 = tpu.memref_slice %arg4[%add3A_1118, %dma_wait3A_1204, %dma_wait3A_1205] : memref<8192x200x32xf32, #tpu.memory_space<hbm>> -> memref<1x200x32xf32, #tpu.memory_space<hbm>>
        %dma_wait3A_1207 = tpu.memref_squeeze %dma_wait3A_1206 : memref<1x200x32xf32, #tpu.memory_space<hbm>> -> memref<200x32xf32, #tpu.memory_space<hbm>>
        %dma_wait3A_1208 = arith.constant 0 : i32
        %dma_wait3A_1209 = arith.constant 0 : i32
        %dma_wait3A_1210 = tpu.memref_slice %arg6[%sub3A_593, %dma_wait3A_1208, %dma_wait3A_1209] : memref<2x1600x32xf32, #tpu.memory_space<vmem>> -> memref<1x1600x32xf32, #tpu.memory_space<vmem>>
        %dma_wait3A_1211 = tpu.memref_squeeze %dma_wait3A_1210 : memref<1x1600x32xf32, #tpu.memory_space<vmem>> -> memref<1600x32xf32, #tpu.memory_space<vmem>>
        %dma_wait3A_1212 = arith.constant 600 : i32
        %dma_wait3A_1213 = arith.constant 0 : i32
        %dma_wait3A_1214 = tpu.memref_slice %dma_wait3A_1211[%dma_wait3A_1212, %dma_wait3A_1213] : memref<1600x32xf32, #tpu.memory_space<vmem>> -> memref<200x32xf32, #tpu.memory_space<vmem>>
        tpu.wait_dma2 semaphore(%arg9 : memref<!tpu.dma_semaphore, #tpu.memory_space<semaphore_mem>>) src(%dma_wait3A_1214 : memref<200x32xf32, #tpu.memory_space<vmem>>) dst(%dma_wait3A_1207 : memref<200x32xf32, #tpu.memory_space<hbm>>)
        %dma_wait3A_1215 = arith.constant 0 : i32
        %dma_wait3A_1216 = arith.constant 0 : i32
        %dma_wait3A_1217 = tpu.memref_slice %arg6[%sub3A_593, %dma_wait3A_1215, %dma_wait3A_1216] : memref<2x1600x32xf32, #tpu.memory_space<vmem>> -> memref<1x1600x32xf32, #tpu.memory_space<vmem>>
        %dma_wait3A_1218 = tpu.memref_squeeze %dma_wait3A_1217 : memref<1x1600x32xf32, #tpu.memory_space<vmem>> -> memref<1600x32xf32, #tpu.memory_space<vmem>>
        %dma_wait3A_1219 = arith.constant 800 : i32
        %dma_wait3A_1220 = arith.constant 0 : i32
        %dma_wait3A_1221 = tpu.memref_slice %dma_wait3A_1218[%dma_wait3A_1219, %dma_wait3A_1220] : memref<1600x32xf32, #tpu.memory_space<vmem>> -> memref<200x32xf32, #tpu.memory_space<vmem>>
        %dma_wait3A_1222 = arith.constant 0 : i32
        %dma_wait3A_1223 = arith.constant 0 : i32
        %dma_wait3A_1224 = tpu.memref_slice %arg4[%add3A_1120, %dma_wait3A_1222, %dma_wait3A_1223] : memref<8192x200x32xf32, #tpu.memory_space<hbm>> -> memref<1x200x32xf32, #tpu.memory_space<hbm>>
        %dma_wait3A_1225 = tpu.memref_squeeze %dma_wait3A_1224 : memref<1x200x32xf32, #tpu.memory_space<hbm>> -> memref<200x32xf32, #tpu.memory_space<hbm>>
        %dma_wait3A_1226 = arith.constant 0 : i32
        %dma_wait3A_1227 = arith.constant 0 : i32
        %dma_wait3A_1228 = tpu.memref_slice %arg4[%add3A_1120, %dma_wait3A_1226, %dma_wait3A_1227] : memref<8192x200x32xf32, #tpu.memory_space<hbm>> -> memref<1x200x32xf32, #tpu.memory_space<hbm>>
        %dma_wait3A_1229 = tpu.memref_squeeze %dma_wait3A_1228 : memref<1x200x32xf32, #tpu.memory_space<hbm>> -> memref<200x32xf32, #tpu.memory_space<hbm>>
        %dma_wait3A_1230 = arith.constant 0 : i32
        %dma_wait3A_1231 = arith.constant 0 : i32
        %dma_wait3A_1232 = tpu.memref_slice %arg6[%sub3A_593, %dma_wait3A_1230, %dma_wait3A_1231] : memref<2x1600x32xf32, #tpu.memory_space<vmem>> -> memref<1x1600x32xf32, #tpu.memory_space<vmem>>
        %dma_wait3A_1233 = tpu.memref_squeeze %dma_wait3A_1232 : memref<1x1600x32xf32, #tpu.memory_space<vmem>> -> memref<1600x32xf32, #tpu.memory_space<vmem>>
        %dma_wait3A_1234 = arith.constant 800 : i32
        %dma_wait3A_1235 = arith.constant 0 : i32
        %dma_wait3A_1236 = tpu.memref_slice %dma_wait3A_1233[%dma_wait3A_1234, %dma_wait3A_1235] : memref<1600x32xf32, #tpu.memory_space<vmem>> -> memref<200x32xf32, #tpu.memory_space<vmem>>
        tpu.wait_dma2 semaphore(%arg9 : memref<!tpu.dma_semaphore, #tpu.memory_space<semaphore_mem>>) src(%dma_wait3A_1236 : memref<200x32xf32, #tpu.memory_space<vmem>>) dst(%dma_wait3A_1229 : memref<200x32xf32, #tpu.memory_space<hbm>>)
        %dma_wait3A_1237 = arith.constant 0 : i32
        %dma_wait3A_1238 = arith.constant 0 : i32
        %dma_wait3A_1239 = tpu.memref_slice %arg6[%sub3A_593, %dma_wait3A_1237, %dma_wait3A_1238] : memref<2x1600x32xf32, #tpu.memory_space<vmem>> -> memref<1x1600x32xf32, #tpu.memory_space<vmem>>
        %dma_wait3A_1240 = tpu.memref_squeeze %dma_wait3A_1239 : memref<1x1600x32xf32, #tpu.memory_space<vmem>> -> memref<1600x32xf32, #tpu.memory_space<vmem>>
        %dma_wait3A_1241 = arith.constant 1000 : i32
        %dma_wait3A_1242 = arith.constant 0 : i32
        %dma_wait3A_1243 = tpu.memref_slice %dma_wait3A_1240[%dma_wait3A_1241, %dma_wait3A_1242] : memref<1600x32xf32, #tpu.memory_space<vmem>> -> memref<200x32xf32, #tpu.memory_space<vmem>>
        %dma_wait3A_1244 = arith.constant 0 : i32
        %dma_wait3A_1245 = arith.constant 0 : i32
        %dma_wait3A_1246 = tpu.memref_slice %arg4[%add3A_1122, %dma_wait3A_1244, %dma_wait3A_1245] : memref<8192x200x32xf32, #tpu.memory_space<hbm>> -> memref<1x200x32xf32, #tpu.memory_space<hbm>>
        %dma_wait3A_1247 = tpu.memref_squeeze %dma_wait3A_1246 : memref<1x200x32xf32, #tpu.memory_space<hbm>> -> memref<200x32xf32, #tpu.memory_space<hbm>>
        %dma_wait3A_1248 = arith.constant 0 : i32
        %dma_wait3A_1249 = arith.constant 0 : i32
        %dma_wait3A_1250 = tpu.memref_slice %arg4[%add3A_1122, %dma_wait3A_1248, %dma_wait3A_1249] : memref<8192x200x32xf32, #tpu.memory_space<hbm>> -> memref<1x200x32xf32, #tpu.memory_space<hbm>>
        %dma_wait3A_1251 = tpu.memref_squeeze %dma_wait3A_1250 : memref<1x200x32xf32, #tpu.memory_space<hbm>> -> memref<200x32xf32, #tpu.memory_space<hbm>>
        %dma_wait3A_1252 = arith.constant 0 : i32
        %dma_wait3A_1253 = arith.constant 0 : i32
        %dma_wait3A_1254 = tpu.memref_slice %arg6[%sub3A_593, %dma_wait3A_1252, %dma_wait3A_1253] : memref<2x1600x32xf32, #tpu.memory_space<vmem>> -> memref<1x1600x32xf32, #tpu.memory_space<vmem>>
        %dma_wait3A_1255 = tpu.memref_squeeze %dma_wait3A_1254 : memref<1x1600x32xf32, #tpu.memory_space<vmem>> -> memref<1600x32xf32, #tpu.memory_space<vmem>>
        %dma_wait3A_1256 = arith.constant 1000 : i32
        %dma_wait3A_1257 = arith.constant 0 : i32
        %dma_wait3A_1258 = tpu.memref_slice %dma_wait3A_1255[%dma_wait3A_1256, %dma_wait3A_1257] : memref<1600x32xf32, #tpu.memory_space<vmem>> -> memref<200x32xf32, #tpu.memory_space<vmem>>
        tpu.wait_dma2 semaphore(%arg9 : memref<!tpu.dma_semaphore, #tpu.memory_space<semaphore_mem>>) src(%dma_wait3A_1258 : memref<200x32xf32, #tpu.memory_space<vmem>>) dst(%dma_wait3A_1251 : memref<200x32xf32, #tpu.memory_space<hbm>>)
        %dma_wait3A_1259 = arith.constant 0 : i32
        %dma_wait3A_1260 = arith.constant 0 : i32
        %dma_wait3A_1261 = tpu.memref_slice %arg6[%sub3A_593, %dma_wait3A_1259, %dma_wait3A_1260] : memref<2x1600x32xf32, #tpu.memory_space<vmem>> -> memref<1x1600x32xf32, #tpu.memory_space<vmem>>
        %dma_wait3A_1262 = tpu.memref_squeeze %dma_wait3A_1261 : memref<1x1600x32xf32, #tpu.memory_space<vmem>> -> memref<1600x32xf32, #tpu.memory_space<vmem>>
        %dma_wait3A_1263 = arith.constant 1200 : i32
        %dma_wait3A_1264 = arith.constant 0 : i32
        %dma_wait3A_1265 = tpu.memref_slice %dma_wait3A_1262[%dma_wait3A_1263, %dma_wait3A_1264] : memref<1600x32xf32, #tpu.memory_space<vmem>> -> memref<200x32xf32, #tpu.memory_space<vmem>>
        %dma_wait3A_1266 = arith.constant 0 : i32
        %dma_wait3A_1267 = arith.constant 0 : i32
        %dma_wait3A_1268 = tpu.memref_slice %arg4[%add3A_1124, %dma_wait3A_1266, %dma_wait3A_1267] : memref<8192x200x32xf32, #tpu.memory_space<hbm>> -> memref<1x200x32xf32, #tpu.memory_space<hbm>>
        %dma_wait3A_1269 = tpu.memref_squeeze %dma_wait3A_1268 : memref<1x200x32xf32, #tpu.memory_space<hbm>> -> memref<200x32xf32, #tpu.memory_space<hbm>>
        %dma_wait3A_1270 = arith.constant 0 : i32
        %dma_wait3A_1271 = arith.constant 0 : i32
        %dma_wait3A_1272 = tpu.memref_slice %arg4[%add3A_1124, %dma_wait3A_1270, %dma_wait3A_1271] : memref<8192x200x32xf32, #tpu.memory_space<hbm>> -> memref<1x200x32xf32, #tpu.memory_space<hbm>>
        %dma_wait3A_1273 = tpu.memref_squeeze %dma_wait3A_1272 : memref<1x200x32xf32, #tpu.memory_space<hbm>> -> memref<200x32xf32, #tpu.memory_space<hbm>>
        %dma_wait3A_1274 = arith.constant 0 : i32
        %dma_wait3A_1275 = arith.constant 0 : i32
        %dma_wait3A_1276 = tpu.memref_slice %arg6[%sub3A_593, %dma_wait3A_1274, %dma_wait3A_1275] : memref<2x1600x32xf32, #tpu.memory_space<vmem>> -> memref<1x1600x32xf32, #tpu.memory_space<vmem>>
        %dma_wait3A_1277 = tpu.memref_squeeze %dma_wait3A_1276 : memref<1x1600x32xf32, #tpu.memory_space<vmem>> -> memref<1600x32xf32, #tpu.memory_space<vmem>>
        %dma_wait3A_1278 = arith.constant 1200 : i32
        %dma_wait3A_1279 = arith.constant 0 : i32
        %dma_wait3A_1280 = tpu.memref_slice %dma_wait3A_1277[%dma_wait3A_1278, %dma_wait3A_1279] : memref<1600x32xf32, #tpu.memory_space<vmem>> -> memref<200x32xf32, #tpu.memory_space<vmem>>
        tpu.wait_dma2 semaphore(%arg9 : memref<!tpu.dma_semaphore, #tpu.memory_space<semaphore_mem>>) src(%dma_wait3A_1280 : memref<200x32xf32, #tpu.memory_space<vmem>>) dst(%dma_wait3A_1273 : memref<200x32xf32, #tpu.memory_space<hbm>>)
        %dma_wait3A_1281 = arith.constant 0 : i32
        %dma_wait3A_1282 = arith.constant 0 : i32
        %dma_wait3A_1283 = tpu.memref_slice %arg6[%sub3A_593, %dma_wait3A_1281, %dma_wait3A_1282] : memref<2x1600x32xf32, #tpu.memory_space<vmem>> -> memref<1x1600x32xf32, #tpu.memory_space<vmem>>
        %dma_wait3A_1284 = tpu.memref_squeeze %dma_wait3A_1283 : memref<1x1600x32xf32, #tpu.memory_space<vmem>> -> memref<1600x32xf32, #tpu.memory_space<vmem>>
        %dma_wait3A_1285 = arith.constant 1400 : i32
        %dma_wait3A_1286 = arith.constant 0 : i32
        %dma_wait3A_1287 = tpu.memref_slice %dma_wait3A_1284[%dma_wait3A_1285, %dma_wait3A_1286] : memref<1600x32xf32, #tpu.memory_space<vmem>> -> memref<200x32xf32, #tpu.memory_space<vmem>>
        %dma_wait3A_1288 = arith.constant 0 : i32
        %dma_wait3A_1289 = arith.constant 0 : i32
        %dma_wait3A_1290 = tpu.memref_slice %arg4[%add3A_1126, %dma_wait3A_1288, %dma_wait3A_1289] : memref<8192x200x32xf32, #tpu.memory_space<hbm>> -> memref<1x200x32xf32, #tpu.memory_space<hbm>>
        %dma_wait3A_1291 = tpu.memref_squeeze %dma_wait3A_1290 : memref<1x200x32xf32, #tpu.memory_space<hbm>> -> memref<200x32xf32, #tpu.memory_space<hbm>>
        %dma_wait3A_1292 = arith.constant 0 : i32
        %dma_wait3A_1293 = arith.constant 0 : i32
        %dma_wait3A_1294 = tpu.memref_slice %arg4[%add3A_1126, %dma_wait3A_1292, %dma_wait3A_1293] : memref<8192x200x32xf32, #tpu.memory_space<hbm>> -> memref<1x200x32xf32, #tpu.memory_space<hbm>>
        %dma_wait3A_1295 = tpu.memref_squeeze %dma_wait3A_1294 : memref<1x200x32xf32, #tpu.memory_space<hbm>> -> memref<200x32xf32, #tpu.memory_space<hbm>>
        %dma_wait3A_1296 = arith.constant 0 : i32
        %dma_wait3A_1297 = arith.constant 0 : i32
        %dma_wait3A_1298 = tpu.memref_slice %arg6[%sub3A_593, %dma_wait3A_1296, %dma_wait3A_1297] : memref<2x1600x32xf32, #tpu.memory_space<vmem>> -> memref<1x1600x32xf32, #tpu.memory_space<vmem>>
        %dma_wait3A_1299 = tpu.memref_squeeze %dma_wait3A_1298 : memref<1x1600x32xf32, #tpu.memory_space<vmem>> -> memref<1600x32xf32, #tpu.memory_space<vmem>>
        %dma_wait3A_1300 = arith.constant 1400 : i32
        %dma_wait3A_1301 = arith.constant 0 : i32
        %dma_wait3A_1302 = tpu.memref_slice %dma_wait3A_1299[%dma_wait3A_1300, %dma_wait3A_1301] : memref<1600x32xf32, #tpu.memory_space<vmem>> -> memref<200x32xf32, #tpu.memory_space<vmem>>
        tpu.wait_dma2 semaphore(%arg9 : memref<!tpu.dma_semaphore, #tpu.memory_space<semaphore_mem>>) src(%dma_wait3A_1302 : memref<200x32xf32, #tpu.memory_space<vmem>>) dst(%dma_wait3A_1295 : memref<200x32xf32, #tpu.memory_space<hbm>>)
      } else {
      }
      %lt3A_901 = arith.constant 31 : i32
      %lt3A_902 = arith.cmpi slt, %scan3A_583, %lt3A_901 : i32
      %convert_element_type3A_903 = arith.extui %lt3A_902 : i1 to i32
      %cond3A_904 = arith.constant 0 : i32
      %cond3A_905 = arith.cmpi ne, %convert_element_type3A_903, %cond3A_904 : i32
      scf.if %cond3A_905 {
        %dma_start3A_1106 = arith.constant 0 : i32
        %dma_start3A_1107 = arith.constant 0 : i32
        %dma_start3A_1108 = tpu.memref_slice %arg6[%sub3A_593, %dma_start3A_1106, %dma_start3A_1107] : memref<2x1600x32xf32, #tpu.memory_space<vmem>> -> memref<1x1600x32xf32, #tpu.memory_space<vmem>>
        %dma_start3A_1109 = tpu.memref_squeeze %dma_start3A_1108 : memref<1x1600x32xf32, #tpu.memory_space<vmem>> -> memref<1600x32xf32, #tpu.memory_space<vmem>>
        %dma_start3A_1110 = arith.constant 0 : i32
        %dma_start3A_1111 = arith.constant 0 : i32
        %dma_start3A_1112 = tpu.memref_slice %dma_start3A_1109[%dma_start3A_1110, %dma_start3A_1111] : memref<1600x32xf32, #tpu.memory_space<vmem>> -> memref<80x32xf32, #tpu.memory_space<vmem>>
        %dma_start3A_1113 = arith.constant 0 : i32
        %dma_start3A_1114 = tpu.memref_slice %arg5[%sub3A_593, %dma_start3A_1113] : memref<2x1600xi32, #tpu.memory_space<vmem>> -> memref<1x1600xi32, #tpu.memory_space<vmem>>
        %dma_start3A_1115 = tpu.memref_squeeze %dma_start3A_1114 : memref<1x1600xi32, #tpu.memory_space<vmem>> -> memref<1600xi32, #tpu.memory_space<vmem>>
        %dma_start3A_1116 = arith.constant 0 : i32
        %dma_start3A_1117 = tpu.memref_slice %dma_start3A_1115[%dma_start3A_1116] : memref<1600xi32, #tpu.memory_space<vmem>> -> memref<80xi32, #tpu.memory_space<vmem>>
        %dma_start3A_1118 = arith.constant 0 : i32
        %dma_start3A_1119 = arith.constant 0 : i32
        %dma_start3A_1120 = tpu.memref_slice %arg3[%dma_start3A_1118, %dma_start3A_1119] : memref<1000000x32xf32, #tpu.memory_space<hbm>> -> memref<1000000x32xf32, #tpu.memory_space<hbm>>
        tpu.enqueue_indirect_dma source(%dma_start3A_1120 : memref<1000000x32xf32, #tpu.memory_space<hbm>>) target(%dma_start3A_1112 : memref<80x32xf32, #tpu.memory_space<vmem>>) offsets(%dma_start3A_1117 : memref<80xi32, #tpu.memory_space<vmem>>) semaphore(%arg8 : memref<!tpu.dma_semaphore, #tpu.memory_space<semaphore_mem>>)
        %dma_start3A_1121 = arith.constant 0 : i32
        %dma_start3A_1122 = arith.constant 0 : i32
        %dma_start3A_1123 = tpu.memref_slice %arg6[%sub3A_593, %dma_start3A_1121, %dma_start3A_1122] : memref<2x1600x32xf32, #tpu.memory_space<vmem>> -> memref<1x1600x32xf32, #tpu.memory_space<vmem>>
        %dma_start3A_1124 = tpu.memref_squeeze %dma_start3A_1123 : memref<1x1600x32xf32, #tpu.memory_space<vmem>> -> memref<1600x32xf32, #tpu.memory_space<vmem>>
        %dma_start3A_1125 = arith.constant 80 : i32
        %dma_start3A_1126 = arith.constant 0 : i32
        %dma_start3A_1127 = tpu.memref_slice %dma_start3A_1124[%dma_start3A_1125, %dma_start3A_1126] : memref<1600x32xf32, #tpu.memory_space<vmem>> -> memref<80x32xf32, #tpu.memory_space<vmem>>
        %dma_start3A_1128 = arith.constant 0 : i32
        %dma_start3A_1129 = tpu.memref_slice %arg5[%sub3A_593, %dma_start3A_1128] : memref<2x1600xi32, #tpu.memory_space<vmem>> -> memref<1x1600xi32, #tpu.memory_space<vmem>>
        %dma_start3A_1130 = tpu.memref_squeeze %dma_start3A_1129 : memref<1x1600xi32, #tpu.memory_space<vmem>> -> memref<1600xi32, #tpu.memory_space<vmem>>
        %dma_start3A_1131 = arith.constant 80 : i32
        %dma_start3A_1132 = tpu.memref_slice %dma_start3A_1130[%dma_start3A_1131] : memref<1600xi32, #tpu.memory_space<vmem>> -> memref<80xi32, #tpu.memory_space<vmem>>
        %dma_start3A_1133 = arith.constant 0 : i32
        %dma_start3A_1134 = arith.constant 0 : i32
        %dma_start3A_1135 = tpu.memref_slice %arg3[%dma_start3A_1133, %dma_start3A_1134] : memref<1000000x32xf32, #tpu.memory_space<hbm>> -> memref<1000000x32xf32, #tpu.memory_space<hbm>>
        tpu.enqueue_indirect_dma source(%dma_start3A_1135 : memref<1000000x32xf32, #tpu.memory_space<hbm>>) target(%dma_start3A_1127 : memref<80x32xf32, #tpu.memory_space<vmem>>) offsets(%dma_start3A_1132 : memref<80xi32, #tpu.memory_space<vmem>>) semaphore(%arg8 : memref<!tpu.dma_semaphore, #tpu.memory_space<semaphore_mem>>)
        %dma_start3A_1136 = arith.constant 0 : i32
        %dma_start3A_1137 = arith.constant 0 : i32
        %dma_start3A_1138 = tpu.memref_slice %arg6[%sub3A_593, %dma_start3A_1136, %dma_start3A_1137] : memref<2x1600x32xf32, #tpu.memory_space<vmem>> -> memref<1x1600x32xf32, #tpu.memory_space<vmem>>
        %dma_start3A_1139 = tpu.memref_squeeze %dma_start3A_1138 : memref<1x1600x32xf32, #tpu.memory_space<vmem>> -> memref<1600x32xf32, #tpu.memory_space<vmem>>
        %dma_start3A_1140 = arith.constant 160 : i32
        %dma_start3A_1141 = arith.constant 0 : i32
        %dma_start3A_1142 = tpu.memref_slice %dma_start3A_1139[%dma_start3A_1140, %dma_start3A_1141] : memref<1600x32xf32, #tpu.memory_space<vmem>> -> memref<80x32xf32, #tpu.memory_space<vmem>>
        %dma_start3A_1143 = arith.constant 0 : i32
        %dma_start3A_1144 = tpu.memref_slice %arg5[%sub3A_593, %dma_start3A_1143] : memref<2x1600xi32, #tpu.memory_space<vmem>> -> memref<1x1600xi32, #tpu.memory_space<vmem>>
        %dma_start3A_1145 = tpu.memref_squeeze %dma_start3A_1144 : memref<1x1600xi32, #tpu.memory_space<vmem>> -> memref<1600xi32, #tpu.memory_space<vmem>>
        %dma_start3A_1146 = arith.constant 160 : i32
        %dma_start3A_1147 = tpu.memref_slice %dma_start3A_1145[%dma_start3A_1146] : memref<1600xi32, #tpu.memory_space<vmem>> -> memref<80xi32, #tpu.memory_space<vmem>>
        %dma_start3A_1148 = arith.constant 0 : i32
        %dma_start3A_1149 = arith.constant 0 : i32
        %dma_start3A_1150 = tpu.memref_slice %arg3[%dma_start3A_1148, %dma_start3A_1149] : memref<1000000x32xf32, #tpu.memory_space<hbm>> -> memref<1000000x32xf32, #tpu.memory_space<hbm>>
        tpu.enqueue_indirect_dma source(%dma_start3A_1150 : memref<1000000x32xf32, #tpu.memory_space<hbm>>) target(%dma_start3A_1142 : memref<80x32xf32, #tpu.memory_space<vmem>>) offsets(%dma_start3A_1147 : memref<80xi32, #tpu.memory_space<vmem>>) semaphore(%arg8 : memref<!tpu.dma_semaphore, #tpu.memory_space<semaphore_mem>>)
        %dma_start3A_1151 = arith.constant 0 : i32
        %dma_start3A_1152 = arith.constant 0 : i32
        %dma_start3A_1153 = tpu.memref_slice %arg6[%sub3A_593, %dma_start3A_1151, %dma_start3A_1152] : memref<2x1600x32xf32, #tpu.memory_space<vmem>> -> memref<1x1600x32xf32, #tpu.memory_space<vmem>>
        %dma_start3A_1154 = tpu.memref_squeeze %dma_start3A_1153 : memref<1x1600x32xf32, #tpu.memory_space<vmem>> -> memref<1600x32xf32, #tpu.memory_space<vmem>>
        %dma_start3A_1155 = arith.constant 240 : i32
        %dma_start3A_1156 = arith.constant 0 : i32
        %dma_start3A_1157 = tpu.memref_slice %dma_start3A_1154[%dma_start3A_1155, %dma_start3A_1156] : memref<1600x32xf32, #tpu.memory_space<vmem>> -> memref<80x32xf32, #tpu.memory_space<vmem>>
        %dma_start3A_1158 = arith.constant 0 : i32
        %dma_start3A_1159 = tpu.memref_slice %arg5[%sub3A_593, %dma_start3A_1158] : memref<2x1600xi32, #tpu.memory_space<vmem>> -> memref<1x1600xi32, #tpu.memory_space<vmem>>
        %dma_start3A_1160 = tpu.memref_squeeze %dma_start3A_1159 : memref<1x1600xi32, #tpu.memory_space<vmem>> -> memref<1600xi32, #tpu.memory_space<vmem>>
        %dma_start3A_1161 = arith.constant 240 : i32
        %dma_start3A_1162 = tpu.memref_slice %dma_start3A_1160[%dma_start3A_1161] : memref<1600xi32, #tpu.memory_space<vmem>> -> memref<80xi32, #tpu.memory_space<vmem>>
        %dma_start3A_1163 = arith.constant 0 : i32
        %dma_start3A_1164 = arith.constant 0 : i32
        %dma_start3A_1165 = tpu.memref_slice %arg3[%dma_start3A_1163, %dma_start3A_1164] : memref<1000000x32xf32, #tpu.memory_space<hbm>> -> memref<1000000x32xf32, #tpu.memory_space<hbm>>
        tpu.enqueue_indirect_dma source(%dma_start3A_1165 : memref<1000000x32xf32, #tpu.memory_space<hbm>>) target(%dma_start3A_1157 : memref<80x32xf32, #tpu.memory_space<vmem>>) offsets(%dma_start3A_1162 : memref<80xi32, #tpu.memory_space<vmem>>) semaphore(%arg8 : memref<!tpu.dma_semaphore, #tpu.memory_space<semaphore_mem>>)
        %dma_start3A_1166 = arith.constant 0 : i32
        %dma_start3A_1167 = arith.constant 0 : i32
        %dma_start3A_1168 = tpu.memref_slice %arg6[%sub3A_593, %dma_start3A_1166, %dma_start3A_1167] : memref<2x1600x32xf32, #tpu.memory_space<vmem>> -> memref<1x1600x32xf32, #tpu.memory_space<vmem>>
        %dma_start3A_1169 = tpu.memref_squeeze %dma_start3A_1168 : memref<1x1600x32xf32, #tpu.memory_space<vmem>> -> memref<1600x32xf32, #tpu.memory_space<vmem>>
        %dma_start3A_1170 = arith.constant 320 : i32
        %dma_start3A_1171 = arith.constant 0 : i32
        %dma_start3A_1172 = tpu.memref_slice %dma_start3A_1169[%dma_start3A_1170, %dma_start3A_1171] : memref<1600x32xf32, #tpu.memory_space<vmem>> -> memref<80x32xf32, #tpu.memory_space<vmem>>
        %dma_start3A_1173 = arith.constant 0 : i32
        %dma_start3A_1174 = tpu.memref_slice %arg5[%sub3A_593, %dma_start3A_1173] : memref<2x1600xi32, #tpu.memory_space<vmem>> -> memref<1x1600xi32, #tpu.memory_space<vmem>>
        %dma_start3A_1175 = tpu.memref_squeeze %dma_start3A_1174 : memref<1x1600xi32, #tpu.memory_space<vmem>> -> memref<1600xi32, #tpu.memory_space<vmem>>
        %dma_start3A_1176 = arith.constant 320 : i32
        %dma_start3A_1177 = tpu.memref_slice %dma_start3A_1175[%dma_start3A_1176] : memref<1600xi32, #tpu.memory_space<vmem>> -> memref<80xi32, #tpu.memory_space<vmem>>
        %dma_start3A_1178 = arith.constant 0 : i32
        %dma_start3A_1179 = arith.constant 0 : i32
        %dma_start3A_1180 = tpu.memref_slice %arg3[%dma_start3A_1178, %dma_start3A_1179] : memref<1000000x32xf32, #tpu.memory_space<hbm>> -> memref<1000000x32xf32, #tpu.memory_space<hbm>>
        tpu.enqueue_indirect_dma source(%dma_start3A_1180 : memref<1000000x32xf32, #tpu.memory_space<hbm>>) target(%dma_start3A_1172 : memref<80x32xf32, #tpu.memory_space<vmem>>) offsets(%dma_start3A_1177 : memref<80xi32, #tpu.memory_space<vmem>>) semaphore(%arg8 : memref<!tpu.dma_semaphore, #tpu.memory_space<semaphore_mem>>)
        %dma_start3A_1181 = arith.constant 0 : i32
        %dma_start3A_1182 = arith.constant 0 : i32
        %dma_start3A_1183 = tpu.memref_slice %arg6[%sub3A_593, %dma_start3A_1181, %dma_start3A_1182] : memref<2x1600x32xf32, #tpu.memory_space<vmem>> -> memref<1x1600x32xf32, #tpu.memory_space<vmem>>
        %dma_start3A_1184 = tpu.memref_squeeze %dma_start3A_1183 : memref<1x1600x32xf32, #tpu.memory_space<vmem>> -> memref<1600x32xf32, #tpu.memory_space<vmem>>
        %dma_start3A_1185 = arith.constant 400 : i32
        %dma_start3A_1186 = arith.constant 0 : i32
        %dma_start3A_1187 = tpu.memref_slice %dma_start3A_1184[%dma_start3A_1185, %dma_start3A_1186] : memref<1600x32xf32, #tpu.memory_space<vmem>> -> memref<80x32xf32, #tpu.memory_space<vmem>>
        %dma_start3A_1188 = arith.constant 0 : i32
        %dma_start3A_1189 = tpu.memref_slice %arg5[%sub3A_593, %dma_start3A_1188] : memref<2x1600xi32, #tpu.memory_space<vmem>> -> memref<1x1600xi32, #tpu.memory_space<vmem>>
        %dma_start3A_1190 = tpu.memref_squeeze %dma_start3A_1189 : memref<1x1600xi32, #tpu.memory_space<vmem>> -> memref<1600xi32, #tpu.memory_space<vmem>>
        %dma_start3A_1191 = arith.constant 400 : i32
        %dma_start3A_1192 = tpu.memref_slice %dma_start3A_1190[%dma_start3A_1191] : memref<1600xi32, #tpu.memory_space<vmem>> -> memref<80xi32, #tpu.memory_space<vmem>>
        %dma_start3A_1193 = arith.constant 0 : i32
        %dma_start3A_1194 = arith.constant 0 : i32
        %dma_start3A_1195 = tpu.memref_slice %arg3[%dma_start3A_1193, %dma_start3A_1194] : memref<1000000x32xf32, #tpu.memory_space<hbm>> -> memref<1000000x32xf32, #tpu.memory_space<hbm>>
        tpu.enqueue_indirect_dma source(%dma_start3A_1195 : memref<1000000x32xf32, #tpu.memory_space<hbm>>) target(%dma_start3A_1187 : memref<80x32xf32, #tpu.memory_space<vmem>>) offsets(%dma_start3A_1192 : memref<80xi32, #tpu.memory_space<vmem>>) semaphore(%arg8 : memref<!tpu.dma_semaphore, #tpu.memory_space<semaphore_mem>>)
        %dma_start3A_1196 = arith.constant 0 : i32
        %dma_start3A_1197 = arith.constant 0 : i32
        %dma_start3A_1198 = tpu.memref_slice %arg6[%sub3A_593, %dma_start3A_1196, %dma_start3A_1197] : memref<2x1600x32xf32, #tpu.memory_space<vmem>> -> memref<1x1600x32xf32, #tpu.memory_space<vmem>>
        %dma_start3A_1199 = tpu.memref_squeeze %dma_start3A_1198 : memref<1x1600x32xf32, #tpu.memory_space<vmem>> -> memref<1600x32xf32, #tpu.memory_space<vmem>>
        %dma_start3A_1200 = arith.constant 480 : i32
        %dma_start3A_1201 = arith.constant 0 : i32
        %dma_start3A_1202 = tpu.memref_slice %dma_start3A_1199[%dma_start3A_1200, %dma_start3A_1201] : memref<1600x32xf32, #tpu.memory_space<vmem>> -> memref<80x32xf32, #tpu.memory_space<vmem>>
        %dma_start3A_1203 = arith.constant 0 : i32
        %dma_start3A_1204 = tpu.memref_slice %arg5[%sub3A_593, %dma_start3A_1203] : memref<2x1600xi32, #tpu.memory_space<vmem>> -> memref<1x1600xi32, #tpu.memory_space<vmem>>
        %dma_start3A_1205 = tpu.memref_squeeze %dma_start3A_1204 : memref<1x1600xi32, #tpu.memory_space<vmem>> -> memref<1600xi32, #tpu.memory_space<vmem>>
        %dma_start3A_1206 = arith.constant 480 : i32
        %dma_start3A_1207 = tpu.memref_slice %dma_start3A_1205[%dma_start3A_1206] : memref<1600xi32, #tpu.memory_space<vmem>> -> memref<80xi32, #tpu.memory_space<vmem>>
        %dma_start3A_1208 = arith.constant 0 : i32
        %dma_start3A_1209 = arith.constant 0 : i32
        %dma_start3A_1210 = tpu.memref_slice %arg3[%dma_start3A_1208, %dma_start3A_1209] : memref<1000000x32xf32, #tpu.memory_space<hbm>> -> memref<1000000x32xf32, #tpu.memory_space<hbm>>
        tpu.enqueue_indirect_dma source(%dma_start3A_1210 : memref<1000000x32xf32, #tpu.memory_space<hbm>>) target(%dma_start3A_1202 : memref<80x32xf32, #tpu.memory_space<vmem>>) offsets(%dma_start3A_1207 : memref<80xi32, #tpu.memory_space<vmem>>) semaphore(%arg8 : memref<!tpu.dma_semaphore, #tpu.memory_space<semaphore_mem>>)
        %dma_start3A_1211 = arith.constant 0 : i32
        %dma_start3A_1212 = arith.constant 0 : i32
        %dma_start3A_1213 = tpu.memref_slice %arg6[%sub3A_593, %dma_start3A_1211, %dma_start3A_1212] : memref<2x1600x32xf32, #tpu.memory_space<vmem>> -> memref<1x1600x32xf32, #tpu.memory_space<vmem>>
        %dma_start3A_1214 = tpu.memref_squeeze %dma_start3A_1213 : memref<1x1600x32xf32, #tpu.memory_space<vmem>> -> memref<1600x32xf32, #tpu.memory_space<vmem>>
        %dma_start3A_1215 = arith.constant 560 : i32
        %dma_start3A_1216 = arith.constant 0 : i32
        %dma_start3A_1217 = tpu.memref_slice %dma_start3A_1214[%dma_start3A_1215, %dma_start3A_1216] : memref<1600x32xf32, #tpu.memory_space<vmem>> -> memref<80x32xf32, #tpu.memory_space<vmem>>
        %dma_start3A_1218 = arith.constant 0 : i32
        %dma_start3A_1219 = tpu.memref_slice %arg5[%sub3A_593, %dma_start3A_1218] : memref<2x1600xi32, #tpu.memory_space<vmem>> -> memref<1x1600xi32, #tpu.memory_space<vmem>>
        %dma_start3A_1220 = tpu.memref_squeeze %dma_start3A_1219 : memref<1x1600xi32, #tpu.memory_space<vmem>> -> memref<1600xi32, #tpu.memory_space<vmem>>
        %dma_start3A_1221 = arith.constant 560 : i32
        %dma_start3A_1222 = tpu.memref_slice %dma_start3A_1220[%dma_start3A_1221] : memref<1600xi32, #tpu.memory_space<vmem>> -> memref<80xi32, #tpu.memory_space<vmem>>
        %dma_start3A_1223 = arith.constant 0 : i32
        %dma_start3A_1224 = arith.constant 0 : i32
        %dma_start3A_1225 = tpu.memref_slice %arg3[%dma_start3A_1223, %dma_start3A_1224] : memref<1000000x32xf32, #tpu.memory_space<hbm>> -> memref<1000000x32xf32, #tpu.memory_space<hbm>>
        tpu.enqueue_indirect_dma source(%dma_start3A_1225 : memref<1000000x32xf32, #tpu.memory_space<hbm>>) target(%dma_start3A_1217 : memref<80x32xf32, #tpu.memory_space<vmem>>) offsets(%dma_start3A_1222 : memref<80xi32, #tpu.memory_space<vmem>>) semaphore(%arg8 : memref<!tpu.dma_semaphore, #tpu.memory_space<semaphore_mem>>)
        %dma_start3A_1226 = arith.constant 0 : i32
        %dma_start3A_1227 = arith.constant 0 : i32
        %dma_start3A_1228 = tpu.memref_slice %arg6[%sub3A_593, %dma_start3A_1226, %dma_start3A_1227] : memref<2x1600x32xf32, #tpu.memory_space<vmem>> -> memref<1x1600x32xf32, #tpu.memory_space<vmem>>
        %dma_start3A_1229 = tpu.memref_squeeze %dma_start3A_1228 : memref<1x1600x32xf32, #tpu.memory_space<vmem>> -> memref<1600x32xf32, #tpu.memory_space<vmem>>
        %dma_start3A_1230 = arith.constant 640 : i32
        %dma_start3A_1231 = arith.constant 0 : i32
        %dma_start3A_1232 = tpu.memref_slice %dma_start3A_1229[%dma_start3A_1230, %dma_start3A_1231] : memref<1600x32xf32, #tpu.memory_space<vmem>> -> memref<80x32xf32, #tpu.memory_space<vmem>>
        %dma_start3A_1233 = arith.constant 0 : i32
        %dma_start3A_1234 = tpu.memref_slice %arg5[%sub3A_593, %dma_start3A_1233] : memref<2x1600xi32, #tpu.memory_space<vmem>> -> memref<1x1600xi32, #tpu.memory_space<vmem>>
        %dma_start3A_1235 = tpu.memref_squeeze %dma_start3A_1234 : memref<1x1600xi32, #tpu.memory_space<vmem>> -> memref<1600xi32, #tpu.memory_space<vmem>>
        %dma_start3A_1236 = arith.constant 640 : i32
        %dma_start3A_1237 = tpu.memref_slice %dma_start3A_1235[%dma_start3A_1236] : memref<1600xi32, #tpu.memory_space<vmem>> -> memref<80xi32, #tpu.memory_space<vmem>>
        %dma_start3A_1238 = arith.constant 0 : i32
        %dma_start3A_1239 = arith.constant 0 : i32
        %dma_start3A_1240 = tpu.memref_slice %arg3[%dma_start3A_1238, %dma_start3A_1239] : memref<1000000x32xf32, #tpu.memory_space<hbm>> -> memref<1000000x32xf32, #tpu.memory_space<hbm>>
        tpu.enqueue_indirect_dma source(%dma_start3A_1240 : memref<1000000x32xf32, #tpu.memory_space<hbm>>) target(%dma_start3A_1232 : memref<80x32xf32, #tpu.memory_space<vmem>>) offsets(%dma_start3A_1237 : memref<80xi32, #tpu.memory_space<vmem>>) semaphore(%arg8 : memref<!tpu.dma_semaphore, #tpu.memory_space<semaphore_mem>>)
        %dma_start3A_1241 = arith.constant 0 : i32
        %dma_start3A_1242 = arith.constant 0 : i32
        %dma_start3A_1243 = tpu.memref_slice %arg6[%sub3A_593, %dma_start3A_1241, %dma_start3A_1242] : memref<2x1600x32xf32, #tpu.memory_space<vmem>> -> memref<1x1600x32xf32, #tpu.memory_space<vmem>>
        %dma_start3A_1244 = tpu.memref_squeeze %dma_start3A_1243 : memref<1x1600x32xf32, #tpu.memory_space<vmem>> -> memref<1600x32xf32, #tpu.memory_space<vmem>>
        %dma_start3A_1245 = arith.constant 720 : i32
        %dma_start3A_1246 = arith.constant 0 : i32
        %dma_start3A_1247 = tpu.memref_slice %dma_start3A_1244[%dma_start3A_1245, %dma_start3A_1246] : memref<1600x32xf32, #tpu.memory_space<vmem>> -> memref<80x32xf32, #tpu.memory_space<vmem>>
        %dma_start3A_1248 = arith.constant 0 : i32
        %dma_start3A_1249 = tpu.memref_slice %arg5[%sub3A_593, %dma_start3A_1248] : memref<2x1600xi32, #tpu.memory_space<vmem>> -> memref<1x1600xi32, #tpu.memory_space<vmem>>
        %dma_start3A_1250 = tpu.memref_squeeze %dma_start3A_1249 : memref<1x1600xi32, #tpu.memory_space<vmem>> -> memref<1600xi32, #tpu.memory_space<vmem>>
        %dma_start3A_1251 = arith.constant 720 : i32
        %dma_start3A_1252 = tpu.memref_slice %dma_start3A_1250[%dma_start3A_1251] : memref<1600xi32, #tpu.memory_space<vmem>> -> memref<80xi32, #tpu.memory_space<vmem>>
        %dma_start3A_1253 = arith.constant 0 : i32
        %dma_start3A_1254 = arith.constant 0 : i32
        %dma_start3A_1255 = tpu.memref_slice %arg3[%dma_start3A_1253, %dma_start3A_1254] : memref<1000000x32xf32, #tpu.memory_space<hbm>> -> memref<1000000x32xf32, #tpu.memory_space<hbm>>
        tpu.enqueue_indirect_dma source(%dma_start3A_1255 : memref<1000000x32xf32, #tpu.memory_space<hbm>>) target(%dma_start3A_1247 : memref<80x32xf32, #tpu.memory_space<vmem>>) offsets(%dma_start3A_1252 : memref<80xi32, #tpu.memory_space<vmem>>) semaphore(%arg8 : memref<!tpu.dma_semaphore, #tpu.memory_space<semaphore_mem>>)
        %dma_start3A_1256 = arith.constant 0 : i32
        %dma_start3A_1257 = arith.constant 0 : i32
        %dma_start3A_1258 = tpu.memref_slice %arg6[%sub3A_593, %dma_start3A_1256, %dma_start3A_1257] : memref<2x1600x32xf32, #tpu.memory_space<vmem>> -> memref<1x1600x32xf32, #tpu.memory_space<vmem>>
        %dma_start3A_1259 = tpu.memref_squeeze %dma_start3A_1258 : memref<1x1600x32xf32, #tpu.memory_space<vmem>> -> memref<1600x32xf32, #tpu.memory_space<vmem>>
        %dma_start3A_1260 = arith.constant 800 : i32
        %dma_start3A_1261 = arith.constant 0 : i32
        %dma_start3A_1262 = tpu.memref_slice %dma_start3A_1259[%dma_start3A_1260, %dma_start3A_1261] : memref<1600x32xf32, #tpu.memory_space<vmem>> -> memref<80x32xf32, #tpu.memory_space<vmem>>
        %dma_start3A_1263 = arith.constant 0 : i32
        %dma_start3A_1264 = tpu.memref_slice %arg5[%sub3A_593, %dma_start3A_1263] : memref<2x1600xi32, #tpu.memory_space<vmem>> -> memref<1x1600xi32, #tpu.memory_space<vmem>>
        %dma_start3A_1265 = tpu.memref_squeeze %dma_start3A_1264 : memref<1x1600xi32, #tpu.memory_space<vmem>> -> memref<1600xi32, #tpu.memory_space<vmem>>
        %dma_start3A_1266 = arith.constant 800 : i32
        %dma_start3A_1267 = tpu.memref_slice %dma_start3A_1265[%dma_start3A_1266] : memref<1600xi32, #tpu.memory_space<vmem>> -> memref<80xi32, #tpu.memory_space<vmem>>
        %dma_start3A_1268 = arith.constant 0 : i32
        %dma_start3A_1269 = arith.constant 0 : i32
        %dma_start3A_1270 = tpu.memref_slice %arg3[%dma_start3A_1268, %dma_start3A_1269] : memref<1000000x32xf32, #tpu.memory_space<hbm>> -> memref<1000000x32xf32, #tpu.memory_space<hbm>>
        tpu.enqueue_indirect_dma source(%dma_start3A_1270 : memref<1000000x32xf32, #tpu.memory_space<hbm>>) target(%dma_start3A_1262 : memref<80x32xf32, #tpu.memory_space<vmem>>) offsets(%dma_start3A_1267 : memref<80xi32, #tpu.memory_space<vmem>>) semaphore(%arg8 : memref<!tpu.dma_semaphore, #tpu.memory_space<semaphore_mem>>)
        %dma_start3A_1271 = arith.constant 0 : i32
        %dma_start3A_1272 = arith.constant 0 : i32
        %dma_start3A_1273 = tpu.memref_slice %arg6[%sub3A_593, %dma_start3A_1271, %dma_start3A_1272] : memref<2x1600x32xf32, #tpu.memory_space<vmem>> -> memref<1x1600x32xf32, #tpu.memory_space<vmem>>
        %dma_start3A_1274 = tpu.memref_squeeze %dma_start3A_1273 : memref<1x1600x32xf32, #tpu.memory_space<vmem>> -> memref<1600x32xf32, #tpu.memory_space<vmem>>
        %dma_start3A_1275 = arith.constant 880 : i32
        %dma_start3A_1276 = arith.constant 0 : i32
        %dma_start3A_1277 = tpu.memref_slice %dma_start3A_1274[%dma_start3A_1275, %dma_start3A_1276] : memref<1600x32xf32, #tpu.memory_space<vmem>> -> memref<80x32xf32, #tpu.memory_space<vmem>>
        %dma_start3A_1278 = arith.constant 0 : i32
        %dma_start3A_1279 = tpu.memref_slice %arg5[%sub3A_593, %dma_start3A_1278] : memref<2x1600xi32, #tpu.memory_space<vmem>> -> memref<1x1600xi32, #tpu.memory_space<vmem>>
        %dma_start3A_1280 = tpu.memref_squeeze %dma_start3A_1279 : memref<1x1600xi32, #tpu.memory_space<vmem>> -> memref<1600xi32, #tpu.memory_space<vmem>>
        %dma_start3A_1281 = arith.constant 880 : i32
        %dma_start3A_1282 = tpu.memref_slice %dma_start3A_1280[%dma_start3A_1281] : memref<1600xi32, #tpu.memory_space<vmem>> -> memref<80xi32, #tpu.memory_space<vmem>>
        %dma_start3A_1283 = arith.constant 0 : i32
        %dma_start3A_1284 = arith.constant 0 : i32
        %dma_start3A_1285 = tpu.memref_slice %arg3[%dma_start3A_1283, %dma_start3A_1284] : memref<1000000x32xf32, #tpu.memory_space<hbm>> -> memref<1000000x32xf32, #tpu.memory_space<hbm>>
        tpu.enqueue_indirect_dma source(%dma_start3A_1285 : memref<1000000x32xf32, #tpu.memory_space<hbm>>) target(%dma_start3A_1277 : memref<80x32xf32, #tpu.memory_space<vmem>>) offsets(%dma_start3A_1282 : memref<80xi32, #tpu.memory_space<vmem>>) semaphore(%arg8 : memref<!tpu.dma_semaphore, #tpu.memory_space<semaphore_mem>>)
        %dma_start3A_1286 = arith.constant 0 : i32
        %dma_start3A_1287 = arith.constant 0 : i32
        %dma_start3A_1288 = tpu.memref_slice %arg6[%sub3A_593, %dma_start3A_1286, %dma_start3A_1287] : memref<2x1600x32xf32, #tpu.memory_space<vmem>> -> memref<1x1600x32xf32, #tpu.memory_space<vmem>>
        %dma_start3A_1289 = tpu.memref_squeeze %dma_start3A_1288 : memref<1x1600x32xf32, #tpu.memory_space<vmem>> -> memref<1600x32xf32, #tpu.memory_space<vmem>>
        %dma_start3A_1290 = arith.constant 960 : i32
        %dma_start3A_1291 = arith.constant 0 : i32
        %dma_start3A_1292 = tpu.memref_slice %dma_start3A_1289[%dma_start3A_1290, %dma_start3A_1291] : memref<1600x32xf32, #tpu.memory_space<vmem>> -> memref<80x32xf32, #tpu.memory_space<vmem>>
        %dma_start3A_1293 = arith.constant 0 : i32
        %dma_start3A_1294 = tpu.memref_slice %arg5[%sub3A_593, %dma_start3A_1293] : memref<2x1600xi32, #tpu.memory_space<vmem>> -> memref<1x1600xi32, #tpu.memory_space<vmem>>
        %dma_start3A_1295 = tpu.memref_squeeze %dma_start3A_1294 : memref<1x1600xi32, #tpu.memory_space<vmem>> -> memref<1600xi32, #tpu.memory_space<vmem>>
        %dma_start3A_1296 = arith.constant 960 : i32
        %dma_start3A_1297 = tpu.memref_slice %dma_start3A_1295[%dma_start3A_1296] : memref<1600xi32, #tpu.memory_space<vmem>> -> memref<80xi32, #tpu.memory_space<vmem>>
        %dma_start3A_1298 = arith.constant 0 : i32
        %dma_start3A_1299 = arith.constant 0 : i32
        %dma_start3A_1300 = tpu.memref_slice %arg3[%dma_start3A_1298, %dma_start3A_1299] : memref<1000000x32xf32, #tpu.memory_space<hbm>> -> memref<1000000x32xf32, #tpu.memory_space<hbm>>
        tpu.enqueue_indirect_dma source(%dma_start3A_1300 : memref<1000000x32xf32, #tpu.memory_space<hbm>>) target(%dma_start3A_1292 : memref<80x32xf32, #tpu.memory_space<vmem>>) offsets(%dma_start3A_1297 : memref<80xi32, #tpu.memory_space<vmem>>) semaphore(%arg8 : memref<!tpu.dma_semaphore, #tpu.memory_space<semaphore_mem>>)
        %dma_start3A_1301 = arith.constant 0 : i32
        %dma_start3A_1302 = arith.constant 0 : i32
        %dma_start3A_1303 = tpu.memref_slice %arg6[%sub3A_593, %dma_start3A_1301, %dma_start3A_1302] : memref<2x1600x32xf32, #tpu.memory_space<vmem>> -> memref<1x1600x32xf32, #tpu.memory_space<vmem>>
        %dma_start3A_1304 = tpu.memref_squeeze %dma_start3A_1303 : memref<1x1600x32xf32, #tpu.memory_space<vmem>> -> memref<1600x32xf32, #tpu.memory_space<vmem>>
        %dma_start3A_1305 = arith.constant 1040 : i32
        %dma_start3A_1306 = arith.constant 0 : i32
        %dma_start3A_1307 = tpu.memref_slice %dma_start3A_1304[%dma_start3A_1305, %dma_start3A_1306] : memref<1600x32xf32, #tpu.memory_space<vmem>> -> memref<80x32xf32, #tpu.memory_space<vmem>>
        %dma_start3A_1308 = arith.constant 0 : i32
        %dma_start3A_1309 = tpu.memref_slice %arg5[%sub3A_593, %dma_start3A_1308] : memref<2x1600xi32, #tpu.memory_space<vmem>> -> memref<1x1600xi32, #tpu.memory_space<vmem>>
        %dma_start3A_1310 = tpu.memref_squeeze %dma_start3A_1309 : memref<1x1600xi32, #tpu.memory_space<vmem>> -> memref<1600xi32, #tpu.memory_space<vmem>>
        %dma_start3A_1311 = arith.constant 1040 : i32
        %dma_start3A_1312 = tpu.memref_slice %dma_start3A_1310[%dma_start3A_1311] : memref<1600xi32, #tpu.memory_space<vmem>> -> memref<80xi32, #tpu.memory_space<vmem>>
        %dma_start3A_1313 = arith.constant 0 : i32
        %dma_start3A_1314 = arith.constant 0 : i32
        %dma_start3A_1315 = tpu.memref_slice %arg3[%dma_start3A_1313, %dma_start3A_1314] : memref<1000000x32xf32, #tpu.memory_space<hbm>> -> memref<1000000x32xf32, #tpu.memory_space<hbm>>
        tpu.enqueue_indirect_dma source(%dma_start3A_1315 : memref<1000000x32xf32, #tpu.memory_space<hbm>>) target(%dma_start3A_1307 : memref<80x32xf32, #tpu.memory_space<vmem>>) offsets(%dma_start3A_1312 : memref<80xi32, #tpu.memory_space<vmem>>) semaphore(%arg8 : memref<!tpu.dma_semaphore, #tpu.memory_space<semaphore_mem>>)
        %dma_start3A_1316 = arith.constant 0 : i32
        %dma_start3A_1317 = arith.constant 0 : i32
        %dma_start3A_1318 = tpu.memref_slice %arg6[%sub3A_593, %dma_start3A_1316, %dma_start3A_1317] : memref<2x1600x32xf32, #tpu.memory_space<vmem>> -> memref<1x1600x32xf32, #tpu.memory_space<vmem>>
        %dma_start3A_1319 = tpu.memref_squeeze %dma_start3A_1318 : memref<1x1600x32xf32, #tpu.memory_space<vmem>> -> memref<1600x32xf32, #tpu.memory_space<vmem>>
        %dma_start3A_1320 = arith.constant 1120 : i32
        %dma_start3A_1321 = arith.constant 0 : i32
        %dma_start3A_1322 = tpu.memref_slice %dma_start3A_1319[%dma_start3A_1320, %dma_start3A_1321] : memref<1600x32xf32, #tpu.memory_space<vmem>> -> memref<80x32xf32, #tpu.memory_space<vmem>>
        %dma_start3A_1323 = arith.constant 0 : i32
        %dma_start3A_1324 = tpu.memref_slice %arg5[%sub3A_593, %dma_start3A_1323] : memref<2x1600xi32, #tpu.memory_space<vmem>> -> memref<1x1600xi32, #tpu.memory_space<vmem>>
        %dma_start3A_1325 = tpu.memref_squeeze %dma_start3A_1324 : memref<1x1600xi32, #tpu.memory_space<vmem>> -> memref<1600xi32, #tpu.memory_space<vmem>>
        %dma_start3A_1326 = arith.constant 1120 : i32
        %dma_start3A_1327 = tpu.memref_slice %dma_start3A_1325[%dma_start3A_1326] : memref<1600xi32, #tpu.memory_space<vmem>> -> memref<80xi32, #tpu.memory_space<vmem>>
        %dma_start3A_1328 = arith.constant 0 : i32
        %dma_start3A_1329 = arith.constant 0 : i32
        %dma_start3A_1330 = tpu.memref_slice %arg3[%dma_start3A_1328, %dma_start3A_1329] : memref<1000000x32xf32, #tpu.memory_space<hbm>> -> memref<1000000x32xf32, #tpu.memory_space<hbm>>
        tpu.enqueue_indirect_dma source(%dma_start3A_1330 : memref<1000000x32xf32, #tpu.memory_space<hbm>>) target(%dma_start3A_1322 : memref<80x32xf32, #tpu.memory_space<vmem>>) offsets(%dma_start3A_1327 : memref<80xi32, #tpu.memory_space<vmem>>) semaphore(%arg8 : memref<!tpu.dma_semaphore, #tpu.memory_space<semaphore_mem>>)
        %dma_start3A_1331 = arith.constant 0 : i32
        %dma_start3A_1332 = arith.constant 0 : i32
        %dma_start3A_1333 = tpu.memref_slice %arg6[%sub3A_593, %dma_start3A_1331, %dma_start3A_1332] : memref<2x1600x32xf32, #tpu.memory_space<vmem>> -> memref<1x1600x32xf32, #tpu.memory_space<vmem>>
        %dma_start3A_1334 = tpu.memref_squeeze %dma_start3A_1333 : memref<1x1600x32xf32, #tpu.memory_space<vmem>> -> memref<1600x32xf32, #tpu.memory_space<vmem>>
        %dma_start3A_1335 = arith.constant 1200 : i32
        %dma_start3A_1336 = arith.constant 0 : i32
        %dma_start3A_1337 = tpu.memref_slice %dma_start3A_1334[%dma_start3A_1335, %dma_start3A_1336] : memref<1600x32xf32, #tpu.memory_space<vmem>> -> memref<80x32xf32, #tpu.memory_space<vmem>>
        %dma_start3A_1338 = arith.constant 0 : i32
        %dma_start3A_1339 = tpu.memref_slice %arg5[%sub3A_593, %dma_start3A_1338] : memref<2x1600xi32, #tpu.memory_space<vmem>> -> memref<1x1600xi32, #tpu.memory_space<vmem>>
        %dma_start3A_1340 = tpu.memref_squeeze %dma_start3A_1339 : memref<1x1600xi32, #tpu.memory_space<vmem>> -> memref<1600xi32, #tpu.memory_space<vmem>>
        %dma_start3A_1341 = arith.constant 1200 : i32
        %dma_start3A_1342 = tpu.memref_slice %dma_start3A_1340[%dma_start3A_1341] : memref<1600xi32, #tpu.memory_space<vmem>> -> memref<80xi32, #tpu.memory_space<vmem>>
        %dma_start3A_1343 = arith.constant 0 : i32
        %dma_start3A_1344 = arith.constant 0 : i32
        %dma_start3A_1345 = tpu.memref_slice %arg3[%dma_start3A_1343, %dma_start3A_1344] : memref<1000000x32xf32, #tpu.memory_space<hbm>> -> memref<1000000x32xf32, #tpu.memory_space<hbm>>
        tpu.enqueue_indirect_dma source(%dma_start3A_1345 : memref<1000000x32xf32, #tpu.memory_space<hbm>>) target(%dma_start3A_1337 : memref<80x32xf32, #tpu.memory_space<vmem>>) offsets(%dma_start3A_1342 : memref<80xi32, #tpu.memory_space<vmem>>) semaphore(%arg8 : memref<!tpu.dma_semaphore, #tpu.memory_space<semaphore_mem>>)
        %dma_start3A_1346 = arith.constant 0 : i32
        %dma_start3A_1347 = arith.constant 0 : i32
        %dma_start3A_1348 = tpu.memref_slice %arg6[%sub3A_593, %dma_start3A_1346, %dma_start3A_1347] : memref<2x1600x32xf32, #tpu.memory_space<vmem>> -> memref<1x1600x32xf32, #tpu.memory_space<vmem>>
        %dma_start3A_1349 = tpu.memref_squeeze %dma_start3A_1348 : memref<1x1600x32xf32, #tpu.memory_space<vmem>> -> memref<1600x32xf32, #tpu.memory_space<vmem>>
        %dma_start3A_1350 = arith.constant 1280 : i32
        %dma_start3A_1351 = arith.constant 0 : i32
        %dma_start3A_1352 = tpu.memref_slice %dma_start3A_1349[%dma_start3A_1350, %dma_start3A_1351] : memref<1600x32xf32, #tpu.memory_space<vmem>> -> memref<80x32xf32, #tpu.memory_space<vmem>>
        %dma_start3A_1353 = arith.constant 0 : i32
        %dma_start3A_1354 = tpu.memref_slice %arg5[%sub3A_593, %dma_start3A_1353] : memref<2x1600xi32, #tpu.memory_space<vmem>> -> memref<1x1600xi32, #tpu.memory_space<vmem>>
        %dma_start3A_1355 = tpu.memref_squeeze %dma_start3A_1354 : memref<1x1600xi32, #tpu.memory_space<vmem>> -> memref<1600xi32, #tpu.memory_space<vmem>>
        %dma_start3A_1356 = arith.constant 1280 : i32
        %dma_start3A_1357 = tpu.memref_slice %dma_start3A_1355[%dma_start3A_1356] : memref<1600xi32, #tpu.memory_space<vmem>> -> memref<80xi32, #tpu.memory_space<vmem>>
        %dma_start3A_1358 = arith.constant 0 : i32
        %dma_start3A_1359 = arith.constant 0 : i32
        %dma_start3A_1360 = tpu.memref_slice %arg3[%dma_start3A_1358, %dma_start3A_1359] : memref<1000000x32xf32, #tpu.memory_space<hbm>> -> memref<1000000x32xf32, #tpu.memory_space<hbm>>
        tpu.enqueue_indirect_dma source(%dma_start3A_1360 : memref<1000000x32xf32, #tpu.memory_space<hbm>>) target(%dma_start3A_1352 : memref<80x32xf32, #tpu.memory_space<vmem>>) offsets(%dma_start3A_1357 : memref<80xi32, #tpu.memory_space<vmem>>) semaphore(%arg8 : memref<!tpu.dma_semaphore, #tpu.memory_space<semaphore_mem>>)
        %dma_start3A_1361 = arith.constant 0 : i32
        %dma_start3A_1362 = arith.constant 0 : i32
        %dma_start3A_1363 = tpu.memref_slice %arg6[%sub3A_593, %dma_start3A_1361, %dma_start3A_1362] : memref<2x1600x32xf32, #tpu.memory_space<vmem>> -> memref<1x1600x32xf32, #tpu.memory_space<vmem>>
        %dma_start3A_1364 = tpu.memref_squeeze %dma_start3A_1363 : memref<1x1600x32xf32, #tpu.memory_space<vmem>> -> memref<1600x32xf32, #tpu.memory_space<vmem>>
        %dma_start3A_1365 = arith.constant 1360 : i32
        %dma_start3A_1366 = arith.constant 0 : i32
        %dma_start3A_1367 = tpu.memref_slice %dma_start3A_1364[%dma_start3A_1365, %dma_start3A_1366] : memref<1600x32xf32, #tpu.memory_space<vmem>> -> memref<80x32xf32, #tpu.memory_space<vmem>>
        %dma_start3A_1368 = arith.constant 0 : i32
        %dma_start3A_1369 = tpu.memref_slice %arg5[%sub3A_593, %dma_start3A_1368] : memref<2x1600xi32, #tpu.memory_space<vmem>> -> memref<1x1600xi32, #tpu.memory_space<vmem>>
        %dma_start3A_1370 = tpu.memref_squeeze %dma_start3A_1369 : memref<1x1600xi32, #tpu.memory_space<vmem>> -> memref<1600xi32, #tpu.memory_space<vmem>>
        %dma_start3A_1371 = arith.constant 1360 : i32
        %dma_start3A_1372 = tpu.memref_slice %dma_start3A_1370[%dma_start3A_1371] : memref<1600xi32, #tpu.memory_space<vmem>> -> memref<80xi32, #tpu.memory_space<vmem>>
        %dma_start3A_1373 = arith.constant 0 : i32
        %dma_start3A_1374 = arith.constant 0 : i32
        %dma_start3A_1375 = tpu.memref_slice %arg3[%dma_start3A_1373, %dma_start3A_1374] : memref<1000000x32xf32, #tpu.memory_space<hbm>> -> memref<1000000x32xf32, #tpu.memory_space<hbm>>
        tpu.enqueue_indirect_dma source(%dma_start3A_1375 : memref<1000000x32xf32, #tpu.memory_space<hbm>>) target(%dma_start3A_1367 : memref<80x32xf32, #tpu.memory_space<vmem>>) offsets(%dma_start3A_1372 : memref<80xi32, #tpu.memory_space<vmem>>) semaphore(%arg8 : memref<!tpu.dma_semaphore, #tpu.memory_space<semaphore_mem>>)
        %dma_start3A_1376 = arith.constant 0 : i32
        %dma_start3A_1377 = arith.constant 0 : i32
        %dma_start3A_1378 = tpu.memref_slice %arg6[%sub3A_593, %dma_start3A_1376, %dma_start3A_1377] : memref<2x1600x32xf32, #tpu.memory_space<vmem>> -> memref<1x1600x32xf32, #tpu.memory_space<vmem>>
        %dma_start3A_1379 = tpu.memref_squeeze %dma_start3A_1378 : memref<1x1600x32xf32, #tpu.memory_space<vmem>> -> memref<1600x32xf32, #tpu.memory_space<vmem>>
        %dma_start3A_1380 = arith.constant 1440 : i32
        %dma_start3A_1381 = arith.constant 0 : i32
        %dma_start3A_1382 = tpu.memref_slice %dma_start3A_1379[%dma_start3A_1380, %dma_start3A_1381] : memref<1600x32xf32, #tpu.memory_space<vmem>> -> memref<80x32xf32, #tpu.memory_space<vmem>>
        %dma_start3A_1383 = arith.constant 0 : i32
        %dma_start3A_1384 = tpu.memref_slice %arg5[%sub3A_593, %dma_start3A_1383] : memref<2x1600xi32, #tpu.memory_space<vmem>> -> memref<1x1600xi32, #tpu.memory_space<vmem>>
        %dma_start3A_1385 = tpu.memref_squeeze %dma_start3A_1384 : memref<1x1600xi32, #tpu.memory_space<vmem>> -> memref<1600xi32, #tpu.memory_space<vmem>>
        %dma_start3A_1386 = arith.constant 1440 : i32
        %dma_start3A_1387 = tpu.memref_slice %dma_start3A_1385[%dma_start3A_1386] : memref<1600xi32, #tpu.memory_space<vmem>> -> memref<80xi32, #tpu.memory_space<vmem>>
        %dma_start3A_1388 = arith.constant 0 : i32
        %dma_start3A_1389 = arith.constant 0 : i32
        %dma_start3A_1390 = tpu.memref_slice %arg3[%dma_start3A_1388, %dma_start3A_1389] : memref<1000000x32xf32, #tpu.memory_space<hbm>> -> memref<1000000x32xf32, #tpu.memory_space<hbm>>
        tpu.enqueue_indirect_dma source(%dma_start3A_1390 : memref<1000000x32xf32, #tpu.memory_space<hbm>>) target(%dma_start3A_1382 : memref<80x32xf32, #tpu.memory_space<vmem>>) offsets(%dma_start3A_1387 : memref<80xi32, #tpu.memory_space<vmem>>) semaphore(%arg8 : memref<!tpu.dma_semaphore, #tpu.memory_space<semaphore_mem>>)
        %dma_start3A_1391 = arith.constant 0 : i32
        %dma_start3A_1392 = arith.constant 0 : i32
        %dma_start3A_1393 = tpu.memref_slice %arg6[%sub3A_593, %dma_start3A_1391, %dma_start3A_1392] : memref<2x1600x32xf32, #tpu.memory_space<vmem>> -> memref<1x1600x32xf32, #tpu.memory_space<vmem>>
        %dma_start3A_1394 = tpu.memref_squeeze %dma_start3A_1393 : memref<1x1600x32xf32, #tpu.memory_space<vmem>> -> memref<1600x32xf32, #tpu.memory_space<vmem>>
        %dma_start3A_1395 = arith.constant 1520 : i32
        %dma_start3A_1396 = arith.constant 0 : i32
        %dma_start3A_1397 = tpu.memref_slice %dma_start3A_1394[%dma_start3A_1395, %dma_start3A_1396] : memref<1600x32xf32, #tpu.memory_space<vmem>> -> memref<80x32xf32, #tpu.memory_space<vmem>>
        %dma_start3A_1398 = arith.constant 0 : i32
        %dma_start3A_1399 = tpu.memref_slice %arg5[%sub3A_593, %dma_start3A_1398] : memref<2x1600xi32, #tpu.memory_space<vmem>> -> memref<1x1600xi32, #tpu.memory_space<vmem>>
        %dma_start3A_1400 = tpu.memref_squeeze %dma_start3A_1399 : memref<1x1600xi32, #tpu.memory_space<vmem>> -> memref<1600xi32, #tpu.memory_space<vmem>>
        %dma_start3A_1401 = arith.constant 1520 : i32
        %dma_start3A_1402 = tpu.memref_slice %dma_start3A_1400[%dma_start3A_1401] : memref<1600xi32, #tpu.memory_space<vmem>> -> memref<80xi32, #tpu.memory_space<vmem>>
        %dma_start3A_1403 = arith.constant 0 : i32
        %dma_start3A_1404 = arith.constant 0 : i32
        %dma_start3A_1405 = tpu.memref_slice %arg3[%dma_start3A_1403, %dma_start3A_1404] : memref<1000000x32xf32, #tpu.memory_space<hbm>> -> memref<1000000x32xf32, #tpu.memory_space<hbm>>
        tpu.enqueue_indirect_dma source(%dma_start3A_1405 : memref<1000000x32xf32, #tpu.memory_space<hbm>>) target(%dma_start3A_1397 : memref<80x32xf32, #tpu.memory_space<vmem>>) offsets(%dma_start3A_1402 : memref<80xi32, #tpu.memory_space<vmem>>) semaphore(%arg8 : memref<!tpu.dma_semaphore, #tpu.memory_space<semaphore_mem>>)
      } else {
      }
      %mul3A_906 = arith.constant 8 : i32
      %mul3A_907 = arith.muli %scan3A_583, %mul3A_906 : i32
      %add3A_908 = arith.addi %mul3A_2, %mul3A_907 : i32
      %add3A_909 = arith.constant 0 : i32
      %add3A_910 = arith.addi %add3A_908, %add3A_909 : i32
      %add3A_911 = arith.constant 1 : i32
      %add3A_912 = arith.addi %add3A_908, %add3A_911 : i32
      %add3A_913 = arith.constant 2 : i32
      %add3A_914 = arith.addi %add3A_908, %add3A_913 : i32
      %add3A_915 = arith.constant 3 : i32
      %add3A_916 = arith.addi %add3A_908, %add3A_915 : i32
      %add3A_917 = arith.constant 4 : i32
      %add3A_918 = arith.addi %add3A_908, %add3A_917 : i32
      %add3A_919 = arith.constant 5 : i32
      %add3A_920 = arith.addi %add3A_908, %add3A_919 : i32
      %add3A_921 = arith.constant 6 : i32
      %add3A_922 = arith.addi %add3A_908, %add3A_921 : i32
      %add3A_923 = arith.constant 7 : i32
      %add3A_924 = arith.addi %add3A_908, %add3A_923 : i32
      %dma_start3A_925 = arith.constant 0 : i32
      %dma_start3A_926 = arith.constant 0 : i32
      %dma_start3A_927 = tpu.memref_slice %arg6[%select_n3A_592, %dma_start3A_925, %dma_start3A_926] : memref<2x1600x32xf32, #tpu.memory_space<vmem>> -> memref<1x1600x32xf32, #tpu.memory_space<vmem>>
      %dma_start3A_928 = tpu.memref_squeeze %dma_start3A_927 : memref<1x1600x32xf32, #tpu.memory_space<vmem>> -> memref<1600x32xf32, #tpu.memory_space<vmem>>
      %dma_start3A_929 = arith.constant 0 : i32
      %dma_start3A_930 = arith.constant 0 : i32
      %dma_start3A_931 = tpu.memref_slice %dma_start3A_928[%dma_start3A_929, %dma_start3A_930] : memref<1600x32xf32, #tpu.memory_space<vmem>> -> memref<200x32xf32, #tpu.memory_space<vmem>>
      %dma_start3A_932 = arith.constant 0 : i32
      %dma_start3A_933 = arith.constant 0 : i32
      %dma_start3A_934 = tpu.memref_slice %arg4[%add3A_910, %dma_start3A_932, %dma_start3A_933] : memref<8192x200x32xf32, #tpu.memory_space<hbm>> -> memref<1x200x32xf32, #tpu.memory_space<hbm>>
      %dma_start3A_935 = tpu.memref_squeeze %dma_start3A_934 : memref<1x200x32xf32, #tpu.memory_space<hbm>> -> memref<200x32xf32, #tpu.memory_space<hbm>>
      %dma_start3A_936 = arith.constant 0 : i32
      %dma_start3A_937 = arith.constant 0 : i32
      %dma_start3A_938 = tpu.memref_slice %arg4[%add3A_910, %dma_start3A_936, %dma_start3A_937] : memref<8192x200x32xf32, #tpu.memory_space<hbm>> -> memref<1x200x32xf32, #tpu.memory_space<hbm>>
      %dma_start3A_939 = tpu.memref_squeeze %dma_start3A_938 : memref<1x200x32xf32, #tpu.memory_space<hbm>> -> memref<200x32xf32, #tpu.memory_space<hbm>>
      %dma_start3A_940 = arith.constant 0 : i32
      %dma_start3A_941 = arith.constant 0 : i32
      %dma_start3A_942 = tpu.memref_slice %arg6[%select_n3A_592, %dma_start3A_940, %dma_start3A_941] : memref<2x1600x32xf32, #tpu.memory_space<vmem>> -> memref<1x1600x32xf32, #tpu.memory_space<vmem>>
      %dma_start3A_943 = tpu.memref_squeeze %dma_start3A_942 : memref<1x1600x32xf32, #tpu.memory_space<vmem>> -> memref<1600x32xf32, #tpu.memory_space<vmem>>
      %dma_start3A_944 = arith.constant 0 : i32
      %dma_start3A_945 = arith.constant 0 : i32
      %dma_start3A_946 = tpu.memref_slice %dma_start3A_943[%dma_start3A_944, %dma_start3A_945] : memref<1600x32xf32, #tpu.memory_space<vmem>> -> memref<200x32xf32, #tpu.memory_space<vmem>>
      tpu.enqueue_dma source(%dma_start3A_946 : memref<200x32xf32, #tpu.memory_space<vmem>>) target(%dma_start3A_939 : memref<200x32xf32, #tpu.memory_space<hbm>>) target_semaphore(%arg9 : memref<!tpu.dma_semaphore, #tpu.memory_space<semaphore_mem>>)
      %dma_start3A_947 = arith.constant 0 : i32
      %dma_start3A_948 = arith.constant 0 : i32
      %dma_start3A_949 = tpu.memref_slice %arg6[%select_n3A_592, %dma_start3A_947, %dma_start3A_948] : memref<2x1600x32xf32, #tpu.memory_space<vmem>> -> memref<1x1600x32xf32, #tpu.memory_space<vmem>>
      %dma_start3A_950 = tpu.memref_squeeze %dma_start3A_949 : memref<1x1600x32xf32, #tpu.memory_space<vmem>> -> memref<1600x32xf32, #tpu.memory_space<vmem>>
      %dma_start3A_951 = arith.constant 200 : i32
      %dma_start3A_952 = arith.constant 0 : i32
      %dma_start3A_953 = tpu.memref_slice %dma_start3A_950[%dma_start3A_951, %dma_start3A_952] : memref<1600x32xf32, #tpu.memory_space<vmem>> -> memref<200x32xf32, #tpu.memory_space<vmem>>
      %dma_start3A_954 = arith.constant 0 : i32
      %dma_start3A_955 = arith.constant 0 : i32
      %dma_start3A_956 = tpu.memref_slice %arg4[%add3A_912, %dma_start3A_954, %dma_start3A_955] : memref<8192x200x32xf32, #tpu.memory_space<hbm>> -> memref<1x200x32xf32, #tpu.memory_space<hbm>>
      %dma_start3A_957 = tpu.memref_squeeze %dma_start3A_956 : memref<1x200x32xf32, #tpu.memory_space<hbm>> -> memref<200x32xf32, #tpu.memory_space<hbm>>
      %dma_start3A_958 = arith.constant 0 : i32
      %dma_start3A_959 = arith.constant 0 : i32
      %dma_start3A_960 = tpu.memref_slice %arg4[%add3A_912, %dma_start3A_958, %dma_start3A_959] : memref<8192x200x32xf32, #tpu.memory_space<hbm>> -> memref<1x200x32xf32, #tpu.memory_space<hbm>>
      %dma_start3A_961 = tpu.memref_squeeze %dma_start3A_960 : memref<1x200x32xf32, #tpu.memory_space<hbm>> -> memref<200x32xf32, #tpu.memory_space<hbm>>
      %dma_start3A_962 = arith.constant 0 : i32
      %dma_start3A_963 = arith.constant 0 : i32
      %dma_start3A_964 = tpu.memref_slice %arg6[%select_n3A_592, %dma_start3A_962, %dma_start3A_963] : memref<2x1600x32xf32, #tpu.memory_space<vmem>> -> memref<1x1600x32xf32, #tpu.memory_space<vmem>>
      %dma_start3A_965 = tpu.memref_squeeze %dma_start3A_964 : memref<1x1600x32xf32, #tpu.memory_space<vmem>> -> memref<1600x32xf32, #tpu.memory_space<vmem>>
      %dma_start3A_966 = arith.constant 200 : i32
      %dma_start3A_967 = arith.constant 0 : i32
      %dma_start3A_968 = tpu.memref_slice %dma_start3A_965[%dma_start3A_966, %dma_start3A_967] : memref<1600x32xf32, #tpu.memory_space<vmem>> -> memref<200x32xf32, #tpu.memory_space<vmem>>
      tpu.enqueue_dma source(%dma_start3A_968 : memref<200x32xf32, #tpu.memory_space<vmem>>) target(%dma_start3A_961 : memref<200x32xf32, #tpu.memory_space<hbm>>) target_semaphore(%arg9 : memref<!tpu.dma_semaphore, #tpu.memory_space<semaphore_mem>>)
      %dma_start3A_969 = arith.constant 0 : i32
      %dma_start3A_970 = arith.constant 0 : i32
      %dma_start3A_971 = tpu.memref_slice %arg6[%select_n3A_592, %dma_start3A_969, %dma_start3A_970] : memref<2x1600x32xf32, #tpu.memory_space<vmem>> -> memref<1x1600x32xf32, #tpu.memory_space<vmem>>
      %dma_start3A_972 = tpu.memref_squeeze %dma_start3A_971 : memref<1x1600x32xf32, #tpu.memory_space<vmem>> -> memref<1600x32xf32, #tpu.memory_space<vmem>>
      %dma_start3A_973 = arith.constant 400 : i32
      %dma_start3A_974 = arith.constant 0 : i32
      %dma_start3A_975 = tpu.memref_slice %dma_start3A_972[%dma_start3A_973, %dma_start3A_974] : memref<1600x32xf32, #tpu.memory_space<vmem>> -> memref<200x32xf32, #tpu.memory_space<vmem>>
      %dma_start3A_976 = arith.constant 0 : i32
      %dma_start3A_977 = arith.constant 0 : i32
      %dma_start3A_978 = tpu.memref_slice %arg4[%add3A_914, %dma_start3A_976, %dma_start3A_977] : memref<8192x200x32xf32, #tpu.memory_space<hbm>> -> memref<1x200x32xf32, #tpu.memory_space<hbm>>
      %dma_start3A_979 = tpu.memref_squeeze %dma_start3A_978 : memref<1x200x32xf32, #tpu.memory_space<hbm>> -> memref<200x32xf32, #tpu.memory_space<hbm>>
      %dma_start3A_980 = arith.constant 0 : i32
      %dma_start3A_981 = arith.constant 0 : i32
      %dma_start3A_982 = tpu.memref_slice %arg4[%add3A_914, %dma_start3A_980, %dma_start3A_981] : memref<8192x200x32xf32, #tpu.memory_space<hbm>> -> memref<1x200x32xf32, #tpu.memory_space<hbm>>
      %dma_start3A_983 = tpu.memref_squeeze %dma_start3A_982 : memref<1x200x32xf32, #tpu.memory_space<hbm>> -> memref<200x32xf32, #tpu.memory_space<hbm>>
      %dma_start3A_984 = arith.constant 0 : i32
      %dma_start3A_985 = arith.constant 0 : i32
      %dma_start3A_986 = tpu.memref_slice %arg6[%select_n3A_592, %dma_start3A_984, %dma_start3A_985] : memref<2x1600x32xf32, #tpu.memory_space<vmem>> -> memref<1x1600x32xf32, #tpu.memory_space<vmem>>
      %dma_start3A_987 = tpu.memref_squeeze %dma_start3A_986 : memref<1x1600x32xf32, #tpu.memory_space<vmem>> -> memref<1600x32xf32, #tpu.memory_space<vmem>>
      %dma_start3A_988 = arith.constant 400 : i32
      %dma_start3A_989 = arith.constant 0 : i32
      %dma_start3A_990 = tpu.memref_slice %dma_start3A_987[%dma_start3A_988, %dma_start3A_989] : memref<1600x32xf32, #tpu.memory_space<vmem>> -> memref<200x32xf32, #tpu.memory_space<vmem>>
      tpu.enqueue_dma source(%dma_start3A_990 : memref<200x32xf32, #tpu.memory_space<vmem>>) target(%dma_start3A_983 : memref<200x32xf32, #tpu.memory_space<hbm>>) target_semaphore(%arg9 : memref<!tpu.dma_semaphore, #tpu.memory_space<semaphore_mem>>)
      %dma_start3A_991 = arith.constant 0 : i32
      %dma_start3A_992 = arith.constant 0 : i32
      %dma_start3A_993 = tpu.memref_slice %arg6[%select_n3A_592, %dma_start3A_991, %dma_start3A_992] : memref<2x1600x32xf32, #tpu.memory_space<vmem>> -> memref<1x1600x32xf32, #tpu.memory_space<vmem>>
      %dma_start3A_994 = tpu.memref_squeeze %dma_start3A_993 : memref<1x1600x32xf32, #tpu.memory_space<vmem>> -> memref<1600x32xf32, #tpu.memory_space<vmem>>
      %dma_start3A_995 = arith.constant 600 : i32
      %dma_start3A_996 = arith.constant 0 : i32
      %dma_start3A_997 = tpu.memref_slice %dma_start3A_994[%dma_start3A_995, %dma_start3A_996] : memref<1600x32xf32, #tpu.memory_space<vmem>> -> memref<200x32xf32, #tpu.memory_space<vmem>>
      %dma_start3A_998 = arith.constant 0 : i32
      %dma_start3A_999 = arith.constant 0 : i32
      %dma_start3A_1000 = tpu.memref_slice %arg4[%add3A_916, %dma_start3A_998, %dma_start3A_999] : memref<8192x200x32xf32, #tpu.memory_space<hbm>> -> memref<1x200x32xf32, #tpu.memory_space<hbm>>
      %dma_start3A_1001 = tpu.memref_squeeze %dma_start3A_1000 : memref<1x200x32xf32, #tpu.memory_space<hbm>> -> memref<200x32xf32, #tpu.memory_space<hbm>>
      %dma_start3A_1002 = arith.constant 0 : i32
      %dma_start3A_1003 = arith.constant 0 : i32
      %dma_start3A_1004 = tpu.memref_slice %arg4[%add3A_916, %dma_start3A_1002, %dma_start3A_1003] : memref<8192x200x32xf32, #tpu.memory_space<hbm>> -> memref<1x200x32xf32, #tpu.memory_space<hbm>>
      %dma_start3A_1005 = tpu.memref_squeeze %dma_start3A_1004 : memref<1x200x32xf32, #tpu.memory_space<hbm>> -> memref<200x32xf32, #tpu.memory_space<hbm>>
      %dma_start3A_1006 = arith.constant 0 : i32
      %dma_start3A_1007 = arith.constant 0 : i32
      %dma_start3A_1008 = tpu.memref_slice %arg6[%select_n3A_592, %dma_start3A_1006, %dma_start3A_1007] : memref<2x1600x32xf32, #tpu.memory_space<vmem>> -> memref<1x1600x32xf32, #tpu.memory_space<vmem>>
      %dma_start3A_1009 = tpu.memref_squeeze %dma_start3A_1008 : memref<1x1600x32xf32, #tpu.memory_space<vmem>> -> memref<1600x32xf32, #tpu.memory_space<vmem>>
      %dma_start3A_1010 = arith.constant 600 : i32
      %dma_start3A_1011 = arith.constant 0 : i32
      %dma_start3A_1012 = tpu.memref_slice %dma_start3A_1009[%dma_start3A_1010, %dma_start3A_1011] : memref<1600x32xf32, #tpu.memory_space<vmem>> -> memref<200x32xf32, #tpu.memory_space<vmem>>
      tpu.enqueue_dma source(%dma_start3A_1012 : memref<200x32xf32, #tpu.memory_space<vmem>>) target(%dma_start3A_1005 : memref<200x32xf32, #tpu.memory_space<hbm>>) target_semaphore(%arg9 : memref<!tpu.dma_semaphore, #tpu.memory_space<semaphore_mem>>)
      %dma_start3A_1013 = arith.constant 0 : i32
      %dma_start3A_1014 = arith.constant 0 : i32
      %dma_start3A_1015 = tpu.memref_slice %arg6[%select_n3A_592, %dma_start3A_1013, %dma_start3A_1014] : memref<2x1600x32xf32, #tpu.memory_space<vmem>> -> memref<1x1600x32xf32, #tpu.memory_space<vmem>>
      %dma_start3A_1016 = tpu.memref_squeeze %dma_start3A_1015 : memref<1x1600x32xf32, #tpu.memory_space<vmem>> -> memref<1600x32xf32, #tpu.memory_space<vmem>>
      %dma_start3A_1017 = arith.constant 800 : i32
      %dma_start3A_1018 = arith.constant 0 : i32
      %dma_start3A_1019 = tpu.memref_slice %dma_start3A_1016[%dma_start3A_1017, %dma_start3A_1018] : memref<1600x32xf32, #tpu.memory_space<vmem>> -> memref<200x32xf32, #tpu.memory_space<vmem>>
      %dma_start3A_1020 = arith.constant 0 : i32
      %dma_start3A_1021 = arith.constant 0 : i32
      %dma_start3A_1022 = tpu.memref_slice %arg4[%add3A_918, %dma_start3A_1020, %dma_start3A_1021] : memref<8192x200x32xf32, #tpu.memory_space<hbm>> -> memref<1x200x32xf32, #tpu.memory_space<hbm>>
      %dma_start3A_1023 = tpu.memref_squeeze %dma_start3A_1022 : memref<1x200x32xf32, #tpu.memory_space<hbm>> -> memref<200x32xf32, #tpu.memory_space<hbm>>
      %dma_start3A_1024 = arith.constant 0 : i32
      %dma_start3A_1025 = arith.constant 0 : i32
      %dma_start3A_1026 = tpu.memref_slice %arg4[%add3A_918, %dma_start3A_1024, %dma_start3A_1025] : memref<8192x200x32xf32, #tpu.memory_space<hbm>> -> memref<1x200x32xf32, #tpu.memory_space<hbm>>
      %dma_start3A_1027 = tpu.memref_squeeze %dma_start3A_1026 : memref<1x200x32xf32, #tpu.memory_space<hbm>> -> memref<200x32xf32, #tpu.memory_space<hbm>>
      %dma_start3A_1028 = arith.constant 0 : i32
      %dma_start3A_1029 = arith.constant 0 : i32
      %dma_start3A_1030 = tpu.memref_slice %arg6[%select_n3A_592, %dma_start3A_1028, %dma_start3A_1029] : memref<2x1600x32xf32, #tpu.memory_space<vmem>> -> memref<1x1600x32xf32, #tpu.memory_space<vmem>>
      %dma_start3A_1031 = tpu.memref_squeeze %dma_start3A_1030 : memref<1x1600x32xf32, #tpu.memory_space<vmem>> -> memref<1600x32xf32, #tpu.memory_space<vmem>>
      %dma_start3A_1032 = arith.constant 800 : i32
      %dma_start3A_1033 = arith.constant 0 : i32
      %dma_start3A_1034 = tpu.memref_slice %dma_start3A_1031[%dma_start3A_1032, %dma_start3A_1033] : memref<1600x32xf32, #tpu.memory_space<vmem>> -> memref<200x32xf32, #tpu.memory_space<vmem>>
      tpu.enqueue_dma source(%dma_start3A_1034 : memref<200x32xf32, #tpu.memory_space<vmem>>) target(%dma_start3A_1027 : memref<200x32xf32, #tpu.memory_space<hbm>>) target_semaphore(%arg9 : memref<!tpu.dma_semaphore, #tpu.memory_space<semaphore_mem>>)
      %dma_start3A_1035 = arith.constant 0 : i32
      %dma_start3A_1036 = arith.constant 0 : i32
      %dma_start3A_1037 = tpu.memref_slice %arg6[%select_n3A_592, %dma_start3A_1035, %dma_start3A_1036] : memref<2x1600x32xf32, #tpu.memory_space<vmem>> -> memref<1x1600x32xf32, #tpu.memory_space<vmem>>
      %dma_start3A_1038 = tpu.memref_squeeze %dma_start3A_1037 : memref<1x1600x32xf32, #tpu.memory_space<vmem>> -> memref<1600x32xf32, #tpu.memory_space<vmem>>
      %dma_start3A_1039 = arith.constant 1000 : i32
      %dma_start3A_1040 = arith.constant 0 : i32
      %dma_start3A_1041 = tpu.memref_slice %dma_start3A_1038[%dma_start3A_1039, %dma_start3A_1040] : memref<1600x32xf32, #tpu.memory_space<vmem>> -> memref<200x32xf32, #tpu.memory_space<vmem>>
      %dma_start3A_1042 = arith.constant 0 : i32
      %dma_start3A_1043 = arith.constant 0 : i32
      %dma_start3A_1044 = tpu.memref_slice %arg4[%add3A_920, %dma_start3A_1042, %dma_start3A_1043] : memref<8192x200x32xf32, #tpu.memory_space<hbm>> -> memref<1x200x32xf32, #tpu.memory_space<hbm>>
      %dma_start3A_1045 = tpu.memref_squeeze %dma_start3A_1044 : memref<1x200x32xf32, #tpu.memory_space<hbm>> -> memref<200x32xf32, #tpu.memory_space<hbm>>
      %dma_start3A_1046 = arith.constant 0 : i32
      %dma_start3A_1047 = arith.constant 0 : i32
      %dma_start3A_1048 = tpu.memref_slice %arg4[%add3A_920, %dma_start3A_1046, %dma_start3A_1047] : memref<8192x200x32xf32, #tpu.memory_space<hbm>> -> memref<1x200x32xf32, #tpu.memory_space<hbm>>
      %dma_start3A_1049 = tpu.memref_squeeze %dma_start3A_1048 : memref<1x200x32xf32, #tpu.memory_space<hbm>> -> memref<200x32xf32, #tpu.memory_space<hbm>>
      %dma_start3A_1050 = arith.constant 0 : i32
      %dma_start3A_1051 = arith.constant 0 : i32
      %dma_start3A_1052 = tpu.memref_slice %arg6[%select_n3A_592, %dma_start3A_1050, %dma_start3A_1051] : memref<2x1600x32xf32, #tpu.memory_space<vmem>> -> memref<1x1600x32xf32, #tpu.memory_space<vmem>>
      %dma_start3A_1053 = tpu.memref_squeeze %dma_start3A_1052 : memref<1x1600x32xf32, #tpu.memory_space<vmem>> -> memref<1600x32xf32, #tpu.memory_space<vmem>>
      %dma_start3A_1054 = arith.constant 1000 : i32
      %dma_start3A_1055 = arith.constant 0 : i32
      %dma_start3A_1056 = tpu.memref_slice %dma_start3A_1053[%dma_start3A_1054, %dma_start3A_1055] : memref<1600x32xf32, #tpu.memory_space<vmem>> -> memref<200x32xf32, #tpu.memory_space<vmem>>
      tpu.enqueue_dma source(%dma_start3A_1056 : memref<200x32xf32, #tpu.memory_space<vmem>>) target(%dma_start3A_1049 : memref<200x32xf32, #tpu.memory_space<hbm>>) target_semaphore(%arg9 : memref<!tpu.dma_semaphore, #tpu.memory_space<semaphore_mem>>)
      %dma_start3A_1057 = arith.constant 0 : i32
      %dma_start3A_1058 = arith.constant 0 : i32
      %dma_start3A_1059 = tpu.memref_slice %arg6[%select_n3A_592, %dma_start3A_1057, %dma_start3A_1058] : memref<2x1600x32xf32, #tpu.memory_space<vmem>> -> memref<1x1600x32xf32, #tpu.memory_space<vmem>>
      %dma_start3A_1060 = tpu.memref_squeeze %dma_start3A_1059 : memref<1x1600x32xf32, #tpu.memory_space<vmem>> -> memref<1600x32xf32, #tpu.memory_space<vmem>>
      %dma_start3A_1061 = arith.constant 1200 : i32
      %dma_start3A_1062 = arith.constant 0 : i32
      %dma_start3A_1063 = tpu.memref_slice %dma_start3A_1060[%dma_start3A_1061, %dma_start3A_1062] : memref<1600x32xf32, #tpu.memory_space<vmem>> -> memref<200x32xf32, #tpu.memory_space<vmem>>
      %dma_start3A_1064 = arith.constant 0 : i32
      %dma_start3A_1065 = arith.constant 0 : i32
      %dma_start3A_1066 = tpu.memref_slice %arg4[%add3A_922, %dma_start3A_1064, %dma_start3A_1065] : memref<8192x200x32xf32, #tpu.memory_space<hbm>> -> memref<1x200x32xf32, #tpu.memory_space<hbm>>
      %dma_start3A_1067 = tpu.memref_squeeze %dma_start3A_1066 : memref<1x200x32xf32, #tpu.memory_space<hbm>> -> memref<200x32xf32, #tpu.memory_space<hbm>>
      %dma_start3A_1068 = arith.constant 0 : i32
      %dma_start3A_1069 = arith.constant 0 : i32
      %dma_start3A_1070 = tpu.memref_slice %arg4[%add3A_922, %dma_start3A_1068, %dma_start3A_1069] : memref<8192x200x32xf32, #tpu.memory_space<hbm>> -> memref<1x200x32xf32, #tpu.memory_space<hbm>>
      %dma_start3A_1071 = tpu.memref_squeeze %dma_start3A_1070 : memref<1x200x32xf32, #tpu.memory_space<hbm>> -> memref<200x32xf32, #tpu.memory_space<hbm>>
      %dma_start3A_1072 = arith.constant 0 : i32
      %dma_start3A_1073 = arith.constant 0 : i32
      %dma_start3A_1074 = tpu.memref_slice %arg6[%select_n3A_592, %dma_start3A_1072, %dma_start3A_1073] : memref<2x1600x32xf32, #tpu.memory_space<vmem>> -> memref<1x1600x32xf32, #tpu.memory_space<vmem>>
      %dma_start3A_1075 = tpu.memref_squeeze %dma_start3A_1074 : memref<1x1600x32xf32, #tpu.memory_space<vmem>> -> memref<1600x32xf32, #tpu.memory_space<vmem>>
      %dma_start3A_1076 = arith.constant 1200 : i32
      %dma_start3A_1077 = arith.constant 0 : i32
      %dma_start3A_1078 = tpu.memref_slice %dma_start3A_1075[%dma_start3A_1076, %dma_start3A_1077] : memref<1600x32xf32, #tpu.memory_space<vmem>> -> memref<200x32xf32, #tpu.memory_space<vmem>>
      tpu.enqueue_dma source(%dma_start3A_1078 : memref<200x32xf32, #tpu.memory_space<vmem>>) target(%dma_start3A_1071 : memref<200x32xf32, #tpu.memory_space<hbm>>) target_semaphore(%arg9 : memref<!tpu.dma_semaphore, #tpu.memory_space<semaphore_mem>>)
      %dma_start3A_1079 = arith.constant 0 : i32
      %dma_start3A_1080 = arith.constant 0 : i32
      %dma_start3A_1081 = tpu.memref_slice %arg6[%select_n3A_592, %dma_start3A_1079, %dma_start3A_1080] : memref<2x1600x32xf32, #tpu.memory_space<vmem>> -> memref<1x1600x32xf32, #tpu.memory_space<vmem>>
      %dma_start3A_1082 = tpu.memref_squeeze %dma_start3A_1081 : memref<1x1600x32xf32, #tpu.memory_space<vmem>> -> memref<1600x32xf32, #tpu.memory_space<vmem>>
      %dma_start3A_1083 = arith.constant 1400 : i32
      %dma_start3A_1084 = arith.constant 0 : i32
      %dma_start3A_1085 = tpu.memref_slice %dma_start3A_1082[%dma_start3A_1083, %dma_start3A_1084] : memref<1600x32xf32, #tpu.memory_space<vmem>> -> memref<200x32xf32, #tpu.memory_space<vmem>>
      %dma_start3A_1086 = arith.constant 0 : i32
      %dma_start3A_1087 = arith.constant 0 : i32
      %dma_start3A_1088 = tpu.memref_slice %arg4[%add3A_924, %dma_start3A_1086, %dma_start3A_1087] : memref<8192x200x32xf32, #tpu.memory_space<hbm>> -> memref<1x200x32xf32, #tpu.memory_space<hbm>>
      %dma_start3A_1089 = tpu.memref_squeeze %dma_start3A_1088 : memref<1x200x32xf32, #tpu.memory_space<hbm>> -> memref<200x32xf32, #tpu.memory_space<hbm>>
      %dma_start3A_1090 = arith.constant 0 : i32
      %dma_start3A_1091 = arith.constant 0 : i32
      %dma_start3A_1092 = tpu.memref_slice %arg4[%add3A_924, %dma_start3A_1090, %dma_start3A_1091] : memref<8192x200x32xf32, #tpu.memory_space<hbm>> -> memref<1x200x32xf32, #tpu.memory_space<hbm>>
      %dma_start3A_1093 = tpu.memref_squeeze %dma_start3A_1092 : memref<1x200x32xf32, #tpu.memory_space<hbm>> -> memref<200x32xf32, #tpu.memory_space<hbm>>
      %dma_start3A_1094 = arith.constant 0 : i32
      %dma_start3A_1095 = arith.constant 0 : i32
      %dma_start3A_1096 = tpu.memref_slice %arg6[%select_n3A_592, %dma_start3A_1094, %dma_start3A_1095] : memref<2x1600x32xf32, #tpu.memory_space<vmem>> -> memref<1x1600x32xf32, #tpu.memory_space<vmem>>
      %dma_start3A_1097 = tpu.memref_squeeze %dma_start3A_1096 : memref<1x1600x32xf32, #tpu.memory_space<vmem>> -> memref<1600x32xf32, #tpu.memory_space<vmem>>
      %dma_start3A_1098 = arith.constant 1400 : i32
      %dma_start3A_1099 = arith.constant 0 : i32
      %dma_start3A_1100 = tpu.memref_slice %dma_start3A_1097[%dma_start3A_1098, %dma_start3A_1099] : memref<1600x32xf32, #tpu.memory_space<vmem>> -> memref<200x32xf32, #tpu.memory_space<vmem>>
      tpu.enqueue_dma source(%dma_start3A_1100 : memref<200x32xf32, #tpu.memory_space<vmem>>) target(%dma_start3A_1093 : memref<200x32xf32, #tpu.memory_space<hbm>>) target_semaphore(%arg9 : memref<!tpu.dma_semaphore, #tpu.memory_space<semaphore_mem>>)
      %lt3A_1101 = arith.constant 30 : i32
      %lt3A_1102 = arith.cmpi slt, %scan3A_583, %lt3A_1101 : i32
      %convert_element_type3A_1103 = arith.extui %lt3A_1102 : i1 to i32
      %cond3A_1104 = arith.constant 0 : i32
      %cond3A_1105 = arith.cmpi ne, %convert_element_type3A_1103, %cond3A_1104 : i32
      scf.if %cond3A_1105 {
        %add3A_1106 = arith.constant 2 : i32
        %add3A_1107 = arith.addi %scan3A_583, %add3A_1106 : i32
        %mul3A_1108 = arith.constant 8 : i32
        %mul3A_1109 = arith.muli %add3A_1107, %mul3A_1108 : i32
        %add3A_1110 = arith.addi %mul3A_2, %mul3A_1109 : i32
        %mul3A_1111 = arith.constant 200 : i32
        %mul3A_1112 = arith.muli %add3A_1110, %mul3A_1111 : i32
        %dma_start3A_1113 = arith.constant 0 : i32
        %dma_start3A_1114 = tpu.memref_slice %arg5[%select_n3A_592, %dma_start3A_1113] : memref<2x1600xi32, #tpu.memory_space<vmem>> -> memref<1x1600xi32, #tpu.memory_space<vmem>>
        %dma_start3A_1115 = tpu.memref_squeeze %dma_start3A_1114 : memref<1x1600xi32, #tpu.memory_space<vmem>> -> memref<1600xi32, #tpu.memory_space<vmem>>
        %dma_start3A_1116 = tpu.memref_slice %arg2[%mul3A_1112] : memref<1638400xi32, #tpu.memory_space<hbm>> -> memref<1600xi32, #tpu.memory_space<hbm>>
        %dma_start3A_1117 = arith.constant 0 : i32
        %dma_start3A_1118 = tpu.memref_slice %arg5[%select_n3A_592, %dma_start3A_1117] : memref<2x1600xi32, #tpu.memory_space<vmem>> -> memref<1x1600xi32, #tpu.memory_space<vmem>>
        %dma_start3A_1119 = tpu.memref_squeeze %dma_start3A_1118 : memref<1x1600xi32, #tpu.memory_space<vmem>> -> memref<1600xi32, #tpu.memory_space<vmem>>
        %dma_start3A_1120 = tpu.memref_slice %arg2[%mul3A_1112] : memref<1638400xi32, #tpu.memory_space<hbm>> -> memref<1600xi32, #tpu.memory_space<hbm>>
        tpu.enqueue_dma source(%dma_start3A_1120 : memref<1600xi32, #tpu.memory_space<hbm>>) target(%dma_start3A_1119 : memref<1600xi32, #tpu.memory_space<vmem>>) target_semaphore(%arg7 : memref<!tpu.dma_semaphore, #tpu.memory_space<semaphore_mem>>)
      } else {
      }
    }
    %scan3A_380 = arith.constant 32 : i32
    %add3A_381 = arith.constant 248 : i32
    %add3A_382 = arith.addi %mul3A_2, %add3A_381 : i32
    %add3A_383 = arith.constant 0 : i32
    %add3A_384 = arith.addi %add3A_382, %add3A_383 : i32
    %add3A_385 = arith.constant 1 : i32
    %add3A_386 = arith.addi %add3A_382, %add3A_385 : i32
    %add3A_387 = arith.constant 2 : i32
    %add3A_388 = arith.addi %add3A_382, %add3A_387 : i32
    %add3A_389 = arith.constant 3 : i32
    %add3A_390 = arith.addi %add3A_382, %add3A_389 : i32
    %add3A_391 = arith.constant 4 : i32
    %add3A_392 = arith.addi %add3A_382, %add3A_391 : i32
    %add3A_393 = arith.constant 5 : i32
    %add3A_394 = arith.addi %add3A_382, %add3A_393 : i32
    %add3A_395 = arith.constant 6 : i32
    %add3A_396 = arith.addi %add3A_382, %add3A_395 : i32
    %add3A_397 = arith.constant 7 : i32
    %add3A_398 = arith.addi %add3A_382, %add3A_397 : i32
    %dma_wait3A_399 = arith.constant 1 : i32
    %dma_wait3A_400 = arith.constant 0 : i32
    %dma_wait3A_401 = arith.constant 0 : i32
    %dma_wait3A_402 = tpu.memref_slice %arg6[%dma_wait3A_399, %dma_wait3A_400, %dma_wait3A_401] : memref<2x1600x32xf32, #tpu.memory_space<vmem>> -> memref<1x1600x32xf32, #tpu.memory_space<vmem>>
    %dma_wait3A_403 = tpu.memref_squeeze %dma_wait3A_402 : memref<1x1600x32xf32, #tpu.memory_space<vmem>> -> memref<1600x32xf32, #tpu.memory_space<vmem>>
    %dma_wait3A_404 = arith.constant 0 : i32
    %dma_wait3A_405 = arith.constant 0 : i32
    %dma_wait3A_406 = tpu.memref_slice %dma_wait3A_403[%dma_wait3A_404, %dma_wait3A_405] : memref<1600x32xf32, #tpu.memory_space<vmem>> -> memref<200x32xf32, #tpu.memory_space<vmem>>
    %dma_wait3A_407 = arith.constant 0 : i32
    %dma_wait3A_408 = arith.constant 0 : i32
    %dma_wait3A_409 = tpu.memref_slice %arg4[%add3A_384, %dma_wait3A_407, %dma_wait3A_408] : memref<8192x200x32xf32, #tpu.memory_space<hbm>> -> memref<1x200x32xf32, #tpu.memory_space<hbm>>
    %dma_wait3A_410 = tpu.memref_squeeze %dma_wait3A_409 : memref<1x200x32xf32, #tpu.memory_space<hbm>> -> memref<200x32xf32, #tpu.memory_space<hbm>>
    %dma_wait3A_411 = arith.constant 0 : i32
    %dma_wait3A_412 = arith.constant 0 : i32
    %dma_wait3A_413 = tpu.memref_slice %arg4[%add3A_384, %dma_wait3A_411, %dma_wait3A_412] : memref<8192x200x32xf32, #tpu.memory_space<hbm>> -> memref<1x200x32xf32, #tpu.memory_space<hbm>>
    %dma_wait3A_414 = tpu.memref_squeeze %dma_wait3A_413 : memref<1x200x32xf32, #tpu.memory_space<hbm>> -> memref<200x32xf32, #tpu.memory_space<hbm>>
    %dma_wait3A_415 = arith.constant 0 : i32
    %dma_wait3A_416 = arith.constant 0 : i32
    %dma_wait3A_417 = tpu.memref_slice %arg6[%dma_wait3A_399, %dma_wait3A_415, %dma_wait3A_416] : memref<2x1600x32xf32, #tpu.memory_space<vmem>> -> memref<1x1600x32xf32, #tpu.memory_space<vmem>>
    %dma_wait3A_418 = tpu.memref_squeeze %dma_wait3A_417 : memref<1x1600x32xf32, #tpu.memory_space<vmem>> -> memref<1600x32xf32, #tpu.memory_space<vmem>>
    %dma_wait3A_419 = arith.constant 0 : i32
    %dma_wait3A_420 = arith.constant 0 : i32
    %dma_wait3A_421 = tpu.memref_slice %dma_wait3A_418[%dma_wait3A_419, %dma_wait3A_420] : memref<1600x32xf32, #tpu.memory_space<vmem>> -> memref<200x32xf32, #tpu.memory_space<vmem>>
    tpu.wait_dma2 semaphore(%arg9 : memref<!tpu.dma_semaphore, #tpu.memory_space<semaphore_mem>>) src(%dma_wait3A_421 : memref<200x32xf32, #tpu.memory_space<vmem>>) dst(%dma_wait3A_414 : memref<200x32xf32, #tpu.memory_space<hbm>>)
    %dma_wait3A_422 = arith.constant 1 : i32
    %dma_wait3A_423 = arith.constant 0 : i32
    %dma_wait3A_424 = arith.constant 0 : i32
    %dma_wait3A_425 = tpu.memref_slice %arg6[%dma_wait3A_422, %dma_wait3A_423, %dma_wait3A_424] : memref<2x1600x32xf32, #tpu.memory_space<vmem>> -> memref<1x1600x32xf32, #tpu.memory_space<vmem>>
    %dma_wait3A_426 = tpu.memref_squeeze %dma_wait3A_425 : memref<1x1600x32xf32, #tpu.memory_space<vmem>> -> memref<1600x32xf32, #tpu.memory_space<vmem>>
    %dma_wait3A_427 = arith.constant 200 : i32
    %dma_wait3A_428 = arith.constant 0 : i32
    %dma_wait3A_429 = tpu.memref_slice %dma_wait3A_426[%dma_wait3A_427, %dma_wait3A_428] : memref<1600x32xf32, #tpu.memory_space<vmem>> -> memref<200x32xf32, #tpu.memory_space<vmem>>
    %dma_wait3A_430 = arith.constant 0 : i32
    %dma_wait3A_431 = arith.constant 0 : i32
    %dma_wait3A_432 = tpu.memref_slice %arg4[%add3A_386, %dma_wait3A_430, %dma_wait3A_431] : memref<8192x200x32xf32, #tpu.memory_space<hbm>> -> memref<1x200x32xf32, #tpu.memory_space<hbm>>
    %dma_wait3A_433 = tpu.memref_squeeze %dma_wait3A_432 : memref<1x200x32xf32, #tpu.memory_space<hbm>> -> memref<200x32xf32, #tpu.memory_space<hbm>>
    %dma_wait3A_434 = arith.constant 0 : i32
    %dma_wait3A_435 = arith.constant 0 : i32
    %dma_wait3A_436 = tpu.memref_slice %arg4[%add3A_386, %dma_wait3A_434, %dma_wait3A_435] : memref<8192x200x32xf32, #tpu.memory_space<hbm>> -> memref<1x200x32xf32, #tpu.memory_space<hbm>>
    %dma_wait3A_437 = tpu.memref_squeeze %dma_wait3A_436 : memref<1x200x32xf32, #tpu.memory_space<hbm>> -> memref<200x32xf32, #tpu.memory_space<hbm>>
    %dma_wait3A_438 = arith.constant 0 : i32
    %dma_wait3A_439 = arith.constant 0 : i32
    %dma_wait3A_440 = tpu.memref_slice %arg6[%dma_wait3A_422, %dma_wait3A_438, %dma_wait3A_439] : memref<2x1600x32xf32, #tpu.memory_space<vmem>> -> memref<1x1600x32xf32, #tpu.memory_space<vmem>>
    %dma_wait3A_441 = tpu.memref_squeeze %dma_wait3A_440 : memref<1x1600x32xf32, #tpu.memory_space<vmem>> -> memref<1600x32xf32, #tpu.memory_space<vmem>>
    %dma_wait3A_442 = arith.constant 200 : i32
    %dma_wait3A_443 = arith.constant 0 : i32
    %dma_wait3A_444 = tpu.memref_slice %dma_wait3A_441[%dma_wait3A_442, %dma_wait3A_443] : memref<1600x32xf32, #tpu.memory_space<vmem>> -> memref<200x32xf32, #tpu.memory_space<vmem>>
    tpu.wait_dma2 semaphore(%arg9 : memref<!tpu.dma_semaphore, #tpu.memory_space<semaphore_mem>>) src(%dma_wait3A_444 : memref<200x32xf32, #tpu.memory_space<vmem>>) dst(%dma_wait3A_437 : memref<200x32xf32, #tpu.memory_space<hbm>>)
    %dma_wait3A_445 = arith.constant 1 : i32
    %dma_wait3A_446 = arith.constant 0 : i32
    %dma_wait3A_447 = arith.constant 0 : i32
    %dma_wait3A_448 = tpu.memref_slice %arg6[%dma_wait3A_445, %dma_wait3A_446, %dma_wait3A_447] : memref<2x1600x32xf32, #tpu.memory_space<vmem>> -> memref<1x1600x32xf32, #tpu.memory_space<vmem>>
    %dma_wait3A_449 = tpu.memref_squeeze %dma_wait3A_448 : memref<1x1600x32xf32, #tpu.memory_space<vmem>> -> memref<1600x32xf32, #tpu.memory_space<vmem>>
    %dma_wait3A_450 = arith.constant 400 : i32
    %dma_wait3A_451 = arith.constant 0 : i32
    %dma_wait3A_452 = tpu.memref_slice %dma_wait3A_449[%dma_wait3A_450, %dma_wait3A_451] : memref<1600x32xf32, #tpu.memory_space<vmem>> -> memref<200x32xf32, #tpu.memory_space<vmem>>
    %dma_wait3A_453 = arith.constant 0 : i32
    %dma_wait3A_454 = arith.constant 0 : i32
    %dma_wait3A_455 = tpu.memref_slice %arg4[%add3A_388, %dma_wait3A_453, %dma_wait3A_454] : memref<8192x200x32xf32, #tpu.memory_space<hbm>> -> memref<1x200x32xf32, #tpu.memory_space<hbm>>
    %dma_wait3A_456 = tpu.memref_squeeze %dma_wait3A_455 : memref<1x200x32xf32, #tpu.memory_space<hbm>> -> memref<200x32xf32, #tpu.memory_space<hbm>>
    %dma_wait3A_457 = arith.constant 0 : i32
    %dma_wait3A_458 = arith.constant 0 : i32
    %dma_wait3A_459 = tpu.memref_slice %arg4[%add3A_388, %dma_wait3A_457, %dma_wait3A_458] : memref<8192x200x32xf32, #tpu.memory_space<hbm>> -> memref<1x200x32xf32, #tpu.memory_space<hbm>>
    %dma_wait3A_460 = tpu.memref_squeeze %dma_wait3A_459 : memref<1x200x32xf32, #tpu.memory_space<hbm>> -> memref<200x32xf32, #tpu.memory_space<hbm>>
    %dma_wait3A_461 = arith.constant 0 : i32
    %dma_wait3A_462 = arith.constant 0 : i32
    %dma_wait3A_463 = tpu.memref_slice %arg6[%dma_wait3A_445, %dma_wait3A_461, %dma_wait3A_462] : memref<2x1600x32xf32, #tpu.memory_space<vmem>> -> memref<1x1600x32xf32, #tpu.memory_space<vmem>>
    %dma_wait3A_464 = tpu.memref_squeeze %dma_wait3A_463 : memref<1x1600x32xf32, #tpu.memory_space<vmem>> -> memref<1600x32xf32, #tpu.memory_space<vmem>>
    %dma_wait3A_465 = arith.constant 400 : i32
    %dma_wait3A_466 = arith.constant 0 : i32
    %dma_wait3A_467 = tpu.memref_slice %dma_wait3A_464[%dma_wait3A_465, %dma_wait3A_466] : memref<1600x32xf32, #tpu.memory_space<vmem>> -> memref<200x32xf32, #tpu.memory_space<vmem>>
    tpu.wait_dma2 semaphore(%arg9 : memref<!tpu.dma_semaphore, #tpu.memory_space<semaphore_mem>>) src(%dma_wait3A_467 : memref<200x32xf32, #tpu.memory_space<vmem>>) dst(%dma_wait3A_460 : memref<200x32xf32, #tpu.memory_space<hbm>>)
    %dma_wait3A_468 = arith.constant 1 : i32
    %dma_wait3A_469 = arith.constant 0 : i32
    %dma_wait3A_470 = arith.constant 0 : i32
    %dma_wait3A_471 = tpu.memref_slice %arg6[%dma_wait3A_468, %dma_wait3A_469, %dma_wait3A_470] : memref<2x1600x32xf32, #tpu.memory_space<vmem>> -> memref<1x1600x32xf32, #tpu.memory_space<vmem>>
    %dma_wait3A_472 = tpu.memref_squeeze %dma_wait3A_471 : memref<1x1600x32xf32, #tpu.memory_space<vmem>> -> memref<1600x32xf32, #tpu.memory_space<vmem>>
    %dma_wait3A_473 = arith.constant 600 : i32
    %dma_wait3A_474 = arith.constant 0 : i32
    %dma_wait3A_475 = tpu.memref_slice %dma_wait3A_472[%dma_wait3A_473, %dma_wait3A_474] : memref<1600x32xf32, #tpu.memory_space<vmem>> -> memref<200x32xf32, #tpu.memory_space<vmem>>
    %dma_wait3A_476 = arith.constant 0 : i32
    %dma_wait3A_477 = arith.constant 0 : i32
    %dma_wait3A_478 = tpu.memref_slice %arg4[%add3A_390, %dma_wait3A_476, %dma_wait3A_477] : memref<8192x200x32xf32, #tpu.memory_space<hbm>> -> memref<1x200x32xf32, #tpu.memory_space<hbm>>
    %dma_wait3A_479 = tpu.memref_squeeze %dma_wait3A_478 : memref<1x200x32xf32, #tpu.memory_space<hbm>> -> memref<200x32xf32, #tpu.memory_space<hbm>>
    %dma_wait3A_480 = arith.constant 0 : i32
    %dma_wait3A_481 = arith.constant 0 : i32
    %dma_wait3A_482 = tpu.memref_slice %arg4[%add3A_390, %dma_wait3A_480, %dma_wait3A_481] : memref<8192x200x32xf32, #tpu.memory_space<hbm>> -> memref<1x200x32xf32, #tpu.memory_space<hbm>>
    %dma_wait3A_483 = tpu.memref_squeeze %dma_wait3A_482 : memref<1x200x32xf32, #tpu.memory_space<hbm>> -> memref<200x32xf32, #tpu.memory_space<hbm>>
    %dma_wait3A_484 = arith.constant 0 : i32
    %dma_wait3A_485 = arith.constant 0 : i32
    %dma_wait3A_486 = tpu.memref_slice %arg6[%dma_wait3A_468, %dma_wait3A_484, %dma_wait3A_485] : memref<2x1600x32xf32, #tpu.memory_space<vmem>> -> memref<1x1600x32xf32, #tpu.memory_space<vmem>>
    %dma_wait3A_487 = tpu.memref_squeeze %dma_wait3A_486 : memref<1x1600x32xf32, #tpu.memory_space<vmem>> -> memref<1600x32xf32, #tpu.memory_space<vmem>>
    %dma_wait3A_488 = arith.constant 600 : i32
    %dma_wait3A_489 = arith.constant 0 : i32
    %dma_wait3A_490 = tpu.memref_slice %dma_wait3A_487[%dma_wait3A_488, %dma_wait3A_489] : memref<1600x32xf32, #tpu.memory_space<vmem>> -> memref<200x32xf32, #tpu.memory_space<vmem>>
    tpu.wait_dma2 semaphore(%arg9 : memref<!tpu.dma_semaphore, #tpu.memory_space<semaphore_mem>>) src(%dma_wait3A_490 : memref<200x32xf32, #tpu.memory_space<vmem>>) dst(%dma_wait3A_483 : memref<200x32xf32, #tpu.memory_space<hbm>>)
    %dma_wait3A_491 = arith.constant 1 : i32
    %dma_wait3A_492 = arith.constant 0 : i32
    %dma_wait3A_493 = arith.constant 0 : i32
    %dma_wait3A_494 = tpu.memref_slice %arg6[%dma_wait3A_491, %dma_wait3A_492, %dma_wait3A_493] : memref<2x1600x32xf32, #tpu.memory_space<vmem>> -> memref<1x1600x32xf32, #tpu.memory_space<vmem>>
    %dma_wait3A_495 = tpu.memref_squeeze %dma_wait3A_494 : memref<1x1600x32xf32, #tpu.memory_space<vmem>> -> memref<1600x32xf32, #tpu.memory_space<vmem>>
    %dma_wait3A_496 = arith.constant 800 : i32
    %dma_wait3A_497 = arith.constant 0 : i32
    %dma_wait3A_498 = tpu.memref_slice %dma_wait3A_495[%dma_wait3A_496, %dma_wait3A_497] : memref<1600x32xf32, #tpu.memory_space<vmem>> -> memref<200x32xf32, #tpu.memory_space<vmem>>
    %dma_wait3A_499 = arith.constant 0 : i32
    %dma_wait3A_500 = arith.constant 0 : i32
    %dma_wait3A_501 = tpu.memref_slice %arg4[%add3A_392, %dma_wait3A_499, %dma_wait3A_500] : memref<8192x200x32xf32, #tpu.memory_space<hbm>> -> memref<1x200x32xf32, #tpu.memory_space<hbm>>
    %dma_wait3A_502 = tpu.memref_squeeze %dma_wait3A_501 : memref<1x200x32xf32, #tpu.memory_space<hbm>> -> memref<200x32xf32, #tpu.memory_space<hbm>>
    %dma_wait3A_503 = arith.constant 0 : i32
    %dma_wait3A_504 = arith.constant 0 : i32
    %dma_wait3A_505 = tpu.memref_slice %arg4[%add3A_392, %dma_wait3A_503, %dma_wait3A_504] : memref<8192x200x32xf32, #tpu.memory_space<hbm>> -> memref<1x200x32xf32, #tpu.memory_space<hbm>>
    %dma_wait3A_506 = tpu.memref_squeeze %dma_wait3A_505 : memref<1x200x32xf32, #tpu.memory_space<hbm>> -> memref<200x32xf32, #tpu.memory_space<hbm>>
    %dma_wait3A_507 = arith.constant 0 : i32
    %dma_wait3A_508 = arith.constant 0 : i32
    %dma_wait3A_509 = tpu.memref_slice %arg6[%dma_wait3A_491, %dma_wait3A_507, %dma_wait3A_508] : memref<2x1600x32xf32, #tpu.memory_space<vmem>> -> memref<1x1600x32xf32, #tpu.memory_space<vmem>>
    %dma_wait3A_510 = tpu.memref_squeeze %dma_wait3A_509 : memref<1x1600x32xf32, #tpu.memory_space<vmem>> -> memref<1600x32xf32, #tpu.memory_space<vmem>>
    %dma_wait3A_511 = arith.constant 800 : i32
    %dma_wait3A_512 = arith.constant 0 : i32
    %dma_wait3A_513 = tpu.memref_slice %dma_wait3A_510[%dma_wait3A_511, %dma_wait3A_512] : memref<1600x32xf32, #tpu.memory_space<vmem>> -> memref<200x32xf32, #tpu.memory_space<vmem>>
    tpu.wait_dma2 semaphore(%arg9 : memref<!tpu.dma_semaphore, #tpu.memory_space<semaphore_mem>>) src(%dma_wait3A_513 : memref<200x32xf32, #tpu.memory_space<vmem>>) dst(%dma_wait3A_506 : memref<200x32xf32, #tpu.memory_space<hbm>>)
    %dma_wait3A_514 = arith.constant 1 : i32
    %dma_wait3A_515 = arith.constant 0 : i32
    %dma_wait3A_516 = arith.constant 0 : i32
    %dma_wait3A_517 = tpu.memref_slice %arg6[%dma_wait3A_514, %dma_wait3A_515, %dma_wait3A_516] : memref<2x1600x32xf32, #tpu.memory_space<vmem>> -> memref<1x1600x32xf32, #tpu.memory_space<vmem>>
    %dma_wait3A_518 = tpu.memref_squeeze %dma_wait3A_517 : memref<1x1600x32xf32, #tpu.memory_space<vmem>> -> memref<1600x32xf32, #tpu.memory_space<vmem>>
    %dma_wait3A_519 = arith.constant 1000 : i32
    %dma_wait3A_520 = arith.constant 0 : i32
    %dma_wait3A_521 = tpu.memref_slice %dma_wait3A_518[%dma_wait3A_519, %dma_wait3A_520] : memref<1600x32xf32, #tpu.memory_space<vmem>> -> memref<200x32xf32, #tpu.memory_space<vmem>>
    %dma_wait3A_522 = arith.constant 0 : i32
    %dma_wait3A_523 = arith.constant 0 : i32
    %dma_wait3A_524 = tpu.memref_slice %arg4[%add3A_394, %dma_wait3A_522, %dma_wait3A_523] : memref<8192x200x32xf32, #tpu.memory_space<hbm>> -> memref<1x200x32xf32, #tpu.memory_space<hbm>>
    %dma_wait3A_525 = tpu.memref_squeeze %dma_wait3A_524 : memref<1x200x32xf32, #tpu.memory_space<hbm>> -> memref<200x32xf32, #tpu.memory_space<hbm>>
    %dma_wait3A_526 = arith.constant 0 : i32
    %dma_wait3A_527 = arith.constant 0 : i32
    %dma_wait3A_528 = tpu.memref_slice %arg4[%add3A_394, %dma_wait3A_526, %dma_wait3A_527] : memref<8192x200x32xf32, #tpu.memory_space<hbm>> -> memref<1x200x32xf32, #tpu.memory_space<hbm>>
    %dma_wait3A_529 = tpu.memref_squeeze %dma_wait3A_528 : memref<1x200x32xf32, #tpu.memory_space<hbm>> -> memref<200x32xf32, #tpu.memory_space<hbm>>
    %dma_wait3A_530 = arith.constant 0 : i32
    %dma_wait3A_531 = arith.constant 0 : i32
    %dma_wait3A_532 = tpu.memref_slice %arg6[%dma_wait3A_514, %dma_wait3A_530, %dma_wait3A_531] : memref<2x1600x32xf32, #tpu.memory_space<vmem>> -> memref<1x1600x32xf32, #tpu.memory_space<vmem>>
    %dma_wait3A_533 = tpu.memref_squeeze %dma_wait3A_532 : memref<1x1600x32xf32, #tpu.memory_space<vmem>> -> memref<1600x32xf32, #tpu.memory_space<vmem>>
    %dma_wait3A_534 = arith.constant 1000 : i32
    %dma_wait3A_535 = arith.constant 0 : i32
    %dma_wait3A_536 = tpu.memref_slice %dma_wait3A_533[%dma_wait3A_534, %dma_wait3A_535] : memref<1600x32xf32, #tpu.memory_space<vmem>> -> memref<200x32xf32, #tpu.memory_space<vmem>>
    tpu.wait_dma2 semaphore(%arg9 : memref<!tpu.dma_semaphore, #tpu.memory_space<semaphore_mem>>) src(%dma_wait3A_536 : memref<200x32xf32, #tpu.memory_space<vmem>>) dst(%dma_wait3A_529 : memref<200x32xf32, #tpu.memory_space<hbm>>)
    %dma_wait3A_537 = arith.constant 1 : i32
    %dma_wait3A_538 = arith.constant 0 : i32
    %dma_wait3A_539 = arith.constant 0 : i32
    %dma_wait3A_540 = tpu.memref_slice %arg6[%dma_wait3A_537, %dma_wait3A_538, %dma_wait3A_539] : memref<2x1600x32xf32, #tpu.memory_space<vmem>> -> memref<1x1600x32xf32, #tpu.memory_space<vmem>>
    %dma_wait3A_541 = tpu.memref_squeeze %dma_wait3A_540 : memref<1x1600x32xf32, #tpu.memory_space<vmem>> -> memref<1600x32xf32, #tpu.memory_space<vmem>>
    %dma_wait3A_542 = arith.constant 1200 : i32
    %dma_wait3A_543 = arith.constant 0 : i32
    %dma_wait3A_544 = tpu.memref_slice %dma_wait3A_541[%dma_wait3A_542, %dma_wait3A_543] : memref<1600x32xf32, #tpu.memory_space<vmem>> -> memref<200x32xf32, #tpu.memory_space<vmem>>
    %dma_wait3A_545 = arith.constant 0 : i32
    %dma_wait3A_546 = arith.constant 0 : i32
    %dma_wait3A_547 = tpu.memref_slice %arg4[%add3A_396, %dma_wait3A_545, %dma_wait3A_546] : memref<8192x200x32xf32, #tpu.memory_space<hbm>> -> memref<1x200x32xf32, #tpu.memory_space<hbm>>
    %dma_wait3A_548 = tpu.memref_squeeze %dma_wait3A_547 : memref<1x200x32xf32, #tpu.memory_space<hbm>> -> memref<200x32xf32, #tpu.memory_space<hbm>>
    %dma_wait3A_549 = arith.constant 0 : i32
    %dma_wait3A_550 = arith.constant 0 : i32
    %dma_wait3A_551 = tpu.memref_slice %arg4[%add3A_396, %dma_wait3A_549, %dma_wait3A_550] : memref<8192x200x32xf32, #tpu.memory_space<hbm>> -> memref<1x200x32xf32, #tpu.memory_space<hbm>>
    %dma_wait3A_552 = tpu.memref_squeeze %dma_wait3A_551 : memref<1x200x32xf32, #tpu.memory_space<hbm>> -> memref<200x32xf32, #tpu.memory_space<hbm>>
    %dma_wait3A_553 = arith.constant 0 : i32
    %dma_wait3A_554 = arith.constant 0 : i32
    %dma_wait3A_555 = tpu.memref_slice %arg6[%dma_wait3A_537, %dma_wait3A_553, %dma_wait3A_554] : memref<2x1600x32xf32, #tpu.memory_space<vmem>> -> memref<1x1600x32xf32, #tpu.memory_space<vmem>>
    %dma_wait3A_556 = tpu.memref_squeeze %dma_wait3A_555 : memref<1x1600x32xf32, #tpu.memory_space<vmem>> -> memref<1600x32xf32, #tpu.memory_space<vmem>>
    %dma_wait3A_557 = arith.constant 1200 : i32
    %dma_wait3A_558 = arith.constant 0 : i32
    %dma_wait3A_559 = tpu.memref_slice %dma_wait3A_556[%dma_wait3A_557, %dma_wait3A_558] : memref<1600x32xf32, #tpu.memory_space<vmem>> -> memref<200x32xf32, #tpu.memory_space<vmem>>
    tpu.wait_dma2 semaphore(%arg9 : memref<!tpu.dma_semaphore, #tpu.memory_space<semaphore_mem>>) src(%dma_wait3A_559 : memref<200x32xf32, #tpu.memory_space<vmem>>) dst(%dma_wait3A_552 : memref<200x32xf32, #tpu.memory_space<hbm>>)
    %dma_wait3A_560 = arith.constant 1 : i32
    %dma_wait3A_561 = arith.constant 0 : i32
    %dma_wait3A_562 = arith.constant 0 : i32
    %dma_wait3A_563 = tpu.memref_slice %arg6[%dma_wait3A_560, %dma_wait3A_561, %dma_wait3A_562] : memref<2x1600x32xf32, #tpu.memory_space<vmem>> -> memref<1x1600x32xf32, #tpu.memory_space<vmem>>
    %dma_wait3A_564 = tpu.memref_squeeze %dma_wait3A_563 : memref<1x1600x32xf32, #tpu.memory_space<vmem>> -> memref<1600x32xf32, #tpu.memory_space<vmem>>
    %dma_wait3A_565 = arith.constant 1400 : i32
    %dma_wait3A_566 = arith.constant 0 : i32
    %dma_wait3A_567 = tpu.memref_slice %dma_wait3A_564[%dma_wait3A_565, %dma_wait3A_566] : memref<1600x32xf32, #tpu.memory_space<vmem>> -> memref<200x32xf32, #tpu.memory_space<vmem>>
    %dma_wait3A_568 = arith.constant 0 : i32
    %dma_wait3A_569 = arith.constant 0 : i32
    %dma_wait3A_570 = tpu.memref_slice %arg4[%add3A_398, %dma_wait3A_568, %dma_wait3A_569] : memref<8192x200x32xf32, #tpu.memory_space<hbm>> -> memref<1x200x32xf32, #tpu.memory_space<hbm>>
    %dma_wait3A_571 = tpu.memref_squeeze %dma_wait3A_570 : memref<1x200x32xf32, #tpu.memory_space<hbm>> -> memref<200x32xf32, #tpu.memory_space<hbm>>
    %dma_wait3A_572 = arith.constant 0 : i32
    %dma_wait3A_573 = arith.constant 0 : i32
    %dma_wait3A_574 = tpu.memref_slice %arg4[%add3A_398, %dma_wait3A_572, %dma_wait3A_573] : memref<8192x200x32xf32, #tpu.memory_space<hbm>> -> memref<1x200x32xf32, #tpu.memory_space<hbm>>
    %dma_wait3A_575 = tpu.memref_squeeze %dma_wait3A_574 : memref<1x200x32xf32, #tpu.memory_space<hbm>> -> memref<200x32xf32, #tpu.memory_space<hbm>>
    %dma_wait3A_576 = arith.constant 0 : i32
    %dma_wait3A_577 = arith.constant 0 : i32
    %dma_wait3A_578 = tpu.memref_slice %arg6[%dma_wait3A_560, %dma_wait3A_576, %dma_wait3A_577] : memref<2x1600x32xf32, #tpu.memory_space<vmem>> -> memref<1x1600x32xf32, #tpu.memory_space<vmem>>
    %dma_wait3A_579 = tpu.memref_squeeze %dma_wait3A_578 : memref<1x1600x32xf32, #tpu.memory_space<vmem>> -> memref<1600x32xf32, #tpu.memory_space<vmem>>
    %dma_wait3A_580 = arith.constant 1400 : i32
    %dma_wait3A_581 = arith.constant 0 : i32
    %dma_wait3A_582 = tpu.memref_slice %dma_wait3A_579[%dma_wait3A_580, %dma_wait3A_581] : memref<1600x32xf32, #tpu.memory_space<vmem>> -> memref<200x32xf32, #tpu.memory_space<vmem>>
    tpu.wait_dma2 semaphore(%arg9 : memref<!tpu.dma_semaphore, #tpu.memory_space<semaphore_mem>>) src(%dma_wait3A_582 : memref<200x32xf32, #tpu.memory_space<vmem>>) dst(%dma_wait3A_575 : memref<200x32xf32, #tpu.memory_space<hbm>>)
    return
  }
}

</mosaic_0001>

<sc_bundles>
// kernel: kernel.4.cloned.1.call-start
scs
__scs_entry_jumppad:
0x0: {  	(pc) =	sbr.rel $0x88, $3  }
0x1: {  	(tag) =	ssettag $0x0;
	lr =	simm.s32 $0x1  }
0x2: {  	[smem:$0x3F9F] =	sst lr;
	_ =	strace $0xD0000000  }
0x3: {  	_ = 	snop  }
0x4: {  	_ = 	snop  }
0x5: {  	_ = 	snop  }
0x6: {  	_ = 	snop  }
0x7: {  	_ = 	snop  }
__scs_overlays_trampoline_lowered:
0x8: {  	[smem:$0x3FAE] =	sst s0  }
0x9: {  	[smem:$0x3FAF] =	sst s1  }
0xa: {  	[smem:$0x3FB0] =	sst s2  }
0xb: {  	[smem:$0x3FB1] =	sst s3  }
0xc: {  	[smem:$0x3FB2] =	sst s4  }
0xd: {  	[smem:$0x3FB3] =	sst s5  }
0xe: {  	[smem:$0x3FB4] =	sst s6  }
0xf: {  	[smem:$0x3FB5] =	sst s7  }
0x10: {  	[smem:$0x3FB6] =	sst s8  }
0x11: {  	[smem:$0x3FB7] =	sst s9;
	s0 =	simm.s32 @!p0 $0x0  }
0x12: {  	s1 =	sld [smem:$0x3F9D];
	s0 =	simm.s32 @p0 $0x1  }
0x13: {  	[smem:$0x3FB8] =	sst s0;
	s0 =	simm.s32 @!p1 $0x0  }
0x14: {  	s2 =	sld [smem:$0x3F9C];
	s0 =	simm.s32 @p1 $0x1  }
0x15: {  	[smem:$0x3FB9] =	sst s0;
	s0 =	simm.s32 @!p2 $0x0  }
0x16: {  	s3 =	sld [smem:$0x3FDB];
	s0 =	simm.s32 @p2 $0x1  }
0x17: {  	s4 =	simm.s32 $0x1BF5;
	[smem:$0x3FBB] =	sst s0  }
0x18: {  	s0 =	sld [smem:$0x3F9E];
	_ =	swait.ge [sflag:s4], $0x0  }
0x19: {  	s7 =	sld [smem:$0x3F9F]  }
0x1a: {  	s8 =	sadd.s32 $0xFFFFE003, lr  }
0x1b: {  	s9 =	sadd.s32 $0xFFFFFEF7, lr;
	s5 =	simm.s32 $0xFFFFFFFF;
	p2 =	slt.u32 s8, $0xFFFFF086  }
0x1c: {  	p1 =	slt.u32 s9, $0xF7A;
	s5 =	simm.s32 @!p2 $0x0  }
0x1d: {  	s5 =	simm.s32 @p1 $0x1;
	p0 =	seq.s32 s7, s2  }
0x1e: {  	s7 =	smul.u32 @!p0 $0xF7A, s2;
	p2 =	seq.s32 @!p0 s5, $0x0  }
0x1f: {  	s9 =	smul.u32 $0xF7A, s1;
	s8 =	simm.s32 @!p0 $0x1BF5;
	p2 =	por !p2, p0  }
0x20: {  	[sflag:s8] =	ssyncset.s32 @!p0 $0xFFFFF086;
	s6 =	sadd.s32 @!p0 s3, s7;
	s7 =	simm.s32 @!p0 $0x108  }
0x21: {  	s3 =	sadd.s32 s3, s9;
	s6 =	sadd.s32 @!p0 $0x88, s6;
	s7 =	simm.s32 @p2 $0x1082  }
0x22: {  	[simem:s7], [sflag:s8] =	dma.local @!p0 [hbm:s6], $0xF7A  }
0x23: {  	s9 =	sor.u32 $0xD0000000, s2;
	s6 =	simm.s32 $0x108;
	_ =	swait.ge @!p0 [sflag:s8], $0x0  }
0x24: {  	s3 =	sadd.s32 $0x88, s3;
	s6 =	simm.s32 @!p1 $0x1082;
	[sflag:s4] =	ssyncset.s32 $0xFFFFF086  }
0x25: {  	[simem:s6], [sflag:s4] =	dma.local [hbm:s3], $0xF7A  }
0x26: {  	[smem:$0x3F9F] =	sst s1;
	(tag) =	ssettag s2;
	_ =	strace s9  }
0x27: {  	s1 =	sld [smem:$0x3FAF]  }
0x28: {  	s2 =	sld [smem:$0x3FB0]  }
0x29: {  	s4 =	sld [smem:$0x3FB2]  }
0x2a: {  	p0 =	seq.s32 s5, $0x0;
	s5 =	sld [smem:$0x3FB3]  }
0x2b: {  	s6 =	sld [smem:$0x3FB4]  }
0x2c: {  	s7 =	sld [smem:$0x3FB5]  }
0x2d: {  	s3 =	simm.s32 $0x108;
	s8 =	sld [smem:$0x3FB6]  }
0x2e: {  	s3 =	simm.s32 @!p0 $0x1082;
	s9 =	sld [smem:$0x3FB7]  }
0x2f: {  	lr =	sadd.s32 s0, s3;
	s0 =	sld [smem:$0x3FAE]  }
0x30: {  	s3 =	sld [smem:$0x3FB1]  }
0x31: {  	[smem:$0x3FBA] =	sst s10  }
0x32: {  	s10 =	sld [smem:$0x3FB8];
	_ =	sdelay $0x3  }
0x33: {  	p0 =	seq.s32 s10, $0x1;
	s10 =	sld [smem:$0x3FBA];
	_ =	sdelay $0x3  }
0x34: {  	[smem:$0x3FBA] =	sst s10  }
0x35: {  	s10 =	sld [smem:$0x3FB9];
	_ =	sdelay $0x3  }
0x36: {  	p1 =	seq.s32 s10, $0x1;
	s10 =	sld [smem:$0x3FBA];
	_ =	sdelay $0x3  }
0x37: {  	[smem:$0x3FBA] =	sst s10  }
0x38: {  	s10 =	sld [smem:$0x3FBB]  }
0x39: {  	_ = 	snop;
	(pc) =	sbr.ind lr, $3  }
0x3a: {  	_ = 	snop  }
0x3b: {  	_ = 	snop  }
0x3c: {  	p2 =	seq.s32 s10, $0x1;
	s10 =	sld [smem:$0x3FBA]  }
0x3d: {  	_ =	shalt  }
0x3e: {  	_ =	shalt  }
0x3f: {  	_ =	shalt  }
0x40: {  	_ =	shalt  }
0x41: {  	_ =	shalt  }
0x42: {  	_ =	shalt  }
0x43: {  	_ =	shalt  }
0x44: {  	_ =	shalt  }
0x45: {  	_ =	shalt  }
0x46: {  	_ =	shalt  }
0x47: {  	_ =	shalt  }
0x48: {  	_ =	shalt  }
0x49: {  	_ =	shalt  }
0x4a: {  	_ =	shalt  }
0x4b: {  	_ =	shalt  }
0x4c: {  	_ =	shalt  }
0x4d: {  	_ =	shalt  }
0x4e: {  	_ =	shalt  }
0x4f: {  	_ =	shalt  }
0x50: {  	_ =	shalt  }
0x51: {  	_ =	shalt  }
0x52: {  	_ =	shalt  }
0x53: {  	_ =	shalt  }
0x54: {  	_ =	shalt  }
0x55: {  	_ =	shalt  }
0x56: {  	_ =	shalt  }
0x57: {  	_ =	shalt  }
0x58: {  	_ =	shalt  }
0x59: {  	_ =	shalt  }
0x5a: {  	_ =	shalt  }
0x5b: {  	_ =	shalt  }
0x5c: {  	_ =	shalt  }
0x5d: {  	_ =	shalt  }
0x5e: {  	_ =	shalt  }
0x5f: {  	_ =	shalt  }
0x60: {  	_ =	shalt  }
0x61: {  	_ =	shalt  }
0x62: {  	_ =	shalt  }
0x63: {  	_ =	shalt  }
0x64: {  	_ =	shalt  }
0x65: {  	_ =	shalt  }
0x66: {  	_ =	shalt  }
0x67: {  	_ =	shalt  }
0x68: {  	_ =	shalt  }
0x69: {  	_ =	shalt  }
0x6a: {  	_ =	shalt  }
0x6b: {  	_ =	shalt  }
0x6c: {  	_ =	shalt  }
0x6d: {  	_ =	shalt  }
0x6e: {  	_ =	shalt  }
0x6f: {  	_ =	shalt  }
0x70: {  	_ =	shalt  }
0x71: {  	_ =	shalt  }
0x72: {  	_ =	shalt  }
0x73: {  	_ =	shalt  }
0x74: {  	_ =	shalt  }
0x75: {  	_ =	shalt  }
0x76: {  	_ =	shalt  }
0x77: {  	_ =	shalt  }
0x78: {  	_ =	shalt  }
0x79: {  	_ =	shalt  }
0x7a: {  	_ =	shalt  }
0x7b: {  	_ =	shalt  }
0x7c: {  	_ =	shalt  }
0x7d: {  	_ =	shalt  }
0x7e: {  	_ =	shalt  }
0x7f: {  	_ =	shalt  }
0x80: {  	_ =	shalt  }
0x81: {  	_ =	shalt  }
0x82: {  	_ =	shalt  }
0x83: {  	_ =	shalt  }
0x84: {  	_ =	shalt  }
0x85: {  	_ =	shalt  }
0x86: {  	_ =	shalt  }
0x87: {  	_ =	shalt  }
.Lfunc_end0:
.L_simem_size_0:
called_computation.2_lowered:
.L_overlay_start_0:
0x88: {  	s2 =	sld [smem:$0x3FD9]  }
0x89: {  	s3 =	sld [smem:$0x3FFE];
	_ =	sdelay $0x1  }
0x8a: {  	s1 =	srdreg.scid  }
0x8b: {  	s0 =	sand.u32 $0x1, s1  }
0x8c: {  	s16 =	sshll.u32 s0, $0xA;
	s2 =	sadd.s32 s3, s2  }
0x8d: {  	s2 =	sadd.s32 s2, s16  }
0x8e: {  	[smem:$0x3FC6] =	sst s2  }
0x8f: {  	_ = 	snop  }
0x90: {  	(tm) =	ssettm $0x1  }
0x91: {  	s17 =	sld [smem:$0x3FFB];
	_ =	sdelay $0x3  }
0x92: {  	_ =	strace s17  }
0x93: {  	s2 =	sld [smem:$0x3FFC];
	_ =	sdelay $0x3  }
0x94: {  	_ =	strace s2  }
0x95: {  	s2 =	sld [smem:$0x3FFD];
	_ =	sdelay $0x3  }
0x96: {  	_ =	strace s2  }
0x97: {  	_ =	strace $0x8FFFFFFF  }
0x98: {  	s18 =	sld [smem:$0x3FDB];
	_ =	sdelay $0x1  }
0x99: {  	s19 =	simm.s32 $_scs_section_size  }
0x9a: {  	s4 =	simm.s32 $_size__tile_overlayer_lowered;
	s5 =	simm.s32 $_tile_overlayer_lowered  }
0x9b: {  	s22 =	simm.s32 $0x1BFF;
	s21 =	sshll.u32 s5, $0x1;
	s2 =	sadd.s32 s19, s18  }
0x9c: {  	s6 =	simm.s32 $0x0;
	s20 =	sshll.u32 s4, $0x1;
	s4 =	sadd.s32 s21, s2  }
0x9d: {  	[timem:s6], [sflag:s22] =	dma.local [hbm:s4], s20  }
0x9e: {  	_ =	swait.ge [sflag:s22], s20  }
0x9f: {  	s3 =	ssub.s32 $0x0, s20;
	[sflag:s22] =	ssyncset.done $0x0  }
0xa0: {  	[sflag:s22] =	ssyncadd.s32 s3;
	_ =	sdelay $0x1  }
0xa1: {  	s23 =	simm.s32 $0x1B8B  }
0xa2: {  	_ =	swait.ge [sflag:s23], $0x1  }
0xa3: {  	[sflag:s23] =	ssyncset.done $0x0  }
0xa4: {  	s25 =	simm.s32 $0x1B8E;
	s24 =	sld [smem:$0x3FFE];
	[sflag:s23] =	ssyncadd.s32 $0xFFFFFFFF  }
0xa5: {  	s26 =	simm.s32 $execute0_lowered;
	[smem:$0x3FD2] =	sst s25  }
0xa6: {  	s4 =	sshll.u32 s26, $0x1;
	_ =	strace $0x80000046;
	[dreg:$0x1] =	wrdreg $0xFFFFFFFF  }
0xa7: {  	s28 =	simm.s32 $_size_execute0_lowered;
	s2 =	sadd.s32 s2, s4;
	[dreg:$0x0] =	wrdreg $0x0  }
0xa8: {  	s4 =	sshll.u32 s28, $0x1;
	[dreg:$0x2] =	wrdreg s2  }
0xa9: {  	[dreg:$0x3] =	wrdreg s4  }
0xaa: {  	[dreg:$0x4] =	wrdreg $0xC0  }
0xab: {  	_ =	task [dreg:s6], $0x5FFFF  }
0xac: {  	[dreg:$0x1] =	wrdreg $0xFFFFFFFF  }
0xad: {  	[dreg:$0x0] =	wrdreg $0x60  }
0xae: {  	[dreg:$0x2] =	wrdreg s24  }
0xaf: {  	[dreg:$0x3] =	wrdreg $0x9  }
0xb0: {  	_ =	task.clear_ibuf [dreg:s6], $0x4FFFF;
	_ =	strace $0x90000046  }
0xb1: {  	s29 =	simm.s32 $0x9;
	_ =	strace $0x80000048  }
0xb2: {  	_ =	swait.ge [sflag:s29], $0x1  }
0xb3: {  	[sflag:s29] =	ssyncadd.s32 $0xFFFFFFFF  }
0xb4: {  	_ =	strace $0x90000048  }
0xb5: {  	_ =	sfence  }
0xb6: {  	s30 =	sld [smem:$0x0];
	_ =	sdelay $0x2  }
0xb7: {  	s31 =	sshll.u32 s1, $0xD;
	s1 =	sshrl.u32 s1, $0x2  }
0xb8: {  	s3 =	sand.u32 $0x4000, s31;
	s1 =	sadd.s32 s1, s30  }
0xb9: {  	s0 =	sor.u32 s3, s0;
	s1 =	sshll.u32 s1, $0x11  }
0xba: {  	s0 =	sor.u32 s1, s0  }
0xbb: {  	s0 =	sadd.s32 $0x8F2B, s0  }
0xbc: {  	[sflag:s0] =	ssyncadd.remote.s32 $0x1  }
0xbd: {  	_ =	sfence.sel $0xFFFF  }
0xbe: {  	[dreg:$0x0] =	wrdreg $0xFFFFFFFF;
	(pc) =	sbr.abs _section_cstart, $3  }
0xbf: {  	[dreg:$0x1] =	wrdreg $0xFFFFFFFF  }
0xc0: {  	_ =	task.clear_ibuf [dreg:s6], $0x2FFFF;
	_ =	strace $0x9FFFFFFF  }
0xc1: {  	(tm) =	ssettm $0x7FFFFFFF  }
tec
execute0_lowered:
.L_overlay_start_1:
0x0: {  	(tag) =	ssettag $0x1  }
0x1: {  	s0 =	srdreg.scid;
	s12 =	stileid.u32  }
0x2: {  	s1 =	rddreg [dreg:$0x0];
	s2 =	simm.s32 $0x0;
	s8 =	smul.u32 $0x3200, s12  }
0x3: {  	s16 =	simm.s32 $0x1;
	s28 =	simm.s32 $0x2;
	s10 =	smul.u32 $0x320000, s12  }
0x4: {  	s0 =	sand.u32 $0x1, s0;
	s3 =	sshll.u32 s12, $0x1;
	s12 =	smul.u32 $0x64000, s12  }
0x5: {  	s29 =	simm.s32 $0x3;
	s30 =	simm.s32 $0x0;
	s9 =	smul.u32 $0x1900, s0  }
0x6: {  	[smem:$0x7FF] =	sst s2;
	s7 =	sadd.s32 $0x1400, s1;
	s11 =	smul.u32 $0x190000, s0  }
0x7: {  	s3 =	sor.u32 s0, s3;
	s5 =	ssub.s32 $0x2, s0;
	s0 =	smul.u32 $0x32000, s0  }
0x8: {  	_ =	strace $0x80000047;
	s4 =	smul.u32 $0x1900, s3;
	s6 =	sshrl.u32 s5, $0x1  }
0x9: {  	s3 =	sadd.s32 $0xF75800, s1;
	s1 =	sadd.s32 $0x33400, s1;
	s6 =	ssub.s32 s5, s6  }
0xa: {  	s13 =	sadd.s32 s11, s10;
	s17 =	sadd.s32 s12, s1;
	s4 =	sadd.s32 s7, s4  }
0xb: {  	s6 =	smax.u32 s6, $0x1;
	s7 =	sadd.s32 s8, s7;
	s18 =	sor.u32 $0xAF00, s13  }
0xc: {  	s8 =	sadd.s32 s0, s17;
	s20 =	sor.u32 $0x9600, s13;
	s21 =	sor.u32 $0x7D00, s13  }
0xd: {  	s22 =	sor.u32 $0x6400, s13;
	s24 =	sor.u32 $0x4B00, s13;
	s25 =	sor.u32 $0x3200, s13  }
0xe: {  	s15 =	sor.u32 $0x1900, s13;
	s17 =	simm.s32 $0x50;
	s5 =	sadd.s32 $0xC8, s4  }
0xf: {  	s7 =	sadd.s32 s9, s7;
	s19 =	sshrl.u32 s18, $0x3;
	s0 =	sshrl.u32 s20, $0x3  }
0x10: {  	s23 =	sshrl.u32 s22, $0x3;
	s26 =	sshrl.u32 s15, $0x3;
	s31 =	sadd.s32 $0x190, s7  }
.Ltmp0:
0x11: {  	s9 =	sadd.s32 s19, s1;
	s7 =	sshrl.u32 s21, $0x3;
	(pc) =	sbr.rel .LBB2_1-.Ltmp0, $4  }
0x12: {  	s10 =	sadd.s32 s0, s1;
	s12 =	sadd.s32 s23, s1;
	s0 =	sshrl.u32 s24, $0x3  }
0x13: {  	s15 =	sadd.s32 s26, s1;
	s23 =	simm.s32 $0xC080;
	s24 =	simm.s32 $0x5F0  }
0x14: {  	s26 =	simm.s32 $0x640;
	s11 =	sadd.s32 s7, s1;
	s7 =	sshrl.u32 s25, $0x3  }
0x15: {  	s13 =	sadd.s32 s0, s1;
	s25 =	simm.s32 $0xCA80;
	s14 =	sadd.s32 s7, s1  }
.LBB2_5:
0x16: {  	_ =	swait.ge [sflag:s29], $0x1900  }
0x17: {  	[sflag:s29] =	ssyncset.done $0x0  }
0x18: {  	[sflag:s29] =	ssyncadd.s32 $0xFFFFE700  }
0x19: {  	_ =	swait.ge [sflag:s29], $0x1900  }
0x1a: {  	[sflag:s29] =	ssyncset.done $0x0  }
0x1b: {  	[sflag:s29] =	ssyncadd.s32 $0xFFFFE700  }
0x1c: {  	_ =	swait.ge [sflag:s29], $0x1900  }
0x1d: {  	[sflag:s29] =	ssyncset.done $0x0  }
0x1e: {  	[sflag:s29] =	ssyncadd.s32 $0xFFFFE700  }
0x1f: {  	_ =	swait.ge [sflag:s29], $0x1900  }
0x20: {  	[sflag:s29] =	ssyncset.done $0x0  }
0x21: {  	[sflag:s29] =	ssyncadd.s32 $0xFFFFE700  }
0x22: {  	_ =	swait.ge [sflag:s29], $0x1900  }
0x23: {  	[sflag:s29] =	ssyncset.done $0x0  }
0x24: {  	[sflag:s29] =	ssyncadd.s32 $0xFFFFE700  }
0x25: {  	_ =	swait.ge [sflag:s29], $0x1900  }
0x26: {  	[sflag:s29] =	ssyncset.done $0x0  }
0x27: {  	s30 =	sadd.s32 $0x1, s30;
	[sflag:s29] =	ssyncadd.s32 $0xFFFFE700  }
0x28: {  	p0 =	sne.s32 s30, s6;
	_ =	swait.ge [sflag:s29], $0x1900  }
.Ltmp1:
0x29: {  	[sflag:s29] =	ssyncset.done $0x0;
	(pc) =	sbr.rel @!p0 .LBB2_6-.Ltmp1, $4  }
0x2a: {  	[sflag:s29] =	ssyncadd.s32 $0xFFFFE700  }
0x2b: {  	_ =	swait.ge [sflag:s29], $0x1900  }
0x2c: {  	[sflag:s29] =	ssyncset.done $0x0  }
0x2d: {  	[sflag:s29] =	ssyncadd.s32 $0xFFFFE700  }
.LBB2_1:
0x2e: {  	[tilespmem:s2], [sflag:$0x1] =	stream.linear.gather [hbm4b:s4+s2], $0x640, $0x38;
	[tilespmem:$0x19C80] =	vst v63  }
0x2f: {  	_ =	swait.ge [sflag:s16], $0x640  }
0x30: {  	[sflag:s16] =	ssyncset.done $0x0  }
0x31: {  	s0 =	simm.s32 $0xC80;
	[sflag:s16] =	ssyncadd.s32 $0xFFFFF9C0  }
0x32: {  	[tilespmem:s0], [sflag:$0x2] =	stream.indirect.gather [hbm4b:s3+s17], $0x20, s2, s17, $0xb8;
	[tilespmem:$0x19C80] =	vst v63  }
0x33: {  	s21 =	simm.s32 $0x1680  }
0x34: {  	[tilespmem:s21], [sflag:$0x2] =	stream.indirect.gather [hbm4b:s3+s17], $0x20, s17, s17, $0xb8;
	[tilespmem:$0x19C80] =	vst v63  }
0x35: {  	s22 =	simm.s32 $0xA0;
	s1 =	simm.s32 $0x2080  }
0x36: {  	[tilespmem:s1], [sflag:$0x2] =	stream.indirect.gather [hbm4b:s3+s17], $0x20, s22, s17, $0xb8;
	[tilespmem:$0x19C80] =	vst v63  }
0x37: {  	s7 =	simm.s32 $0xF0;
	s18 =	simm.s32 $0x2A80  }
0x38: {  	[tilespmem:s18], [sflag:$0x2] =	stream.indirect.gather [hbm4b:s3+s17], $0x20, s7, s17, $0xb8;
	[tilespmem:$0x19C80] =	vst v63  }
0x39: {  	s19 =	simm.s32 $0x140;
	s20 =	simm.s32 $0x3480  }
0x3a: {  	[tilespmem:s20], [sflag:$0x2] =	stream.indirect.gather [hbm4b:s3+s17], $0x20, s19, s17, $0xb8;
	[tilespmem:$0x19C80] =	vst v63  }
0x3b: {  	s21 =	simm.s32 $0x190;
	s22 =	simm.s32 $0x3E80  }
0x3c: {  	[tilespmem:s22], [sflag:$0x2] =	stream.indirect.gather [hbm4b:s3+s17], $0x20, s21, s17, $0xb8;
	[tilespmem:$0x19C80] =	vst v63  }
0x3d: {  	s7 =	simm.s32 $0x1E0;
	s18 =	simm.s32 $0x4880  }
0x3e: {  	[tilespmem:s18], [sflag:$0x2] =	stream.indirect.gather [hbm4b:s3+s17], $0x20, s7, s17, $0xb8;
	[tilespmem:$0x19C80] =	vst v63  }
0x3f: {  	s19 =	simm.s32 $0x230;
	s20 =	simm.s32 $0x5280  }
0x40: {  	[tilespmem:s20], [sflag:$0x2] =	stream.indirect.gather [hbm4b:s3+s17], $0x20, s19, s17, $0xb8;
	[tilespmem:$0x19C80] =	vst v63  }
0x41: {  	s21 =	simm.s32 $0x280;
	s22 =	simm.s32 $0x5C80  }
0x42: {  	[tilespmem:s22], [sflag:$0x2] =	stream.indirect.gather [hbm4b:s3+s17], $0x20, s21, s17, $0xb8;
	[tilespmem:$0x19C80] =	vst v63  }
0x43: {  	s7 =	simm.s32 $0x2D0;
	s18 =	simm.s32 $0x6680  }
0x44: {  	[tilespmem:s18], [sflag:$0x2] =	stream.indirect.gather [hbm4b:s3+s17], $0x20, s7, s17, $0xb8;
	[tilespmem:$0x19C80] =	vst v63  }
0x45: {  	s19 =	simm.s32 $0x320;
	s20 =	simm.s32 $0x7080  }
0x46: {  	[tilespmem:s20], [sflag:$0x2] =	stream.indirect.gather [hbm4b:s3+s17], $0x20, s19, s17, $0xb8;
	[tilespmem:$0x19C80] =	vst v63  }
0x47: {  	s21 =	simm.s32 $0x370;
	s22 =	simm.s32 $0x7A80  }
0x48: {  	[tilespmem:s22], [sflag:$0x2] =	stream.indirect.gather [hbm4b:s3+s17], $0x20, s21, s17, $0xb8;
	[tilespmem:$0x19C80] =	vst v63  }
0x49: {  	s7 =	simm.s32 $0x3C0;
	s18 =	simm.s32 $0x8480  }
0x4a: {  	[tilespmem:s18], [sflag:$0x2] =	stream.indirect.gather [hbm4b:s3+s17], $0x20, s7, s17, $0xb8;
	[tilespmem:$0x19C80] =	vst v63  }
0x4b: {  	s19 =	simm.s32 $0x410;
	s20 =	simm.s32 $0x8E80  }
0x4c: {  	[tilespmem:s20], [sflag:$0x2] =	stream.indirect.gather [hbm4b:s3+s17], $0x20, s19, s17, $0xb8;
	[tilespmem:$0x19C80] =	vst v63  }
0x4d: {  	s21 =	simm.s32 $0x460;
	s22 =	simm.s32 $0x9880  }
0x4e: {  	[tilespmem:s22], [sflag:$0x2] =	stream.indirect.gather [hbm4b:s3+s17], $0x20, s21, s17, $0xb8;
	[tilespmem:$0x19C80] =	vst v63  }
0x4f: {  	s1 =	simm.s32 $0x4B0;
	s7 =	simm.s32 $0xA280  }
0x50: {  	[tilespmem:s7], [sflag:$0x2] =	stream.indirect.gather [hbm4b:s3+s17], $0x20, s1, s17, $0xb8;
	[tilespmem:$0x19C80] =	vst v63  }
0x51: {  	s18 =	simm.s32 $0x500;
	s19 =	simm.s32 $0xAC80  }
0x52: {  	[tilespmem:s19], [sflag:$0x2] =	stream.indirect.gather [hbm4b:s3+s17], $0x20, s18, s17, $0xb8;
	[tilespmem:$0x19C80] =	vst v63  }
0x53: {  	s20 =	simm.s32 $0x550;
	s21 =	simm.s32 $0xB680  }
0x54: {  	[tilespmem:s21], [sflag:$0x2] =	stream.indirect.gather [hbm4b:s3+s17], $0x20, s20, s17, $0xb8;
	[tilespmem:$0x19C80] =	vst v63  }
0x55: {  	s22 =	simm.s32 $0x5A0  }
0x56: {  	[tilespmem:s23], [sflag:$0x2] =	stream.indirect.gather [hbm4b:s3+s17], $0x20, s22, s17, $0xb8;
	[tilespmem:$0x19C80] =	vst v63  }
.Ltmp2:
0x57: {  	_ = 	snop;
	(pc) =	sbr.rel .LBB2_2-.Ltmp2, $4  }
0x58: {  	_ = 	snop  }
0x59: {  	[tilespmem:s25], [sflag:$0x2] =	stream.indirect.gather [hbm4b:s3+s17], $0x20, s24, s17, $0xb8;
	[tilespmem:$0x19C80] =	vst v63  }
0x5a: {  	s0 =	simm.s32 $0x0;
	s7 =	smov.u32 s31;
	s1 =	simm.s32 $0x0  }
0x5b: {  	[tilespmem:s26], [sflag:$0x1] =	stream.linear.gather [hbm4b:s5+s2], $0x640, $0x38;
	[tilespmem:$0x19C80] =	vst v63  }
.LBB2_4:
0x5c: {  	s19 =	smul.u32 $0x32000, s18;
	_ =	sdelay $0x1  }
0x5d: {  	s19 =	sshrl.u32 s19, $0x2  }
0x5e: {  	s21 =	sadd.s32 s1, s8;
	s20 =	sadd.s32 $0xC80, s19  }
0x5f: {  	[hbm4b:s21+s2] =	stream.linear.scatter [tilespmem:s20], [sflag:$0x3], $0x1900, $0x38;
	[tilespmem:$0x19C80] =	vst v63  }
0x60: {  	s22 =	sadd.s32 $0x2580, s19;
	s21 =	sadd.s32 s1, s15  }
0x61: {  	[hbm4b:s21+s2] =	stream.linear.scatter [tilespmem:s22], [sflag:$0x3], $0x1900, $0x38;
	[tilespmem:$0x19C80] =	vst v63  }
0x62: {  	s21 =	sadd.s32 s1, s14;
	s22 =	sadd.s32 $0x3E80, s19  }
0x63: {  	[hbm4b:s21+s2] =	stream.linear.scatter [tilespmem:s22], [sflag:$0x3], $0x1900, $0x38;
	[tilespmem:$0x19C80] =	vst v63  }
0x64: {  	s21 =	sadd.s32 s1, s13;
	s22 =	sadd.s32 $0x5780, s19  }
0x65: {  	[hbm4b:s21+s2] =	stream.linear.scatter [tilespmem:s22], [sflag:$0x3], $0x1900, $0x38;
	[tilespmem:$0x19C80] =	vst v63  }
0x66: {  	s21 =	sadd.s32 s1, s12;
	s22 =	sadd.s32 $0x7080, s19  }
0x67: {  	[hbm4b:s21+s2] =	stream.linear.scatter [tilespmem:s22], [sflag:$0x3], $0x1900, $0x38;
	[tilespmem:$0x19C80] =	vst v63  }
0x68: {  	s21 =	sadd.s32 s1, s11;
	s22 =	sadd.s32 $0x8980, s19  }
0x69: {  	[hbm4b:s21+s2] =	stream.linear.scatter [tilespmem:s22], [sflag:$0x3], $0x1900, $0x38;
	[tilespmem:$0x19C80] =	vst v63  }
0x6a: {  	p0 =	sgt.u32 s0, $0x1D;
	s21 =	sadd.s32 s1, s10;
	s22 =	sadd.s32 $0xA280, s19  }
0x6b: {  	[hbm4b:s21+s2] =	stream.linear.scatter [tilespmem:s22], [sflag:$0x3], $0x1900, $0x38;
	[tilespmem:$0x19C80] =	vst v63  }
0x6c: {  	s18 =	smul.u32 @!p0 $0x1900, s18;
	s19 =	sadd.s32 $0xBB80, s19;
	s22 =	sadd.s32 s1, s9  }
0x6d: {  	[hbm4b:s22+s2] =	stream.linear.scatter [tilespmem:s19], [sflag:$0x3], $0x1900, $0x38;
	[tilespmem:$0x19C80] =	vst v63  }
0x6e: {  	s18 =	sshrl.u32 @!p0 s18, $0x2;
	s1 =	sadd.s32 $0x1900, s1;
	s19 =	simm.s32 @!p0 $0x0  }
0x6f: {  	[tilespmem:s18], [sflag:$0x1] =	stream.linear.gather @!p0 [hbm4b:s7+s19], $0x640, $0x38;
	[tilespmem:$0x19C80] =	vst v63  }
0x70: {  	p0 =	sne.s32 s1, $0x32000  }
.Ltmp3:
0x71: {  	_ = 	snop;
	(pc) =	sbr.rel @!p0 .LBB2_5-.Ltmp3, $2  }
0x72: {  	_ =	sdelay $0x2  }
0x73: {  	s0 =	sadd.s32 $0x1, s0;
	s7 =	sadd.s32 $0xC8, s7  }
.LBB2_2:
0x74: {  	p0 =	seq.s32 s1, $0x30700  }
0x75: {  	s18 =	simm.s32 @!p0 $0x1  }
0x76: {  	_ =	swait.ge @!p0 [sflag:s18], $0x640  }
0x77: {  	[sflag:s18] =	ssyncset.done @!p0 $0x0  }
0x78: {  	[sflag:s18] =	ssyncadd.s32 @!p0 $0xFFFFF9C0  }
0x79: {  	_ =	swait.ge [sflag:s28], $0xA00  }
0x7a: {  	[sflag:s28] =	ssyncset.done $0x0  }
0x7b: {  	[sflag:s28] =	ssyncadd.s32 $0xFFFFF600  }
0x7c: {  	_ =	swait.ge [sflag:s28], $0xA00  }
0x7d: {  	[sflag:s28] =	ssyncset.done $0x0  }
0x7e: {  	[sflag:s28] =	ssyncadd.s32 $0xFFFFF600  }
0x7f: {  	_ =	swait.ge [sflag:s28], $0xA00  }
0x80: {  	[sflag:s28] =	ssyncset.done $0x0  }
0x81: {  	[sflag:s28] =	ssyncadd.s32 $0xFFFFF600  }
0x82: {  	_ =	swait.ge [sflag:s28], $0xA00  }
0x83: {  	[sflag:s28] =	ssyncset.done $0x0  }
0x84: {  	[sflag:s28] =	ssyncadd.s32 $0xFFFFF600  }
0x85: {  	_ =	swait.ge [sflag:s28], $0xA00  }
0x86: {  	[sflag:s28] =	ssyncset.done $0x0  }
0x87: {  	[sflag:s28] =	ssyncadd.s32 $0xFFFFF600  }
0x88: {  	_ =	swait.ge [sflag:s28], $0xA00  }
0x89: {  	[sflag:s28] =	ssyncset.done $0x0  }
0x8a: {  	[sflag:s28] =	ssyncadd.s32 $0xFFFFF600  }
0x8b: {  	_ =	swait.ge [sflag:s28], $0xA00  }
0x8c: {  	[sflag:s28] =	ssyncset.done $0x0  }
0x8d: {  	[sflag:s28] =	ssyncadd.s32 $0xFFFFF600  }
0x8e: {  	_ =	swait.ge [sflag:s28], $0xA00  }
0x8f: {  	[sflag:s28] =	ssyncset.done $0x0  }
0x90: {  	[sflag:s28] =	ssyncadd.s32 $0xFFFFF600  }
0x91: {  	_ =	swait.ge [sflag:s28], $0xA00  }
0x92: {  	[sflag:s28] =	ssyncset.done $0x0  }
0x93: {  	[sflag:s28] =	ssyncadd.s32 $0xFFFFF600  }
0x94: {  	_ =	swait.ge [sflag:s28], $0xA00  }
0x95: {  	[sflag:s28] =	ssyncset.done $0x0  }
0x96: {  	[sflag:s28] =	ssyncadd.s32 $0xFFFFF600  }
0x97: {  	_ =	swait.ge [sflag:s28], $0xA00  }
0x98: {  	[sflag:s28] =	ssyncset.done $0x0  }
0x99: {  	[sflag:s28] =	ssyncadd.s32 $0xFFFFF600  }
0x9a: {  	_ =	swait.ge [sflag:s28], $0xA00  }
0x9b: {  	[sflag:s28] =	ssyncset.done $0x0  }
0x9c: {  	[sflag:s28] =	ssyncadd.s32 $0xFFFFF600  }
0x9d: {  	_ =	swait.ge [sflag:s28], $0xA00  }
0x9e: {  	[sflag:s28] =	ssyncset.done $0x0  }
0x9f: {  	[sflag:s28] =	ssyncadd.s32 $0xFFFFF600  }
0xa0: {  	_ =	swait.ge [sflag:s28], $0xA00  }
0xa1: {  	[sflag:s28] =	ssyncset.done $0x0  }
0xa2: {  	[sflag:s28] =	ssyncadd.s32 $0xFFFFF600  }
0xa3: {  	_ =	swait.ge [sflag:s28], $0xA00  }
0xa4: {  	[sflag:s28] =	ssyncset.done $0x0  }
0xa5: {  	[sflag:s28] =	ssyncadd.s32 $0xFFFFF600  }
0xa6: {  	_ =	swait.ge [sflag:s28], $0xA00  }
0xa7: {  	[sflag:s28] =	ssyncset.done $0x0  }
0xa8: {  	[sflag:s28] =	ssyncadd.s32 $0xFFFFF600  }
0xa9: {  	_ =	swait.ge [sflag:s28], $0xA00  }
0xaa: {  	[sflag:s28] =	ssyncset.done $0x0  }
0xab: {  	[sflag:s28] =	ssyncadd.s32 $0xFFFFF600  }
0xac: {  	_ =	swait.ge [sflag:s28], $0xA00  }
0xad: {  	[sflag:s28] =	ssyncset.done $0x0  }
0xae: {  	[sflag:s28] =	ssyncadd.s32 $0xFFFFF600  }
0xaf: {  	_ =	swait.ge [sflag:s28], $0xA00  }
0xb0: {  	[sflag:s28] =	ssyncset.done $0x0  }
0xb1: {  	[sflag:s28] =	ssyncadd.s32 $0xFFFFF600  }
0xb2: {  	_ =	swait.ge [sflag:s28], $0xA00  }
0xb3: {  	p0 =	seq.s32 s1, $0x0;
	[sflag:s28] =	ssyncset.done $0x0  }
0xb4: {  	s19 =	simm.s32 @!p0 $0x3;
	[sflag:s28] =	ssyncadd.s32 $0xFFFFF600  }
0xb5: {  	_ =	swait.ge @!p0 [sflag:s19], $0x1900  }
0xb6: {  	[sflag:s19] =	ssyncset.done @!p0 $0x0  }
0xb7: {  	[sflag:s19] =	ssyncadd.s32 @!p0 $0xFFFFE700  }
0xb8: {  	_ =	swait.ge @!p0 [sflag:s19], $0x1900  }
0xb9: {  	[sflag:s19] =	ssyncset.done @!p0 $0x0  }
0xba: {  	[sflag:s19] =	ssyncadd.s32 @!p0 $0xFFFFE700  }
0xbb: {  	_ =	swait.ge @!p0 [sflag:s19], $0x1900  }
0xbc: {  	[sflag:s19] =	ssyncset.done @!p0 $0x0  }
0xbd: {  	[sflag:s19] =	ssyncadd.s32 @!p0 $0xFFFFE700  }
0xbe: {  	_ =	swait.ge @!p0 [sflag:s19], $0x1900  }
0xbf: {  	[sflag:s19] =	ssyncset.done @!p0 $0x0  }
0xc0: {  	[sflag:s19] =	ssyncadd.s32 @!p0 $0xFFFFE700  }
0xc1: {  	_ =	swait.ge @!p0 [sflag:s19], $0x1900  }
0xc2: {  	[sflag:s19] =	ssyncset.done @!p0 $0x0  }
0xc3: {  	[sflag:s19] =	ssyncadd.s32 @!p0 $0xFFFFE700  }
0xc4: {  	_ =	swait.ge @!p0 [sflag:s19], $0x1900  }
0xc5: {  	[sflag:s19] =	ssyncset.done @!p0 $0x0  }
0xc6: {  	p1 =	seq.s32 @!p0 s1, $0x30700;
	[sflag:s19] =	ssyncadd.s32 @!p0 $0xFFFFE700  }
0xc7: {  	p1 =	por p0, !p1;
	_ =	swait.ge @!p0 [sflag:s19], $0x1900  }
.Ltmp4:
0xc8: {  	[sflag:s19] =	ssyncset.done @!p0 $0x0;
	(pc) =	sbr.rel @!p1 .LBB2_4-.Ltmp4, $4  }
0xc9: {  	[sflag:s19] =	ssyncadd.s32 @!p0 $0xFFFFE700  }
0xca: {  	_ =	swait.ge @!p0 [sflag:s19], $0x1900  }
0xcb: {  	[sflag:s19] =	ssyncset.done @!p0 $0x0  }
0xcc: {  	s18 =	sand.u32 $0x1, s0;
	[sflag:s19] =	ssyncadd.s32 @!p0 $0xFFFFE700  }
0xcd: {  	s19 =	sxor.u32 $0x1, s18  }
0xce: {  	s20 =	smul.u32 $0x32000, s19  }
0xcf: {  	s19 =	smul.u32 $0x1900, s19  }
0xd0: {  	s20 =	sshrl.u32 s20, $0x2  }
0xd1: {  	s19 =	sshrl.u32 s19, $0x2;
	s21 =	sadd.s32 $0xC80, s20  }
0xd2: {  	[tilespmem:s21], [sflag:$0x2] =	stream.indirect.gather [hbm4b:s3+s17], $0x20, s19, s17, $0xb8;
	[tilespmem:$0x19C80] =	vst v63  }
0xd3: {  	s22 =	sadd.s32 $0x50, s19;
	s21 =	sadd.s32 $0x1680, s20  }
0xd4: {  	[tilespmem:s21], [sflag:$0x2] =	stream.indirect.gather [hbm4b:s3+s17], $0x20, s22, s17, $0xb8;
	[tilespmem:$0x19C80] =	vst v63  }
0xd5: {  	s21 =	sadd.s32 $0x2080, s20;
	s22 =	sadd.s32 $0xA0, s19  }
0xd6: {  	[tilespmem:s21], [sflag:$0x2] =	stream.indirect.gather [hbm4b:s3+s17], $0x20, s22, s17, $0xb8;
	[tilespmem:$0x19C80] =	vst v63  }
0xd7: {  	s21 =	sadd.s32 $0x2A80, s20;
	s22 =	sadd.s32 $0xF0, s19  }
0xd8: {  	[tilespmem:s21], [sflag:$0x2] =	stream.indirect.gather [hbm4b:s3+s17], $0x20, s22, s17, $0xb8;
	[tilespmem:$0x19C80] =	vst v63  }
0xd9: {  	s21 =	sadd.s32 $0x3480, s20;
	s22 =	sadd.s32 $0x140, s19  }
0xda: {  	[tilespmem:s21], [sflag:$0x2] =	stream.indirect.gather [hbm4b:s3+s17], $0x20, s22, s17, $0xb8;
	[tilespmem:$0x19C80] =	vst v63  }
0xdb: {  	s21 =	sadd.s32 $0x3E80, s20;
	s22 =	sadd.s32 $0x190, s19  }
0xdc: {  	[tilespmem:s21], [sflag:$0x2] =	stream.indirect.gather [hbm4b:s3+s17], $0x20, s22, s17, $0xb8;
	[tilespmem:$0x19C80] =	vst v63  }
0xdd: {  	s21 =	sadd.s32 $0x4880, s20;
	s22 =	sadd.s32 $0x1E0, s19  }
0xde: {  	[tilespmem:s21], [sflag:$0x2] =	stream.indirect.gather [hbm4b:s3+s17], $0x20, s22, s17, $0xb8;
	[tilespmem:$0x19C80] =	vst v63  }
0xdf: {  	s21 =	sadd.s32 $0x5280, s20;
	s22 =	sadd.s32 $0x230, s19  }
0xe0: {  	[tilespmem:s21], [sflag:$0x2] =	stream.indirect.gather [hbm4b:s3+s17], $0x20, s22, s17, $0xb8;
	[tilespmem:$0x19C80] =	vst v63  }
0xe1: {  	s21 =	sadd.s32 $0x5C80, s20;
	s22 =	sadd.s32 $0x280, s19  }
0xe2: {  	[tilespmem:s21], [sflag:$0x2] =	stream.indirect.gather [hbm4b:s3+s17], $0x20, s22, s17, $0xb8;
	[tilespmem:$0x19C80] =	vst v63  }
0xe3: {  	s21 =	sadd.s32 $0x6680, s20;
	s22 =	sadd.s32 $0x2D0, s19  }
0xe4: {  	[tilespmem:s21], [sflag:$0x2] =	stream.indirect.gather [hbm4b:s3+s17], $0x20, s22, s17, $0xb8;
	[tilespmem:$0x19C80] =	vst v63  }
0xe5: {  	s21 =	sadd.s32 $0x7080, s20;
	s22 =	sadd.s32 $0x320, s19  }
0xe6: {  	[tilespmem:s21], [sflag:$0x2] =	stream.indirect.gather [hbm4b:s3+s17], $0x20, s22, s17, $0xb8;
	[tilespmem:$0x19C80] =	vst v63  }
0xe7: {  	s21 =	sadd.s32 $0x7A80, s20;
	s22 =	sadd.s32 $0x370, s19  }
0xe8: {  	[tilespmem:s21], [sflag:$0x2] =	stream.indirect.gather [hbm4b:s3+s17], $0x20, s22, s17, $0xb8;
	[tilespmem:$0x19C80] =	vst v63  }
0xe9: {  	s21 =	sadd.s32 $0x8480, s20;
	s22 =	sadd.s32 $0x3C0, s19  }
0xea: {  	[tilespmem:s21], [sflag:$0x2] =	stream.indirect.gather [hbm4b:s3+s17], $0x20, s22, s17, $0xb8;
	[tilespmem:$0x19C80] =	vst v63  }
0xeb: {  	s21 =	sadd.s32 $0x8E80, s20;
	s22 =	sadd.s32 $0x410, s19  }
0xec: {  	[tilespmem:s21], [sflag:$0x2] =	stream.indirect.gather [hbm4b:s3+s17], $0x20, s22, s17, $0xb8;
	[tilespmem:$0x19C80] =	vst v63  }
0xed: {  	s21 =	sadd.s32 $0x9880, s20;
	s22 =	sadd.s32 $0x460, s19  }
0xee: {  	[tilespmem:s21], [sflag:$0x2] =	stream.indirect.gather [hbm4b:s3+s17], $0x20, s22, s17, $0xb8;
	[tilespmem:$0x19C80] =	vst v63  }
0xef: {  	s21 =	sadd.s32 $0xA280, s20;
	s22 =	sadd.s32 $0x4B0, s19  }
0xf0: {  	[tilespmem:s21], [sflag:$0x2] =	stream.indirect.gather [hbm4b:s3+s17], $0x20, s22, s17, $0xb8;
	[tilespmem:$0x19C80] =	vst v63  }
0xf1: {  	s21 =	sadd.s32 $0xAC80, s20;
	s22 =	sadd.s32 $0x500, s19  }
0xf2: {  	[tilespmem:s21], [sflag:$0x2] =	stream.indirect.gather [hbm4b:s3+s17], $0x20, s22, s17, $0xb8;
	[tilespmem:$0x19C80] =	vst v63  }
0xf3: {  	s21 =	sadd.s32 $0xB680, s20;
	s22 =	sadd.s32 $0x550, s19  }
0xf4: {  	[tilespmem:s21], [sflag:$0x2] =	stream.indirect.gather [hbm4b:s3+s17], $0x20, s22, s17, $0xb8;
	[tilespmem:$0x19C80] =	vst v63  }
.Ltmp5:
0xf5: {  	_ = 	snop;
	(pc) =	sbr.rel .LBB2_4-.Ltmp5, $4  }
0xf6: {  	s21 =	sadd.s32 $0xC080, s20;
	s22 =	sadd.s32 $0x5A0, s19  }
0xf7: {  	[tilespmem:s21], [sflag:$0x2] =	stream.indirect.gather [hbm4b:s3+s17], $0x20, s22, s17, $0xb8;
	[tilespmem:$0x19C80] =	vst v63  }
0xf8: {  	s20 =	sadd.s32 $0xCA80, s20;
	s19 =	sadd.s32 $0x5F0, s19  }
0xf9: {  	[tilespmem:s20], [sflag:$0x2] =	stream.indirect.gather [hbm4b:s3+s17], $0x20, s19, s17, $0xb8;
	[tilespmem:$0x19C80] =	vst v63  }
.LBB2_6:
0xfa: {  	_ =	sfence.sel $0x180000  }
0xfb: {  	[bflag:$0x0] =	sbarrier.arrive $0xFFFF  }
0xfc: {  	_ =	strace $0x90000047  }
0xfd: {  	s0 =	stileid.u32;
	[bflag:$0x2] =	sbarrier.arrive $0xFFFF  }
0xfe: {  	p0 =	sne.s32 s0, $0x0;
	s0 =	rddreg [dreg:$0x1]  }
0xff: {  	s0 =	sadd.s32 @!p0 $0x100000, s0  }
0x100: {  	[sflag:s0] =	ssyncadd.tile.s32 @!p0 $0x1;
	_ =	shalt  }
.Lfunc_end2:
_tile_overlayer_lowered:
.L_overlay_start_2:
0x101: {  	(tag) =	ssettag $0x2  }
0x102: {  	s0 =	rddreg [dreg:$0x0];
	s2 =	stileid.u32  }
0x103: {  	s1 =	rddreg [dreg:$0x1];
	p0 =	sne.s32 s2, $0x0  }
0x104: {  	s3 =	rddreg [dreg:$0x2];
	[bflag:$0x3] =	sbarrier.arrive $0xFFFF;
	s2 =	simm.s32 @!p0 $0x1C04  }
0x105: {  	[timem:s3], [sflag:s2] =	dma.local @!p0 [hbm:s0], s1  }
0x106: {  	s0 =	simm.s32 @!p0 $0x4  }
0x107: {  	_ =	swait.ge @!p0 [sflag:s0], s1  }
0x108: {  	s1 =	ssub.s32 @!p0 $0x0, s1;
	[sflag:s0] =	ssyncset.done @!p0 $0x0  }
0x109: {  	[sflag:s0] =	ssyncadd.s32 @!p0 s1  }
0x10a: {  	[bflag:$0x3] =	sbarrier.arrive $0xFFFF  }
0x10b: {  	_ =	shalt  }

// kernel: kernel.7.cloned.1.call-start
scs
__scs_entry_jumppad:
0x0: {  	(pc) =	sbr.rel $0x88, $3  }
0x1: {  	(tag) =	ssettag $0x0;
	lr =	simm.s32 $0x1  }
0x2: {  	[smem:$0x3F9F] =	sst lr;
	_ =	strace $0xD0000000  }
0x3: {  	_ = 	snop  }
0x4: {  	_ = 	snop  }
0x5: {  	_ = 	snop  }
0x6: {  	_ = 	snop  }
0x7: {  	_ = 	snop  }
__scs_overlays_trampoline_lowered:
0x8: {  	[smem:$0x3FAE] =	sst s0  }
0x9: {  	[smem:$0x3FAF] =	sst s1  }
0xa: {  	[smem:$0x3FB0] =	sst s2  }
0xb: {  	[smem:$0x3FB1] =	sst s3  }
0xc: {  	[smem:$0x3FB2] =	sst s4  }
0xd: {  	[smem:$0x3FB3] =	sst s5  }
0xe: {  	[smem:$0x3FB4] =	sst s6  }
0xf: {  	[smem:$0x3FB5] =	sst s7  }
0x10: {  	[smem:$0x3FB6] =	sst s8  }
0x11: {  	[smem:$0x3FB7] =	sst s9;
	s0 =	simm.s32 @!p0 $0x0  }
0x12: {  	s1 =	sld [smem:$0x3F9D];
	s0 =	simm.s32 @p0 $0x1  }
0x13: {  	[smem:$0x3FB8] =	sst s0;
	s0 =	simm.s32 @!p1 $0x0  }
0x14: {  	s2 =	sld [smem:$0x3F9C];
	s0 =	simm.s32 @p1 $0x1  }
0x15: {  	[smem:$0x3FB9] =	sst s0;
	s0 =	simm.s32 @!p2 $0x0  }
0x16: {  	s3 =	sld [smem:$0x3FDB];
	s0 =	simm.s32 @p2 $0x1  }
0x17: {  	s4 =	simm.s32 $0x1BF5;
	[smem:$0x3FBB] =	sst s0  }
0x18: {  	s0 =	sld [smem:$0x3F9E];
	_ =	swait.ge [sflag:s4], $0x0  }
0x19: {  	s7 =	sld [smem:$0x3F9F]  }
0x1a: {  	s8 =	sadd.s32 $0xFFFFE003, lr  }
0x1b: {  	s9 =	sadd.s32 $0xFFFFFEF7, lr;
	s5 =	simm.s32 $0xFFFFFFFF;
	p2 =	slt.u32 s8, $0xFFFFF086  }
0x1c: {  	p1 =	slt.u32 s9, $0xF7A;
	s5 =	simm.s32 @!p2 $0x0  }
0x1d: {  	s5 =	simm.s32 @p1 $0x1;
	p0 =	seq.s32 s7, s2  }
0x1e: {  	s7 =	smul.u32 @!p0 $0xF7A, s2;
	p2 =	seq.s32 @!p0 s5, $0x0  }
0x1f: {  	s9 =	smul.u32 $0xF7A, s1;
	s8 =	simm.s32 @!p0 $0x1BF5;
	p2 =	por !p2, p0  }
0x20: {  	[sflag:s8] =	ssyncset.s32 @!p0 $0xFFFFF086;
	s6 =	sadd.s32 @!p0 s3, s7;
	s7 =	simm.s32 @!p0 $0x108  }
0x21: {  	s3 =	sadd.s32 s3, s9;
	s6 =	sadd.s32 @!p0 $0x88, s6;
	s7 =	simm.s32 @p2 $0x1082  }
0x22: {  	[simem:s7], [sflag:s8] =	dma.local @!p0 [hbm:s6], $0xF7A  }
0x23: {  	s9 =	sor.u32 $0xD0000000, s2;
	s6 =	simm.s32 $0x108;
	_ =	swait.ge @!p0 [sflag:s8], $0x0  }
0x24: {  	s3 =	sadd.s32 $0x88, s3;
	s6 =	simm.s32 @!p1 $0x1082;
	[sflag:s4] =	ssyncset.s32 $0xFFFFF086  }
0x25: {  	[simem:s6], [sflag:s4] =	dma.local [hbm:s3], $0xF7A  }
0x26: {  	[smem:$0x3F9F] =	sst s1;
	(tag) =	ssettag s2;
	_ =	strace s9  }
0x27: {  	s1 =	sld [smem:$0x3FAF]  }
0x28: {  	s2 =	sld [smem:$0x3FB0]  }
0x29: {  	s4 =	sld [smem:$0x3FB2]  }
0x2a: {  	p0 =	seq.s32 s5, $0x0;
	s5 =	sld [smem:$0x3FB3]  }
0x2b: {  	s6 =	sld [smem:$0x3FB4]  }
0x2c: {  	s7 =	sld [smem:$0x3FB5]  }
0x2d: {  	s3 =	simm.s32 $0x108;
	s8 =	sld [smem:$0x3FB6]  }
0x2e: {  	s3 =	simm.s32 @!p0 $0x1082;
	s9 =	sld [smem:$0x3FB7]  }
0x2f: {  	lr =	sadd.s32 s0, s3;
	s0 =	sld [smem:$0x3FAE]  }
0x30: {  	s3 =	sld [smem:$0x3FB1]  }
0x31: {  	[smem:$0x3FBA] =	sst s10  }
0x32: {  	s10 =	sld [smem:$0x3FB8];
	_ =	sdelay $0x3  }
0x33: {  	p0 =	seq.s32 s10, $0x1;
	s10 =	sld [smem:$0x3FBA];
	_ =	sdelay $0x3  }
0x34: {  	[smem:$0x3FBA] =	sst s10  }
0x35: {  	s10 =	sld [smem:$0x3FB9];
	_ =	sdelay $0x3  }
0x36: {  	p1 =	seq.s32 s10, $0x1;
	s10 =	sld [smem:$0x3FBA];
	_ =	sdelay $0x3  }
0x37: {  	[smem:$0x3FBA] =	sst s10  }
0x38: {  	s10 =	sld [smem:$0x3FBB]  }
0x39: {  	_ = 	snop;
	(pc) =	sbr.ind lr, $3  }
0x3a: {  	_ = 	snop  }
0x3b: {  	_ = 	snop  }
0x3c: {  	p2 =	seq.s32 s10, $0x1;
	s10 =	sld [smem:$0x3FBA]  }
0x3d: {  	_ =	shalt  }
0x3e: {  	_ =	shalt  }
0x3f: {  	_ =	shalt  }
0x40: {  	_ =	shalt  }
0x41: {  	_ =	shalt  }
0x42: {  	_ =	shalt  }
0x43: {  	_ =	shalt  }
0x44: {  	_ =	shalt  }
0x45: {  	_ =	shalt  }
0x46: {  	_ =	shalt  }
0x47: {  	_ =	shalt  }
0x48: {  	_ =	shalt  }
0x49: {  	_ =	shalt  }
0x4a: {  	_ =	shalt  }
0x4b: {  	_ =	shalt  }
0x4c: {  	_ =	shalt  }
0x4d: {  	_ =	shalt  }
0x4e: {  	_ =	shalt  }
0x4f: {  	_ =	shalt  }
0x50: {  	_ =	shalt  }
0x51: {  	_ =	shalt  }
0x52: {  	_ =	shalt  }
0x53: {  	_ =	shalt  }
0x54: {  	_ =	shalt  }
0x55: {  	_ =	shalt  }
0x56: {  	_ =	shalt  }
0x57: {  	_ =	shalt  }
0x58: {  	_ =	shalt  }
0x59: {  	_ =	shalt  }
0x5a: {  	_ =	shalt  }
0x5b: {  	_ =	shalt  }
0x5c: {  	_ =	shalt  }
0x5d: {  	_ =	shalt  }
0x5e: {  	_ =	shalt  }
0x5f: {  	_ =	shalt  }
0x60: {  	_ =	shalt  }
0x61: {  	_ =	shalt  }
0x62: {  	_ =	shalt  }
0x63: {  	_ =	shalt  }
0x64: {  	_ =	shalt  }
0x65: {  	_ =	shalt  }
0x66: {  	_ =	shalt  }
0x67: {  	_ =	shalt  }
0x68: {  	_ =	shalt  }
0x69: {  	_ =	shalt  }
0x6a: {  	_ =	shalt  }
0x6b: {  	_ =	shalt  }
0x6c: {  	_ =	shalt  }
0x6d: {  	_ =	shalt  }
0x6e: {  	_ =	shalt  }
0x6f: {  	_ =	shalt  }
0x70: {  	_ =	shalt  }
0x71: {  	_ =	shalt  }
0x72: {  	_ =	shalt  }
0x73: {  	_ =	shalt  }
0x74: {  	_ =	shalt  }
0x75: {  	_ =	shalt  }
0x76: {  	_ =	shalt  }
0x77: {  	_ =	shalt  }
0x78: {  	_ =	shalt  }
0x79: {  	_ =	shalt  }
0x7a: {  	_ =	shalt  }
0x7b: {  	_ =	shalt  }
0x7c: {  	_ =	shalt  }
0x7d: {  	_ =	shalt  }
0x7e: {  	_ =	shalt  }
0x7f: {  	_ =	shalt  }
0x80: {  	_ =	shalt  }
0x81: {  	_ =	shalt  }
0x82: {  	_ =	shalt  }
0x83: {  	_ =	shalt  }
0x84: {  	_ =	shalt  }
0x85: {  	_ =	shalt  }
0x86: {  	_ =	shalt  }
0x87: {  	_ =	shalt  }
.Lfunc_end0:
.L_simem_size_0:
called_computation.3_lowered:
.L_overlay_start_0:
0x88: {  	s2 =	sld [smem:$0x3FD9]  }
0x89: {  	s3 =	sld [smem:$0x3FFE];
	_ =	sdelay $0x1  }
0x8a: {  	s1 =	srdreg.scid  }
0x8b: {  	s0 =	sand.u32 $0x1, s1  }
0x8c: {  	s17 =	sshll.u32 s0, $0xA;
	s2 =	sadd.s32 s3, s2  }
0x8d: {  	s2 =	sadd.s32 s2, s17  }
0x8e: {  	[smem:$0x3FC6] =	sst s2  }
0x8f: {  	_ = 	snop  }
0x90: {  	s18 =	sld [smem:$0x3FD0];
	(tm) =	ssettm $0x1  }
0x91: {  	s19 =	sld [smem:$0x3FFB];
	_ =	sdelay $0x3  }
0x92: {  	_ =	strace s19  }
0x93: {  	s2 =	sld [smem:$0x3FFC];
	_ =	sdelay $0x3  }
0x94: {  	_ =	strace s2  }
0x95: {  	s2 =	sld [smem:$0x3FFD];
	_ =	sdelay $0x3  }
0x96: {  	_ =	strace s2  }
0x97: {  	_ =	strace $0x8FFFFFFF  }
0x98: {  	s20 =	sld [smem:$0x3FDB];
	_ =	sdelay $0x1  }
0x99: {  	s4 =	simm.s32 $_scs_section_size  }
0x9a: {  	s5 =	simm.s32 $_size__tile_overlayer_lowered;
	s6 =	simm.s32 $_tile_overlayer_lowered  }
0x9b: {  	s7 =	simm.s32 $0x1BFF;
	s21 =	sshll.u32 s6, $0x1;
	s4 =	sadd.s32 s4, s20  }
0x9c: {  	s22 =	simm.s32 $0x0;
	s5 =	sshll.u32 s5, $0x1;
	s6 =	sadd.s32 s21, s4  }
0x9d: {  	[timem:s22], [sflag:s7] =	dma.local [hbm:s6], s5  }
0x9e: {  	_ =	swait.ge [sflag:s7], s5  }
0x9f: {  	s5 =	ssub.s32 $0x0, s5;
	[sflag:s7] =	ssyncset.done $0x0  }
0xa0: {  	[sflag:s7] =	ssyncadd.s32 s5;
	_ =	sdelay $0x1  }
0xa1: {  	s23 =	simm.s32 $0x1B8B  }
0xa2: {  	_ =	swait.ge [sflag:s23], $0x1  }
0xa3: {  	[sflag:s23] =	ssyncset.done $0x0  }
0xa4: {  	[sflag:s23] =	ssyncadd.s32 $0xFFFFFFFF  }
0xa5: {  	s5 =	sld [smem:$0x0]  }
0xa6: {  	s6 =	sand.u32 $0xFFFFFFFE, s1  }
0xa7: {  	p0 =	sne.s32 s1, s6  }
0xa8: {  	s6 =	sshll.u32 @p0 s6, $0xE  }
0xa9: {  	s6 =	sadd.s32 @p0 $0x11B8D, s6;
	s7 =	sshll.u32 @p0 s5, $0x11  }
0xaa: {  	s6 =	sor.u32 @p0 s7, s6  }
0xab: {  	[sflag:s6] =	ssyncadd.remote.s32 @p0 $0x1;
	_ =	sdelay $0x1  }
0xac: {  	s6 =	simm.s32 @p0 $0x1B8D  }
0xad: {  	_ =	swait.eq @p0 [sflag:s6], $0x1  }
0xae: {  	[sflag:s6] =	ssyncadd.s32 @p0 $0xFFFFFFFF  }
0xaf: {  	s7 =	sshll.u32 @!p0 s1, $0xE  }
0xb0: {  	s7 =	sor.u32 @!p0 $0x4000, s7;
	s6 =	simm.s32 @!p0 $0x1B8D  }
0xb1: {  	s5 =	sshll.u32 @!p0 s5, $0x11;
	s7 =	sadd.s32 @!p0 $0x11B8D, s7;
	_ =	swait.eq @!p0 [sflag:s6], $0x1  }
0xb2: {  	s5 =	sor.u32 @!p0 s5, s7;
	[sflag:s6] =	ssyncadd.s32 @!p0 $0xFFFFFFFF  }
0xb3: {  	s25 =	simm.s32 $0x1B8E;
	s24 =	sld [smem:$0x3FFE];
	[sflag:s5] =	ssyncadd.remote.s32 @!p0 $0x1  }
0xb4: {  	s26 =	simm.s32 $execute0_lowered;
	[smem:$0x3FD2] =	sst s25  }
0xb5: {  	s6 =	sshll.u32 s26, $0x1;
	_ =	strace $0x80000049;
	[dreg:$0x1] =	wrdreg $0xFFFFFFFF  }
0xb6: {  	s28 =	simm.s32 $_size_execute0_lowered;
	s4 =	sadd.s32 s4, s6;
	[dreg:$0x0] =	wrdreg $0x0  }
0xb7: {  	s6 =	sshll.u32 s28, $0x1;
	[dreg:$0x2] =	wrdreg s4  }
0xb8: {  	[dreg:$0x3] =	wrdreg s6  }
0xb9: {  	[dreg:$0x4] =	wrdreg $0xC0  }
0xba: {  	_ =	task [dreg:s22], $0x5FFFF  }
0xbb: {  	[dreg:$0x1] =	wrdreg $0xFFFFFFFF  }
0xbc: {  	[dreg:$0x0] =	wrdreg $0x60  }
0xbd: {  	[dreg:$0x2] =	wrdreg s24  }
0xbe: {  	[dreg:$0x3] =	wrdreg s18  }
0xbf: {  	[dreg:$0x4] =	wrdreg $0xA  }
0xc0: {  	_ =	task.clear_ibuf [dreg:s22], $0x5FFFF;
	_ =	strace $0x90000049  }
0xc1: {  	s29 =	simm.s32 $0xA;
	_ =	strace $0x8000004B  }
0xc2: {  	_ =	swait.ge [sflag:s29], $0x1  }
0xc3: {  	[sflag:s29] =	ssyncadd.s32 $0xFFFFFFFF  }
0xc4: {  	_ =	strace $0x9000004B  }
0xc5: {  	_ =	sfence  }
0xc6: {  	s30 =	sld [smem:$0x0];
	_ =	sdelay $0x2  }
0xc7: {  	s31 =	sshll.u32 s1, $0xD;
	s1 =	sshrl.u32 s1, $0x2  }
0xc8: {  	s4 =	sand.u32 $0x4000, s31;
	s1 =	sadd.s32 s1, s30  }
0xc9: {  	s0 =	sor.u32 s4, s0;
	s1 =	sshll.u32 s1, $0x11  }
0xca: {  	s0 =	sor.u32 s1, s0  }
0xcb: {  	s0 =	sadd.s32 $0x8F2B, s0  }
0xcc: {  	[sflag:s0] =	ssyncadd.remote.s32 $0x1  }
0xcd: {  	_ =	sfence.sel $0xFFFF  }
0xce: {  	[dreg:$0x0] =	wrdreg $0xFFFFFFFF;
	(pc) =	sbr.abs _section_cstart, $3  }
0xcf: {  	[dreg:$0x1] =	wrdreg $0xFFFFFFFF  }
0xd0: {  	_ =	task.clear_ibuf [dreg:s22], $0x2FFFF;
	_ =	strace $0x9FFFFFFF  }
0xd1: {  	(tm) =	ssettm $0x7FFFFFFF  }
tec
execute0_lowered:
.L_overlay_start_1:
0x0: {  	(tag) =	ssettag $0x1  }
0x1: {  	s0 =	rddreg [dreg:$0x0]  }
0x2: {  	s1 =	srdreg.scid;
	s13 =	stileid.u32  }
0x3: {  	s7 =	rddreg [dreg:$0x1];
	s8 =	smul.u32 $0x3200, s13  }
0x4: {  	s2 =	simm.s32 $0x0;
	s28 =	simm.s32 $0x2;
	s11 =	smul.u32 $0x320000, s13  }
0x5: {  	s29 =	simm.s32 $0x3;
	s1 =	sand.u32 $0x1, s1;
	s17 =	smul.u32 $0x64000, s13  }
0x6: {  	s30 =	simm.s32 $0x0;
	s3 =	sshll.u32 s13, $0x1;
	s10 =	smul.u32 $0x1900, s1  }
0x7: {  	[smem:$0x7FF] =	sst s2;
	s9 =	sadd.s32 $0x673400, s0;
	s12 =	smul.u32 $0x190000, s1  }
0x8: {  	s3 =	sor.u32 s1, s3;
	s5 =	ssub.s32 $0x2, s1;
	s1 =	smul.u32 $0x32000, s1  }
0x9: {  	_ =	strace $0x8000004A;
	s4 =	smul.u32 $0x1900, s3;
	s16 =	sshrl.u32 s5, $0x1  }
0xa: {  	s3 =	sadd.s32 $0xF75800, s0;
	s8 =	sadd.s32 s8, s9;
	s0 =	ssub.s32 s5, s16  }
0xb: {  	s18 =	sadd.s32 s12, s11;
	s8 =	sadd.s32 s10, s8;
	s16 =	simm.s32 $0x1  }
0xc: {  	s4 =	sadd.s32 s9, s4;
	s6 =	smax.u32 s0, $0x1;
	s0 =	sadd.s32 s17, s7  }
0xd: {  	s19 =	sor.u32 $0xAF00, s18;
	s31 =	sadd.s32 $0x190, s8;
	s21 =	sor.u32 $0x9600, s18  }
0xe: {  	s22 =	sor.u32 $0x7D00, s18;
	s12 =	sor.u32 $0x6400, s18;
	s24 =	sor.u32 $0x4B00, s18  }
0xf: {  	s25 =	sor.u32 $0x3200, s18;
	s15 =	sor.u32 $0x1900, s18;
	s17 =	simm.s32 $0x50  }
0x10: {  	s5 =	sadd.s32 $0xC8, s4;
	s8 =	sadd.s32 s1, s0;
	s20 =	sshrl.u32 s19, $0x3  }
0x11: {  	s0 =	sshrl.u32 s21, $0x3;
	s1 =	sshrl.u32 s22, $0x3;
	s23 =	sshrl.u32 s12, $0x3  }
.Ltmp0:
0x12: {  	s26 =	sshrl.u32 s15, $0x3;
	s9 =	sadd.s32 s20, s7;
	(pc) =	sbr.rel .LBB2_1-.Ltmp0, $4  }
0x13: {  	s10 =	sadd.s32 s0, s7;
	s11 =	sadd.s32 s1, s7;
	s12 =	sadd.s32 s23, s7  }
0x14: {  	s0 =	sshrl.u32 s24, $0x3;
	s1 =	sshrl.u32 s25, $0x3;
	s15 =	sadd.s32 s26, s7  }
0x15: {  	s23 =	simm.s32 $0xC080;
	s24 =	simm.s32 $0x5F0;
	s25 =	simm.s32 $0xCA80  }
0x16: {  	s26 =	simm.s32 $0x640;
	s13 =	sadd.s32 s0, s7;
	s14 =	sadd.s32 s1, s7  }
.LBB2_5:
0x17: {  	_ =	swait.ge [sflag:s29], $0x1900  }
0x18: {  	[sflag:s29] =	ssyncset.done $0x0  }
0x19: {  	[sflag:s29] =	ssyncadd.s32 $0xFFFFE700  }
0x1a: {  	_ =	swait.ge [sflag:s29], $0x1900  }
0x1b: {  	[sflag:s29] =	ssyncset.done $0x0  }
0x1c: {  	[sflag:s29] =	ssyncadd.s32 $0xFFFFE700  }
0x1d: {  	_ =	swait.ge [sflag:s29], $0x1900  }
0x1e: {  	[sflag:s29] =	ssyncset.done $0x0  }
0x1f: {  	[sflag:s29] =	ssyncadd.s32 $0xFFFFE700  }
0x20: {  	_ =	swait.ge [sflag:s29], $0x1900  }
0x21: {  	[sflag:s29] =	ssyncset.done $0x0  }
0x22: {  	[sflag:s29] =	ssyncadd.s32 $0xFFFFE700  }
0x23: {  	_ =	swait.ge [sflag:s29], $0x1900  }
0x24: {  	[sflag:s29] =	ssyncset.done $0x0  }
0x25: {  	[sflag:s29] =	ssyncadd.s32 $0xFFFFE700  }
0x26: {  	_ =	swait.ge [sflag:s29], $0x1900  }
0x27: {  	[sflag:s29] =	ssyncset.done $0x0  }
0x28: {  	s30 =	sadd.s32 $0x1, s30;
	[sflag:s29] =	ssyncadd.s32 $0xFFFFE700  }
0x29: {  	p0 =	sne.s32 s30, s6;
	_ =	swait.ge [sflag:s29], $0x1900  }
.Ltmp1:
0x2a: {  	[sflag:s29] =	ssyncset.done $0x0;
	(pc) =	sbr.rel @!p0 .LBB2_6-.Ltmp1, $4  }
0x2b: {  	[sflag:s29] =	ssyncadd.s32 $0xFFFFE700  }
0x2c: {  	_ =	swait.ge [sflag:s29], $0x1900  }
0x2d: {  	[sflag:s29] =	ssyncset.done $0x0  }
0x2e: {  	[sflag:s29] =	ssyncadd.s32 $0xFFFFE700  }
.LBB2_1:
0x2f: {  	[tilespmem:s2], [sflag:$0x1] =	stream.linear.gather [hbm4b:s4+s2], $0x640, $0x38;
	[tilespmem:$0x19C80] =	vst v63  }
0x30: {  	_ =	swait.ge [sflag:s16], $0x640  }
0x31: {  	[sflag:s16] =	ssyncset.done $0x0  }
0x32: {  	s0 =	simm.s32 $0xC80;
	[sflag:s16] =	ssyncadd.s32 $0xFFFFF9C0  }
0x33: {  	[tilespmem:s0], [sflag:$0x2] =	stream.indirect.gather [hbm4b:s3+s17], $0x20, s2, s17, $0xb8;
	[tilespmem:$0x19C80] =	vst v63  }
0x34: {  	s21 =	simm.s32 $0x1680  }
0x35: {  	[tilespmem:s21], [sflag:$0x2] =	stream.indirect.gather [hbm4b:s3+s17], $0x20, s17, s17, $0xb8;
	[tilespmem:$0x19C80] =	vst v63  }
0x36: {  	s22 =	simm.s32 $0xA0;
	s1 =	simm.s32 $0x2080  }
0x37: {  	[tilespmem:s1], [sflag:$0x2] =	stream.indirect.gather [hbm4b:s3+s17], $0x20, s22, s17, $0xb8;
	[tilespmem:$0x19C80] =	vst v63  }
0x38: {  	s7 =	simm.s32 $0xF0;
	s18 =	simm.s32 $0x2A80  }
0x39: {  	[tilespmem:s18], [sflag:$0x2] =	stream.indirect.gather [hbm4b:s3+s17], $0x20, s7, s17, $0xb8;
	[tilespmem:$0x19C80] =	vst v63  }
0x3a: {  	s19 =	simm.s32 $0x140;
	s20 =	simm.s32 $0x3480  }
0x3b: {  	[tilespmem:s20], [sflag:$0x2] =	stream.indirect.gather [hbm4b:s3+s17], $0x20, s19, s17, $0xb8;
	[tilespmem:$0x19C80] =	vst v63  }
0x3c: {  	s21 =	simm.s32 $0x190;
	s22 =	simm.s32 $0x3E80  }
0x3d: {  	[tilespmem:s22], [sflag:$0x2] =	stream.indirect.gather [hbm4b:s3+s17], $0x20, s21, s17, $0xb8;
	[tilespmem:$0x19C80] =	vst v63  }
0x3e: {  	s7 =	simm.s32 $0x1E0;
	s18 =	simm.s32 $0x4880  }
0x3f: {  	[tilespmem:s18], [sflag:$0x2] =	stream.indirect.gather [hbm4b:s3+s17], $0x20, s7, s17, $0xb8;
	[tilespmem:$0x19C80] =	vst v63  }
0x40: {  	s19 =	simm.s32 $0x230;
	s20 =	simm.s32 $0x5280  }
0x41: {  	[tilespmem:s20], [sflag:$0x2] =	stream.indirect.gather [hbm4b:s3+s17], $0x20, s19, s17, $0xb8;
	[tilespmem:$0x19C80] =	vst v63  }
0x42: {  	s21 =	simm.s32 $0x280;
	s22 =	simm.s32 $0x5C80  }
0x43: {  	[tilespmem:s22], [sflag:$0x2] =	stream.indirect.gather [hbm4b:s3+s17], $0x20, s21, s17, $0xb8;
	[tilespmem:$0x19C80] =	vst v63  }
0x44: {  	s7 =	simm.s32 $0x2D0;
	s18 =	simm.s32 $0x6680  }
0x45: {  	[tilespmem:s18], [sflag:$0x2] =	stream.indirect.gather [hbm4b:s3+s17], $0x20, s7, s17, $0xb8;
	[tilespmem:$0x19C80] =	vst v63  }
0x46: {  	s19 =	simm.s32 $0x320;
	s20 =	simm.s32 $0x7080  }
0x47: {  	[tilespmem:s20], [sflag:$0x2] =	stream.indirect.gather [hbm4b:s3+s17], $0x20, s19, s17, $0xb8;
	[tilespmem:$0x19C80] =	vst v63  }
0x48: {  	s21 =	simm.s32 $0x370;
	s22 =	simm.s32 $0x7A80  }
0x49: {  	[tilespmem:s22], [sflag:$0x2] =	stream.indirect.gather [hbm4b:s3+s17], $0x20, s21, s17, $0xb8;
	[tilespmem:$0x19C80] =	vst v63  }
0x4a: {  	s7 =	simm.s32 $0x3C0;
	s18 =	simm.s32 $0x8480  }
0x4b: {  	[tilespmem:s18], [sflag:$0x2] =	stream.indirect.gather [hbm4b:s3+s17], $0x20, s7, s17, $0xb8;
	[tilespmem:$0x19C80] =	vst v63  }
0x4c: {  	s19 =	simm.s32 $0x410;
	s20 =	simm.s32 $0x8E80  }
0x4d: {  	[tilespmem:s20], [sflag:$0x2] =	stream.indirect.gather [hbm4b:s3+s17], $0x20, s19, s17, $0xb8;
	[tilespmem:$0x19C80] =	vst v63  }
0x4e: {  	s21 =	simm.s32 $0x460;
	s22 =	simm.s32 $0x9880  }
0x4f: {  	[tilespmem:s22], [sflag:$0x2] =	stream.indirect.gather [hbm4b:s3+s17], $0x20, s21, s17, $0xb8;
	[tilespmem:$0x19C80] =	vst v63  }
0x50: {  	s1 =	simm.s32 $0x4B0;
	s7 =	simm.s32 $0xA280  }
0x51: {  	[tilespmem:s7], [sflag:$0x2] =	stream.indirect.gather [hbm4b:s3+s17], $0x20, s1, s17, $0xb8;
	[tilespmem:$0x19C80] =	vst v63  }
0x52: {  	s18 =	simm.s32 $0x500;
	s19 =	simm.s32 $0xAC80  }
0x53: {  	[tilespmem:s19], [sflag:$0x2] =	stream.indirect.gather [hbm4b:s3+s17], $0x20, s18, s17, $0xb8;
	[tilespmem:$0x19C80] =	vst v63  }
0x54: {  	s20 =	simm.s32 $0x550;
	s21 =	simm.s32 $0xB680  }
0x55: {  	[tilespmem:s21], [sflag:$0x2] =	stream.indirect.gather [hbm4b:s3+s17], $0x20, s20, s17, $0xb8;
	[tilespmem:$0x19C80] =	vst v63  }
0x56: {  	s22 =	simm.s32 $0x5A0  }
0x57: {  	[tilespmem:s23], [sflag:$0x2] =	stream.indirect.gather [hbm4b:s3+s17], $0x20, s22, s17, $0xb8;
	[tilespmem:$0x19C80] =	vst v63  }
.Ltmp2:
0x58: {  	_ = 	snop;
	(pc) =	sbr.rel .LBB2_2-.Ltmp2, $4  }
0x59: {  	_ = 	snop  }
0x5a: {  	[tilespmem:s25], [sflag:$0x2] =	stream.indirect.gather [hbm4b:s3+s17], $0x20, s24, s17, $0xb8;
	[tilespmem:$0x19C80] =	vst v63  }
0x5b: {  	s0 =	simm.s32 $0x0;
	s7 =	smov.u32 s31;
	s1 =	simm.s32 $0x0  }
0x5c: {  	[tilespmem:s26], [sflag:$0x1] =	stream.linear.gather [hbm4b:s5+s2], $0x640, $0x38;
	[tilespmem:$0x19C80] =	vst v63  }
.LBB2_4:
0x5d: {  	s19 =	smul.u32 $0x32000, s18;
	_ =	sdelay $0x1  }
0x5e: {  	s19 =	sshrl.u32 s19, $0x2  }
0x5f: {  	s21 =	sadd.s32 s1, s8;
	s20 =	sadd.s32 $0xC80, s19  }
0x60: {  	[hbm4b:s21+s2] =	stream.linear.scatter [tilespmem:s20], [sflag:$0x3], $0x1900, $0x38;
	[tilespmem:$0x19C80] =	vst v63  }
0x61: {  	s22 =	sadd.s32 $0x2580, s19;
	s21 =	sadd.s32 s1, s15  }
0x62: {  	[hbm4b:s21+s2] =	stream.linear.scatter [tilespmem:s22], [sflag:$0x3], $0x1900, $0x38;
	[tilespmem:$0x19C80] =	vst v63  }
0x63: {  	s21 =	sadd.s32 s1, s14;
	s22 =	sadd.s32 $0x3E80, s19  }
0x64: {  	[hbm4b:s21+s2] =	stream.linear.scatter [tilespmem:s22], [sflag:$0x3], $0x1900, $0x38;
	[tilespmem:$0x19C80] =	vst v63  }
0x65: {  	s21 =	sadd.s32 s1, s13;
	s22 =	sadd.s32 $0x5780, s19  }
0x66: {  	[hbm4b:s21+s2] =	stream.linear.scatter [tilespmem:s22], [sflag:$0x3], $0x1900, $0x38;
	[tilespmem:$0x19C80] =	vst v63  }
0x67: {  	s21 =	sadd.s32 s1, s12;
	s22 =	sadd.s32 $0x7080, s19  }
0x68: {  	[hbm4b:s21+s2] =	stream.linear.scatter [tilespmem:s22], [sflag:$0x3], $0x1900, $0x38;
	[tilespmem:$0x19C80] =	vst v63  }
0x69: {  	s21 =	sadd.s32 s1, s11;
	s22 =	sadd.s32 $0x8980, s19  }
0x6a: {  	[hbm4b:s21+s2] =	stream.linear.scatter [tilespmem:s22], [sflag:$0x3], $0x1900, $0x38;
	[tilespmem:$0x19C80] =	vst v63  }
0x6b: {  	p0 =	sgt.u32 s0, $0x1D;
	s21 =	sadd.s32 s1, s10;
	s22 =	sadd.s32 $0xA280, s19  }
0x6c: {  	[hbm4b:s21+s2] =	stream.linear.scatter [tilespmem:s22], [sflag:$0x3], $0x1900, $0x38;
	[tilespmem:$0x19C80] =	vst v63  }
0x6d: {  	s18 =	smul.u32 @!p0 $0x1900, s18;
	s19 =	sadd.s32 $0xBB80, s19;
	s22 =	sadd.s32 s1, s9  }
0x6e: {  	[hbm4b:s22+s2] =	stream.linear.scatter [tilespmem:s19], [sflag:$0x3], $0x1900, $0x38;
	[tilespmem:$0x19C80] =	vst v63  }
0x6f: {  	s18 =	sshrl.u32 @!p0 s18, $0x2;
	s1 =	sadd.s32 $0x1900, s1;
	s19 =	simm.s32 @!p0 $0x0  }
0x70: {  	[tilespmem:s18], [sflag:$0x1] =	stream.linear.gather @!p0 [hbm4b:s7+s19], $0x640, $0x38;
	[tilespmem:$0x19C80] =	vst v63  }
0x71: {  	p0 =	sne.s32 s1, $0x32000  }
.Ltmp3:
0x72: {  	_ = 	snop;
	(pc) =	sbr.rel @!p0 .LBB2_5-.Ltmp3, $2  }
0x73: {  	_ =	sdelay $0x2  }
0x74: {  	s0 =	sadd.s32 $0x1, s0;
	s7 =	sadd.s32 $0xC8, s7  }
.LBB2_2:
0x75: {  	p0 =	seq.s32 s1, $0x30700  }
0x76: {  	s18 =	simm.s32 @!p0 $0x1  }
0x77: {  	_ =	swait.ge @!p0 [sflag:s18], $0x640  }
0x78: {  	[sflag:s18] =	ssyncset.done @!p0 $0x0  }
0x79: {  	[sflag:s18] =	ssyncadd.s32 @!p0 $0xFFFFF9C0  }
0x7a: {  	_ =	swait.ge [sflag:s28], $0xA00  }
0x7b: {  	[sflag:s28] =	ssyncset.done $0x0  }
0x7c: {  	[sflag:s28] =	ssyncadd.s32 $0xFFFFF600  }
0x7d: {  	_ =	swait.ge [sflag:s28], $0xA00  }
0x7e: {  	[sflag:s28] =	ssyncset.done $0x0  }
0x7f: {  	[sflag:s28] =	ssyncadd.s32 $0xFFFFF600  }
0x80: {  	_ =	swait.ge [sflag:s28], $0xA00  }
0x81: {  	[sflag:s28] =	ssyncset.done $0x0  }
0x82: {  	[sflag:s28] =	ssyncadd.s32 $0xFFFFF600  }
0x83: {  	_ =	swait.ge [sflag:s28], $0xA00  }
0x84: {  	[sflag:s28] =	ssyncset.done $0x0  }
0x85: {  	[sflag:s28] =	ssyncadd.s32 $0xFFFFF600  }
0x86: {  	_ =	swait.ge [sflag:s28], $0xA00  }
0x87: {  	[sflag:s28] =	ssyncset.done $0x0  }
0x88: {  	[sflag:s28] =	ssyncadd.s32 $0xFFFFF600  }
0x89: {  	_ =	swait.ge [sflag:s28], $0xA00  }
0x8a: {  	[sflag:s28] =	ssyncset.done $0x0  }
0x8b: {  	[sflag:s28] =	ssyncadd.s32 $0xFFFFF600  }
0x8c: {  	_ =	swait.ge [sflag:s28], $0xA00  }
0x8d: {  	[sflag:s28] =	ssyncset.done $0x0  }
0x8e: {  	[sflag:s28] =	ssyncadd.s32 $0xFFFFF600  }
0x8f: {  	_ =	swait.ge [sflag:s28], $0xA00  }
0x90: {  	[sflag:s28] =	ssyncset.done $0x0  }
0x91: {  	[sflag:s28] =	ssyncadd.s32 $0xFFFFF600  }
0x92: {  	_ =	swait.ge [sflag:s28], $0xA00  }
0x93: {  	[sflag:s28] =	ssyncset.done $0x0  }
0x94: {  	[sflag:s28] =	ssyncadd.s32 $0xFFFFF600  }
0x95: {  	_ =	swait.ge [sflag:s28], $0xA00  }
0x96: {  	[sflag:s28] =	ssyncset.done $0x0  }
0x97: {  	[sflag:s28] =	ssyncadd.s32 $0xFFFFF600  }
0x98: {  	_ =	swait.ge [sflag:s28], $0xA00  }
0x99: {  	[sflag:s28] =	ssyncset.done $0x0  }
0x9a: {  	[sflag:s28] =	ssyncadd.s32 $0xFFFFF600  }
0x9b: {  	_ =	swait.ge [sflag:s28], $0xA00  }
0x9c: {  	[sflag:s28] =	ssyncset.done $0x0  }
0x9d: {  	[sflag:s28] =	ssyncadd.s32 $0xFFFFF600  }
0x9e: {  	_ =	swait.ge [sflag:s28], $0xA00  }
0x9f: {  	[sflag:s28] =	ssyncset.done $0x0  }
0xa0: {  	[sflag:s28] =	ssyncadd.s32 $0xFFFFF600  }
0xa1: {  	_ =	swait.ge [sflag:s28], $0xA00  }
0xa2: {  	[sflag:s28] =	ssyncset.done $0x0  }
0xa3: {  	[sflag:s28] =	ssyncadd.s32 $0xFFFFF600  }
0xa4: {  	_ =	swait.ge [sflag:s28], $0xA00  }
0xa5: {  	[sflag:s28] =	ssyncset.done $0x0  }
0xa6: {  	[sflag:s28] =	ssyncadd.s32 $0xFFFFF600  }
0xa7: {  	_ =	swait.ge [sflag:s28], $0xA00  }
0xa8: {  	[sflag:s28] =	ssyncset.done $0x0  }
0xa9: {  	[sflag:s28] =	ssyncadd.s32 $0xFFFFF600  }
0xaa: {  	_ =	swait.ge [sflag:s28], $0xA00  }
0xab: {  	[sflag:s28] =	ssyncset.done $0x0  }
0xac: {  	[sflag:s28] =	ssyncadd.s32 $0xFFFFF600  }
0xad: {  	_ =	swait.ge [sflag:s28], $0xA00  }
0xae: {  	[sflag:s28] =	ssyncset.done $0x0  }
0xaf: {  	[sflag:s28] =	ssyncadd.s32 $0xFFFFF600  }
0xb0: {  	_ =	swait.ge [sflag:s28], $0xA00  }
0xb1: {  	[sflag:s28] =	ssyncset.done $0x0  }
0xb2: {  	[sflag:s28] =	ssyncadd.s32 $0xFFFFF600  }
0xb3: {  	_ =	swait.ge [sflag:s28], $0xA00  }
0xb4: {  	p0 =	seq.s32 s1, $0x0;
	[sflag:s28] =	ssyncset.done $0x0  }
0xb5: {  	s19 =	simm.s32 @!p0 $0x3;
	[sflag:s28] =	ssyncadd.s32 $0xFFFFF600  }
0xb6: {  	_ =	swait.ge @!p0 [sflag:s19], $0x1900  }
0xb7: {  	[sflag:s19] =	ssyncset.done @!p0 $0x0  }
0xb8: {  	[sflag:s19] =	ssyncadd.s32 @!p0 $0xFFFFE700  }
0xb9: {  	_ =	swait.ge @!p0 [sflag:s19], $0x1900  }
0xba: {  	[sflag:s19] =	ssyncset.done @!p0 $0x0  }
0xbb: {  	[sflag:s19] =	ssyncadd.s32 @!p0 $0xFFFFE700  }
0xbc: {  	_ =	swait.ge @!p0 [sflag:s19], $0x1900  }
0xbd: {  	[sflag:s19] =	ssyncset.done @!p0 $0x0  }
0xbe: {  	[sflag:s19] =	ssyncadd.s32 @!p0 $0xFFFFE700  }
0xbf: {  	_ =	swait.ge @!p0 [sflag:s19], $0x1900  }
0xc0: {  	[sflag:s19] =	ssyncset.done @!p0 $0x0  }
0xc1: {  	[sflag:s19] =	ssyncadd.s32 @!p0 $0xFFFFE700  }
0xc2: {  	_ =	swait.ge @!p0 [sflag:s19], $0x1900  }
0xc3: {  	[sflag:s19] =	ssyncset.done @!p0 $0x0  }
0xc4: {  	[sflag:s19] =	ssyncadd.s32 @!p0 $0xFFFFE700  }
0xc5: {  	_ =	swait.ge @!p0 [sflag:s19], $0x1900  }
0xc6: {  	[sflag:s19] =	ssyncset.done @!p0 $0x0  }
0xc7: {  	p1 =	seq.s32 @!p0 s1, $0x30700;
	[sflag:s19] =	ssyncadd.s32 @!p0 $0xFFFFE700  }
0xc8: {  	p1 =	por p0, !p1;
	_ =	swait.ge @!p0 [sflag:s19], $0x1900  }
.Ltmp4:
0xc9: {  	[sflag:s19] =	ssyncset.done @!p0 $0x0;
	(pc) =	sbr.rel @!p1 .LBB2_4-.Ltmp4, $4  }
0xca: {  	[sflag:s19] =	ssyncadd.s32 @!p0 $0xFFFFE700  }
0xcb: {  	_ =	swait.ge @!p0 [sflag:s19], $0x1900  }
0xcc: {  	[sflag:s19] =	ssyncset.done @!p0 $0x0  }
0xcd: {  	s18 =	sand.u32 $0x1, s0;
	[sflag:s19] =	ssyncadd.s32 @!p0 $0xFFFFE700  }
0xce: {  	s19 =	sxor.u32 $0x1, s18  }
0xcf: {  	s20 =	smul.u32 $0x32000, s19  }
0xd0: {  	s19 =	smul.u32 $0x1900, s19  }
0xd1: {  	s20 =	sshrl.u32 s20, $0x2  }
0xd2: {  	s19 =	sshrl.u32 s19, $0x2;
	s21 =	sadd.s32 $0xC80, s20  }
0xd3: {  	[tilespmem:s21], [sflag:$0x2] =	stream.indirect.gather [hbm4b:s3+s17], $0x20, s19, s17, $0xb8;
	[tilespmem:$0x19C80] =	vst v63  }
0xd4: {  	s22 =	sadd.s32 $0x50, s19;
	s21 =	sadd.s32 $0x1680, s20  }
0xd5: {  	[tilespmem:s21], [sflag:$0x2] =	stream.indirect.gather [hbm4b:s3+s17], $0x20, s22, s17, $0xb8;
	[tilespmem:$0x19C80] =	vst v63  }
0xd6: {  	s21 =	sadd.s32 $0x2080, s20;
	s22 =	sadd.s32 $0xA0, s19  }
0xd7: {  	[tilespmem:s21], [sflag:$0x2] =	stream.indirect.gather [hbm4b:s3+s17], $0x20, s22, s17, $0xb8;
	[tilespmem:$0x19C80] =	vst v63  }
0xd8: {  	s21 =	sadd.s32 $0x2A80, s20;
	s22 =	sadd.s32 $0xF0, s19  }
0xd9: {  	[tilespmem:s21], [sflag:$0x2] =	stream.indirect.gather [hbm4b:s3+s17], $0x20, s22, s17, $0xb8;
	[tilespmem:$0x19C80] =	vst v63  }
0xda: {  	s21 =	sadd.s32 $0x3480, s20;
	s22 =	sadd.s32 $0x140, s19  }
0xdb: {  	[tilespmem:s21], [sflag:$0x2] =	stream.indirect.gather [hbm4b:s3+s17], $0x20, s22, s17, $0xb8;
	[tilespmem:$0x19C80] =	vst v63  }
0xdc: {  	s21 =	sadd.s32 $0x3E80, s20;
	s22 =	sadd.s32 $0x190, s19  }
0xdd: {  	[tilespmem:s21], [sflag:$0x2] =	stream.indirect.gather [hbm4b:s3+s17], $0x20, s22, s17, $0xb8;
	[tilespmem:$0x19C80] =	vst v63  }
0xde: {  	s21 =	sadd.s32 $0x4880, s20;
	s22 =	sadd.s32 $0x1E0, s19  }
0xdf: {  	[tilespmem:s21], [sflag:$0x2] =	stream.indirect.gather [hbm4b:s3+s17], $0x20, s22, s17, $0xb8;
	[tilespmem:$0x19C80] =	vst v63  }
0xe0: {  	s21 =	sadd.s32 $0x5280, s20;
	s22 =	sadd.s32 $0x230, s19  }
0xe1: {  	[tilespmem:s21], [sflag:$0x2] =	stream.indirect.gather [hbm4b:s3+s17], $0x20, s22, s17, $0xb8;
	[tilespmem:$0x19C80] =	vst v63  }
0xe2: {  	s21 =	sadd.s32 $0x5C80, s20;
	s22 =	sadd.s32 $0x280, s19  }
0xe3: {  	[tilespmem:s21], [sflag:$0x2] =	stream.indirect.gather [hbm4b:s3+s17], $0x20, s22, s17, $0xb8;
	[tilespmem:$0x19C80] =	vst v63  }
0xe4: {  	s21 =	sadd.s32 $0x6680, s20;
	s22 =	sadd.s32 $0x2D0, s19  }
0xe5: {  	[tilespmem:s21], [sflag:$0x2] =	stream.indirect.gather [hbm4b:s3+s17], $0x20, s22, s17, $0xb8;
	[tilespmem:$0x19C80] =	vst v63  }
0xe6: {  	s21 =	sadd.s32 $0x7080, s20;
	s22 =	sadd.s32 $0x320, s19  }
0xe7: {  	[tilespmem:s21], [sflag:$0x2] =	stream.indirect.gather [hbm4b:s3+s17], $0x20, s22, s17, $0xb8;
	[tilespmem:$0x19C80] =	vst v63  }
0xe8: {  	s21 =	sadd.s32 $0x7A80, s20;
	s22 =	sadd.s32 $0x370, s19  }
0xe9: {  	[tilespmem:s21], [sflag:$0x2] =	stream.indirect.gather [hbm4b:s3+s17], $0x20, s22, s17, $0xb8;
	[tilespmem:$0x19C80] =	vst v63  }
0xea: {  	s21 =	sadd.s32 $0x8480, s20;
	s22 =	sadd.s32 $0x3C0, s19  }
0xeb: {  	[tilespmem:s21], [sflag:$0x2] =	stream.indirect.gather [hbm4b:s3+s17], $0x20, s22, s17, $0xb8;
	[tilespmem:$0x19C80] =	vst v63  }
0xec: {  	s21 =	sadd.s32 $0x8E80, s20;
	s22 =	sadd.s32 $0x410, s19  }
0xed: {  	[tilespmem:s21], [sflag:$0x2] =	stream.indirect.gather [hbm4b:s3+s17], $0x20, s22, s17, $0xb8;
	[tilespmem:$0x19C80] =	vst v63  }
0xee: {  	s21 =	sadd.s32 $0x9880, s20;
	s22 =	sadd.s32 $0x460, s19  }
0xef: {  	[tilespmem:s21], [sflag:$0x2] =	stream.indirect.gather [hbm4b:s3+s17], $0x20, s22, s17, $0xb8;
	[tilespmem:$0x19C80] =	vst v63  }
0xf0: {  	s21 =	sadd.s32 $0xA280, s20;
	s22 =	sadd.s32 $0x4B0, s19  }
0xf1: {  	[tilespmem:s21], [sflag:$0x2] =	stream.indirect.gather [hbm4b:s3+s17], $0x20, s22, s17, $0xb8;
	[tilespmem:$0x19C80] =	vst v63  }
0xf2: {  	s21 =	sadd.s32 $0xAC80, s20;
	s22 =	sadd.s32 $0x500, s19  }
0xf3: {  	[tilespmem:s21], [sflag:$0x2] =	stream.indirect.gather [hbm4b:s3+s17], $0x20, s22, s17, $0xb8;
	[tilespmem:$0x19C80] =	vst v63  }
0xf4: {  	s21 =	sadd.s32 $0xB680, s20;
	s22 =	sadd.s32 $0x550, s19  }
0xf5: {  	[tilespmem:s21], [sflag:$0x2] =	stream.indirect.gather [hbm4b:s3+s17], $0x20, s22, s17, $0xb8;
	[tilespmem:$0x19C80] =	vst v63  }
.Ltmp5:
0xf6: {  	_ = 	snop;
	(pc) =	sbr.rel .LBB2_4-.Ltmp5, $4  }
0xf7: {  	s21 =	sadd.s32 $0xC080, s20;
	s22 =	sadd.s32 $0x5A0, s19  }
0xf8: {  	[tilespmem:s21], [sflag:$0x2] =	stream.indirect.gather [hbm4b:s3+s17], $0x20, s22, s17, $0xb8;
	[tilespmem:$0x19C80] =	vst v63  }
0xf9: {  	s20 =	sadd.s32 $0xCA80, s20;
	s19 =	sadd.s32 $0x5F0, s19  }
0xfa: {  	[tilespmem:s20], [sflag:$0x2] =	stream.indirect.gather [hbm4b:s3+s17], $0x20, s19, s17, $0xb8;
	[tilespmem:$0x19C80] =	vst v63  }
.LBB2_6:
0xfb: {  	_ =	sfence.sel $0x180000  }
0xfc: {  	[bflag:$0x0] =	sbarrier.arrive $0xFFFF  }
0xfd: {  	_ =	strace $0x9000004A  }
0xfe: {  	s0 =	stileid.u32;
	[bflag:$0x2] =	sbarrier.arrive $0xFFFF  }
0xff: {  	p0 =	sne.s32 s0, $0x0;
	s0 =	rddreg [dreg:$0x2]  }
0x100: {  	s0 =	sadd.s32 @!p0 $0x100000, s0  }
0x101: {  	[sflag:s0] =	ssyncadd.tile.s32 @!p0 $0x1;
	_ =	shalt  }
.Lfunc_end2:
_tile_overlayer_lowered:
.L_overlay_start_2:
0x102: {  	(tag) =	ssettag $0x2  }
0x103: {  	s0 =	rddreg [dreg:$0x0];
	s2 =	stileid.u32  }
0x104: {  	s1 =	rddreg [dreg:$0x1];
	p0 =	sne.s32 s2, $0x0  }
0x105: {  	s3 =	rddreg [dreg:$0x2];
	[bflag:$0x3] =	sbarrier.arrive $0xFFFF;
	s2 =	simm.s32 @!p0 $0x1C04  }
0x106: {  	[timem:s3], [sflag:s2] =	dma.local @!p0 [hbm:s0], s1  }
0x107: {  	s0 =	simm.s32 @!p0 $0x4  }
0x108: {  	_ =	swait.ge @!p0 [sflag:s0], s1  }
0x109: {  	s1 =	ssub.s32 @!p0 $0x0, s1;
	[sflag:s0] =	ssyncset.done @!p0 $0x0  }
0x10a: {  	[sflag:s0] =	ssyncadd.s32 @!p0 s1  }
0x10b: {  	[bflag:$0x3] =	sbarrier.arrive $0xFFFF  }
0x10c: {  	_ =	shalt  }

// kernel: sparse-core-data-format-call.1.cloned.1.call-start
scs
called_computation.1_lowered:
.L_overlay_start_0:
0x0: {  	s2 =	sld [smem:$0x3FD9]  }
0x1: {  	s3 =	sld [smem:$0x3FFE];
	_ =	sdelay $0x1  }
0x2: {  	s1 =	srdreg.scid  }
0x3: {  	s0 =	sand.u32 $0x1, s1  }
0x4: {  	s18 =	sshll.u32 s0, $0xA;
	s2 =	sadd.s32 s3, s2  }
0x5: {  	s2 =	sadd.s32 s2, s18  }
0x6: {  	[smem:$0x3FC6] =	sst s2  }
0x7: {  	_ = 	snop  }
0x8: {  	(tm) =	ssettm $0x1  }
0x9: {  	s19 =	sld [smem:$0x3FFB];
	_ =	sdelay $0x3  }
0xa: {  	_ =	strace s19  }
0xb: {  	s2 =	sld [smem:$0x3FFC];
	_ =	sdelay $0x3  }
0xc: {  	_ =	strace s2  }
0xd: {  	s2 =	sld [smem:$0x3FFD];
	_ =	sdelay $0x3  }
0xe: {  	_ =	strace s2  }
0xf: {  	_ =	strace $0x8FFFFFFF  }
0x10: {  	s20 =	sld [smem:$0x3FDB];
	_ =	sdelay $0x1  }
0x11: {  	s21 =	simm.s32 $_scs_section_size  }
0x12: {  	s4 =	simm.s32 $_size__tile_overlayer_lowered;
	s5 =	simm.s32 $_tile_overlayer_lowered  }
0x13: {  	s6 =	simm.s32 $0x1BFF;
	s22 =	sshll.u32 s5, $0x1;
	s3 =	sadd.s32 s21, s20  }
0x14: {  	s23 =	simm.s32 $0x0;
	s4 =	sshll.u32 s4, $0x1;
	s5 =	sadd.s32 s22, s3  }
0x15: {  	[timem:s23], [sflag:s6] =	dma.local [hbm:s5], s4  }
0x16: {  	_ =	swait.ge [sflag:s6], s4  }
0x17: {  	s4 =	ssub.s32 $0x0, s4;
	[sflag:s6] =	ssyncset.done $0x0  }
0x18: {  	[sflag:s6] =	ssyncadd.s32 s4;
	_ =	sdelay $0x1  }
0x19: {  	s24 =	simm.s32 $0x1B8B  }
0x1a: {  	_ =	swait.ge [sflag:s24], $0x1  }
0x1b: {  	[sflag:s24] =	ssyncset.done $0x0  }
0x1c: {  	[sflag:s24] =	ssyncadd.s32 $0xFFFFFFFF  }
0x1d: {  	s4 =	sld [smem:$0x0]  }
0x1e: {  	s5 =	sand.u32 $0xFFFFFFFE, s1  }
0x1f: {  	p0 =	sne.s32 s1, s5  }
0x20: {  	s5 =	sshll.u32 @p0 s5, $0xE  }
0x21: {  	s5 =	sadd.s32 @p0 $0x11B8D, s5;
	s6 =	sshll.u32 @p0 s4, $0x11  }
0x22: {  	s5 =	sor.u32 @p0 s6, s5  }
0x23: {  	[sflag:s5] =	ssyncadd.remote.s32 @p0 $0x1;
	_ =	sdelay $0x1  }
0x24: {  	s5 =	simm.s32 @p0 $0x1B8D  }
0x25: {  	_ =	swait.eq @p0 [sflag:s5], $0x1  }
0x26: {  	[sflag:s5] =	ssyncadd.s32 @p0 $0xFFFFFFFF  }
0x27: {  	s6 =	sshll.u32 @!p0 s1, $0xE  }
0x28: {  	s6 =	sor.u32 @!p0 $0x4000, s6;
	s5 =	simm.s32 @!p0 $0x1B8D  }
0x29: {  	s4 =	sshll.u32 @!p0 s4, $0x11;
	s6 =	sadd.s32 @!p0 $0x11B8D, s6;
	_ =	swait.eq @!p0 [sflag:s5], $0x1  }
0x2a: {  	s4 =	sor.u32 @!p0 s4, s6;
	[sflag:s5] =	ssyncadd.s32 @!p0 $0xFFFFFFFF  }
0x2b: {  	s26 =	simm.s32 $0x1B8E;
	s25 =	sld [smem:$0x3FFE];
	[sflag:s4] =	ssyncadd.remote.s32 @!p0 $0x1  }
0x2c: {  	s27 =	simm.s32 $execute0_lowered;
	[smem:$0x3FD2] =	sst s26  }
0x2d: {  	s5 =	sshll.u32 s27, $0x1;
	_ =	strace $0x8000004F;
	[dreg:$0x1] =	wrdreg $0xFFFFFFFF  }
0x2e: {  	s28 =	simm.s32 $_size_execute0_lowered;
	s3 =	sadd.s32 s3, s5;
	[dreg:$0x0] =	wrdreg $0x0  }
0x2f: {  	s5 =	sshll.u32 s28, $0x1;
	[dreg:$0x2] =	wrdreg s3  }
0x30: {  	[dreg:$0x3] =	wrdreg s5  }
0x31: {  	[dreg:$0x4] =	wrdreg $0xC0  }
0x32: {  	_ =	task [dreg:s23], $0x5FFFF  }
0x33: {  	[dreg:$0x1] =	wrdreg $0xFFFFFFFF  }
0x34: {  	[dreg:$0x0] =	wrdreg $0x60  }
0x35: {  	[dreg:$0x2] =	wrdreg s25  }
0x36: {  	[dreg:$0x3] =	wrdreg $0xA  }
0x37: {  	_ =	task.clear_ibuf [dreg:s23], $0x4FFFF;
	_ =	strace $0x9000004F  }
0x38: {  	s29 =	simm.s32 $0xA;
	_ =	strace $0x80000051  }
0x39: {  	_ =	swait.ge [sflag:s29], $0x1  }
0x3a: {  	[sflag:s29] =	ssyncadd.s32 $0xFFFFFFFF  }
0x3b: {  	_ =	strace $0x90000051  }
0x3c: {  	_ =	sfence  }
0x3d: {  	s30 =	sld [smem:$0x0];
	_ =	sdelay $0x2  }
0x3e: {  	s31 =	sshll.u32 s1, $0xD;
	s1 =	sshrl.u32 s1, $0x2  }
0x3f: {  	s4 =	sand.u32 $0x4000, s31;
	s1 =	sadd.s32 s1, s30  }
0x40: {  	s0 =	sor.u32 s4, s0;
	s1 =	sshll.u32 s1, $0x11  }
0x41: {  	s0 =	sor.u32 s1, s0  }
0x42: {  	s0 =	sadd.s32 $0x8F2B, s0  }
0x43: {  	[sflag:s0] =	ssyncadd.remote.s32 $0x1  }
0x44: {  	_ =	sfence.sel $0xFFFF  }
0x45: {  	[dreg:$0x0] =	wrdreg $0xFFFFFFFF;
	(pc) =	sbr.abs _section_cstart, $3  }
0x46: {  	[dreg:$0x1] =	wrdreg $0xFFFFFFFF  }
0x47: {  	_ =	task.clear_ibuf [dreg:s23], $0x2FFFF;
	_ =	strace $0x9FFFFFFF  }
0x48: {  	(tm) =	ssettm $0x7FFFFFFF  }
0x49: {  	_ =	shalt  }
tec
execute0_lowered:
.L_overlay_start_1:
0x0: {  	(tag) =	ssettag $0x1  }
0x1: {  	s0 =	srdreg.scid  }
0x2: {  	s1 =	sshll.u32 s0, $0x4  }
0x3: {  	s0 =	stileid.u32;
	s1 =	sand.u32 $0x10, s1  }
0x4: {  	s1 =	sor.u32 s0, s1  }
0x5: {  	s6 =	rddreg [dreg:$0x0];
	s7 =	simm.s32 $0x2;
	s2 =	sshll.u32 s1, $0x7  }
0x6: {  	s12 =	simm.s32 $0x0;
	s8 =	simm.s32 $0x10000;
	s1 =	ssub.s32 $0x2000, s2  }
0x7: {  	s13 =	simm.s32 $0x0;
	s9 =	simm.s32 $0x0;
	s3 =	sand.u32 $0xF80, s1  }
0x8: {  	s11 =	simm.s32 $0x0;
	p0 =	sne.s32 s3, $0x0;
	s3 =	simm.s32 $0x1  }
.Ltmp0:
0x9: {  	s4 =	sshrl.u32 s1, $0xC;
	s3 =	simm.s32 @!p0 $0x0;
	(pc) =	sbr.rel .LBB1_1-.Ltmp0, $4  }
0xa: {  	s5 =	sadd.s32 $0x2C46200, s6;
	s1 =	rddreg [dreg:$0x1];
	s4 =	sadd.s32 s3, s4  }
0xb: {  	_ =	strace $0x80000050;
	s3 =	simm.s32 $0x1;
	s4 =	smul.u32 $0xC8, s4  }
0xc: {  	s6 =	sadd.s32 $0x641400, s6;
	s10 =	smov.u32 s2;
	[sflag:s3] =	ssyncpa.u1 $0x0  }
0xd: {  	p0 =	por $0x0, $0x0;
	[sflag:s7] =	ssyncpa.u1 $0x0;
	s7 =	sor.u32 $0x1, s4  }
.LBB1_4:
0xe: {  	s16 =	sshll.u32 s13, $0x3;
	s17 =	sand.u32 $0x78, s13  }
0xf: {  	s30 =	sand.u32 $0x7C00, s13;
	s12 =	sshll.u32 s12, $0xF;
	s16 =	sand.u32 $0x1C00, s16  }
0x10: {  	s31 =	sand.u32 $0x7, s13;
	s16 =	sor.u32 s17, s16;
	s17 =	sadd.s32 s6, s30  }
0x11: {  	s13 =	sshll.u32 s31, $0x12;
	s16 =	sshrl.u32 s16, $0x3;
	s12 =	sadd.s32 s12, s17  }
0x12: {  	[tilespmem:s15+$0x0 ss:$0x81] =	vst.msk $0xffff, v0;
	s13 =	sor.u32 $0x400, s13;
	s12 =	sadd.s32 s16, s12  }
0x13: {  	[hbm4b:s12+s13] =	stream.strided.scatter [tilespmem:s14], [sflag:$0x2], $0x1000, s8, s13, $0x20;
	[tilespmem:$0x4040] =	vst v63  }
.LBB1_5:
0x14: {  	s14 =	sadd.s32 $0x1, s9  }
0x15: {  	s12 =	sadd.s32 $0x1000, s10;
	s16 =	smov.u32 s10;
	p2 =	sgt.s32 s14, $0xC7  }
0x16: {  	s16 =	smov.u32 @p2 s12  }
0x17: {  	s14 =	simm.s32 @p2 $0x0;
	p2 =	sgt.s32 s16, $0x1FFF  }
0x18: {  	s16 =	smov.u32 @p2 s2;
	p2 =	sne.s32 s11, s7  }
.Ltmp1:
0x19: {  	p1 =	slt.u32 s11, $0x2;
	(pc) =	sbr.rel @!p2 .LBB1_6-.Ltmp1, $4  }
0x1a: {  	s15 =	simm.s32 @!p1 $0x2  }
0x1b: {  	s13 =	smov.u32 s10;
	p0 =	por !p0, !p0;
	_ =	swait.ge @!p1 [sflag:s15], $0x1000  }
0x1c: {  	s12 =	smov.u32 s9;
	[sflag:s15] =	ssyncset.done @!p1 $0x0;
	s9 =	smov.u32 s14  }
0x1d: {  	s11 =	sadd.s32 $0x1, s11;
	[sflag:s15] =	ssyncadd.s32 @!p1 $0xFFFFF000;
	s10 =	smov.u32 s16  }
.LBB1_1:
0x1e: {  	p1 =	sge.u32 s11, s4  }
0x1f: {  	s14 =	sand.u32 @!p1 $0x1FFFFFF, s9  }
0x20: {  	s15 =	smulhi.u32 @!p1 $0x147AE15, s14;
	_ =	sdelay $0x1  }
0x21: {  	s15 =	smul.u32 @!p1 $0xC8, s15  }
0x22: {  	s16 =	sxor.u32 @!p1 $0xFFFFFFFF, s11;
	s17 =	smul.u32 @!p1 $0xC80, s10  }
0x23: {  	s31 =	sadd.s32 $0xFFFFFFFF, s11;
	s16 =	sshll.u32 @!p1 s16, $0xC;
	s14 =	ssub.s32 @!p1 s14, s15  }
0x24: {  	s15 =	sand.u32 @!p1 $0x1000, s16;
	s16 =	sadd.s32 @!p1 s5, s17;
	s14 =	sshll.u32 @!p1 s14, $0x4  }
0x25: {  	s17 =	simm.s32 @!p1 $0x6400;
	s14 =	sadd.s32 @!p1 s14, s16;
	s16 =	simm.s32 @!p1 $0x20  }
0x26: {  	[tilespmem:s15], [sflag:$0x1] =	stream.strided.gather @!p1 [hbm4b:s14+s16], $0x1000, s17, s16, $0x38;
	[tilespmem:$0x4040] =	vst v63  }
0x27: {  	p1 =	sge.u32 s31, s4  }
.Ltmp2:
0x28: {  	_ = 	snop;
	(pc) =	sbr.rel @p1 .LBB1_5-.Ltmp2, $1  }
0x29: {  	_ =	sdelay $0x3  }
0x2a: {  	s14 =	simm.s32 $0x1  }
0x2b: {  	_ =	swait.ge [sflag:s3], $0x1000;
	s14 =	simm.s32 @!p0 $0x0  }
0x2c: {  	[sflag:s3] =	ssyncset.done $0x0;
	s15 =	sshll.u32 s14, $0xC  }
0x2d: {  	[sflag:s3] =	ssyncadd.s32 $0xFFFFF000;
	s18 =	sor.u32 $0x10, s15  }
0x2e: {  	s14 =	smul.u32 $0x4080, s14;
	v1 =	vld [tilespmem:s18+$0x0]  }
0x2f: {  	s30 =	sand.u32 $0x1, s11;
	v0 =	vld [tilespmem:s18+$0xFFFFFFF0]  }
0x30: {  	s15 =	smul.u32 $0x4080, s30;
	s14 =	sshrl.u32 s14, $0x2  }
0x31: {  	s16 =	sor.u32 $0x2000, s14  }
0x32: {  	s31 =	sshrl.u32 s15, $0x2;
	s15 =	sadd.s32 $0x0, s16  }
0x33: {  	s17 =	simm.s32 $0x4;
	s18 =	sadd.s32 $0x20, s18;
	s14 =	sor.u32 $0x2000, s31;
	[tilespmem:s15+$0x810 ss:$0x81] =	vst.msk $0xffff, v1  }
.LBB1_3:
0x34: {  	v1 =	vld [tilespmem:s18+$0x0];
	p1 =	sne.s32 s17, $0x1FC;
	[tilespmem:s15+$0x0 ss:$0x81] =	vst.msk $0xffff, v0;
	s15 =	smov.u32 s17;
	s17 =	sadd.s32 $0x4, s17  }
.Ltmp3:
0x35: {  	v0 =	vld [tilespmem:s18+$0xFFFFFFF0];
	(pc) =	sbr.rel @p1 .LBB1_3-.Ltmp3, $4  }
0x36: {  	_ = 	snop  }
0x37: {  	s15 =	sshra.s32 s15, $0x2  }
0x38: {  	s15 =	sadd.s32 s15, s16  }
0x39: {  	s18 =	sadd.s32 $0x20, s18;
	[tilespmem:s15+$0x810 ss:$0x81] =	vst.msk $0xffff, v1  }
.Ltmp4:
0x3a: {  	_ = 	snop;
	(pc) =	sbr.rel .LBB1_4-.Ltmp4, $1  }
0x3b: {  	_ =	sdelay $0x3  }
.LBB1_6:
0x3c: {  	_ =	sfence.sel $0x180000  }
0x3d: {  	s2 =	simm.s32 $0x1;
	[bflag:$0x0] =	sbarrier.arrive $0xFFFF  }
0x3e: {  	s31 =	simm.s32 $0x2;
	[sflag:s2] =	ssyncpa.u1 $0x1  }
0x3f: {  	[sflag:s31] =	ssyncpa.u1 $0x1  }
0x40: {  	p0 =	sne.s32 s0, $0x0;
	_ =	strace $0x90000050  }
0x41: {  	s0 =	sadd.s32 @!p0 $0x100000, s1;
	[bflag:$0x2] =	sbarrier.arrive $0xFFFF  }
0x42: {  	[sflag:s0] =	ssyncadd.tile.s32 @!p0 $0x1;
	_ =	shalt  }
.Lfunc_end1:
_tile_overlayer_lowered:
.L_overlay_start_2:
0x43: {  	(tag) =	ssettag $0x2  }
0x44: {  	s0 =	rddreg [dreg:$0x0];
	s2 =	stileid.u32  }
0x45: {  	s1 =	rddreg [dreg:$0x1];
	p0 =	sne.s32 s2, $0x0  }
0x46: {  	s3 =	rddreg [dreg:$0x2];
	[bflag:$0x3] =	sbarrier.arrive $0xFFFF;
	s2 =	simm.s32 @!p0 $0x1C01  }
0x47: {  	[timem:s3], [sflag:s2] =	dma.local @!p0 [hbm:s0], s1  }
0x48: {  	s0 =	simm.s32 @!p0 $0x1  }
0x49: {  	_ =	swait.ge @!p0 [sflag:s0], s1  }
0x4a: {  	s1 =	ssub.s32 @!p0 $0x0, s1;
	[sflag:s0] =	ssyncset.done @!p0 $0x0  }
0x4b: {  	[sflag:s0] =	ssyncadd.s32 @!p0 s1  }
0x4c: {  	[bflag:$0x3] =	sbarrier.arrive $0xFFFF  }
0x4d: {  	_ =	shalt  }

// kernel: sparse-core-data-format-call.cloned.1.call-start
scs
called_computation_lowered:
.L_overlay_start_0:
0x0: {  	s2 =	sld [smem:$0x3FD9]  }
0x1: {  	s3 =	sld [smem:$0x3FFE];
	_ =	sdelay $0x1  }
0x2: {  	s1 =	srdreg.scid  }
0x3: {  	s0 =	sand.u32 $0x1, s1  }
0x4: {  	s18 =	sshll.u32 s0, $0xA;
	s2 =	sadd.s32 s3, s2  }
0x5: {  	s2 =	sadd.s32 s2, s18  }
0x6: {  	[smem:$0x3FC6] =	sst s2  }
0x7: {  	_ = 	snop  }
0x8: {  	(tm) =	ssettm $0x1  }
0x9: {  	s19 =	sld [smem:$0x3FFB];
	_ =	sdelay $0x3  }
0xa: {  	_ =	strace s19  }
0xb: {  	s2 =	sld [smem:$0x3FFC];
	_ =	sdelay $0x3  }
0xc: {  	_ =	strace s2  }
0xd: {  	s2 =	sld [smem:$0x3FFD];
	_ =	sdelay $0x3  }
0xe: {  	_ =	strace s2  }
0xf: {  	_ =	strace $0x8FFFFFFF  }
0x10: {  	s20 =	sld [smem:$0x3FDB];
	_ =	sdelay $0x1  }
0x11: {  	s21 =	simm.s32 $_scs_section_size  }
0x12: {  	s4 =	simm.s32 $_size__tile_overlayer_lowered;
	s5 =	simm.s32 $_tile_overlayer_lowered  }
0x13: {  	s6 =	simm.s32 $0x1BFF;
	s22 =	sshll.u32 s5, $0x1;
	s3 =	sadd.s32 s21, s20  }
0x14: {  	s23 =	simm.s32 $0x0;
	s4 =	sshll.u32 s4, $0x1;
	s5 =	sadd.s32 s22, s3  }
0x15: {  	[timem:s23], [sflag:s6] =	dma.local [hbm:s5], s4  }
0x16: {  	_ =	swait.ge [sflag:s6], s4  }
0x17: {  	s4 =	ssub.s32 $0x0, s4;
	[sflag:s6] =	ssyncset.done $0x0  }
0x18: {  	[sflag:s6] =	ssyncadd.s32 s4;
	_ =	sdelay $0x1  }
0x19: {  	s24 =	simm.s32 $0x1B8B  }
0x1a: {  	_ =	swait.ge [sflag:s24], $0x1  }
0x1b: {  	[sflag:s24] =	ssyncset.done $0x0  }
0x1c: {  	[sflag:s24] =	ssyncadd.s32 $0xFFFFFFFF  }
0x1d: {  	s4 =	sld [smem:$0x0]  }
0x1e: {  	s5 =	sand.u32 $0xFFFFFFFE, s1  }
0x1f: {  	p0 =	sne.s32 s1, s5  }
0x20: {  	s5 =	sshll.u32 @p0 s5, $0xE  }
0x21: {  	s5 =	sadd.s32 @p0 $0x11B8D, s5;
	s6 =	sshll.u32 @p0 s4, $0x11  }
0x22: {  	s5 =	sor.u32 @p0 s6, s5  }
0x23: {  	[sflag:s5] =	ssyncadd.remote.s32 @p0 $0x1;
	_ =	sdelay $0x1  }
0x24: {  	s5 =	simm.s32 @p0 $0x1B8D  }
0x25: {  	_ =	swait.eq @p0 [sflag:s5], $0x1  }
0x26: {  	[sflag:s5] =	ssyncadd.s32 @p0 $0xFFFFFFFF  }
0x27: {  	s6 =	sshll.u32 @!p0 s1, $0xE  }
0x28: {  	s6 =	sor.u32 @!p0 $0x4000, s6;
	s5 =	simm.s32 @!p0 $0x1B8D  }
0x29: {  	s4 =	sshll.u32 @!p0 s4, $0x11;
	s6 =	sadd.s32 @!p0 $0x11B8D, s6;
	_ =	swait.eq @!p0 [sflag:s5], $0x1  }
0x2a: {  	s4 =	sor.u32 @!p0 s4, s6;
	[sflag:s5] =	ssyncadd.s32 @!p0 $0xFFFFFFFF  }
0x2b: {  	s26 =	simm.s32 $0x1B8E;
	s25 =	sld [smem:$0x3FFE];
	[sflag:s4] =	ssyncadd.remote.s32 @!p0 $0x1  }
0x2c: {  	s27 =	simm.s32 $execute0_lowered;
	[smem:$0x3FD2] =	sst s26  }
0x2d: {  	s5 =	sshll.u32 s27, $0x1;
	_ =	strace $0x8000004C;
	[dreg:$0x1] =	wrdreg $0xFFFFFFFF  }
0x2e: {  	s28 =	simm.s32 $_size_execute0_lowered;
	s3 =	sadd.s32 s3, s5;
	[dreg:$0x0] =	wrdreg $0x0  }
0x2f: {  	s5 =	sshll.u32 s28, $0x1;
	[dreg:$0x2] =	wrdreg s3  }
0x30: {  	[dreg:$0x3] =	wrdreg s5  }
0x31: {  	[dreg:$0x4] =	wrdreg $0xC0  }
0x32: {  	_ =	task [dreg:s23], $0x5FFFF  }
0x33: {  	[dreg:$0x1] =	wrdreg $0xFFFFFFFF  }
0x34: {  	[dreg:$0x0] =	wrdreg $0x60  }
0x35: {  	[dreg:$0x2] =	wrdreg s25  }
0x36: {  	[dreg:$0x3] =	wrdreg $0x9  }
0x37: {  	_ =	task.clear_ibuf [dreg:s23], $0x4FFFF;
	_ =	strace $0x9000004C  }
0x38: {  	s29 =	simm.s32 $0x9;
	_ =	strace $0x8000004E  }
0x39: {  	_ =	swait.ge [sflag:s29], $0x1  }
0x3a: {  	[sflag:s29] =	ssyncadd.s32 $0xFFFFFFFF  }
0x3b: {  	_ =	strace $0x9000004E  }
0x3c: {  	_ =	sfence  }
0x3d: {  	s30 =	sld [smem:$0x0];
	_ =	sdelay $0x2  }
0x3e: {  	s31 =	sshll.u32 s1, $0xD;
	s1 =	sshrl.u32 s1, $0x2  }
0x3f: {  	s4 =	sand.u32 $0x4000, s31;
	s1 =	sadd.s32 s1, s30  }
0x40: {  	s0 =	sor.u32 s4, s0;
	s1 =	sshll.u32 s1, $0x11  }
0x41: {  	s0 =	sor.u32 s1, s0  }
0x42: {  	s0 =	sadd.s32 $0x8F2B, s0  }
0x43: {  	[sflag:s0] =	ssyncadd.remote.s32 $0x1  }
0x44: {  	_ =	sfence.sel $0xFFFF  }
0x45: {  	[dreg:$0x0] =	wrdreg $0xFFFFFFFF;
	(pc) =	sbr.abs _section_cstart, $3  }
0x46: {  	[dreg:$0x1] =	wrdreg $0xFFFFFFFF  }
0x47: {  	_ =	task.clear_ibuf [dreg:s23], $0x2FFFF;
	_ =	strace $0x9FFFFFFF  }
0x48: {  	(tm) =	ssettm $0x7FFFFFFF  }
0x49: {  	_ =	shalt  }
tec
execute0_lowered:
.L_overlay_start_1:
0x0: {  	(tag) =	ssettag $0x1  }
0x1: {  	s0 =	srdreg.scid  }
0x2: {  	s1 =	sshll.u32 s0, $0x4  }
0x3: {  	s0 =	stileid.u32;
	s1 =	sand.u32 $0x10, s1  }
0x4: {  	s1 =	sor.u32 s0, s1  }
0x5: {  	s6 =	rddreg [dreg:$0x0];
	s7 =	simm.s32 $0x2;
	s2 =	sshll.u32 s1, $0x7  }
0x6: {  	s12 =	simm.s32 $0x0;
	s8 =	simm.s32 $0x10000;
	s1 =	ssub.s32 $0x2000, s2  }
0x7: {  	s13 =	simm.s32 $0x0;
	s9 =	simm.s32 $0x0;
	s3 =	sand.u32 $0xF80, s1  }
0x8: {  	s11 =	simm.s32 $0x0;
	p0 =	sne.s32 s3, $0x0;
	s3 =	simm.s32 $0x1  }
.Ltmp0:
0x9: {  	s4 =	sshrl.u32 s1, $0xC;
	s3 =	simm.s32 @!p0 $0x0;
	(pc) =	sbr.rel .LBB1_1-.Ltmp0, $4  }
0xa: {  	s5 =	sadd.s32 $0x1346200, s6;
	s1 =	rddreg [dreg:$0x1];
	s4 =	sadd.s32 s3, s4  }
0xb: {  	_ =	strace $0x8000004D;
	s3 =	simm.s32 $0x1;
	s4 =	smul.u32 $0xC8, s4  }
0xc: {  	s6 =	sadd.s32 $0x1400, s6;
	s10 =	smov.u32 s2;
	[sflag:s3] =	ssyncpa.u1 $0x0  }
0xd: {  	p0 =	por $0x0, $0x0;
	[sflag:s7] =	ssyncpa.u1 $0x0;
	s7 =	sor.u32 $0x1, s4  }
.LBB1_4:
0xe: {  	s16 =	sshll.u32 s13, $0x3;
	s17 =	sand.u32 $0x78, s13  }
0xf: {  	s30 =	sand.u32 $0x7C00, s13;
	s12 =	sshll.u32 s12, $0xF;
	s16 =	sand.u32 $0x1C00, s16  }
0x10: {  	s31 =	sand.u32 $0x7, s13;
	s16 =	sor.u32 s17, s16;
	s17 =	sadd.s32 s6, s30  }
0x11: {  	s13 =	sshll.u32 s31, $0x12;
	s16 =	sshrl.u32 s16, $0x3;
	s12 =	sadd.s32 s12, s17  }
0x12: {  	[tilespmem:s15+$0x0 ss:$0x81] =	vst.msk $0xffff, v0;
	s13 =	sor.u32 $0x400, s13;
	s12 =	sadd.s32 s16, s12  }
0x13: {  	[hbm4b:s12+s13] =	stream.strided.scatter [tilespmem:s14], [sflag:$0x2], $0x1000, s8, s13, $0x20;
	[tilespmem:$0x4040] =	vst v63  }
.LBB1_5:
0x14: {  	s14 =	sadd.s32 $0x1, s9  }
0x15: {  	s12 =	sadd.s32 $0x1000, s10;
	s16 =	smov.u32 s10;
	p2 =	sgt.s32 s14, $0xC7  }
0x16: {  	s16 =	smov.u32 @p2 s12  }
0x17: {  	s14 =	simm.s32 @p2 $0x0;
	p2 =	sgt.s32 s16, $0x1FFF  }
0x18: {  	s16 =	smov.u32 @p2 s2;
	p2 =	sne.s32 s11, s7  }
.Ltmp1:
0x19: {  	p1 =	slt.u32 s11, $0x2;
	(pc) =	sbr.rel @!p2 .LBB1_6-.Ltmp1, $4  }
0x1a: {  	s15 =	simm.s32 @!p1 $0x2  }
0x1b: {  	s13 =	smov.u32 s10;
	p0 =	por !p0, !p0;
	_ =	swait.ge @!p1 [sflag:s15], $0x1000  }
0x1c: {  	s12 =	smov.u32 s9;
	[sflag:s15] =	ssyncset.done @!p1 $0x0;
	s9 =	smov.u32 s14  }
0x1d: {  	s11 =	sadd.s32 $0x1, s11;
	[sflag:s15] =	ssyncadd.s32 @!p1 $0xFFFFF000;
	s10 =	smov.u32 s16  }
.LBB1_1:
0x1e: {  	p1 =	sge.u32 s11, s4  }
0x1f: {  	s14 =	sand.u32 @!p1 $0x1FFFFFF, s9  }
0x20: {  	s15 =	smulhi.u32 @!p1 $0x147AE15, s14;
	_ =	sdelay $0x1  }
0x21: {  	s15 =	smul.u32 @!p1 $0xC8, s15  }
0x22: {  	s16 =	sxor.u32 @!p1 $0xFFFFFFFF, s11;
	s17 =	smul.u32 @!p1 $0xC80, s10  }
0x23: {  	s31 =	sadd.s32 $0xFFFFFFFF, s11;
	s16 =	sshll.u32 @!p1 s16, $0xC;
	s14 =	ssub.s32 @!p1 s14, s15  }
0x24: {  	s15 =	sand.u32 @!p1 $0x1000, s16;
	s16 =	sadd.s32 @!p1 s5, s17;
	s14 =	sshll.u32 @!p1 s14, $0x4  }
0x25: {  	s17 =	simm.s32 @!p1 $0x6400;
	s14 =	sadd.s32 @!p1 s14, s16;
	s16 =	simm.s32 @!p1 $0x20  }
0x26: {  	[tilespmem:s15], [sflag:$0x1] =	stream.strided.gather @!p1 [hbm4b:s14+s16], $0x1000, s17, s16, $0x38;
	[tilespmem:$0x4040] =	vst v63  }
0x27: {  	p1 =	sge.u32 s31, s4  }
.Ltmp2:
0x28: {  	_ = 	snop;
	(pc) =	sbr.rel @p1 .LBB1_5-.Ltmp2, $1  }
0x29: {  	_ =	sdelay $0x3  }
0x2a: {  	s14 =	simm.s32 $0x1  }
0x2b: {  	_ =	swait.ge [sflag:s3], $0x1000;
	s14 =	simm.s32 @!p0 $0x0  }
0x2c: {  	[sflag:s3] =	ssyncset.done $0x0;
	s15 =	sshll.u32 s14, $0xC  }
0x2d: {  	[sflag:s3] =	ssyncadd.s32 $0xFFFFF000;
	s18 =	sor.u32 $0x10, s15  }
0x2e: {  	s14 =	smul.u32 $0x4080, s14;
	v1 =	vld [tilespmem:s18+$0x0]  }
0x2f: {  	s30 =	sand.u32 $0x1, s11;
	v0 =	vld [tilespmem:s18+$0xFFFFFFF0]  }
0x30: {  	s15 =	smul.u32 $0x4080, s30;
	s14 =	sshrl.u32 s14, $0x2  }
0x31: {  	s16 =	sor.u32 $0x2000, s14  }
0x32: {  	s31 =	sshrl.u32 s15, $0x2;
	s15 =	sadd.s32 $0x0, s16  }
0x33: {  	s17 =	simm.s32 $0x4;
	s18 =	sadd.s32 $0x20, s18;
	s14 =	sor.u32 $0x2000, s31;
	[tilespmem:s15+$0x810 ss:$0x81] =	vst.msk $0xffff, v1  }
.LBB1_3:
0x34: {  	v1 =	vld [tilespmem:s18+$0x0];
	p1 =	sne.s32 s17, $0x1FC;
	[tilespmem:s15+$0x0 ss:$0x81] =	vst.msk $0xffff, v0;
	s15 =	smov.u32 s17;
	s17 =	sadd.s32 $0x4, s17  }
.Ltmp3:
0x35: {  	v0 =	vld [tilespmem:s18+$0xFFFFFFF0];
	(pc) =	sbr.rel @p1 .LBB1_3-.Ltmp3, $4  }
0x36: {  	_ = 	snop  }
0x37: {  	s15 =	sshra.s32 s15, $0x2  }
0x38: {  	s15 =	sadd.s32 s15, s16  }
0x39: {  	s18 =	sadd.s32 $0x20, s18;
	[tilespmem:s15+$0x810 ss:$0x81] =	vst.msk $0xffff, v1  }
.Ltmp4:
0x3a: {  	_ = 	snop;
	(pc) =	sbr.rel .LBB1_4-.Ltmp4, $1  }
0x3b: {  	_ =	sdelay $0x3  }
.LBB1_6:
0x3c: {  	_ =	sfence.sel $0x180000  }
0x3d: {  	s2 =	simm.s32 $0x1;
	[bflag:$0x0] =	sbarrier.arrive $0xFFFF  }
0x3e: {  	s31 =	simm.s32 $0x2;
	[sflag:s2] =	ssyncpa.u1 $0x1  }
0x3f: {  	[sflag:s31] =	ssyncpa.u1 $0x1  }
0x40: {  	p0 =	sne.s32 s0, $0x0;
	_ =	strace $0x9000004D  }
0x41: {  	s0 =	sadd.s32 @!p0 $0x100000, s1;
	[bflag:$0x2] =	sbarrier.arrive $0xFFFF  }
0x42: {  	[sflag:s0] =	ssyncadd.tile.s32 @!p0 $0x1;
	_ =	shalt  }
.Lfunc_end1:
_tile_overlayer_lowered:
.L_overlay_start_2:
0x43: {  	(tag) =	ssettag $0x2  }
0x44: {  	s0 =	rddreg [dreg:$0x0];
	s2 =	stileid.u32  }
0x45: {  	s1 =	rddreg [dreg:$0x1];
	p0 =	sne.s32 s2, $0x0  }
0x46: {  	s3 =	rddreg [dreg:$0x2];
	[bflag:$0x3] =	sbarrier.arrive $0xFFFF;
	s2 =	simm.s32 @!p0 $0x1C01  }
0x47: {  	[timem:s3], [sflag:s2] =	dma.local @!p0 [hbm:s0], s1  }
0x48: {  	s0 =	simm.s32 @!p0 $0x1  }
0x49: {  	_ =	swait.ge @!p0 [sflag:s0], s1  }
0x4a: {  	s1 =	ssub.s32 @!p0 $0x0, s1;
	[sflag:s0] =	ssyncset.done @!p0 $0x0  }
0x4b: {  	[sflag:s0] =	ssyncadd.s32 @!p0 s1  }
0x4c: {  	[bflag:$0x3] =	sbarrier.arrive $0xFFFF  }
0x4d: {  	_ =	shalt  }

</sc_bundles>
